<compile_context>
chip_gen: v7x
topology: tpu7x:2x2x1
jax: 0.10.2.dev20260603
libtpu: 0.0.44.dev20260713+nightly
codegen_flags: <defaults>
</compile_context>

<pallas_src>
import functools

import numpy as np
import jax
import jax.numpy as jnp
from jax import lax
from jax.experimental import pallas as pl
from jax.experimental.pallas import tpu as pltpu
from jax.experimental.pallas import tpu_sc as plsc

N_NODES = 10000
N_EDGES = 320000
D = 128

NC = 2
NS = 16
NW = NC * NS
CHUNK = 64
CPW = 160
G = 8
NGRP = CPW // G
E_PAD = NW * CPW * CHUNK
NBUF = 4
REAL_GRPS = N_EDGES // (G * CHUNK)

ACC_ROWS = 10112
ROWS_PER_SUB = ACC_ROWS // NS


def _sc_agg(h, ei_r, src_p, dst_p):
    mesh = plsc.VectorSubcoreMesh(core_axis_name="c", subcore_axis_name="s")

    @functools.partial(
        pl.kernel,
        out_type=jax.ShapeDtypeStruct((NC, ACC_ROWS, D), jnp.float32),
        mesh=mesh,
        scratch_types=[
            pltpu.VMEM((2, G, CHUNK), jnp.int32),
            pltpu.VMEM((2, G, CHUNK), jnp.int32),
            pltpu.VMEM((CHUNK, D), jnp.float32),
            pltpu.VMEM((CHUNK, D), jnp.float32),
            pltpu.VMEM((CHUNK, D), jnp.float32),
            pltpu.VMEM((CHUNK, D), jnp.float32),
            pltpu.VMEM_SHARED((ACC_ROWS, D), jnp.float32),
            pltpu.SemaphoreType.DMA,
            pltpu.SemaphoreType.DMA,
            pltpu.SemaphoreType.DMA,
            pltpu.SemaphoreType.DMA,
            pltpu.SemaphoreType.DMA,
            pltpu.SemaphoreType.DMA,
            pltpu.SemaphoreType.DMA,
        ],
    )
    def k(h_hbm, ei_hbm, srcp_hbm, dstp_hbm, out_hbm,
          sidx, didx, r0, r1, r2, r3, acc,
          isem0, isem1, rsem0, rsem1, rsem2, rsem3, zsem):
        c = lax.axis_index("c")
        s = lax.axis_index("s")
        wid = c * NS + s
        rows = (r0, r1, r2, r3)
        rsems = (rsem0, rsem1, rsem2, rsem3)
        isems = (isem0, isem1)
        base0 = wid * CPW
        real_rows = REAL_GRPS * G

        def idx_group_start(g, gb):
            gbase = base0 + g * G

            @pl.when(gbase < real_rows)
            def _():
                gb8 = pl.multiple_of(gbase, 8)
                pltpu.async_copy(ei_hbm.at[0, pl.ds(gb8, G)], sidx.at[gb],
                                 isems[gb])
                pltpu.async_copy(ei_hbm.at[1, pl.ds(gb8, G)], didx.at[gb],
                                 isems[gb])

            @pl.when(gbase >= real_rows)
            def _():
                pb8 = pl.multiple_of(gbase - real_rows, 8)
                pltpu.async_copy(srcp_hbm.at[pl.ds(pb8, G)], sidx.at[gb],
                                 isems[gb])
                pltpu.async_copy(dstp_hbm.at[pl.ds(pb8, G)], didx.at[gb],
                                 isems[gb])

        def idx_group_wait(g, gb):
            pltpu.make_async_copy(ei_hbm.at[0, pl.ds(0, G)], sidx.at[gb],
                                  isems[gb]).wait()
            pltpu.make_async_copy(ei_hbm.at[1, pl.ds(0, G)], didx.at[gb],
                                  isems[gb]).wait()

        def gather_start(gb, t, b):
            pltpu.async_copy(h_hbm.at[sidx.at[gb, t]], rows[b], rsems[b])

        def gather_wait(gb, t, b):
            pltpu.make_async_copy(h_hbm.at[sidx.at[gb, t]], rows[b],
                                  rsems[b]).wait()

        idx_group_start(0, 0)

        @pl.loop(0, CHUNK)
        def _(i):
            @pl.loop(0, D, step=16)
            def _(j):
                r3[i, pl.ds(j, 16)] = jnp.zeros((16,), jnp.float32)

        zbase = s * ROWS_PER_SUB
        zoffs = list(range(0, ROWS_PER_SUB - CHUNK + 1, CHUNK))
        ztail = ROWS_PER_SUB % CHUNK
        for off in zoffs:
            pltpu.async_copy(r3, acc.at[pl.ds(zbase + off, CHUNK)], zsem)
        if ztail:
            pltpu.async_copy(r3.at[pl.ds(0, ztail)],
                             acc.at[pl.ds(zbase + ROWS_PER_SUB - ztail, ztail)],
                             zsem)

        idx_group_wait(0, 0)
        for b in range(NBUF - 1):
            gather_start(0, b, b)
        for off in zoffs:
            pltpu.make_async_copy(r3, acc.at[pl.ds(zbase + off, CHUNK)],
                                  zsem).wait()
        if ztail:
            pltpu.make_async_copy(r3.at[pl.ds(0, ztail)],
                                  acc.at[pl.ds(zbase + ROWS_PER_SUB - ztail,
                                               ztail)],
                                  zsem).wait()
        gather_start(0, NBUF - 1, NBUF - 1)
        plsc.subcore_barrier()

        @pl.loop(0, NGRP, step=2)
        def _(g0):
            for gb in range(2):
                g = g0 + gb

                @pl.when(g + 1 < NGRP)
                def _():
                    idx_group_start(g + 1, 1 - gb)

                for t in range(G):
                    b = t % NBUF
                    gather_wait(gb, t, b)
                    pltpu.sync_copy(rows[b], acc.at[didx.at[gb, t]], add=True)
                    if t + NBUF < G:
                        gather_start(gb, t + NBUF, b)
                    else:
                        if t == G - NBUF:
                            @pl.when(g + 1 < NGRP)
                            def _():
                                idx_group_wait(g + 1, 1 - gb)

                        @pl.when(g + 1 < NGRP)
                        def _():
                            gather_start(1 - gb, t + NBUF - G, b)

        plsc.subcore_barrier()

        obase = s * ROWS_PER_SUB
        pltpu.sync_copy(acc.at[pl.ds(obase, ROWS_PER_SUB)],
                        out_hbm.at[c, pl.ds(obase, ROWS_PER_SUB)])

    return k(h, ei_r, src_p, dst_p)


BLK = 2000


def _mlp(p, h, W1, b1, W2, b2):
    def body(p_ref, h_ref, w1_ref, b1_ref, w2_ref, b2_ref, o_ref):
        z = p_ref[0] + p_ref[1] + h_ref[...]
        z = jnp.maximum(
            jnp.dot(z, w1_ref[...], preferred_element_type=jnp.float32)
            + b1_ref[...],
            0.0,
        )
        o_ref[...] = (
            jnp.dot(z, w2_ref[...], preferred_element_type=jnp.float32)
            + b2_ref[...]
        )

    return pl.pallas_call(
        body,
        grid=(N_NODES // BLK,),
        compiler_params=pltpu.CompilerParams(
            dimension_semantics=("parallel",)),
        in_specs=[
            pl.BlockSpec((2, BLK, D), lambda i: (0, i, 0)),
            pl.BlockSpec((BLK, D), lambda i: (i, 0)),
            pl.BlockSpec((D, D), lambda i: (0, 0)),
            pl.BlockSpec((1, D), lambda i: (0, 0)),
            pl.BlockSpec((D, D), lambda i: (0, 0)),
            pl.BlockSpec((1, D), lambda i: (0, 0)),
        ],
        out_specs=pl.BlockSpec((BLK, D), lambda i: (i, 0)),
        out_shape=jax.ShapeDtypeStruct((N_NODES, D), jnp.float32),
    )(p, h, W1, b1.reshape(1, D), W2, b2.reshape(1, D))


_PAD = E_PAD - N_EDGES
_PAD_SRC = (np.arange(_PAD, dtype=np.int32) % N_NODES).reshape(-1, CHUNK)
_PAD_DST = (N_NODES + np.arange(_PAD, dtype=np.int32)
            % (ACC_ROWS - N_NODES)).reshape(-1, CHUNK)


def kernel(h, x, edge_index, W1_0, b1_0, W2_0, b2_0, W1_1, b1_1, W2_1, b2_1):
    ei_r = edge_index.astype(jnp.int32).reshape(2, -1, CHUNK)
    src_p = jnp.asarray(_PAD_SRC)
    dst_p = jnp.asarray(_PAD_DST)

    p1 = _sc_agg(h, ei_r, src_p, dst_p)
    h1 = _mlp(p1, h, W1_0, b1_0, W2_0, b2_0)
    p2 = _sc_agg(h1, ei_r, src_p, dst_p)
    h2 = _mlp(p2, h1, W1_1, b1_1, W2_1, b2_1)
    return (h2, x)

# --- scband reference (transcript-rebuilt; emitter-appended) ---
"""Pipeline reference for scband-ginblock-39273180954650 (READ-ONLY COPY).

The authoritative reference and input builder live on the scoring server;
editing this copy changes nothing except your own understanding.
"""

import jax, jax.numpy as jnp
import numpy as np

N_NODES = 10000
N_EDGES = 320000
D = 128


def setup_inputs(seed: int = 0) -> dict:
    key = jax.random.key(seed)
    ks = jax.random.split(key, 12)
    h = jax.random.normal(ks[0], (N_NODES, D), dtype=jnp.float32)
    x = jax.random.normal(ks[1], (N_NODES, 3), dtype=jnp.float32)
    edge_index = jax.random.randint(ks[2], (2, N_EDGES), 0, N_NODES, dtype=jnp.int64)
    # GIN MLP params for 2 layers: Linear(D->D), ReLU, Linear(D->D)
    s = 1.0 / np.sqrt(D)
    W1_0 = jax.random.uniform(ks[3], (D, D), jnp.float32, -s, s)
    b1_0 = jax.random.uniform(ks[4], (D,), jnp.float32, -s, s)
    W2_0 = jax.random.uniform(ks[5], (D, D), jnp.float32, -s, s)
    b2_0 = jax.random.uniform(ks[6], (D,), jnp.float32, -s, s)
    W1_1 = jax.random.uniform(ks[7], (D, D), jnp.float32, -s, s)
    b1_1 = jax.random.uniform(ks[8], (D,), jnp.float32, -s, s)
    W2_1 = jax.random.uniform(ks[9], (D, D), jnp.float32, -s, s)
    b2_1 = jax.random.uniform(ks[10], (D,), jnp.float32, -s, s)
    return {"h": h, "x": x, "edge_index": edge_index,
            "W1_0": W1_0, "b1_0": b1_0, "W2_0": W2_0, "b2_0": b2_0,
            "W1_1": W1_1, "b1_1": b1_1, "W2_1": W2_1, "b2_1": b2_1}


def _gin_layer(h, src, dst, W1, b1, W2, b2):
    # GINConv with eps=0: out = MLP(x + sum_{j in N(i)} x_j)
    msgs = jnp.take(h, src, axis=0)
    agg = jax.ops.segment_sum(msgs, dst, num_segments=N_NODES)
    z = agg + h  # (1 + eps) * x with eps = 0
    z = jnp.maximum(z @ W1 + b1, 0.0)
    return z @ W2 + b2


def reference(h, x, edge_index, W1_0, b1_0, W2_0, b2_0, W1_1, b1_1, W2_1, b2_1):
    src = edge_index[0]
    dst = edge_index[1]
    h = _gin_layer(h, src, dst, W1_0, b1_0, W2_0, b2_0)
    h = _gin_layer(h, src, dst, W1_1, b1_1, W2_1, b2_1)
    return (h, x)

if __name__ == "__main__":
    import jax
    _d = setup_inputs()
    print(jax.jit(kernel)(*tuple(_d.values())))

</pallas_src>

<mosaic_0001>
#map = affine_map<(d0, d1) -> (0, 0)>
#map1 = affine_map<(d0, d1) -> (0, 0, 0)>
module attributes {stable_mosaic.version = 14 : i64} {
  func.func @k(%arg0: i32, %arg1: i32, %arg2: memref<10000x128xf32, #tpu.memory_space<hbm>>, %arg3: memref<2x5000x64xi32, #tpu.memory_space<hbm>>, %arg4: memref<120x64xi32, #tpu.memory_space<hbm>>, %arg5: memref<120x64xi32, #tpu.memory_space<hbm>>, %arg6: memref<2x10112x128xf32, #tpu.memory_space<hbm>>, %arg7: memref<2x8x64xi32, #tpu.memory_space<vmem>>, %arg8: memref<2x8x64xi32, #tpu.memory_space<vmem>>, %arg9: memref<64x128xf32, #tpu.memory_space<vmem>>, %arg10: memref<64x128xf32, #tpu.memory_space<vmem>>, %arg11: memref<64x128xf32, #tpu.memory_space<vmem>>, %arg12: memref<64x128xf32, #tpu.memory_space<vmem>>, %arg13: memref<10112x128xf32, #tpu.memory_space<vmem_shared>>, %arg14: memref<!tpu.dma_semaphore, #tpu.memory_space<semaphore_mem>>, %arg15: memref<!tpu.dma_semaphore, #tpu.memory_space<semaphore_mem>>, %arg16: memref<!tpu.dma_semaphore, #tpu.memory_space<semaphore_mem>>, %arg17: memref<!tpu.dma_semaphore, #tpu.memory_space<semaphore_mem>>, %arg18: memref<!tpu.dma_semaphore, #tpu.memory_space<semaphore_mem>>, %arg19: memref<!tpu.dma_semaphore, #tpu.memory_space<semaphore_mem>>, %arg20: memref<!tpu.dma_semaphore, #tpu.memory_space<semaphore_mem>>) attributes {dimension_semantics = [#tpu.dimension_semantics<core_parallel>, #tpu.dimension_semantics<subcore_parallel>], iteration_bounds = array<i64: 2, 16>, scalar_prefetch = 0 : i64, scratch_operands = 14 : i64, tpu.core_type = #tpu.core_type<sc_vector_subcore>, window_params = [{transform_indices = #map}, {transform_indices = #map1}, {transform_indices = #map}, {transform_indices = #map}, {transform_indices = #map1}]} {
    %mul3A = arith.constant 16 : i32
    %mul3A_0 = arith.muli %arg0, %mul3A : i32
    %add3A = arith.addi %mul3A_0, %arg1 : i32
    %mul3A_1 = arith.constant 160 : i32
    %mul3A_2 = arith.muli %add3A, %mul3A_1 : i32
    %add3A_3 = arith.constant 0 : i32
    %add3A_4 = arith.addi %mul3A_2, %add3A_3 : i32
    %lt3A = arith.constant 5000 : i32
    %lt3A_5 = arith.cmpi slt, %add3A_4, %lt3A : i32
    %convert_element_type3A = arith.extui %lt3A_5 : i1 to i32
    %cond3A = arith.constant 0 : i32
    %cond3A_6 = arith.cmpi ne, %convert_element_type3A, %cond3A : i32
    scf.if %cond3A_6 {
      %multiple_of3A = tpu.assume_multiple %add3A_4, 8 : i32
      %dma_start3A_226 = arith.constant 0 : i32
      %dma_start3A_227 = arith.constant 0 : i32
      %dma_start3A_228 = arith.constant 0 : i32
      %dma_start3A_229 = arith.constant 0 : i32
      %dma_start3A_230 = tpu.memref_slice %arg7[%dma_start3A_227, %dma_start3A_228, %dma_start3A_229] : memref<2x8x64xi32, #tpu.memory_space<vmem>> -> memref<1x8x64xi32, #tpu.memory_space<vmem>>
      %dma_start3A_231 = tpu.memref_squeeze %dma_start3A_230 : memref<1x8x64xi32, #tpu.memory_space<vmem>> -> memref<8x64xi32, #tpu.memory_space<vmem>>
      %dma_start3A_232 = arith.constant 0 : i32
      %dma_start3A_233 = tpu.memref_slice %arg3[%dma_start3A_226, %multiple_of3A, %dma_start3A_232] : memref<2x5000x64xi32, #tpu.memory_space<hbm>> -> memref<1x8x64xi32, #tpu.memory_space<hbm>>
      %dma_start3A_234 = tpu.memref_squeeze %dma_start3A_233 : memref<1x8x64xi32, #tpu.memory_space<hbm>> -> memref<8x64xi32, #tpu.memory_space<hbm>>
      %dma_start3A_235 = arith.constant 0 : i32
      %dma_start3A_236 = arith.constant 0 : i32
      %dma_start3A_237 = tpu.memref_slice %arg7[%dma_start3A_227, %dma_start3A_235, %dma_start3A_236] : memref<2x8x64xi32, #tpu.memory_space<vmem>> -> memref<1x8x64xi32, #tpu.memory_space<vmem>>
      %dma_start3A_238 = tpu.memref_squeeze %dma_start3A_237 : memref<1x8x64xi32, #tpu.memory_space<vmem>> -> memref<8x64xi32, #tpu.memory_space<vmem>>
      %dma_start3A_239 = arith.constant 0 : i32
      %dma_start3A_240 = tpu.memref_slice %arg3[%dma_start3A_226, %multiple_of3A, %dma_start3A_239] : memref<2x5000x64xi32, #tpu.memory_space<hbm>> -> memref<1x8x64xi32, #tpu.memory_space<hbm>>
      %dma_start3A_241 = tpu.memref_squeeze %dma_start3A_240 : memref<1x8x64xi32, #tpu.memory_space<hbm>> -> memref<8x64xi32, #tpu.memory_space<hbm>>
      tpu.enqueue_dma source(%dma_start3A_241 : memref<8x64xi32, #tpu.memory_space<hbm>>) target(%dma_start3A_238 : memref<8x64xi32, #tpu.memory_space<vmem>>) target_semaphore(%arg14 : memref<!tpu.dma_semaphore, #tpu.memory_space<semaphore_mem>>)
      %dma_start3A_242 = arith.constant 1 : i32
      %dma_start3A_243 = arith.constant 0 : i32
      %dma_start3A_244 = arith.constant 0 : i32
      %dma_start3A_245 = arith.constant 0 : i32
      %dma_start3A_246 = tpu.memref_slice %arg8[%dma_start3A_243, %dma_start3A_244, %dma_start3A_245] : memref<2x8x64xi32, #tpu.memory_space<vmem>> -> memref<1x8x64xi32, #tpu.memory_space<vmem>>
      %dma_start3A_247 = tpu.memref_squeeze %dma_start3A_246 : memref<1x8x64xi32, #tpu.memory_space<vmem>> -> memref<8x64xi32, #tpu.memory_space<vmem>>
      %dma_start3A_248 = arith.constant 0 : i32
      %dma_start3A_249 = tpu.memref_slice %arg3[%dma_start3A_242, %multiple_of3A, %dma_start3A_248] : memref<2x5000x64xi32, #tpu.memory_space<hbm>> -> memref<1x8x64xi32, #tpu.memory_space<hbm>>
      %dma_start3A_250 = tpu.memref_squeeze %dma_start3A_249 : memref<1x8x64xi32, #tpu.memory_space<hbm>> -> memref<8x64xi32, #tpu.memory_space<hbm>>
      %dma_start3A_251 = arith.constant 0 : i32
      %dma_start3A_252 = arith.constant 0 : i32
      %dma_start3A_253 = tpu.memref_slice %arg8[%dma_start3A_243, %dma_start3A_251, %dma_start3A_252] : memref<2x8x64xi32, #tpu.memory_space<vmem>> -> memref<1x8x64xi32, #tpu.memory_space<vmem>>
      %dma_start3A_254 = tpu.memref_squeeze %dma_start3A_253 : memref<1x8x64xi32, #tpu.memory_space<vmem>> -> memref<8x64xi32, #tpu.memory_space<vmem>>
      %dma_start3A_255 = arith.constant 0 : i32
      %dma_start3A_256 = tpu.memref_slice %arg3[%dma_start3A_242, %multiple_of3A, %dma_start3A_255] : memref<2x5000x64xi32, #tpu.memory_space<hbm>> -> memref<1x8x64xi32, #tpu.memory_space<hbm>>
      %dma_start3A_257 = tpu.memref_squeeze %dma_start3A_256 : memref<1x8x64xi32, #tpu.memory_space<hbm>> -> memref<8x64xi32, #tpu.memory_space<hbm>>
      tpu.enqueue_dma source(%dma_start3A_257 : memref<8x64xi32, #tpu.memory_space<hbm>>) target(%dma_start3A_254 : memref<8x64xi32, #tpu.memory_space<vmem>>) target_semaphore(%arg14 : memref<!tpu.dma_semaphore, #tpu.memory_space<semaphore_mem>>)
    } else {
    }
    %ge3A = arith.constant 5000 : i32
    %ge3A_7 = arith.cmpi sge, %add3A_4, %ge3A : i32
    %convert_element_type3A_8 = arith.extui %ge3A_7 : i1 to i32
    %cond3A_9 = arith.constant 0 : i32
    %cond3A_10 = arith.cmpi ne, %convert_element_type3A_8, %cond3A_9 : i32
    scf.if %cond3A_10 {
      %sub3A_226 = arith.constant 5000 : i32
      %sub3A_227 = arith.subi %add3A_4, %sub3A_226 : i32
      %multiple_of3A = tpu.assume_multiple %sub3A_227, 8 : i32
      %dma_start3A_228 = arith.constant 0 : i32
      %dma_start3A_229 = arith.constant 0 : i32
      %dma_start3A_230 = arith.constant 0 : i32
      %dma_start3A_231 = tpu.memref_slice %arg7[%dma_start3A_228, %dma_start3A_229, %dma_start3A_230] : memref<2x8x64xi32, #tpu.memory_space<vmem>> -> memref<1x8x64xi32, #tpu.memory_space<vmem>>
      %dma_start3A_232 = tpu.memref_squeeze %dma_start3A_231 : memref<1x8x64xi32, #tpu.memory_space<vmem>> -> memref<8x64xi32, #tpu.memory_space<vmem>>
      %dma_start3A_233 = arith.constant 0 : i32
      %dma_start3A_234 = tpu.memref_slice %arg4[%multiple_of3A, %dma_start3A_233] : memref<120x64xi32, #tpu.memory_space<hbm>> -> memref<8x64xi32, #tpu.memory_space<hbm>>
      %dma_start3A_235 = arith.constant 0 : i32
      %dma_start3A_236 = arith.constant 0 : i32
      %dma_start3A_237 = tpu.memref_slice %arg7[%dma_start3A_228, %dma_start3A_235, %dma_start3A_236] : memref<2x8x64xi32, #tpu.memory_space<vmem>> -> memref<1x8x64xi32, #tpu.memory_space<vmem>>
      %dma_start3A_238 = tpu.memref_squeeze %dma_start3A_237 : memref<1x8x64xi32, #tpu.memory_space<vmem>> -> memref<8x64xi32, #tpu.memory_space<vmem>>
      %dma_start3A_239 = arith.constant 0 : i32
      %dma_start3A_240 = tpu.memref_slice %arg4[%multiple_of3A, %dma_start3A_239] : memref<120x64xi32, #tpu.memory_space<hbm>> -> memref<8x64xi32, #tpu.memory_space<hbm>>
      tpu.enqueue_dma source(%dma_start3A_240 : memref<8x64xi32, #tpu.memory_space<hbm>>) target(%dma_start3A_238 : memref<8x64xi32, #tpu.memory_space<vmem>>) target_semaphore(%arg14 : memref<!tpu.dma_semaphore, #tpu.memory_space<semaphore_mem>>)
      %dma_start3A_241 = arith.constant 0 : i32
      %dma_start3A_242 = arith.constant 0 : i32
      %dma_start3A_243 = arith.constant 0 : i32
      %dma_start3A_244 = tpu.memref_slice %arg8[%dma_start3A_241, %dma_start3A_242, %dma_start3A_243] : memref<2x8x64xi32, #tpu.memory_space<vmem>> -> memref<1x8x64xi32, #tpu.memory_space<vmem>>
      %dma_start3A_245 = tpu.memref_squeeze %dma_start3A_244 : memref<1x8x64xi32, #tpu.memory_space<vmem>> -> memref<8x64xi32, #tpu.memory_space<vmem>>
      %dma_start3A_246 = arith.constant 0 : i32
      %dma_start3A_247 = tpu.memref_slice %arg5[%multiple_of3A, %dma_start3A_246] : memref<120x64xi32, #tpu.memory_space<hbm>> -> memref<8x64xi32, #tpu.memory_space<hbm>>
      %dma_start3A_248 = arith.constant 0 : i32
      %dma_start3A_249 = arith.constant 0 : i32
      %dma_start3A_250 = tpu.memref_slice %arg8[%dma_start3A_241, %dma_start3A_248, %dma_start3A_249] : memref<2x8x64xi32, #tpu.memory_space<vmem>> -> memref<1x8x64xi32, #tpu.memory_space<vmem>>
      %dma_start3A_251 = tpu.memref_squeeze %dma_start3A_250 : memref<1x8x64xi32, #tpu.memory_space<vmem>> -> memref<8x64xi32, #tpu.memory_space<vmem>>
      %dma_start3A_252 = arith.constant 0 : i32
      %dma_start3A_253 = tpu.memref_slice %arg5[%multiple_of3A, %dma_start3A_252] : memref<120x64xi32, #tpu.memory_space<hbm>> -> memref<8x64xi32, #tpu.memory_space<hbm>>
      tpu.enqueue_dma source(%dma_start3A_253 : memref<8x64xi32, #tpu.memory_space<hbm>>) target(%dma_start3A_251 : memref<8x64xi32, #tpu.memory_space<vmem>>) target_semaphore(%arg14 : memref<!tpu.dma_semaphore, #tpu.memory_space<semaphore_mem>>)
    } else {
    }
    %scan3A = arith.constant 0 : i32
    %scan3A_11 = arith.constant 64 : i32
    %scan3A_12 = arith.addi %scan3A, %scan3A_11 : i32
    %scan3A_13 = arith.constant 1 : i32
    scf.for %scan3A_226 = %scan3A to %scan3A_12 step %scan3A_13  : i32 {
      %mul3A_227 = arith.constant 1 : i32
      %mul3A_228 = arith.muli %scan3A_226, %mul3A_227 : i32
      %add3A_229 = arith.constant 0 : i32
      %add3A_230 = arith.addi %add3A_229, %mul3A_228 : i32
      %scan3A_231 = arith.constant 0 : i32
      %scan3A_232 = arith.constant 8 : i32
      %scan3A_233 = arith.addi %scan3A_231, %scan3A_232 : i32
      %scan3A_234 = arith.constant 1 : i32
      scf.for %scan3A_236 = %scan3A_231 to %scan3A_233 step %scan3A_234  : i32 {
        %mul3A_237 = arith.constant 16 : i32
        %mul3A_238 = arith.muli %scan3A_236, %mul3A_237 : i32
        %add3A_239 = arith.constant 0 : i32
        %add3A_240 = arith.addi %add3A_239, %mul3A_238 : i32
        %broadcast_in_dim3A = arith.constant 0.000000e+00 : f32
        %broadcast_in_dim3A_241 = vector.broadcast %broadcast_in_dim3A : f32 to vector<16xf32>
        %swap3A = arith.index_cast %add3A_230 : i32 to index
        %swap3A_242 = arith.index_cast %add3A_240 : i32 to index
        %swap3A_243 = tpu.vector_load %arg12[%swap3A, %swap3A_242] {strides = array<i32>} : memref<64x128xf32, #tpu.memory_space<vmem>>, vector<1x16xf32>,
        %swap3A_244 = vector.shape_cast %swap3A_243 : vector<1x16xf32> to vector<16xf32>
        %swap3A_245 = vector.shape_cast %broadcast_in_dim3A_241 : vector<16xf32> to vector<1x16xf32>
        tpu.vector_store %arg12[%swap3A, %swap3A_242], %swap3A_245 {strides = array<i32>} : memref<64x128xf32, #tpu.memory_space<vmem>>, vector<1x16xf32>,
      }
      %scan3A_235 = arith.constant 8 : i32
    }
    %scan3A_14 = arith.constant 64 : i32
    %mul3A_15 = arith.constant 632 : i32
    %mul3A_16 = arith.muli %arg1, %mul3A_15 : i32
    %add3A_17 = arith.constant 0 : i32
    %add3A_18 = arith.addi %mul3A_16, %add3A_17 : i32
    %dma_start3A = arith.constant 0 : i32
    %dma_start3A_19 = tpu.memref_slice %arg13[%add3A_18, %dma_start3A] : memref<10112x128xf32, #tpu.memory_space<vmem_shared>> -> memref<64x128xf32, #tpu.memory_space<vmem_shared>>
    %dma_start3A_20 = arith.constant 0 : i32
    %dma_start3A_21 = tpu.memref_slice %arg13[%add3A_18, %dma_start3A_20] : memref<10112x128xf32, #tpu.memory_space<vmem_shared>> -> memref<64x128xf32, #tpu.memory_space<vmem_shared>>
    tpu.enqueue_dma source(%arg12 : memref<64x128xf32, #tpu.memory_space<vmem>>) target(%dma_start3A_21 : memref<64x128xf32, #tpu.memory_space<vmem_shared>>) target_semaphore(%arg20 : memref<!tpu.dma_semaphore, #tpu.memory_space<semaphore_mem>>)
    %add3A_22 = arith.constant 64 : i32
    %add3A_23 = arith.addi %mul3A_16, %add3A_22 : i32
    %dma_start3A_24 = arith.constant 0 : i32
    %dma_start3A_25 = tpu.memref_slice %arg13[%add3A_23, %dma_start3A_24] : memref<10112x128xf32, #tpu.memory_space<vmem_shared>> -> memref<64x128xf32, #tpu.memory_space<vmem_shared>>
    %dma_start3A_26 = arith.constant 0 : i32
    %dma_start3A_27 = tpu.memref_slice %arg13[%add3A_23, %dma_start3A_26] : memref<10112x128xf32, #tpu.memory_space<vmem_shared>> -> memref<64x128xf32, #tpu.memory_space<vmem_shared>>
    tpu.enqueue_dma source(%arg12 : memref<64x128xf32, #tpu.memory_space<vmem>>) target(%dma_start3A_27 : memref<64x128xf32, #tpu.memory_space<vmem_shared>>) target_semaphore(%arg20 : memref<!tpu.dma_semaphore, #tpu.memory_space<semaphore_mem>>)
    %add3A_28 = arith.constant 128 : i32
    %add3A_29 = arith.addi %mul3A_16, %add3A_28 : i32
    %dma_start3A_30 = arith.constant 0 : i32
    %dma_start3A_31 = tpu.memref_slice %arg13[%add3A_29, %dma_start3A_30] : memref<10112x128xf32, #tpu.memory_space<vmem_shared>> -> memref<64x128xf32, #tpu.memory_space<vmem_shared>>
    %dma_start3A_32 = arith.constant 0 : i32
    %dma_start3A_33 = tpu.memref_slice %arg13[%add3A_29, %dma_start3A_32] : memref<10112x128xf32, #tpu.memory_space<vmem_shared>> -> memref<64x128xf32, #tpu.memory_space<vmem_shared>>
    tpu.enqueue_dma source(%arg12 : memref<64x128xf32, #tpu.memory_space<vmem>>) target(%dma_start3A_33 : memref<64x128xf32, #tpu.memory_space<vmem_shared>>) target_semaphore(%arg20 : memref<!tpu.dma_semaphore, #tpu.memory_space<semaphore_mem>>)
    %add3A_34 = arith.constant 192 : i32
    %add3A_35 = arith.addi %mul3A_16, %add3A_34 : i32
    %dma_start3A_36 = arith.constant 0 : i32
    %dma_start3A_37 = tpu.memref_slice %arg13[%add3A_35, %dma_start3A_36] : memref<10112x128xf32, #tpu.memory_space<vmem_shared>> -> memref<64x128xf32, #tpu.memory_space<vmem_shared>>
    %dma_start3A_38 = arith.constant 0 : i32
    %dma_start3A_39 = tpu.memref_slice %arg13[%add3A_35, %dma_start3A_38] : memref<10112x128xf32, #tpu.memory_space<vmem_shared>> -> memref<64x128xf32, #tpu.memory_space<vmem_shared>>
    tpu.enqueue_dma source(%arg12 : memref<64x128xf32, #tpu.memory_space<vmem>>) target(%dma_start3A_39 : memref<64x128xf32, #tpu.memory_space<vmem_shared>>) target_semaphore(%arg20 : memref<!tpu.dma_semaphore, #tpu.memory_space<semaphore_mem>>)
    %add3A_40 = arith.constant 256 : i32
    %add3A_41 = arith.addi %mul3A_16, %add3A_40 : i32
    %dma_start3A_42 = arith.constant 0 : i32
    %dma_start3A_43 = tpu.memref_slice %arg13[%add3A_41, %dma_start3A_42] : memref<10112x128xf32, #tpu.memory_space<vmem_shared>> -> memref<64x128xf32, #tpu.memory_space<vmem_shared>>
    %dma_start3A_44 = arith.constant 0 : i32
    %dma_start3A_45 = tpu.memref_slice %arg13[%add3A_41, %dma_start3A_44] : memref<10112x128xf32, #tpu.memory_space<vmem_shared>> -> memref<64x128xf32, #tpu.memory_space<vmem_shared>>
    tpu.enqueue_dma source(%arg12 : memref<64x128xf32, #tpu.memory_space<vmem>>) target(%dma_start3A_45 : memref<64x128xf32, #tpu.memory_space<vmem_shared>>) target_semaphore(%arg20 : memref<!tpu.dma_semaphore, #tpu.memory_space<semaphore_mem>>)
    %add3A_46 = arith.constant 320 : i32
    %add3A_47 = arith.addi %mul3A_16, %add3A_46 : i32
    %dma_start3A_48 = arith.constant 0 : i32
    %dma_start3A_49 = tpu.memref_slice %arg13[%add3A_47, %dma_start3A_48] : memref<10112x128xf32, #tpu.memory_space<vmem_shared>> -> memref<64x128xf32, #tpu.memory_space<vmem_shared>>
    %dma_start3A_50 = arith.constant 0 : i32
    %dma_start3A_51 = tpu.memref_slice %arg13[%add3A_47, %dma_start3A_50] : memref<10112x128xf32, #tpu.memory_space<vmem_shared>> -> memref<64x128xf32, #tpu.memory_space<vmem_shared>>
    tpu.enqueue_dma source(%arg12 : memref<64x128xf32, #tpu.memory_space<vmem>>) target(%dma_start3A_51 : memref<64x128xf32, #tpu.memory_space<vmem_shared>>) target_semaphore(%arg20 : memref<!tpu.dma_semaphore, #tpu.memory_space<semaphore_mem>>)
    %add3A_52 = arith.constant 384 : i32
    %add3A_53 = arith.addi %mul3A_16, %add3A_52 : i32
    %dma_start3A_54 = arith.constant 0 : i32
    %dma_start3A_55 = tpu.memref_slice %arg13[%add3A_53, %dma_start3A_54] : memref<10112x128xf32, #tpu.memory_space<vmem_shared>> -> memref<64x128xf32, #tpu.memory_space<vmem_shared>>
    %dma_start3A_56 = arith.constant 0 : i32
    %dma_start3A_57 = tpu.memref_slice %arg13[%add3A_53, %dma_start3A_56] : memref<10112x128xf32, #tpu.memory_space<vmem_shared>> -> memref<64x128xf32, #tpu.memory_space<vmem_shared>>
    tpu.enqueue_dma source(%arg12 : memref<64x128xf32, #tpu.memory_space<vmem>>) target(%dma_start3A_57 : memref<64x128xf32, #tpu.memory_space<vmem_shared>>) target_semaphore(%arg20 : memref<!tpu.dma_semaphore, #tpu.memory_space<semaphore_mem>>)
    %add3A_58 = arith.constant 448 : i32
    %add3A_59 = arith.addi %mul3A_16, %add3A_58 : i32
    %dma_start3A_60 = arith.constant 0 : i32
    %dma_start3A_61 = tpu.memref_slice %arg13[%add3A_59, %dma_start3A_60] : memref<10112x128xf32, #tpu.memory_space<vmem_shared>> -> memref<64x128xf32, #tpu.memory_space<vmem_shared>>
    %dma_start3A_62 = arith.constant 0 : i32
    %dma_start3A_63 = tpu.memref_slice %arg13[%add3A_59, %dma_start3A_62] : memref<10112x128xf32, #tpu.memory_space<vmem_shared>> -> memref<64x128xf32, #tpu.memory_space<vmem_shared>>
    tpu.enqueue_dma source(%arg12 : memref<64x128xf32, #tpu.memory_space<vmem>>) target(%dma_start3A_63 : memref<64x128xf32, #tpu.memory_space<vmem_shared>>) target_semaphore(%arg20 : memref<!tpu.dma_semaphore, #tpu.memory_space<semaphore_mem>>)
    %add3A_64 = arith.constant 512 : i32
    %add3A_65 = arith.addi %mul3A_16, %add3A_64 : i32
    %dma_start3A_66 = arith.constant 0 : i32
    %dma_start3A_67 = tpu.memref_slice %arg13[%add3A_65, %dma_start3A_66] : memref<10112x128xf32, #tpu.memory_space<vmem_shared>> -> memref<64x128xf32, #tpu.memory_space<vmem_shared>>
    %dma_start3A_68 = arith.constant 0 : i32
    %dma_start3A_69 = tpu.memref_slice %arg13[%add3A_65, %dma_start3A_68] : memref<10112x128xf32, #tpu.memory_space<vmem_shared>> -> memref<64x128xf32, #tpu.memory_space<vmem_shared>>
    tpu.enqueue_dma source(%arg12 : memref<64x128xf32, #tpu.memory_space<vmem>>) target(%dma_start3A_69 : memref<64x128xf32, #tpu.memory_space<vmem_shared>>) target_semaphore(%arg20 : memref<!tpu.dma_semaphore, #tpu.memory_space<semaphore_mem>>)
    %add3A_70 = arith.constant 632 : i32
    %add3A_71 = arith.addi %mul3A_16, %add3A_70 : i32
    %sub3A = arith.constant 56 : i32
    %sub3A_72 = arith.subi %add3A_71, %sub3A : i32
    %dma_start3A_73 = arith.constant 0 : i32
    %dma_start3A_74 = arith.constant 0 : i32
    %dma_start3A_75 = tpu.memref_slice %arg12[%dma_start3A_73, %dma_start3A_74] : memref<64x128xf32, #tpu.memory_space<vmem>> -> memref<56x128xf32, #tpu.memory_space<vmem>>
    %dma_start3A_76 = arith.constant 0 : i32
    %dma_start3A_77 = tpu.memref_slice %arg13[%sub3A_72, %dma_start3A_76] : memref<10112x128xf32, #tpu.memory_space<vmem_shared>> -> memref<56x128xf32, #tpu.memory_space<vmem_shared>>
    %dma_start3A_78 = arith.constant 0 : i32
    %dma_start3A_79 = tpu.memref_slice %arg13[%sub3A_72, %dma_start3A_78] : memref<10112x128xf32, #tpu.memory_space<vmem_shared>> -> memref<56x128xf32, #tpu.memory_space<vmem_shared>>
    %dma_start3A_80 = arith.constant 0 : i32
    %dma_start3A_81 = arith.constant 0 : i32
    %dma_start3A_82 = tpu.memref_slice %arg12[%dma_start3A_80, %dma_start3A_81] : memref<64x128xf32, #tpu.memory_space<vmem>> -> memref<56x128xf32, #tpu.memory_space<vmem>>
    tpu.enqueue_dma source(%dma_start3A_82 : memref<56x128xf32, #tpu.memory_space<vmem>>) target(%dma_start3A_79 : memref<56x128xf32, #tpu.memory_space<vmem_shared>>) target_semaphore(%arg20 : memref<!tpu.dma_semaphore, #tpu.memory_space<semaphore_mem>>)
    %dma_wait3A = arith.constant 0 : i32
    %dma_wait3A_83 = arith.constant 0 : i32
    %dma_wait3A_84 = arith.constant 0 : i32
    %dma_wait3A_85 = arith.constant 0 : i32
    %dma_wait3A_86 = tpu.memref_slice %arg7[%dma_wait3A_83, %dma_wait3A_84, %dma_wait3A_85] : memref<2x8x64xi32, #tpu.memory_space<vmem>> -> memref<1x8x64xi32, #tpu.memory_space<vmem>>
    %dma_wait3A_87 = tpu.memref_squeeze %dma_wait3A_86 : memref<1x8x64xi32, #tpu.memory_space<vmem>> -> memref<8x64xi32, #tpu.memory_space<vmem>>
    %dma_wait3A_88 = arith.constant 0 : i32
    %dma_wait3A_89 = arith.constant 0 : i32
    %dma_wait3A_90 = tpu.memref_slice %arg3[%dma_wait3A, %dma_wait3A_88, %dma_wait3A_89] : memref<2x5000x64xi32, #tpu.memory_space<hbm>> -> memref<1x8x64xi32, #tpu.memory_space<hbm>>
    %dma_wait3A_91 = tpu.memref_squeeze %dma_wait3A_90 : memref<1x8x64xi32, #tpu.memory_space<hbm>> -> memref<8x64xi32, #tpu.memory_space<hbm>>
    %dma_wait3A_92 = arith.constant 0 : i32
    %dma_wait3A_93 = arith.constant 0 : i32
    %dma_wait3A_94 = tpu.memref_slice %arg7[%dma_wait3A_83, %dma_wait3A_92, %dma_wait3A_93] : memref<2x8x64xi32, #tpu.memory_space<vmem>> -> memref<1x8x64xi32, #tpu.memory_space<vmem>>
    %dma_wait3A_95 = tpu.memref_squeeze %dma_wait3A_94 : memref<1x8x64xi32, #tpu.memory_space<vmem>> -> memref<8x64xi32, #tpu.memory_space<vmem>>
    %dma_wait3A_96 = arith.constant 0 : i32
    %dma_wait3A_97 = arith.constant 0 : i32
    %dma_wait3A_98 = tpu.memref_slice %arg3[%dma_wait3A, %dma_wait3A_96, %dma_wait3A_97] : memref<2x5000x64xi32, #tpu.memory_space<hbm>> -> memref<1x8x64xi32, #tpu.memory_space<hbm>>
    %dma_wait3A_99 = tpu.memref_squeeze %dma_wait3A_98 : memref<1x8x64xi32, #tpu.memory_space<hbm>> -> memref<8x64xi32, #tpu.memory_space<hbm>>
    tpu.wait_dma2 semaphore(%arg14 : memref<!tpu.dma_semaphore, #tpu.memory_space<semaphore_mem>>) src(%dma_wait3A_99 : memref<8x64xi32, #tpu.memory_space<hbm>>) dst(%dma_wait3A_95 : memref<8x64xi32, #tpu.memory_space<vmem>>)
    %dma_wait3A_100 = arith.constant 1 : i32
    %dma_wait3A_101 = arith.constant 0 : i32
    %dma_wait3A_102 = arith.constant 0 : i32
    %dma_wait3A_103 = arith.constant 0 : i32
    %dma_wait3A_104 = tpu.memref_slice %arg8[%dma_wait3A_101, %dma_wait3A_102, %dma_wait3A_103] : memref<2x8x64xi32, #tpu.memory_space<vmem>> -> memref<1x8x64xi32, #tpu.memory_space<vmem>>
    %dma_wait3A_105 = tpu.memref_squeeze %dma_wait3A_104 : memref<1x8x64xi32, #tpu.memory_space<vmem>> -> memref<8x64xi32, #tpu.memory_space<vmem>>
    %dma_wait3A_106 = arith.constant 0 : i32
    %dma_wait3A_107 = arith.constant 0 : i32
    %dma_wait3A_108 = tpu.memref_slice %arg3[%dma_wait3A_100, %dma_wait3A_106, %dma_wait3A_107] : memref<2x5000x64xi32, #tpu.memory_space<hbm>> -> memref<1x8x64xi32, #tpu.memory_space<hbm>>
    %dma_wait3A_109 = tpu.memref_squeeze %dma_wait3A_108 : memref<1x8x64xi32, #tpu.memory_space<hbm>> -> memref<8x64xi32, #tpu.memory_space<hbm>>
    %dma_wait3A_110 = arith.constant 0 : i32
    %dma_wait3A_111 = arith.constant 0 : i32
    %dma_wait3A_112 = tpu.memref_slice %arg8[%dma_wait3A_101, %dma_wait3A_110, %dma_wait3A_111] : memref<2x8x64xi32, #tpu.memory_space<vmem>> -> memref<1x8x64xi32, #tpu.memory_space<vmem>>
    %dma_wait3A_113 = tpu.memref_squeeze %dma_wait3A_112 : memref<1x8x64xi32, #tpu.memory_space<vmem>> -> memref<8x64xi32, #tpu.memory_space<vmem>>
    %dma_wait3A_114 = arith.constant 0 : i32
    %dma_wait3A_115 = arith.constant 0 : i32
    %dma_wait3A_116 = tpu.memref_slice %arg3[%dma_wait3A_100, %dma_wait3A_114, %dma_wait3A_115] : memref<2x5000x64xi32, #tpu.memory_space<hbm>> -> memref<1x8x64xi32, #tpu.memory_space<hbm>>
    %dma_wait3A_117 = tpu.memref_squeeze %dma_wait3A_116 : memref<1x8x64xi32, #tpu.memory_space<hbm>> -> memref<8x64xi32, #tpu.memory_space<hbm>>
    tpu.wait_dma2 semaphore(%arg14 : memref<!tpu.dma_semaphore, #tpu.memory_space<semaphore_mem>>) src(%dma_wait3A_117 : memref<8x64xi32, #tpu.memory_space<hbm>>) dst(%dma_wait3A_113 : memref<8x64xi32, #tpu.memory_space<vmem>>)
    %dma_start3A_118 = arith.constant 0 : i32
    %dma_start3A_119 = arith.constant 0 : i32
    %dma_start3A_120 = arith.constant 0 : i32
    %dma_start3A_121 = tpu.memref_slice %arg7[%dma_start3A_118, %dma_start3A_119, %dma_start3A_120] : memref<2x8x64xi32, #tpu.memory_space<vmem>> -> memref<1x1x64xi32, #tpu.memory_space<vmem>>
    %dma_start3A_122 = tpu.memref_squeeze %dma_start3A_121 : memref<1x1x64xi32, #tpu.memory_space<vmem>> -> memref<64xi32, #tpu.memory_space<vmem>>
    %dma_start3A_123 = arith.constant 0 : i32
    %dma_start3A_124 = arith.constant 0 : i32
    %dma_start3A_125 = tpu.memref_slice %arg2[%dma_start3A_123, %dma_start3A_124] : memref<10000x128xf32, #tpu.memory_space<hbm>> -> memref<10000x128xf32, #tpu.memory_space<hbm>>
    tpu.enqueue_indirect_dma source(%dma_start3A_125 : memref<10000x128xf32, #tpu.memory_space<hbm>>) target(%arg9 : memref<64x128xf32, #tpu.memory_space<vmem>>) offsets(%dma_start3A_122 : memref<64xi32, #tpu.memory_space<vmem>>) semaphore(%arg16 : memref<!tpu.dma_semaphore, #tpu.memory_space<semaphore_mem>>)
    %dma_start3A_126 = arith.constant 0 : i32
    %dma_start3A_127 = arith.constant 1 : i32
    %dma_start3A_128 = arith.constant 0 : i32
    %dma_start3A_129 = tpu.memref_slice %arg7[%dma_start3A_126, %dma_start3A_127, %dma_start3A_128] : memref<2x8x64xi32, #tpu.memory_space<vmem>> -> memref<1x1x64xi32, #tpu.memory_space<vmem>>
    %dma_start3A_130 = tpu.memref_squeeze %dma_start3A_129 : memref<1x1x64xi32, #tpu.memory_space<vmem>> -> memref<64xi32, #tpu.memory_space<vmem>>
    %dma_start3A_131 = arith.constant 0 : i32
    %dma_start3A_132 = arith.constant 0 : i32
    %dma_start3A_133 = tpu.memref_slice %arg2[%dma_start3A_131, %dma_start3A_132] : memref<10000x128xf32, #tpu.memory_space<hbm>> -> memref<10000x128xf32, #tpu.memory_space<hbm>>
    tpu.enqueue_indirect_dma source(%dma_start3A_133 : memref<10000x128xf32, #tpu.memory_space<hbm>>) target(%arg10 : memref<64x128xf32, #tpu.memory_space<vmem>>) offsets(%dma_start3A_130 : memref<64xi32, #tpu.memory_space<vmem>>) semaphore(%arg17 : memref<!tpu.dma_semaphore, #tpu.memory_space<semaphore_mem>>)
    %dma_start3A_134 = arith.constant 0 : i32
    %dma_start3A_135 = arith.constant 2 : i32
    %dma_start3A_136 = arith.constant 0 : i32
    %dma_start3A_137 = tpu.memref_slice %arg7[%dma_start3A_134, %dma_start3A_135, %dma_start3A_136] : memref<2x8x64xi32, #tpu.memory_space<vmem>> -> memref<1x1x64xi32, #tpu.memory_space<vmem>>
    %dma_start3A_138 = tpu.memref_squeeze %dma_start3A_137 : memref<1x1x64xi32, #tpu.memory_space<vmem>> -> memref<64xi32, #tpu.memory_space<vmem>>
    %dma_start3A_139 = arith.constant 0 : i32
    %dma_start3A_140 = arith.constant 0 : i32
    %dma_start3A_141 = tpu.memref_slice %arg2[%dma_start3A_139, %dma_start3A_140] : memref<10000x128xf32, #tpu.memory_space<hbm>> -> memref<10000x128xf32, #tpu.memory_space<hbm>>
    tpu.enqueue_indirect_dma source(%dma_start3A_141 : memref<10000x128xf32, #tpu.memory_space<hbm>>) target(%arg11 : memref<64x128xf32, #tpu.memory_space<vmem>>) offsets(%dma_start3A_138 : memref<64xi32, #tpu.memory_space<vmem>>) semaphore(%arg18 : memref<!tpu.dma_semaphore, #tpu.memory_space<semaphore_mem>>)
    %add3A_142 = arith.constant 0 : i32
    %add3A_143 = arith.addi %mul3A_16, %add3A_142 : i32
    %dma_wait3A_144 = arith.constant 0 : i32
    %dma_wait3A_145 = tpu.memref_slice %arg13[%add3A_143, %dma_wait3A_144] : memref<10112x128xf32, #tpu.memory_space<vmem_shared>> -> memref<64x128xf32, #tpu.memory_space<vmem_shared>>
    %dma_wait3A_146 = arith.constant 0 : i32
    %dma_wait3A_147 = tpu.memref_slice %arg13[%add3A_143, %dma_wait3A_146] : memref<10112x128xf32, #tpu.memory_space<vmem_shared>> -> memref<64x128xf32, #tpu.memory_space<vmem_shared>>
    tpu.wait_dma2 semaphore(%arg20 : memref<!tpu.dma_semaphore, #tpu.memory_space<semaphore_mem>>) src(%arg12 : memref<64x128xf32, #tpu.memory_space<vmem>>) dst(%dma_wait3A_147 : memref<64x128xf32, #tpu.memory_space<vmem_shared>>)
    %add3A_148 = arith.constant 64 : i32
    %add3A_149 = arith.addi %mul3A_16, %add3A_148 : i32
    %dma_wait3A_150 = arith.constant 0 : i32
    %dma_wait3A_151 = tpu.memref_slice %arg13[%add3A_149, %dma_wait3A_150] : memref<10112x128xf32, #tpu.memory_space<vmem_shared>> -> memref<64x128xf32, #tpu.memory_space<vmem_shared>>
    %dma_wait3A_152 = arith.constant 0 : i32
    %dma_wait3A_153 = tpu.memref_slice %arg13[%add3A_149, %dma_wait3A_152] : memref<10112x128xf32, #tpu.memory_space<vmem_shared>> -> memref<64x128xf32, #tpu.memory_space<vmem_shared>>
    tpu.wait_dma2 semaphore(%arg20 : memref<!tpu.dma_semaphore, #tpu.memory_space<semaphore_mem>>) src(%arg12 : memref<64x128xf32, #tpu.memory_space<vmem>>) dst(%dma_wait3A_153 : memref<64x128xf32, #tpu.memory_space<vmem_shared>>)
    %add3A_154 = arith.constant 128 : i32
    %add3A_155 = arith.addi %mul3A_16, %add3A_154 : i32
    %dma_wait3A_156 = arith.constant 0 : i32
    %dma_wait3A_157 = tpu.memref_slice %arg13[%add3A_155, %dma_wait3A_156] : memref<10112x128xf32, #tpu.memory_space<vmem_shared>> -> memref<64x128xf32, #tpu.memory_space<vmem_shared>>
    %dma_wait3A_158 = arith.constant 0 : i32
    %dma_wait3A_159 = tpu.memref_slice %arg13[%add3A_155, %dma_wait3A_158] : memref<10112x128xf32, #tpu.memory_space<vmem_shared>> -> memref<64x128xf32, #tpu.memory_space<vmem_shared>>
    tpu.wait_dma2 semaphore(%arg20 : memref<!tpu.dma_semaphore, #tpu.memory_space<semaphore_mem>>) src(%arg12 : memref<64x128xf32, #tpu.memory_space<vmem>>) dst(%dma_wait3A_159 : memref<64x128xf32, #tpu.memory_space<vmem_shared>>)
    %add3A_160 = arith.constant 192 : i32
    %add3A_161 = arith.addi %mul3A_16, %add3A_160 : i32
    %dma_wait3A_162 = arith.constant 0 : i32
    %dma_wait3A_163 = tpu.memref_slice %arg13[%add3A_161, %dma_wait3A_162] : memref<10112x128xf32, #tpu.memory_space<vmem_shared>> -> memref<64x128xf32, #tpu.memory_space<vmem_shared>>
    %dma_wait3A_164 = arith.constant 0 : i32
    %dma_wait3A_165 = tpu.memref_slice %arg13[%add3A_161, %dma_wait3A_164] : memref<10112x128xf32, #tpu.memory_space<vmem_shared>> -> memref<64x128xf32, #tpu.memory_space<vmem_shared>>
    tpu.wait_dma2 semaphore(%arg20 : memref<!tpu.dma_semaphore, #tpu.memory_space<semaphore_mem>>) src(%arg12 : memref<64x128xf32, #tpu.memory_space<vmem>>) dst(%dma_wait3A_165 : memref<64x128xf32, #tpu.memory_space<vmem_shared>>)
    %add3A_166 = arith.constant 256 : i32
    %add3A_167 = arith.addi %mul3A_16, %add3A_166 : i32
    %dma_wait3A_168 = arith.constant 0 : i32
    %dma_wait3A_169 = tpu.memref_slice %arg13[%add3A_167, %dma_wait3A_168] : memref<10112x128xf32, #tpu.memory_space<vmem_shared>> -> memref<64x128xf32, #tpu.memory_space<vmem_shared>>
    %dma_wait3A_170 = arith.constant 0 : i32
    %dma_wait3A_171 = tpu.memref_slice %arg13[%add3A_167, %dma_wait3A_170] : memref<10112x128xf32, #tpu.memory_space<vmem_shared>> -> memref<64x128xf32, #tpu.memory_space<vmem_shared>>
    tpu.wait_dma2 semaphore(%arg20 : memref<!tpu.dma_semaphore, #tpu.memory_space<semaphore_mem>>) src(%arg12 : memref<64x128xf32, #tpu.memory_space<vmem>>) dst(%dma_wait3A_171 : memref<64x128xf32, #tpu.memory_space<vmem_shared>>)
    %add3A_172 = arith.constant 320 : i32
    %add3A_173 = arith.addi %mul3A_16, %add3A_172 : i32
    %dma_wait3A_174 = arith.constant 0 : i32
    %dma_wait3A_175 = tpu.memref_slice %arg13[%add3A_173, %dma_wait3A_174] : memref<10112x128xf32, #tpu.memory_space<vmem_shared>> -> memref<64x128xf32, #tpu.memory_space<vmem_shared>>
    %dma_wait3A_176 = arith.constant 0 : i32
    %dma_wait3A_177 = tpu.memref_slice %arg13[%add3A_173, %dma_wait3A_176] : memref<10112x128xf32, #tpu.memory_space<vmem_shared>> -> memref<64x128xf32, #tpu.memory_space<vmem_shared>>
    tpu.wait_dma2 semaphore(%arg20 : memref<!tpu.dma_semaphore, #tpu.memory_space<semaphore_mem>>) src(%arg12 : memref<64x128xf32, #tpu.memory_space<vmem>>) dst(%dma_wait3A_177 : memref<64x128xf32, #tpu.memory_space<vmem_shared>>)
    %add3A_178 = arith.constant 384 : i32
    %add3A_179 = arith.addi %mul3A_16, %add3A_178 : i32
    %dma_wait3A_180 = arith.constant 0 : i32
    %dma_wait3A_181 = tpu.memref_slice %arg13[%add3A_179, %dma_wait3A_180] : memref<10112x128xf32, #tpu.memory_space<vmem_shared>> -> memref<64x128xf32, #tpu.memory_space<vmem_shared>>
    %dma_wait3A_182 = arith.constant 0 : i32
    %dma_wait3A_183 = tpu.memref_slice %arg13[%add3A_179, %dma_wait3A_182] : memref<10112x128xf32, #tpu.memory_space<vmem_shared>> -> memref<64x128xf32, #tpu.memory_space<vmem_shared>>
    tpu.wait_dma2 semaphore(%arg20 : memref<!tpu.dma_semaphore, #tpu.memory_space<semaphore_mem>>) src(%arg12 : memref<64x128xf32, #tpu.memory_space<vmem>>) dst(%dma_wait3A_183 : memref<64x128xf32, #tpu.memory_space<vmem_shared>>)
    %add3A_184 = arith.constant 448 : i32
    %add3A_185 = arith.addi %mul3A_16, %add3A_184 : i32
    %dma_wait3A_186 = arith.constant 0 : i32
    %dma_wait3A_187 = tpu.memref_slice %arg13[%add3A_185, %dma_wait3A_186] : memref<10112x128xf32, #tpu.memory_space<vmem_shared>> -> memref<64x128xf32, #tpu.memory_space<vmem_shared>>
    %dma_wait3A_188 = arith.constant 0 : i32
    %dma_wait3A_189 = tpu.memref_slice %arg13[%add3A_185, %dma_wait3A_188] : memref<10112x128xf32, #tpu.memory_space<vmem_shared>> -> memref<64x128xf32, #tpu.memory_space<vmem_shared>>
    tpu.wait_dma2 semaphore(%arg20 : memref<!tpu.dma_semaphore, #tpu.memory_space<semaphore_mem>>) src(%arg12 : memref<64x128xf32, #tpu.memory_space<vmem>>) dst(%dma_wait3A_189 : memref<64x128xf32, #tpu.memory_space<vmem_shared>>)
    %add3A_190 = arith.constant 512 : i32
    %add3A_191 = arith.addi %mul3A_16, %add3A_190 : i32
    %dma_wait3A_192 = arith.constant 0 : i32
    %dma_wait3A_193 = tpu.memref_slice %arg13[%add3A_191, %dma_wait3A_192] : memref<10112x128xf32, #tpu.memory_space<vmem_shared>> -> memref<64x128xf32, #tpu.memory_space<vmem_shared>>
    %dma_wait3A_194 = arith.constant 0 : i32
    %dma_wait3A_195 = tpu.memref_slice %arg13[%add3A_191, %dma_wait3A_194] : memref<10112x128xf32, #tpu.memory_space<vmem_shared>> -> memref<64x128xf32, #tpu.memory_space<vmem_shared>>
    tpu.wait_dma2 semaphore(%arg20 : memref<!tpu.dma_semaphore, #tpu.memory_space<semaphore_mem>>) src(%arg12 : memref<64x128xf32, #tpu.memory_space<vmem>>) dst(%dma_wait3A_195 : memref<64x128xf32, #tpu.memory_space<vmem_shared>>)
    %add3A_196 = arith.constant 632 : i32
    %add3A_197 = arith.addi %mul3A_16, %add3A_196 : i32
    %sub3A_198 = arith.constant 56 : i32
    %sub3A_199 = arith.subi %add3A_197, %sub3A_198 : i32
    %dma_wait3A_200 = arith.constant 0 : i32
    %dma_wait3A_201 = arith.constant 0 : i32
    %dma_wait3A_202 = tpu.memref_slice %arg12[%dma_wait3A_200, %dma_wait3A_201] : memref<64x128xf32, #tpu.memory_space<vmem>> -> memref<56x128xf32, #tpu.memory_space<vmem>>
    %dma_wait3A_203 = arith.constant 0 : i32
    %dma_wait3A_204 = tpu.memref_slice %arg13[%sub3A_199, %dma_wait3A_203] : memref<10112x128xf32, #tpu.memory_space<vmem_shared>> -> memref<56x128xf32, #tpu.memory_space<vmem_shared>>
    %dma_wait3A_205 = arith.constant 0 : i32
    %dma_wait3A_206 = tpu.memref_slice %arg13[%sub3A_199, %dma_wait3A_205] : memref<10112x128xf32, #tpu.memory_space<vmem_shared>> -> memref<56x128xf32, #tpu.memory_space<vmem_shared>>
    %dma_wait3A_207 = arith.constant 0 : i32
    %dma_wait3A_208 = arith.constant 0 : i32
    %dma_wait3A_209 = tpu.memref_slice %arg12[%dma_wait3A_207, %dma_wait3A_208] : memref<64x128xf32, #tpu.memory_space<vmem>> -> memref<56x128xf32, #tpu.memory_space<vmem>>
    tpu.wait_dma2 semaphore(%arg20 : memref<!tpu.dma_semaphore, #tpu.memory_space<semaphore_mem>>) src(%dma_wait3A_209 : memref<56x128xf32, #tpu.memory_space<vmem>>) dst(%dma_wait3A_206 : memref<56x128xf32, #tpu.memory_space<vmem_shared>>)
    %dma_start3A_210 = arith.constant 0 : i32
    %dma_start3A_211 = arith.constant 3 : i32
    %dma_start3A_212 = arith.constant 0 : i32
    %dma_start3A_213 = tpu.memref_slice %arg7[%dma_start3A_210, %dma_start3A_211, %dma_start3A_212] : memref<2x8x64xi32, #tpu.memory_space<vmem>> -> memref<1x1x64xi32, #tpu.memory_space<vmem>>
    %dma_start3A_214 = tpu.memref_squeeze %dma_start3A_213 : memref<1x1x64xi32, #tpu.memory_space<vmem>> -> memref<64xi32, #tpu.memory_space<vmem>>
    %dma_start3A_215 = arith.constant 0 : i32
    %dma_start3A_216 = arith.constant 0 : i32
    %dma_start3A_217 = tpu.memref_slice %arg2[%dma_start3A_215, %dma_start3A_216] : memref<10000x128xf32, #tpu.memory_space<hbm>> -> memref<10000x128xf32, #tpu.memory_space<hbm>>
    tpu.enqueue_indirect_dma source(%dma_start3A_217 : memref<10000x128xf32, #tpu.memory_space<hbm>>) target(%arg12 : memref<64x128xf32, #tpu.memory_space<vmem>>) offsets(%dma_start3A_214 : memref<64xi32, #tpu.memory_space<vmem>>) semaphore(%arg19 : memref<!tpu.dma_semaphore, #tpu.memory_space<semaphore_mem>>)
    %barrier3A = arith.constant 0 : index
    tpu.barrier barrier_id(%barrier3A)
    %scan3A_218 = arith.constant 0 : i32
    %scan3A_219 = arith.constant 10 : i32
    %scan3A_220 = arith.addi %scan3A_218, %scan3A_219 : i32
    %scan3A_221 = arith.constant 1 : i32
    scf.for %scan3A_226 = %scan3A_218 to %scan3A_220 step %scan3A_221  : i32 {
      %mul3A_227 = arith.constant 2 : i32
      %mul3A_228 = arith.muli %scan3A_226, %mul3A_227 : i32
      %add3A_229 = arith.constant 0 : i32
      %add3A_230 = arith.addi %add3A_229, %mul3A_228 : i32
      %add3A_231 = arith.constant 0 : i32
      %add3A_232 = arith.addi %add3A_230, %add3A_231 : i32
      %add3A_233 = arith.constant 1 : i32
      %add3A_234 = arith.addi %add3A_232, %add3A_233 : i32
      %lt3A_235 = arith.constant 20 : i32
      %lt3A_236 = arith.cmpi slt, %add3A_234, %lt3A_235 : i32
      %convert_element_type3A_237 = arith.extui %lt3A_236 : i1 to i32
      %cond3A_238 = arith.constant 0 : i32
      %cond3A_239 = arith.cmpi ne, %convert_element_type3A_237, %cond3A_238 : i32
      scf.if %cond3A_239 {
        %add3A_542 = arith.constant 1 : i32
        %add3A_543 = arith.addi %add3A_232, %add3A_542 : i32
        %mul3A_544 = arith.constant 8 : i32
        %mul3A_545 = arith.muli %add3A_543, %mul3A_544 : i32
        %add3A_546 = arith.addi %mul3A_2, %mul3A_545 : i32
        %lt3A_547 = arith.constant 5000 : i32
        %lt3A_548 = arith.cmpi slt, %add3A_546, %lt3A_547 : i32
        %convert_element_type3A_549 = arith.extui %lt3A_548 : i1 to i32
        %cond3A_550 = arith.constant 0 : i32
        %cond3A_551 = arith.cmpi ne, %convert_element_type3A_549, %cond3A_550 : i32
        scf.if %cond3A_551 {
          %multiple_of3A = tpu.assume_multiple %add3A_546, 8 : i32
          %dma_start3A_557 = arith.constant 0 : i32
          %dma_start3A_558 = arith.constant 1 : i32
          %dma_start3A_559 = arith.constant 0 : i32
          %dma_start3A_560 = arith.constant 0 : i32
          %dma_start3A_561 = tpu.memref_slice %arg7[%dma_start3A_558, %dma_start3A_559, %dma_start3A_560] : memref<2x8x64xi32, #tpu.memory_space<vmem>> -> memref<1x8x64xi32, #tpu.memory_space<vmem>>
          %dma_start3A_562 = tpu.memref_squeeze %dma_start3A_561 : memref<1x8x64xi32, #tpu.memory_space<vmem>> -> memref<8x64xi32, #tpu.memory_space<vmem>>
          %dma_start3A_563 = arith.constant 0 : i32
          %dma_start3A_564 = tpu.memref_slice %arg3[%dma_start3A_557, %multiple_of3A, %dma_start3A_563] : memref<2x5000x64xi32, #tpu.memory_space<hbm>> -> memref<1x8x64xi32, #tpu.memory_space<hbm>>
          %dma_start3A_565 = tpu.memref_squeeze %dma_start3A_564 : memref<1x8x64xi32, #tpu.memory_space<hbm>> -> memref<8x64xi32, #tpu.memory_space<hbm>>
          %dma_start3A_566 = arith.constant 0 : i32
          %dma_start3A_567 = arith.constant 0 : i32
          %dma_start3A_568 = tpu.memref_slice %arg7[%dma_start3A_558, %dma_start3A_566, %dma_start3A_567] : memref<2x8x64xi32, #tpu.memory_space<vmem>> -> memref<1x8x64xi32, #tpu.memory_space<vmem>>
          %dma_start3A_569 = tpu.memref_squeeze %dma_start3A_568 : memref<1x8x64xi32, #tpu.memory_space<vmem>> -> memref<8x64xi32, #tpu.memory_space<vmem>>
          %dma_start3A_570 = arith.constant 0 : i32
          %dma_start3A_571 = tpu.memref_slice %arg3[%dma_start3A_557, %multiple_of3A, %dma_start3A_570] : memref<2x5000x64xi32, #tpu.memory_space<hbm>> -> memref<1x8x64xi32, #tpu.memory_space<hbm>>
          %dma_start3A_572 = tpu.memref_squeeze %dma_start3A_571 : memref<1x8x64xi32, #tpu.memory_space<hbm>> -> memref<8x64xi32, #tpu.memory_space<hbm>>
          tpu.enqueue_dma source(%dma_start3A_572 : memref<8x64xi32, #tpu.memory_space<hbm>>) target(%dma_start3A_569 : memref<8x64xi32, #tpu.memory_space<vmem>>) target_semaphore(%arg15 : memref<!tpu.dma_semaphore, #tpu.memory_space<semaphore_mem>>)
          %dma_start3A_573 = arith.constant 1 : i32
          %dma_start3A_574 = arith.constant 1 : i32
          %dma_start3A_575 = arith.constant 0 : i32
          %dma_start3A_576 = arith.constant 0 : i32
          %dma_start3A_577 = tpu.memref_slice %arg8[%dma_start3A_574, %dma_start3A_575, %dma_start3A_576] : memref<2x8x64xi32, #tpu.memory_space<vmem>> -> memref<1x8x64xi32, #tpu.memory_space<vmem>>
          %dma_start3A_578 = tpu.memref_squeeze %dma_start3A_577 : memref<1x8x64xi32, #tpu.memory_space<vmem>> -> memref<8x64xi32, #tpu.memory_space<vmem>>
          %dma_start3A_579 = arith.constant 0 : i32
          %dma_start3A_580 = tpu.memref_slice %arg3[%dma_start3A_573, %multiple_of3A, %dma_start3A_579] : memref<2x5000x64xi32, #tpu.memory_space<hbm>> -> memref<1x8x64xi32, #tpu.memory_space<hbm>>
          %dma_start3A_581 = tpu.memref_squeeze %dma_start3A_580 : memref<1x8x64xi32, #tpu.memory_space<hbm>> -> memref<8x64xi32, #tpu.memory_space<hbm>>
          %dma_start3A_582 = arith.constant 0 : i32
          %dma_start3A_583 = arith.constant 0 : i32
          %dma_start3A_584 = tpu.memref_slice %arg8[%dma_start3A_574, %dma_start3A_582, %dma_start3A_583] : memref<2x8x64xi32, #tpu.memory_space<vmem>> -> memref<1x8x64xi32, #tpu.memory_space<vmem>>
          %dma_start3A_585 = tpu.memref_squeeze %dma_start3A_584 : memref<1x8x64xi32, #tpu.memory_space<vmem>> -> memref<8x64xi32, #tpu.memory_space<vmem>>
          %dma_start3A_586 = arith.constant 0 : i32
          %dma_start3A_587 = tpu.memref_slice %arg3[%dma_start3A_573, %multiple_of3A, %dma_start3A_586] : memref<2x5000x64xi32, #tpu.memory_space<hbm>> -> memref<1x8x64xi32, #tpu.memory_space<hbm>>
          %dma_start3A_588 = tpu.memref_squeeze %dma_start3A_587 : memref<1x8x64xi32, #tpu.memory_space<hbm>> -> memref<8x64xi32, #tpu.memory_space<hbm>>
          tpu.enqueue_dma source(%dma_start3A_588 : memref<8x64xi32, #tpu.memory_space<hbm>>) target(%dma_start3A_585 : memref<8x64xi32, #tpu.memory_space<vmem>>) target_semaphore(%arg15 : memref<!tpu.dma_semaphore, #tpu.memory_space<semaphore_mem>>)
        } else {
        }
        %ge3A_552 = arith.constant 5000 : i32
        %ge3A_553 = arith.cmpi sge, %add3A_546, %ge3A_552 : i32
        %convert_element_type3A_554 = arith.extui %ge3A_553 : i1 to i32
        %cond3A_555 = arith.constant 0 : i32
        %cond3A_556 = arith.cmpi ne, %convert_element_type3A_554, %cond3A_555 : i32
        scf.if %cond3A_556 {
          %sub3A_557 = arith.constant 5000 : i32
          %sub3A_558 = arith.subi %add3A_546, %sub3A_557 : i32
          %multiple_of3A = tpu.assume_multiple %sub3A_558, 8 : i32
          %dma_start3A_559 = arith.constant 1 : i32
          %dma_start3A_560 = arith.constant 0 : i32
          %dma_start3A_561 = arith.constant 0 : i32
          %dma_start3A_562 = tpu.memref_slice %arg7[%dma_start3A_559, %dma_start3A_560, %dma_start3A_561] : memref<2x8x64xi32, #tpu.memory_space<vmem>> -> memref<1x8x64xi32, #tpu.memory_space<vmem>>
          %dma_start3A_563 = tpu.memref_squeeze %dma_start3A_562 : memref<1x8x64xi32, #tpu.memory_space<vmem>> -> memref<8x64xi32, #tpu.memory_space<vmem>>
          %dma_start3A_564 = arith.constant 0 : i32
          %dma_start3A_565 = tpu.memref_slice %arg4[%multiple_of3A, %dma_start3A_564] : memref<120x64xi32, #tpu.memory_space<hbm>> -> memref<8x64xi32, #tpu.memory_space<hbm>>
          %dma_start3A_566 = arith.constant 0 : i32
          %dma_start3A_567 = arith.constant 0 : i32
          %dma_start3A_568 = tpu.memref_slice %arg7[%dma_start3A_559, %dma_start3A_566, %dma_start3A_567] : memref<2x8x64xi32, #tpu.memory_space<vmem>> -> memref<1x8x64xi32, #tpu.memory_space<vmem>>
          %dma_start3A_569 = tpu.memref_squeeze %dma_start3A_568 : memref<1x8x64xi32, #tpu.memory_space<vmem>> -> memref<8x64xi32, #tpu.memory_space<vmem>>
          %dma_start3A_570 = arith.constant 0 : i32
          %dma_start3A_571 = tpu.memref_slice %arg4[%multiple_of3A, %dma_start3A_570] : memref<120x64xi32, #tpu.memory_space<hbm>> -> memref<8x64xi32, #tpu.memory_space<hbm>>
          tpu.enqueue_dma source(%dma_start3A_571 : memref<8x64xi32, #tpu.memory_space<hbm>>) target(%dma_start3A_569 : memref<8x64xi32, #tpu.memory_space<vmem>>) target_semaphore(%arg15 : memref<!tpu.dma_semaphore, #tpu.memory_space<semaphore_mem>>)
          %dma_start3A_572 = arith.constant 1 : i32
          %dma_start3A_573 = arith.constant 0 : i32
          %dma_start3A_574 = arith.constant 0 : i32
          %dma_start3A_575 = tpu.memref_slice %arg8[%dma_start3A_572, %dma_start3A_573, %dma_start3A_574] : memref<2x8x64xi32, #tpu.memory_space<vmem>> -> memref<1x8x64xi32, #tpu.memory_space<vmem>>
          %dma_start3A_576 = tpu.memref_squeeze %dma_start3A_575 : memref<1x8x64xi32, #tpu.memory_space<vmem>> -> memref<8x64xi32, #tpu.memory_space<vmem>>
          %dma_start3A_577 = arith.constant 0 : i32
          %dma_start3A_578 = tpu.memref_slice %arg5[%multiple_of3A, %dma_start3A_577] : memref<120x64xi32, #tpu.memory_space<hbm>> -> memref<8x64xi32, #tpu.memory_space<hbm>>
          %dma_start3A_579 = arith.constant 0 : i32
          %dma_start3A_580 = arith.constant 0 : i32
          %dma_start3A_581 = tpu.memref_slice %arg8[%dma_start3A_572, %dma_start3A_579, %dma_start3A_580] : memref<2x8x64xi32, #tpu.memory_space<vmem>> -> memref<1x8x64xi32, #tpu.memory_space<vmem>>
          %dma_start3A_582 = tpu.memref_squeeze %dma_start3A_581 : memref<1x8x64xi32, #tpu.memory_space<vmem>> -> memref<8x64xi32, #tpu.memory_space<vmem>>
          %dma_start3A_583 = arith.constant 0 : i32
          %dma_start3A_584 = tpu.memref_slice %arg5[%multiple_of3A, %dma_start3A_583] : memref<120x64xi32, #tpu.memory_space<hbm>> -> memref<8x64xi32, #tpu.memory_space<hbm>>
          tpu.enqueue_dma source(%dma_start3A_584 : memref<8x64xi32, #tpu.memory_space<hbm>>) target(%dma_start3A_582 : memref<8x64xi32, #tpu.memory_space<vmem>>) target_semaphore(%arg15 : memref<!tpu.dma_semaphore, #tpu.memory_space<semaphore_mem>>)
        } else {
        }
      } else {
      }
      %dma_wait3A_240 = arith.constant 0 : i32
      %dma_wait3A_241 = arith.constant 0 : i32
      %dma_wait3A_242 = arith.constant 0 : i32
      %dma_wait3A_243 = tpu.memref_slice %arg7[%dma_wait3A_240, %dma_wait3A_241, %dma_wait3A_242] : memref<2x8x64xi32, #tpu.memory_space<vmem>> -> memref<1x1x64xi32, #tpu.memory_space<vmem>>
      %dma_wait3A_244 = tpu.memref_squeeze %dma_wait3A_243 : memref<1x1x64xi32, #tpu.memory_space<vmem>> -> memref<64xi32, #tpu.memory_space<vmem>>
      %dma_wait3A_245 = arith.constant 0 : i32
      %dma_wait3A_246 = arith.constant 0 : i32
      %dma_wait3A_247 = tpu.memref_slice %arg2[%dma_wait3A_245, %dma_wait3A_246] : memref<10000x128xf32, #tpu.memory_space<hbm>> -> memref<10000x128xf32, #tpu.memory_space<hbm>>
      tpu.wait_indirect_dma semaphore(%arg16 : memref<!tpu.dma_semaphore, #tpu.memory_space<semaphore_mem>>) src(%dma_wait3A_247 : memref<10000x128xf32, #tpu.memory_space<hbm>>) dst(%arg9 : memref<64x128xf32, #tpu.memory_space<vmem>>)
      %run_scoped3A = arith.constant 0 : i32
      %run_scoped3A_248 = arith.constant 0 : i32
      "tpu.region"() ({
        %run_scoped3A_542 = tpu.sem_alloc : memref<!tpu.dma_semaphore, #tpu.memory_space<semaphore_mem>>
        %dma_start3A_543 = arith.constant 0 : i32
        %dma_start3A_544 = tpu.memref_slice %arg8[%run_scoped3A, %run_scoped3A_248, %dma_start3A_543] : memref<2x8x64xi32, #tpu.memory_space<vmem>> -> memref<1x1x64xi32, #tpu.memory_space<vmem>>
        %dma_start3A_545 = tpu.memref_squeeze %dma_start3A_544 : memref<1x1x64xi32, #tpu.memory_space<vmem>> -> memref<64xi32, #tpu.memory_space<vmem>>
        %dma_start3A_546 = arith.constant 0 : i32
        %dma_start3A_547 = arith.constant 0 : i32
        %dma_start3A_548 = tpu.memref_slice %arg13[%dma_start3A_546, %dma_start3A_547] : memref<10112x128xf32, #tpu.memory_space<vmem_shared>> -> memref<10112x128xf32, #tpu.memory_space<vmem_shared>>
        tpu.enqueue_indirect_dma source(%arg9 : memref<64x128xf32, #tpu.memory_space<vmem>>) target(%dma_start3A_548 : memref<10112x128xf32, #tpu.memory_space<vmem_shared>>) offsets(%dma_start3A_545 : memref<64xi32, #tpu.memory_space<vmem>>) semaphore(%run_scoped3A_542 : memref<!tpu.dma_semaphore, #tpu.memory_space<semaphore_mem>>) {add = true}
        %dma_wait3A_549 = arith.constant 0 : i32
        %dma_wait3A_550 = tpu.memref_slice %arg8[%run_scoped3A, %run_scoped3A_248, %dma_wait3A_549] : memref<2x8x64xi32, #tpu.memory_space<vmem>> -> memref<1x1x64xi32, #tpu.memory_space<vmem>>
        %dma_wait3A_551 = tpu.memref_squeeze %dma_wait3A_550 : memref<1x1x64xi32, #tpu.memory_space<vmem>> -> memref<64xi32, #tpu.memory_space<vmem>>
        %dma_wait3A_552 = arith.constant 0 : i32
        %dma_wait3A_553 = arith.constant 0 : i32
        %dma_wait3A_554 = tpu.memref_slice %arg13[%dma_wait3A_552, %dma_wait3A_553] : memref<10112x128xf32, #tpu.memory_space<vmem_shared>> -> memref<10112x128xf32, #tpu.memory_space<vmem_shared>>
        tpu.wait_indirect_dma semaphore(%run_scoped3A_542 : memref<!tpu.dma_semaphore, #tpu.memory_space<semaphore_mem>>) src(%arg9 : memref<64x128xf32, #tpu.memory_space<vmem>>) dst(%dma_wait3A_554 : memref<10112x128xf32, #tpu.memory_space<vmem_shared>>)
        tpu.yield
      }) : () -> ()
      %dma_start3A_249 = arith.constant 0 : i32
      %dma_start3A_250 = arith.constant 4 : i32
      %dma_start3A_251 = arith.constant 0 : i32
      %dma_start3A_252 = tpu.memref_slice %arg7[%dma_start3A_249, %dma_start3A_250, %dma_start3A_251] : memref<2x8x64xi32, #tpu.memory_space<vmem>> -> memref<1x1x64xi32, #tpu.memory_space<vmem>>
      %dma_start3A_253 = tpu.memref_squeeze %dma_start3A_252 : memref<1x1x64xi32, #tpu.memory_space<vmem>> -> memref<64xi32, #tpu.memory_space<vmem>>
      %dma_start3A_254 = arith.constant 0 : i32
      %dma_start3A_255 = arith.constant 0 : i32
      %dma_start3A_256 = tpu.memref_slice %arg2[%dma_start3A_254, %dma_start3A_255] : memref<10000x128xf32, #tpu.memory_space<hbm>> -> memref<10000x128xf32, #tpu.memory_space<hbm>>
      tpu.enqueue_indirect_dma source(%dma_start3A_256 : memref<10000x128xf32, #tpu.memory_space<hbm>>) target(%arg9 : memref<64x128xf32, #tpu.memory_space<vmem>>) offsets(%dma_start3A_253 : memref<64xi32, #tpu.memory_space<vmem>>) semaphore(%arg16 : memref<!tpu.dma_semaphore, #tpu.memory_space<semaphore_mem>>)
      %dma_wait3A_257 = arith.constant 0 : i32
      %dma_wait3A_258 = arith.constant 1 : i32
      %dma_wait3A_259 = arith.constant 0 : i32
      %dma_wait3A_260 = tpu.memref_slice %arg7[%dma_wait3A_257, %dma_wait3A_258, %dma_wait3A_259] : memref<2x8x64xi32, #tpu.memory_space<vmem>> -> memref<1x1x64xi32, #tpu.memory_space<vmem>>
      %dma_wait3A_261 = tpu.memref_squeeze %dma_wait3A_260 : memref<1x1x64xi32, #tpu.memory_space<vmem>> -> memref<64xi32, #tpu.memory_space<vmem>>
      %dma_wait3A_262 = arith.constant 0 : i32
      %dma_wait3A_263 = arith.constant 0 : i32
      %dma_wait3A_264 = tpu.memref_slice %arg2[%dma_wait3A_262, %dma_wait3A_263] : memref<10000x128xf32, #tpu.memory_space<hbm>> -> memref<10000x128xf32, #tpu.memory_space<hbm>>
      tpu.wait_indirect_dma semaphore(%arg17 : memref<!tpu.dma_semaphore, #tpu.memory_space<semaphore_mem>>) src(%dma_wait3A_264 : memref<10000x128xf32, #tpu.memory_space<hbm>>) dst(%arg10 : memref<64x128xf32, #tpu.memory_space<vmem>>)
      %run_scoped3A_265 = arith.constant 0 : i32
      %run_scoped3A_266 = arith.constant 1 : i32
      "tpu.region"() ({
        %run_scoped3A_542 = tpu.sem_alloc : memref<!tpu.dma_semaphore, #tpu.memory_space<semaphore_mem>>
        %dma_start3A_543 = arith.constant 0 : i32
        %dma_start3A_544 = tpu.memref_slice %arg8[%run_scoped3A_265, %run_scoped3A_266, %dma_start3A_543] : memref<2x8x64xi32, #tpu.memory_space<vmem>> -> memref<1x1x64xi32, #tpu.memory_space<vmem>>
        %dma_start3A_545 = tpu.memref_squeeze %dma_start3A_544 : memref<1x1x64xi32, #tpu.memory_space<vmem>> -> memref<64xi32, #tpu.memory_space<vmem>>
        %dma_start3A_546 = arith.constant 0 : i32
        %dma_start3A_547 = arith.constant 0 : i32
        %dma_start3A_548 = tpu.memref_slice %arg13[%dma_start3A_546, %dma_start3A_547] : memref<10112x128xf32, #tpu.memory_space<vmem_shared>> -> memref<10112x128xf32, #tpu.memory_space<vmem_shared>>
        tpu.enqueue_indirect_dma source(%arg10 : memref<64x128xf32, #tpu.memory_space<vmem>>) target(%dma_start3A_548 : memref<10112x128xf32, #tpu.memory_space<vmem_shared>>) offsets(%dma_start3A_545 : memref<64xi32, #tpu.memory_space<vmem>>) semaphore(%run_scoped3A_542 : memref<!tpu.dma_semaphore, #tpu.memory_space<semaphore_mem>>) {add = true}
        %dma_wait3A_549 = arith.constant 0 : i32
        %dma_wait3A_550 = tpu.memref_slice %arg8[%run_scoped3A_265, %run_scoped3A_266, %dma_wait3A_549] : memref<2x8x64xi32, #tpu.memory_space<vmem>> -> memref<1x1x64xi32, #tpu.memory_space<vmem>>
        %dma_wait3A_551 = tpu.memref_squeeze %dma_wait3A_550 : memref<1x1x64xi32, #tpu.memory_space<vmem>> -> memref<64xi32, #tpu.memory_space<vmem>>
        %dma_wait3A_552 = arith.constant 0 : i32
        %dma_wait3A_553 = arith.constant 0 : i32
        %dma_wait3A_554 = tpu.memref_slice %arg13[%dma_wait3A_552, %dma_wait3A_553] : memref<10112x128xf32, #tpu.memory_space<vmem_shared>> -> memref<10112x128xf32, #tpu.memory_space<vmem_shared>>
        tpu.wait_indirect_dma semaphore(%run_scoped3A_542 : memref<!tpu.dma_semaphore, #tpu.memory_space<semaphore_mem>>) src(%arg10 : memref<64x128xf32, #tpu.memory_space<vmem>>) dst(%dma_wait3A_554 : memref<10112x128xf32, #tpu.memory_space<vmem_shared>>)
        tpu.yield
      }) : () -> ()
      %dma_start3A_267 = arith.constant 0 : i32
      %dma_start3A_268 = arith.constant 5 : i32
      %dma_start3A_269 = arith.constant 0 : i32
      %dma_start3A_270 = tpu.memref_slice %arg7[%dma_start3A_267, %dma_start3A_268, %dma_start3A_269] : memref<2x8x64xi32, #tpu.memory_space<vmem>> -> memref<1x1x64xi32, #tpu.memory_space<vmem>>
      %dma_start3A_271 = tpu.memref_squeeze %dma_start3A_270 : memref<1x1x64xi32, #tpu.memory_space<vmem>> -> memref<64xi32, #tpu.memory_space<vmem>>
      %dma_start3A_272 = arith.constant 0 : i32
      %dma_start3A_273 = arith.constant 0 : i32
      %dma_start3A_274 = tpu.memref_slice %arg2[%dma_start3A_272, %dma_start3A_273] : memref<10000x128xf32, #tpu.memory_space<hbm>> -> memref<10000x128xf32, #tpu.memory_space<hbm>>
      tpu.enqueue_indirect_dma source(%dma_start3A_274 : memref<10000x128xf32, #tpu.memory_space<hbm>>) target(%arg10 : memref<64x128xf32, #tpu.memory_space<vmem>>) offsets(%dma_start3A_271 : memref<64xi32, #tpu.memory_space<vmem>>) semaphore(%arg17 : memref<!tpu.dma_semaphore, #tpu.memory_space<semaphore_mem>>)
      %dma_wait3A_275 = arith.constant 0 : i32
      %dma_wait3A_276 = arith.constant 2 : i32
      %dma_wait3A_277 = arith.constant 0 : i32
      %dma_wait3A_278 = tpu.memref_slice %arg7[%dma_wait3A_275, %dma_wait3A_276, %dma_wait3A_277] : memref<2x8x64xi32, #tpu.memory_space<vmem>> -> memref<1x1x64xi32, #tpu.memory_space<vmem>>
      %dma_wait3A_279 = tpu.memref_squeeze %dma_wait3A_278 : memref<1x1x64xi32, #tpu.memory_space<vmem>> -> memref<64xi32, #tpu.memory_space<vmem>>
      %dma_wait3A_280 = arith.constant 0 : i32
      %dma_wait3A_281 = arith.constant 0 : i32
      %dma_wait3A_282 = tpu.memref_slice %arg2[%dma_wait3A_280, %dma_wait3A_281] : memref<10000x128xf32, #tpu.memory_space<hbm>> -> memref<10000x128xf32, #tpu.memory_space<hbm>>
      tpu.wait_indirect_dma semaphore(%arg18 : memref<!tpu.dma_semaphore, #tpu.memory_space<semaphore_mem>>) src(%dma_wait3A_282 : memref<10000x128xf32, #tpu.memory_space<hbm>>) dst(%arg11 : memref<64x128xf32, #tpu.memory_space<vmem>>)
      %run_scoped3A_283 = arith.constant 0 : i32
      %run_scoped3A_284 = arith.constant 2 : i32
      "tpu.region"() ({
        %run_scoped3A_542 = tpu.sem_alloc : memref<!tpu.dma_semaphore, #tpu.memory_space<semaphore_mem>>
        %dma_start3A_543 = arith.constant 0 : i32
        %dma_start3A_544 = tpu.memref_slice %arg8[%run_scoped3A_283, %run_scoped3A_284, %dma_start3A_543] : memref<2x8x64xi32, #tpu.memory_space<vmem>> -> memref<1x1x64xi32, #tpu.memory_space<vmem>>
        %dma_start3A_545 = tpu.memref_squeeze %dma_start3A_544 : memref<1x1x64xi32, #tpu.memory_space<vmem>> -> memref<64xi32, #tpu.memory_space<vmem>>
        %dma_start3A_546 = arith.constant 0 : i32
        %dma_start3A_547 = arith.constant 0 : i32
        %dma_start3A_548 = tpu.memref_slice %arg13[%dma_start3A_546, %dma_start3A_547] : memref<10112x128xf32, #tpu.memory_space<vmem_shared>> -> memref<10112x128xf32, #tpu.memory_space<vmem_shared>>
        tpu.enqueue_indirect_dma source(%arg11 : memref<64x128xf32, #tpu.memory_space<vmem>>) target(%dma_start3A_548 : memref<10112x128xf32, #tpu.memory_space<vmem_shared>>) offsets(%dma_start3A_545 : memref<64xi32, #tpu.memory_space<vmem>>) semaphore(%run_scoped3A_542 : memref<!tpu.dma_semaphore, #tpu.memory_space<semaphore_mem>>) {add = true}
        %dma_wait3A_549 = arith.constant 0 : i32
        %dma_wait3A_550 = tpu.memref_slice %arg8[%run_scoped3A_283, %run_scoped3A_284, %dma_wait3A_549] : memref<2x8x64xi32, #tpu.memory_space<vmem>> -> memref<1x1x64xi32, #tpu.memory_space<vmem>>
        %dma_wait3A_551 = tpu.memref_squeeze %dma_wait3A_550 : memref<1x1x64xi32, #tpu.memory_space<vmem>> -> memref<64xi32, #tpu.memory_space<vmem>>
        %dma_wait3A_552 = arith.constant 0 : i32
        %dma_wait3A_553 = arith.constant 0 : i32
        %dma_wait3A_554 = tpu.memref_slice %arg13[%dma_wait3A_552, %dma_wait3A_553] : memref<10112x128xf32, #tpu.memory_space<vmem_shared>> -> memref<10112x128xf32, #tpu.memory_space<vmem_shared>>
        tpu.wait_indirect_dma semaphore(%run_scoped3A_542 : memref<!tpu.dma_semaphore, #tpu.memory_space<semaphore_mem>>) src(%arg11 : memref<64x128xf32, #tpu.memory_space<vmem>>) dst(%dma_wait3A_554 : memref<10112x128xf32, #tpu.memory_space<vmem_shared>>)
        tpu.yield
      }) : () -> ()
      %dma_start3A_285 = arith.constant 0 : i32
      %dma_start3A_286 = arith.constant 6 : i32
      %dma_start3A_287 = arith.constant 0 : i32
      %dma_start3A_288 = tpu.memref_slice %arg7[%dma_start3A_285, %dma_start3A_286, %dma_start3A_287] : memref<2x8x64xi32, #tpu.memory_space<vmem>> -> memref<1x1x64xi32, #tpu.memory_space<vmem>>
      %dma_start3A_289 = tpu.memref_squeeze %dma_start3A_288 : memref<1x1x64xi32, #tpu.memory_space<vmem>> -> memref<64xi32, #tpu.memory_space<vmem>>
      %dma_start3A_290 = arith.constant 0 : i32
      %dma_start3A_291 = arith.constant 0 : i32
      %dma_start3A_292 = tpu.memref_slice %arg2[%dma_start3A_290, %dma_start3A_291] : memref<10000x128xf32, #tpu.memory_space<hbm>> -> memref<10000x128xf32, #tpu.memory_space<hbm>>
      tpu.enqueue_indirect_dma source(%dma_start3A_292 : memref<10000x128xf32, #tpu.memory_space<hbm>>) target(%arg11 : memref<64x128xf32, #tpu.memory_space<vmem>>) offsets(%dma_start3A_289 : memref<64xi32, #tpu.memory_space<vmem>>) semaphore(%arg18 : memref<!tpu.dma_semaphore, #tpu.memory_space<semaphore_mem>>)
      %dma_wait3A_293 = arith.constant 0 : i32
      %dma_wait3A_294 = arith.constant 3 : i32
      %dma_wait3A_295 = arith.constant 0 : i32
      %dma_wait3A_296 = tpu.memref_slice %arg7[%dma_wait3A_293, %dma_wait3A_294, %dma_wait3A_295] : memref<2x8x64xi32, #tpu.memory_space<vmem>> -> memref<1x1x64xi32, #tpu.memory_space<vmem>>
      %dma_wait3A_297 = tpu.memref_squeeze %dma_wait3A_296 : memref<1x1x64xi32, #tpu.memory_space<vmem>> -> memref<64xi32, #tpu.memory_space<vmem>>
      %dma_wait3A_298 = arith.constant 0 : i32
      %dma_wait3A_299 = arith.constant 0 : i32
      %dma_wait3A_300 = tpu.memref_slice %arg2[%dma_wait3A_298, %dma_wait3A_299] : memref<10000x128xf32, #tpu.memory_space<hbm>> -> memref<10000x128xf32, #tpu.memory_space<hbm>>
      tpu.wait_indirect_dma semaphore(%arg19 : memref<!tpu.dma_semaphore, #tpu.memory_space<semaphore_mem>>) src(%dma_wait3A_300 : memref<10000x128xf32, #tpu.memory_space<hbm>>) dst(%arg12 : memref<64x128xf32, #tpu.memory_space<vmem>>)
      %run_scoped3A_301 = arith.constant 0 : i32
      %run_scoped3A_302 = arith.constant 3 : i32
      "tpu.region"() ({
        %run_scoped3A_542 = tpu.sem_alloc : memref<!tpu.dma_semaphore, #tpu.memory_space<semaphore_mem>>
        %dma_start3A_543 = arith.constant 0 : i32
        %dma_start3A_544 = tpu.memref_slice %arg8[%run_scoped3A_301, %run_scoped3A_302, %dma_start3A_543] : memref<2x8x64xi32, #tpu.memory_space<vmem>> -> memref<1x1x64xi32, #tpu.memory_space<vmem>>
        %dma_start3A_545 = tpu.memref_squeeze %dma_start3A_544 : memref<1x1x64xi32, #tpu.memory_space<vmem>> -> memref<64xi32, #tpu.memory_space<vmem>>
        %dma_start3A_546 = arith.constant 0 : i32
        %dma_start3A_547 = arith.constant 0 : i32
        %dma_start3A_548 = tpu.memref_slice %arg13[%dma_start3A_546, %dma_start3A_547] : memref<10112x128xf32, #tpu.memory_space<vmem_shared>> -> memref<10112x128xf32, #tpu.memory_space<vmem_shared>>
        tpu.enqueue_indirect_dma source(%arg12 : memref<64x128xf32, #tpu.memory_space<vmem>>) target(%dma_start3A_548 : memref<10112x128xf32, #tpu.memory_space<vmem_shared>>) offsets(%dma_start3A_545 : memref<64xi32, #tpu.memory_space<vmem>>) semaphore(%run_scoped3A_542 : memref<!tpu.dma_semaphore, #tpu.memory_space<semaphore_mem>>) {add = true}
        %dma_wait3A_549 = arith.constant 0 : i32
        %dma_wait3A_550 = tpu.memref_slice %arg8[%run_scoped3A_301, %run_scoped3A_302, %dma_wait3A_549] : memref<2x8x64xi32, #tpu.memory_space<vmem>> -> memref<1x1x64xi32, #tpu.memory_space<vmem>>
        %dma_wait3A_551 = tpu.memref_squeeze %dma_wait3A_550 : memref<1x1x64xi32, #tpu.memory_space<vmem>> -> memref<64xi32, #tpu.memory_space<vmem>>
        %dma_wait3A_552 = arith.constant 0 : i32
        %dma_wait3A_553 = arith.constant 0 : i32
        %dma_wait3A_554 = tpu.memref_slice %arg13[%dma_wait3A_552, %dma_wait3A_553] : memref<10112x128xf32, #tpu.memory_space<vmem_shared>> -> memref<10112x128xf32, #tpu.memory_space<vmem_shared>>
        tpu.wait_indirect_dma semaphore(%run_scoped3A_542 : memref<!tpu.dma_semaphore, #tpu.memory_space<semaphore_mem>>) src(%arg12 : memref<64x128xf32, #tpu.memory_space<vmem>>) dst(%dma_wait3A_554 : memref<10112x128xf32, #tpu.memory_space<vmem_shared>>)
        tpu.yield
      }) : () -> ()
      %dma_start3A_303 = arith.constant 0 : i32
      %dma_start3A_304 = arith.constant 7 : i32
      %dma_start3A_305 = arith.constant 0 : i32
      %dma_start3A_306 = tpu.memref_slice %arg7[%dma_start3A_303, %dma_start3A_304, %dma_start3A_305] : memref<2x8x64xi32, #tpu.memory_space<vmem>> -> memref<1x1x64xi32, #tpu.memory_space<vmem>>
      %dma_start3A_307 = tpu.memref_squeeze %dma_start3A_306 : memref<1x1x64xi32, #tpu.memory_space<vmem>> -> memref<64xi32, #tpu.memory_space<vmem>>
      %dma_start3A_308 = arith.constant 0 : i32
      %dma_start3A_309 = arith.constant 0 : i32
      %dma_start3A_310 = tpu.memref_slice %arg2[%dma_start3A_308, %dma_start3A_309] : memref<10000x128xf32, #tpu.memory_space<hbm>> -> memref<10000x128xf32, #tpu.memory_space<hbm>>
      tpu.enqueue_indirect_dma source(%dma_start3A_310 : memref<10000x128xf32, #tpu.memory_space<hbm>>) target(%arg12 : memref<64x128xf32, #tpu.memory_space<vmem>>) offsets(%dma_start3A_307 : memref<64xi32, #tpu.memory_space<vmem>>) semaphore(%arg19 : memref<!tpu.dma_semaphore, #tpu.memory_space<semaphore_mem>>)
      %dma_wait3A_311 = arith.constant 0 : i32
      %dma_wait3A_312 = arith.constant 4 : i32
      %dma_wait3A_313 = arith.constant 0 : i32
      %dma_wait3A_314 = tpu.memref_slice %arg7[%dma_wait3A_311, %dma_wait3A_312, %dma_wait3A_313] : memref<2x8x64xi32, #tpu.memory_space<vmem>> -> memref<1x1x64xi32, #tpu.memory_space<vmem>>
      %dma_wait3A_315 = tpu.memref_squeeze %dma_wait3A_314 : memref<1x1x64xi32, #tpu.memory_space<vmem>> -> memref<64xi32, #tpu.memory_space<vmem>>
      %dma_wait3A_316 = arith.constant 0 : i32
      %dma_wait3A_317 = arith.constant 0 : i32
      %dma_wait3A_318 = tpu.memref_slice %arg2[%dma_wait3A_316, %dma_wait3A_317] : memref<10000x128xf32, #tpu.memory_space<hbm>> -> memref<10000x128xf32, #tpu.memory_space<hbm>>
      tpu.wait_indirect_dma semaphore(%arg16 : memref<!tpu.dma_semaphore, #tpu.memory_space<semaphore_mem>>) src(%dma_wait3A_318 : memref<10000x128xf32, #tpu.memory_space<hbm>>) dst(%arg9 : memref<64x128xf32, #tpu.memory_space<vmem>>)
      %run_scoped3A_319 = arith.constant 0 : i32
      %run_scoped3A_320 = arith.constant 4 : i32
      "tpu.region"() ({
        %run_scoped3A_542 = tpu.sem_alloc : memref<!tpu.dma_semaphore, #tpu.memory_space<semaphore_mem>>
        %dma_start3A_543 = arith.constant 0 : i32
        %dma_start3A_544 = tpu.memref_slice %arg8[%run_scoped3A_319, %run_scoped3A_320, %dma_start3A_543] : memref<2x8x64xi32, #tpu.memory_space<vmem>> -> memref<1x1x64xi32, #tpu.memory_space<vmem>>
        %dma_start3A_545 = tpu.memref_squeeze %dma_start3A_544 : memref<1x1x64xi32, #tpu.memory_space<vmem>> -> memref<64xi32, #tpu.memory_space<vmem>>
        %dma_start3A_546 = arith.constant 0 : i32
        %dma_start3A_547 = arith.constant 0 : i32
        %dma_start3A_548 = tpu.memref_slice %arg13[%dma_start3A_546, %dma_start3A_547] : memref<10112x128xf32, #tpu.memory_space<vmem_shared>> -> memref<10112x128xf32, #tpu.memory_space<vmem_shared>>
        tpu.enqueue_indirect_dma source(%arg9 : memref<64x128xf32, #tpu.memory_space<vmem>>) target(%dma_start3A_548 : memref<10112x128xf32, #tpu.memory_space<vmem_shared>>) offsets(%dma_start3A_545 : memref<64xi32, #tpu.memory_space<vmem>>) semaphore(%run_scoped3A_542 : memref<!tpu.dma_semaphore, #tpu.memory_space<semaphore_mem>>) {add = true}
        %dma_wait3A_549 = arith.constant 0 : i32
        %dma_wait3A_550 = tpu.memref_slice %arg8[%run_scoped3A_319, %run_scoped3A_320, %dma_wait3A_549] : memref<2x8x64xi32, #tpu.memory_space<vmem>> -> memref<1x1x64xi32, #tpu.memory_space<vmem>>
        %dma_wait3A_551 = tpu.memref_squeeze %dma_wait3A_550 : memref<1x1x64xi32, #tpu.memory_space<vmem>> -> memref<64xi32, #tpu.memory_space<vmem>>
        %dma_wait3A_552 = arith.constant 0 : i32
        %dma_wait3A_553 = arith.constant 0 : i32
        %dma_wait3A_554 = tpu.memref_slice %arg13[%dma_wait3A_552, %dma_wait3A_553] : memref<10112x128xf32, #tpu.memory_space<vmem_shared>> -> memref<10112x128xf32, #tpu.memory_space<vmem_shared>>
        tpu.wait_indirect_dma semaphore(%run_scoped3A_542 : memref<!tpu.dma_semaphore, #tpu.memory_space<semaphore_mem>>) src(%arg9 : memref<64x128xf32, #tpu.memory_space<vmem>>) dst(%dma_wait3A_554 : memref<10112x128xf32, #tpu.memory_space<vmem_shared>>)
        tpu.yield
      }) : () -> ()
      %add3A_321 = arith.constant 1 : i32
      %add3A_322 = arith.addi %add3A_232, %add3A_321 : i32
      %lt3A_323 = arith.constant 20 : i32
      %lt3A_324 = arith.cmpi slt, %add3A_322, %lt3A_323 : i32
      %convert_element_type3A_325 = arith.extui %lt3A_324 : i1 to i32
      %cond3A_326 = arith.constant 0 : i32
      %cond3A_327 = arith.cmpi ne, %convert_element_type3A_325, %cond3A_326 : i32
      scf.if %cond3A_327 {
        %add3A_542 = arith.constant 1 : i32
        %add3A_543 = arith.addi %add3A_232, %add3A_542 : i32
        %dma_wait3A_544 = arith.constant 0 : i32
        %dma_wait3A_545 = arith.constant 1 : i32
        %dma_wait3A_546 = arith.constant 0 : i32
        %dma_wait3A_547 = arith.constant 0 : i32
        %dma_wait3A_548 = tpu.memref_slice %arg7[%dma_wait3A_545, %dma_wait3A_546, %dma_wait3A_547] : memref<2x8x64xi32, #tpu.memory_space<vmem>> -> memref<1x8x64xi32, #tpu.memory_space<vmem>>
        %dma_wait3A_549 = tpu.memref_squeeze %dma_wait3A_548 : memref<1x8x64xi32, #tpu.memory_space<vmem>> -> memref<8x64xi32, #tpu.memory_space<vmem>>
        %dma_wait3A_550 = arith.constant 0 : i32
        %dma_wait3A_551 = arith.constant 0 : i32
        %dma_wait3A_552 = tpu.memref_slice %arg3[%dma_wait3A_544, %dma_wait3A_550, %dma_wait3A_551] : memref<2x5000x64xi32, #tpu.memory_space<hbm>> -> memref<1x8x64xi32, #tpu.memory_space<hbm>>
        %dma_wait3A_553 = tpu.memref_squeeze %dma_wait3A_552 : memref<1x8x64xi32, #tpu.memory_space<hbm>> -> memref<8x64xi32, #tpu.memory_space<hbm>>
        %dma_wait3A_554 = arith.constant 0 : i32
        %dma_wait3A_555 = arith.constant 0 : i32
        %dma_wait3A_556 = tpu.memref_slice %arg7[%dma_wait3A_545, %dma_wait3A_554, %dma_wait3A_555] : memref<2x8x64xi32, #tpu.memory_space<vmem>> -> memref<1x8x64xi32, #tpu.memory_space<vmem>>
        %dma_wait3A_557 = tpu.memref_squeeze %dma_wait3A_556 : memref<1x8x64xi32, #tpu.memory_space<vmem>> -> memref<8x64xi32, #tpu.memory_space<vmem>>
        %dma_wait3A_558 = arith.constant 0 : i32
        %dma_wait3A_559 = arith.constant 0 : i32
        %dma_wait3A_560 = tpu.memref_slice %arg3[%dma_wait3A_544, %dma_wait3A_558, %dma_wait3A_559] : memref<2x5000x64xi32, #tpu.memory_space<hbm>> -> memref<1x8x64xi32, #tpu.memory_space<hbm>>
        %dma_wait3A_561 = tpu.memref_squeeze %dma_wait3A_560 : memref<1x8x64xi32, #tpu.memory_space<hbm>> -> memref<8x64xi32, #tpu.memory_space<hbm>>
        tpu.wait_dma2 semaphore(%arg15 : memref<!tpu.dma_semaphore, #tpu.memory_space<semaphore_mem>>) src(%dma_wait3A_561 : memref<8x64xi32, #tpu.memory_space<hbm>>) dst(%dma_wait3A_557 : memref<8x64xi32, #tpu.memory_space<vmem>>)
        %dma_wait3A_562 = arith.constant 1 : i32
        %dma_wait3A_563 = arith.constant 1 : i32
        %dma_wait3A_564 = arith.constant 0 : i32
        %dma_wait3A_565 = arith.constant 0 : i32
        %dma_wait3A_566 = tpu.memref_slice %arg8[%dma_wait3A_563, %dma_wait3A_564, %dma_wait3A_565] : memref<2x8x64xi32, #tpu.memory_space<vmem>> -> memref<1x8x64xi32, #tpu.memory_space<vmem>>
        %dma_wait3A_567 = tpu.memref_squeeze %dma_wait3A_566 : memref<1x8x64xi32, #tpu.memory_space<vmem>> -> memref<8x64xi32, #tpu.memory_space<vmem>>
        %dma_wait3A_568 = arith.constant 0 : i32
        %dma_wait3A_569 = arith.constant 0 : i32
        %dma_wait3A_570 = tpu.memref_slice %arg3[%dma_wait3A_562, %dma_wait3A_568, %dma_wait3A_569] : memref<2x5000x64xi32, #tpu.memory_space<hbm>> -> memref<1x8x64xi32, #tpu.memory_space<hbm>>
        %dma_wait3A_571 = tpu.memref_squeeze %dma_wait3A_570 : memref<1x8x64xi32, #tpu.memory_space<hbm>> -> memref<8x64xi32, #tpu.memory_space<hbm>>
        %dma_wait3A_572 = arith.constant 0 : i32
        %dma_wait3A_573 = arith.constant 0 : i32
        %dma_wait3A_574 = tpu.memref_slice %arg8[%dma_wait3A_563, %dma_wait3A_572, %dma_wait3A_573] : memref<2x8x64xi32, #tpu.memory_space<vmem>> -> memref<1x8x64xi32, #tpu.memory_space<vmem>>
        %dma_wait3A_575 = tpu.memref_squeeze %dma_wait3A_574 : memref<1x8x64xi32, #tpu.memory_space<vmem>> -> memref<8x64xi32, #tpu.memory_space<vmem>>
        %dma_wait3A_576 = arith.constant 0 : i32
        %dma_wait3A_577 = arith.constant 0 : i32
        %dma_wait3A_578 = tpu.memref_slice %arg3[%dma_wait3A_562, %dma_wait3A_576, %dma_wait3A_577] : memref<2x5000x64xi32, #tpu.memory_space<hbm>> -> memref<1x8x64xi32, #tpu.memory_space<hbm>>
        %dma_wait3A_579 = tpu.memref_squeeze %dma_wait3A_578 : memref<1x8x64xi32, #tpu.memory_space<hbm>> -> memref<8x64xi32, #tpu.memory_space<hbm>>
        tpu.wait_dma2 semaphore(%arg15 : memref<!tpu.dma_semaphore, #tpu.memory_space<semaphore_mem>>) src(%dma_wait3A_579 : memref<8x64xi32, #tpu.memory_space<hbm>>) dst(%dma_wait3A_575 : memref<8x64xi32, #tpu.memory_space<vmem>>)
      } else {
      }
      %add3A_328 = arith.constant 1 : i32
      %add3A_329 = arith.addi %add3A_232, %add3A_328 : i32
      %lt3A_330 = arith.constant 20 : i32
      %lt3A_331 = arith.cmpi slt, %add3A_329, %lt3A_330 : i32
      %convert_element_type3A_332 = arith.extui %lt3A_331 : i1 to i32
      %cond3A_333 = arith.constant 0 : i32
      %cond3A_334 = arith.cmpi ne, %convert_element_type3A_332, %cond3A_333 : i32
      scf.if %cond3A_334 {
        %dma_start3A_542 = arith.constant 1 : i32
        %dma_start3A_543 = arith.constant 0 : i32
        %dma_start3A_544 = arith.constant 0 : i32
        %dma_start3A_545 = tpu.memref_slice %arg7[%dma_start3A_542, %dma_start3A_543, %dma_start3A_544] : memref<2x8x64xi32, #tpu.memory_space<vmem>> -> memref<1x1x64xi32, #tpu.memory_space<vmem>>
        %dma_start3A_546 = tpu.memref_squeeze %dma_start3A_545 : memref<1x1x64xi32, #tpu.memory_space<vmem>> -> memref<64xi32, #tpu.memory_space<vmem>>
        %dma_start3A_547 = arith.constant 0 : i32
        %dma_start3A_548 = arith.constant 0 : i32
        %dma_start3A_549 = tpu.memref_slice %arg2[%dma_start3A_547, %dma_start3A_548] : memref<10000x128xf32, #tpu.memory_space<hbm>> -> memref<10000x128xf32, #tpu.memory_space<hbm>>
        tpu.enqueue_indirect_dma source(%dma_start3A_549 : memref<10000x128xf32, #tpu.memory_space<hbm>>) target(%arg9 : memref<64x128xf32, #tpu.memory_space<vmem>>) offsets(%dma_start3A_546 : memref<64xi32, #tpu.memory_space<vmem>>) semaphore(%arg16 : memref<!tpu.dma_semaphore, #tpu.memory_space<semaphore_mem>>)
      } else {
      }
      %dma_wait3A_335 = arith.constant 0 : i32
      %dma_wait3A_336 = arith.constant 5 : i32
      %dma_wait3A_337 = arith.constant 0 : i32
      %dma_wait3A_338 = tpu.memref_slice %arg7[%dma_wait3A_335, %dma_wait3A_336, %dma_wait3A_337] : memref<2x8x64xi32, #tpu.memory_space<vmem>> -> memref<1x1x64xi32, #tpu.memory_space<vmem>>
      %dma_wait3A_339 = tpu.memref_squeeze %dma_wait3A_338 : memref<1x1x64xi32, #tpu.memory_space<vmem>> -> memref<64xi32, #tpu.memory_space<vmem>>
      %dma_wait3A_340 = arith.constant 0 : i32
      %dma_wait3A_341 = arith.constant 0 : i32
      %dma_wait3A_342 = tpu.memref_slice %arg2[%dma_wait3A_340, %dma_wait3A_341] : memref<10000x128xf32, #tpu.memory_space<hbm>> -> memref<10000x128xf32, #tpu.memory_space<hbm>>
      tpu.wait_indirect_dma semaphore(%arg17 : memref<!tpu.dma_semaphore, #tpu.memory_space<semaphore_mem>>) src(%dma_wait3A_342 : memref<10000x128xf32, #tpu.memory_space<hbm>>) dst(%arg10 : memref<64x128xf32, #tpu.memory_space<vmem>>)
      %run_scoped3A_343 = arith.constant 0 : i32
      %run_scoped3A_344 = arith.constant 5 : i32
      "tpu.region"() ({
        %run_scoped3A_542 = tpu.sem_alloc : memref<!tpu.dma_semaphore, #tpu.memory_space<semaphore_mem>>
        %dma_start3A_543 = arith.constant 0 : i32
        %dma_start3A_544 = tpu.memref_slice %arg8[%run_scoped3A_343, %run_scoped3A_344, %dma_start3A_543] : memref<2x8x64xi32, #tpu.memory_space<vmem>> -> memref<1x1x64xi32, #tpu.memory_space<vmem>>
        %dma_start3A_545 = tpu.memref_squeeze %dma_start3A_544 : memref<1x1x64xi32, #tpu.memory_space<vmem>> -> memref<64xi32, #tpu.memory_space<vmem>>
        %dma_start3A_546 = arith.constant 0 : i32
        %dma_start3A_547 = arith.constant 0 : i32
        %dma_start3A_548 = tpu.memref_slice %arg13[%dma_start3A_546, %dma_start3A_547] : memref<10112x128xf32, #tpu.memory_space<vmem_shared>> -> memref<10112x128xf32, #tpu.memory_space<vmem_shared>>
        tpu.enqueue_indirect_dma source(%arg10 : memref<64x128xf32, #tpu.memory_space<vmem>>) target(%dma_start3A_548 : memref<10112x128xf32, #tpu.memory_space<vmem_shared>>) offsets(%dma_start3A_545 : memref<64xi32, #tpu.memory_space<vmem>>) semaphore(%run_scoped3A_542 : memref<!tpu.dma_semaphore, #tpu.memory_space<semaphore_mem>>) {add = true}
        %dma_wait3A_549 = arith.constant 0 : i32
        %dma_wait3A_550 = tpu.memref_slice %arg8[%run_scoped3A_343, %run_scoped3A_344, %dma_wait3A_549] : memref<2x8x64xi32, #tpu.memory_space<vmem>> -> memref<1x1x64xi32, #tpu.memory_space<vmem>>
        %dma_wait3A_551 = tpu.memref_squeeze %dma_wait3A_550 : memref<1x1x64xi32, #tpu.memory_space<vmem>> -> memref<64xi32, #tpu.memory_space<vmem>>
        %dma_wait3A_552 = arith.constant 0 : i32
        %dma_wait3A_553 = arith.constant 0 : i32
        %dma_wait3A_554 = tpu.memref_slice %arg13[%dma_wait3A_552, %dma_wait3A_553] : memref<10112x128xf32, #tpu.memory_space<vmem_shared>> -> memref<10112x128xf32, #tpu.memory_space<vmem_shared>>
        tpu.wait_indirect_dma semaphore(%run_scoped3A_542 : memref<!tpu.dma_semaphore, #tpu.memory_space<semaphore_mem>>) src(%arg10 : memref<64x128xf32, #tpu.memory_space<vmem>>) dst(%dma_wait3A_554 : memref<10112x128xf32, #tpu.memory_space<vmem_shared>>)
        tpu.yield
      }) : () -> ()
      %add3A_345 = arith.constant 1 : i32
      %add3A_346 = arith.addi %add3A_232, %add3A_345 : i32
      %lt3A_347 = arith.constant 20 : i32
      %lt3A_348 = arith.cmpi slt, %add3A_346, %lt3A_347 : i32
      %convert_element_type3A_349 = arith.extui %lt3A_348 : i1 to i32
      %cond3A_350 = arith.constant 0 : i32
      %cond3A_351 = arith.cmpi ne, %convert_element_type3A_349, %cond3A_350 : i32
      scf.if %cond3A_351 {
        %dma_start3A_542 = arith.constant 1 : i32
        %dma_start3A_543 = arith.constant 1 : i32
        %dma_start3A_544 = arith.constant 0 : i32
        %dma_start3A_545 = tpu.memref_slice %arg7[%dma_start3A_542, %dma_start3A_543, %dma_start3A_544] : memref<2x8x64xi32, #tpu.memory_space<vmem>> -> memref<1x1x64xi32, #tpu.memory_space<vmem>>
        %dma_start3A_546 = tpu.memref_squeeze %dma_start3A_545 : memref<1x1x64xi32, #tpu.memory_space<vmem>> -> memref<64xi32, #tpu.memory_space<vmem>>
        %dma_start3A_547 = arith.constant 0 : i32
        %dma_start3A_548 = arith.constant 0 : i32
        %dma_start3A_549 = tpu.memref_slice %arg2[%dma_start3A_547, %dma_start3A_548] : memref<10000x128xf32, #tpu.memory_space<hbm>> -> memref<10000x128xf32, #tpu.memory_space<hbm>>
        tpu.enqueue_indirect_dma source(%dma_start3A_549 : memref<10000x128xf32, #tpu.memory_space<hbm>>) target(%arg10 : memref<64x128xf32, #tpu.memory_space<vmem>>) offsets(%dma_start3A_546 : memref<64xi32, #tpu.memory_space<vmem>>) semaphore(%arg17 : memref<!tpu.dma_semaphore, #tpu.memory_space<semaphore_mem>>)
      } else {
      }
      %dma_wait3A_352 = arith.constant 0 : i32
      %dma_wait3A_353 = arith.constant 6 : i32
      %dma_wait3A_354 = arith.constant 0 : i32
      %dma_wait3A_355 = tpu.memref_slice %arg7[%dma_wait3A_352, %dma_wait3A_353, %dma_wait3A_354] : memref<2x8x64xi32, #tpu.memory_space<vmem>> -> memref<1x1x64xi32, #tpu.memory_space<vmem>>
      %dma_wait3A_356 = tpu.memref_squeeze %dma_wait3A_355 : memref<1x1x64xi32, #tpu.memory_space<vmem>> -> memref<64xi32, #tpu.memory_space<vmem>>
      %dma_wait3A_357 = arith.constant 0 : i32
      %dma_wait3A_358 = arith.constant 0 : i32
      %dma_wait3A_359 = tpu.memref_slice %arg2[%dma_wait3A_357, %dma_wait3A_358] : memref<10000x128xf32, #tpu.memory_space<hbm>> -> memref<10000x128xf32, #tpu.memory_space<hbm>>
      tpu.wait_indirect_dma semaphore(%arg18 : memref<!tpu.dma_semaphore, #tpu.memory_space<semaphore_mem>>) src(%dma_wait3A_359 : memref<10000x128xf32, #tpu.memory_space<hbm>>) dst(%arg11 : memref<64x128xf32, #tpu.memory_space<vmem>>)
      %run_scoped3A_360 = arith.constant 0 : i32
      %run_scoped3A_361 = arith.constant 6 : i32
      "tpu.region"() ({
        %run_scoped3A_542 = tpu.sem_alloc : memref<!tpu.dma_semaphore, #tpu.memory_space<semaphore_mem>>
        %dma_start3A_543 = arith.constant 0 : i32
        %dma_start3A_544 = tpu.memref_slice %arg8[%run_scoped3A_360, %run_scoped3A_361, %dma_start3A_543] : memref<2x8x64xi32, #tpu.memory_space<vmem>> -> memref<1x1x64xi32, #tpu.memory_space<vmem>>
        %dma_start3A_545 = tpu.memref_squeeze %dma_start3A_544 : memref<1x1x64xi32, #tpu.memory_space<vmem>> -> memref<64xi32, #tpu.memory_space<vmem>>
        %dma_start3A_546 = arith.constant 0 : i32
        %dma_start3A_547 = arith.constant 0 : i32
        %dma_start3A_548 = tpu.memref_slice %arg13[%dma_start3A_546, %dma_start3A_547] : memref<10112x128xf32, #tpu.memory_space<vmem_shared>> -> memref<10112x128xf32, #tpu.memory_space<vmem_shared>>
        tpu.enqueue_indirect_dma source(%arg11 : memref<64x128xf32, #tpu.memory_space<vmem>>) target(%dma_start3A_548 : memref<10112x128xf32, #tpu.memory_space<vmem_shared>>) offsets(%dma_start3A_545 : memref<64xi32, #tpu.memory_space<vmem>>) semaphore(%run_scoped3A_542 : memref<!tpu.dma_semaphore, #tpu.memory_space<semaphore_mem>>) {add = true}
        %dma_wait3A_549 = arith.constant 0 : i32
        %dma_wait3A_550 = tpu.memref_slice %arg8[%run_scoped3A_360, %run_scoped3A_361, %dma_wait3A_549] : memref<2x8x64xi32, #tpu.memory_space<vmem>> -> memref<1x1x64xi32, #tpu.memory_space<vmem>>
        %dma_wait3A_551 = tpu.memref_squeeze %dma_wait3A_550 : memref<1x1x64xi32, #tpu.memory_space<vmem>> -> memref<64xi32, #tpu.memory_space<vmem>>
        %dma_wait3A_552 = arith.constant 0 : i32
        %dma_wait3A_553 = arith.constant 0 : i32
        %dma_wait3A_554 = tpu.memref_slice %arg13[%dma_wait3A_552, %dma_wait3A_553] : memref<10112x128xf32, #tpu.memory_space<vmem_shared>> -> memref<10112x128xf32, #tpu.memory_space<vmem_shared>>
        tpu.wait_indirect_dma semaphore(%run_scoped3A_542 : memref<!tpu.dma_semaphore, #tpu.memory_space<semaphore_mem>>) src(%arg11 : memref<64x128xf32, #tpu.memory_space<vmem>>) dst(%dma_wait3A_554 : memref<10112x128xf32, #tpu.memory_space<vmem_shared>>)
        tpu.yield
      }) : () -> ()
      %add3A_362 = arith.constant 1 : i32
      %add3A_363 = arith.addi %add3A_232, %add3A_362 : i32
      %lt3A_364 = arith.constant 20 : i32
      %lt3A_365 = arith.cmpi slt, %add3A_363, %lt3A_364 : i32
      %convert_element_type3A_366 = arith.extui %lt3A_365 : i1 to i32
      %cond3A_367 = arith.constant 0 : i32
      %cond3A_368 = arith.cmpi ne, %convert_element_type3A_366, %cond3A_367 : i32
      scf.if %cond3A_368 {
        %dma_start3A_542 = arith.constant 1 : i32
        %dma_start3A_543 = arith.constant 2 : i32
        %dma_start3A_544 = arith.constant 0 : i32
        %dma_start3A_545 = tpu.memref_slice %arg7[%dma_start3A_542, %dma_start3A_543, %dma_start3A_544] : memref<2x8x64xi32, #tpu.memory_space<vmem>> -> memref<1x1x64xi32, #tpu.memory_space<vmem>>
        %dma_start3A_546 = tpu.memref_squeeze %dma_start3A_545 : memref<1x1x64xi32, #tpu.memory_space<vmem>> -> memref<64xi32, #tpu.memory_space<vmem>>
        %dma_start3A_547 = arith.constant 0 : i32
        %dma_start3A_548 = arith.constant 0 : i32
        %dma_start3A_549 = tpu.memref_slice %arg2[%dma_start3A_547, %dma_start3A_548] : memref<10000x128xf32, #tpu.memory_space<hbm>> -> memref<10000x128xf32, #tpu.memory_space<hbm>>
        tpu.enqueue_indirect_dma source(%dma_start3A_549 : memref<10000x128xf32, #tpu.memory_space<hbm>>) target(%arg11 : memref<64x128xf32, #tpu.memory_space<vmem>>) offsets(%dma_start3A_546 : memref<64xi32, #tpu.memory_space<vmem>>) semaphore(%arg18 : memref<!tpu.dma_semaphore, #tpu.memory_space<semaphore_mem>>)
      } else {
      }
      %dma_wait3A_369 = arith.constant 0 : i32
      %dma_wait3A_370 = arith.constant 7 : i32
      %dma_wait3A_371 = arith.constant 0 : i32
      %dma_wait3A_372 = tpu.memref_slice %arg7[%dma_wait3A_369, %dma_wait3A_370, %dma_wait3A_371] : memref<2x8x64xi32, #tpu.memory_space<vmem>> -> memref<1x1x64xi32, #tpu.memory_space<vmem>>
      %dma_wait3A_373 = tpu.memref_squeeze %dma_wait3A_372 : memref<1x1x64xi32, #tpu.memory_space<vmem>> -> memref<64xi32, #tpu.memory_space<vmem>>
      %dma_wait3A_374 = arith.constant 0 : i32
      %dma_wait3A_375 = arith.constant 0 : i32
      %dma_wait3A_376 = tpu.memref_slice %arg2[%dma_wait3A_374, %dma_wait3A_375] : memref<10000x128xf32, #tpu.memory_space<hbm>> -> memref<10000x128xf32, #tpu.memory_space<hbm>>
      tpu.wait_indirect_dma semaphore(%arg19 : memref<!tpu.dma_semaphore, #tpu.memory_space<semaphore_mem>>) src(%dma_wait3A_376 : memref<10000x128xf32, #tpu.memory_space<hbm>>) dst(%arg12 : memref<64x128xf32, #tpu.memory_space<vmem>>)
      %run_scoped3A_377 = arith.constant 0 : i32
      %run_scoped3A_378 = arith.constant 7 : i32
      "tpu.region"() ({
        %run_scoped3A_542 = tpu.sem_alloc : memref<!tpu.dma_semaphore, #tpu.memory_space<semaphore_mem>>
        %dma_start3A_543 = arith.constant 0 : i32
        %dma_start3A_544 = tpu.memref_slice %arg8[%run_scoped3A_377, %run_scoped3A_378, %dma_start3A_543] : memref<2x8x64xi32, #tpu.memory_space<vmem>> -> memref<1x1x64xi32, #tpu.memory_space<vmem>>
        %dma_start3A_545 = tpu.memref_squeeze %dma_start3A_544 : memref<1x1x64xi32, #tpu.memory_space<vmem>> -> memref<64xi32, #tpu.memory_space<vmem>>
        %dma_start3A_546 = arith.constant 0 : i32
        %dma_start3A_547 = arith.constant 0 : i32
        %dma_start3A_548 = tpu.memref_slice %arg13[%dma_start3A_546, %dma_start3A_547] : memref<10112x128xf32, #tpu.memory_space<vmem_shared>> -> memref<10112x128xf32, #tpu.memory_space<vmem_shared>>
        tpu.enqueue_indirect_dma source(%arg12 : memref<64x128xf32, #tpu.memory_space<vmem>>) target(%dma_start3A_548 : memref<10112x128xf32, #tpu.memory_space<vmem_shared>>) offsets(%dma_start3A_545 : memref<64xi32, #tpu.memory_space<vmem>>) semaphore(%run_scoped3A_542 : memref<!tpu.dma_semaphore, #tpu.memory_space<semaphore_mem>>) {add = true}
        %dma_wait3A_549 = arith.constant 0 : i32
        %dma_wait3A_550 = tpu.memref_slice %arg8[%run_scoped3A_377, %run_scoped3A_378, %dma_wait3A_549] : memref<2x8x64xi32, #tpu.memory_space<vmem>> -> memref<1x1x64xi32, #tpu.memory_space<vmem>>
        %dma_wait3A_551 = tpu.memref_squeeze %dma_wait3A_550 : memref<1x1x64xi32, #tpu.memory_space<vmem>> -> memref<64xi32, #tpu.memory_space<vmem>>
        %dma_wait3A_552 = arith.constant 0 : i32
        %dma_wait3A_553 = arith.constant 0 : i32
        %dma_wait3A_554 = tpu.memref_slice %arg13[%dma_wait3A_552, %dma_wait3A_553] : memref<10112x128xf32, #tpu.memory_space<vmem_shared>> -> memref<10112x128xf32, #tpu.memory_space<vmem_shared>>
        tpu.wait_indirect_dma semaphore(%run_scoped3A_542 : memref<!tpu.dma_semaphore, #tpu.memory_space<semaphore_mem>>) src(%arg12 : memref<64x128xf32, #tpu.memory_space<vmem>>) dst(%dma_wait3A_554 : memref<10112x128xf32, #tpu.memory_space<vmem_shared>>)
        tpu.yield
      }) : () -> ()
      %add3A_379 = arith.constant 1 : i32
      %add3A_380 = arith.addi %add3A_232, %add3A_379 : i32
      %lt3A_381 = arith.constant 20 : i32
      %lt3A_382 = arith.cmpi slt, %add3A_380, %lt3A_381 : i32
      %convert_element_type3A_383 = arith.extui %lt3A_382 : i1 to i32
      %cond3A_384 = arith.constant 0 : i32
      %cond3A_385 = arith.cmpi ne, %convert_element_type3A_383, %cond3A_384 : i32
      scf.if %cond3A_385 {
        %dma_start3A_542 = arith.constant 1 : i32
        %dma_start3A_543 = arith.constant 3 : i32
        %dma_start3A_544 = arith.constant 0 : i32
        %dma_start3A_545 = tpu.memref_slice %arg7[%dma_start3A_542, %dma_start3A_543, %dma_start3A_544] : memref<2x8x64xi32, #tpu.memory_space<vmem>> -> memref<1x1x64xi32, #tpu.memory_space<vmem>>
        %dma_start3A_546 = tpu.memref_squeeze %dma_start3A_545 : memref<1x1x64xi32, #tpu.memory_space<vmem>> -> memref<64xi32, #tpu.memory_space<vmem>>
        %dma_start3A_547 = arith.constant 0 : i32
        %dma_start3A_548 = arith.constant 0 : i32
        %dma_start3A_549 = tpu.memref_slice %arg2[%dma_start3A_547, %dma_start3A_548] : memref<10000x128xf32, #tpu.memory_space<hbm>> -> memref<10000x128xf32, #tpu.memory_space<hbm>>
        tpu.enqueue_indirect_dma source(%dma_start3A_549 : memref<10000x128xf32, #tpu.memory_space<hbm>>) target(%arg12 : memref<64x128xf32, #tpu.memory_space<vmem>>) offsets(%dma_start3A_546 : memref<64xi32, #tpu.memory_space<vmem>>) semaphore(%arg19 : memref<!tpu.dma_semaphore, #tpu.memory_space<semaphore_mem>>)
      } else {
      }
      %add3A_386 = arith.constant 1 : i32
      %add3A_387 = arith.addi %add3A_230, %add3A_386 : i32
      %add3A_388 = arith.constant 1 : i32
      %add3A_389 = arith.addi %add3A_387, %add3A_388 : i32
      %lt3A_390 = arith.constant 20 : i32
      %lt3A_391 = arith.cmpi slt, %add3A_389, %lt3A_390 : i32
      %convert_element_type3A_392 = arith.extui %lt3A_391 : i1 to i32
      %cond3A_393 = arith.constant 0 : i32
      %cond3A_394 = arith.cmpi ne, %convert_element_type3A_392, %cond3A_393 : i32
      scf.if %cond3A_394 {
        %add3A_542 = arith.constant 1 : i32
        %add3A_543 = arith.addi %add3A_387, %add3A_542 : i32
        %mul3A_544 = arith.constant 8 : i32
        %mul3A_545 = arith.muli %add3A_543, %mul3A_544 : i32
        %add3A_546 = arith.addi %mul3A_2, %mul3A_545 : i32
        %lt3A_547 = arith.constant 5000 : i32
        %lt3A_548 = arith.cmpi slt, %add3A_546, %lt3A_547 : i32
        %convert_element_type3A_549 = arith.extui %lt3A_548 : i1 to i32
        %cond3A_550 = arith.constant 0 : i32
        %cond3A_551 = arith.cmpi ne, %convert_element_type3A_549, %cond3A_550 : i32
        scf.if %cond3A_551 {
          %multiple_of3A = tpu.assume_multiple %add3A_546, 8 : i32
          %dma_start3A_557 = arith.constant 0 : i32
          %dma_start3A_558 = arith.constant 0 : i32
          %dma_start3A_559 = arith.constant 0 : i32
          %dma_start3A_560 = arith.constant 0 : i32
          %dma_start3A_561 = tpu.memref_slice %arg7[%dma_start3A_558, %dma_start3A_559, %dma_start3A_560] : memref<2x8x64xi32, #tpu.memory_space<vmem>> -> memref<1x8x64xi32, #tpu.memory_space<vmem>>
          %dma_start3A_562 = tpu.memref_squeeze %dma_start3A_561 : memref<1x8x64xi32, #tpu.memory_space<vmem>> -> memref<8x64xi32, #tpu.memory_space<vmem>>
          %dma_start3A_563 = arith.constant 0 : i32
          %dma_start3A_564 = tpu.memref_slice %arg3[%dma_start3A_557, %multiple_of3A, %dma_start3A_563] : memref<2x5000x64xi32, #tpu.memory_space<hbm>> -> memref<1x8x64xi32, #tpu.memory_space<hbm>>
          %dma_start3A_565 = tpu.memref_squeeze %dma_start3A_564 : memref<1x8x64xi32, #tpu.memory_space<hbm>> -> memref<8x64xi32, #tpu.memory_space<hbm>>
          %dma_start3A_566 = arith.constant 0 : i32
          %dma_start3A_567 = arith.constant 0 : i32
          %dma_start3A_568 = tpu.memref_slice %arg7[%dma_start3A_558, %dma_start3A_566, %dma_start3A_567] : memref<2x8x64xi32, #tpu.memory_space<vmem>> -> memref<1x8x64xi32, #tpu.memory_space<vmem>>
          %dma_start3A_569 = tpu.memref_squeeze %dma_start3A_568 : memref<1x8x64xi32, #tpu.memory_space<vmem>> -> memref<8x64xi32, #tpu.memory_space<vmem>>
          %dma_start3A_570 = arith.constant 0 : i32
          %dma_start3A_571 = tpu.memref_slice %arg3[%dma_start3A_557, %multiple_of3A, %dma_start3A_570] : memref<2x5000x64xi32, #tpu.memory_space<hbm>> -> memref<1x8x64xi32, #tpu.memory_space<hbm>>
          %dma_start3A_572 = tpu.memref_squeeze %dma_start3A_571 : memref<1x8x64xi32, #tpu.memory_space<hbm>> -> memref<8x64xi32, #tpu.memory_space<hbm>>
          tpu.enqueue_dma source(%dma_start3A_572 : memref<8x64xi32, #tpu.memory_space<hbm>>) target(%dma_start3A_569 : memref<8x64xi32, #tpu.memory_space<vmem>>) target_semaphore(%arg14 : memref<!tpu.dma_semaphore, #tpu.memory_space<semaphore_mem>>)
          %dma_start3A_573 = arith.constant 1 : i32
          %dma_start3A_574 = arith.constant 0 : i32
          %dma_start3A_575 = arith.constant 0 : i32
          %dma_start3A_576 = arith.constant 0 : i32
          %dma_start3A_577 = tpu.memref_slice %arg8[%dma_start3A_574, %dma_start3A_575, %dma_start3A_576] : memref<2x8x64xi32, #tpu.memory_space<vmem>> -> memref<1x8x64xi32, #tpu.memory_space<vmem>>
          %dma_start3A_578 = tpu.memref_squeeze %dma_start3A_577 : memref<1x8x64xi32, #tpu.memory_space<vmem>> -> memref<8x64xi32, #tpu.memory_space<vmem>>
          %dma_start3A_579 = arith.constant 0 : i32
          %dma_start3A_580 = tpu.memref_slice %arg3[%dma_start3A_573, %multiple_of3A, %dma_start3A_579] : memref<2x5000x64xi32, #tpu.memory_space<hbm>> -> memref<1x8x64xi32, #tpu.memory_space<hbm>>
          %dma_start3A_581 = tpu.memref_squeeze %dma_start3A_580 : memref<1x8x64xi32, #tpu.memory_space<hbm>> -> memref<8x64xi32, #tpu.memory_space<hbm>>
          %dma_start3A_582 = arith.constant 0 : i32
          %dma_start3A_583 = arith.constant 0 : i32
          %dma_start3A_584 = tpu.memref_slice %arg8[%dma_start3A_574, %dma_start3A_582, %dma_start3A_583] : memref<2x8x64xi32, #tpu.memory_space<vmem>> -> memref<1x8x64xi32, #tpu.memory_space<vmem>>
          %dma_start3A_585 = tpu.memref_squeeze %dma_start3A_584 : memref<1x8x64xi32, #tpu.memory_space<vmem>> -> memref<8x64xi32, #tpu.memory_space<vmem>>
          %dma_start3A_586 = arith.constant 0 : i32
          %dma_start3A_587 = tpu.memref_slice %arg3[%dma_start3A_573, %multiple_of3A, %dma_start3A_586] : memref<2x5000x64xi32, #tpu.memory_space<hbm>> -> memref<1x8x64xi32, #tpu.memory_space<hbm>>
          %dma_start3A_588 = tpu.memref_squeeze %dma_start3A_587 : memref<1x8x64xi32, #tpu.memory_space<hbm>> -> memref<8x64xi32, #tpu.memory_space<hbm>>
          tpu.enqueue_dma source(%dma_start3A_588 : memref<8x64xi32, #tpu.memory_space<hbm>>) target(%dma_start3A_585 : memref<8x64xi32, #tpu.memory_space<vmem>>) target_semaphore(%arg14 : memref<!tpu.dma_semaphore, #tpu.memory_space<semaphore_mem>>)
        } else {
        }
        %ge3A_552 = arith.constant 5000 : i32
        %ge3A_553 = arith.cmpi sge, %add3A_546, %ge3A_552 : i32
        %convert_element_type3A_554 = arith.extui %ge3A_553 : i1 to i32
        %cond3A_555 = arith.constant 0 : i32
        %cond3A_556 = arith.cmpi ne, %convert_element_type3A_554, %cond3A_555 : i32
        scf.if %cond3A_556 {
          %sub3A_557 = arith.constant 5000 : i32
          %sub3A_558 = arith.subi %add3A_546, %sub3A_557 : i32
          %multiple_of3A = tpu.assume_multiple %sub3A_558, 8 : i32
          %dma_start3A_559 = arith.constant 0 : i32
          %dma_start3A_560 = arith.constant 0 : i32
          %dma_start3A_561 = arith.constant 0 : i32
          %dma_start3A_562 = tpu.memref_slice %arg7[%dma_start3A_559, %dma_start3A_560, %dma_start3A_561] : memref<2x8x64xi32, #tpu.memory_space<vmem>> -> memref<1x8x64xi32, #tpu.memory_space<vmem>>
          %dma_start3A_563 = tpu.memref_squeeze %dma_start3A_562 : memref<1x8x64xi32, #tpu.memory_space<vmem>> -> memref<8x64xi32, #tpu.memory_space<vmem>>
          %dma_start3A_564 = arith.constant 0 : i32
          %dma_start3A_565 = tpu.memref_slice %arg4[%multiple_of3A, %dma_start3A_564] : memref<120x64xi32, #tpu.memory_space<hbm>> -> memref<8x64xi32, #tpu.memory_space<hbm>>
          %dma_start3A_566 = arith.constant 0 : i32
          %dma_start3A_567 = arith.constant 0 : i32
          %dma_start3A_568 = tpu.memref_slice %arg7[%dma_start3A_559, %dma_start3A_566, %dma_start3A_567] : memref<2x8x64xi32, #tpu.memory_space<vmem>> -> memref<1x8x64xi32, #tpu.memory_space<vmem>>
          %dma_start3A_569 = tpu.memref_squeeze %dma_start3A_568 : memref<1x8x64xi32, #tpu.memory_space<vmem>> -> memref<8x64xi32, #tpu.memory_space<vmem>>
          %dma_start3A_570 = arith.constant 0 : i32
          %dma_start3A_571 = tpu.memref_slice %arg4[%multiple_of3A, %dma_start3A_570] : memref<120x64xi32, #tpu.memory_space<hbm>> -> memref<8x64xi32, #tpu.memory_space<hbm>>
          tpu.enqueue_dma source(%dma_start3A_571 : memref<8x64xi32, #tpu.memory_space<hbm>>) target(%dma_start3A_569 : memref<8x64xi32, #tpu.memory_space<vmem>>) target_semaphore(%arg14 : memref<!tpu.dma_semaphore, #tpu.memory_space<semaphore_mem>>)
          %dma_start3A_572 = arith.constant 0 : i32
          %dma_start3A_573 = arith.constant 0 : i32
          %dma_start3A_574 = arith.constant 0 : i32
          %dma_start3A_575 = tpu.memref_slice %arg8[%dma_start3A_572, %dma_start3A_573, %dma_start3A_574] : memref<2x8x64xi32, #tpu.memory_space<vmem>> -> memref<1x8x64xi32, #tpu.memory_space<vmem>>
          %dma_start3A_576 = tpu.memref_squeeze %dma_start3A_575 : memref<1x8x64xi32, #tpu.memory_space<vmem>> -> memref<8x64xi32, #tpu.memory_space<vmem>>
          %dma_start3A_577 = arith.constant 0 : i32
          %dma_start3A_578 = tpu.memref_slice %arg5[%multiple_of3A, %dma_start3A_577] : memref<120x64xi32, #tpu.memory_space<hbm>> -> memref<8x64xi32, #tpu.memory_space<hbm>>
          %dma_start3A_579 = arith.constant 0 : i32
          %dma_start3A_580 = arith.constant 0 : i32
          %dma_start3A_581 = tpu.memref_slice %arg8[%dma_start3A_572, %dma_start3A_579, %dma_start3A_580] : memref<2x8x64xi32, #tpu.memory_space<vmem>> -> memref<1x8x64xi32, #tpu.memory_space<vmem>>
          %dma_start3A_582 = tpu.memref_squeeze %dma_start3A_581 : memref<1x8x64xi32, #tpu.memory_space<vmem>> -> memref<8x64xi32, #tpu.memory_space<vmem>>
          %dma_start3A_583 = arith.constant 0 : i32
          %dma_start3A_584 = tpu.memref_slice %arg5[%multiple_of3A, %dma_start3A_583] : memref<120x64xi32, #tpu.memory_space<hbm>> -> memref<8x64xi32, #tpu.memory_space<hbm>>
          tpu.enqueue_dma source(%dma_start3A_584 : memref<8x64xi32, #tpu.memory_space<hbm>>) target(%dma_start3A_582 : memref<8x64xi32, #tpu.memory_space<vmem>>) target_semaphore(%arg14 : memref<!tpu.dma_semaphore, #tpu.memory_space<semaphore_mem>>)
        } else {
        }
      } else {
      }
      %dma_wait3A_395 = arith.constant 1 : i32
      %dma_wait3A_396 = arith.constant 0 : i32
      %dma_wait3A_397 = arith.constant 0 : i32
      %dma_wait3A_398 = tpu.memref_slice %arg7[%dma_wait3A_395, %dma_wait3A_396, %dma_wait3A_397] : memref<2x8x64xi32, #tpu.memory_space<vmem>> -> memref<1x1x64xi32, #tpu.memory_space<vmem>>
      %dma_wait3A_399 = tpu.memref_squeeze %dma_wait3A_398 : memref<1x1x64xi32, #tpu.memory_space<vmem>> -> memref<64xi32, #tpu.memory_space<vmem>>
      %dma_wait3A_400 = arith.constant 0 : i32
      %dma_wait3A_401 = arith.constant 0 : i32
      %dma_wait3A_402 = tpu.memref_slice %arg2[%dma_wait3A_400, %dma_wait3A_401] : memref<10000x128xf32, #tpu.memory_space<hbm>> -> memref<10000x128xf32, #tpu.memory_space<hbm>>
      tpu.wait_indirect_dma semaphore(%arg16 : memref<!tpu.dma_semaphore, #tpu.memory_space<semaphore_mem>>) src(%dma_wait3A_402 : memref<10000x128xf32, #tpu.memory_space<hbm>>) dst(%arg9 : memref<64x128xf32, #tpu.memory_space<vmem>>)
      %run_scoped3A_403 = arith.constant 1 : i32
      %run_scoped3A_404 = arith.constant 0 : i32
      "tpu.region"() ({
        %run_scoped3A_542 = tpu.sem_alloc : memref<!tpu.dma_semaphore, #tpu.memory_space<semaphore_mem>>
        %dma_start3A_543 = arith.constant 0 : i32
        %dma_start3A_544 = tpu.memref_slice %arg8[%run_scoped3A_403, %run_scoped3A_404, %dma_start3A_543] : memref<2x8x64xi32, #tpu.memory_space<vmem>> -> memref<1x1x64xi32, #tpu.memory_space<vmem>>
        %dma_start3A_545 = tpu.memref_squeeze %dma_start3A_544 : memref<1x1x64xi32, #tpu.memory_space<vmem>> -> memref<64xi32, #tpu.memory_space<vmem>>
        %dma_start3A_546 = arith.constant 0 : i32
        %dma_start3A_547 = arith.constant 0 : i32
        %dma_start3A_548 = tpu.memref_slice %arg13[%dma_start3A_546, %dma_start3A_547] : memref<10112x128xf32, #tpu.memory_space<vmem_shared>> -> memref<10112x128xf32, #tpu.memory_space<vmem_shared>>
        tpu.enqueue_indirect_dma source(%arg9 : memref<64x128xf32, #tpu.memory_space<vmem>>) target(%dma_start3A_548 : memref<10112x128xf32, #tpu.memory_space<vmem_shared>>) offsets(%dma_start3A_545 : memref<64xi32, #tpu.memory_space<vmem>>) semaphore(%run_scoped3A_542 : memref<!tpu.dma_semaphore, #tpu.memory_space<semaphore_mem>>) {add = true}
        %dma_wait3A_549 = arith.constant 0 : i32
        %dma_wait3A_550 = tpu.memref_slice %arg8[%run_scoped3A_403, %run_scoped3A_404, %dma_wait3A_549] : memref<2x8x64xi32, #tpu.memory_space<vmem>> -> memref<1x1x64xi32, #tpu.memory_space<vmem>>
        %dma_wait3A_551 = tpu.memref_squeeze %dma_wait3A_550 : memref<1x1x64xi32, #tpu.memory_space<vmem>> -> memref<64xi32, #tpu.memory_space<vmem>>
        %dma_wait3A_552 = arith.constant 0 : i32
        %dma_wait3A_553 = arith.constant 0 : i32
        %dma_wait3A_554 = tpu.memref_slice %arg13[%dma_wait3A_552, %dma_wait3A_553] : memref<10112x128xf32, #tpu.memory_space<vmem_shared>> -> memref<10112x128xf32, #tpu.memory_space<vmem_shared>>
        tpu.wait_indirect_dma semaphore(%run_scoped3A_542 : memref<!tpu.dma_semaphore, #tpu.memory_space<semaphore_mem>>) src(%arg9 : memref<64x128xf32, #tpu.memory_space<vmem>>) dst(%dma_wait3A_554 : memref<10112x128xf32, #tpu.memory_space<vmem_shared>>)
        tpu.yield
      }) : () -> ()
      %dma_start3A_405 = arith.constant 1 : i32
      %dma_start3A_406 = arith.constant 4 : i32
      %dma_start3A_407 = arith.constant 0 : i32
      %dma_start3A_408 = tpu.memref_slice %arg7[%dma_start3A_405, %dma_start3A_406, %dma_start3A_407] : memref<2x8x64xi32, #tpu.memory_space<vmem>> -> memref<1x1x64xi32, #tpu.memory_space<vmem>>
      %dma_start3A_409 = tpu.memref_squeeze %dma_start3A_408 : memref<1x1x64xi32, #tpu.memory_space<vmem>> -> memref<64xi32, #tpu.memory_space<vmem>>
      %dma_start3A_410 = arith.constant 0 : i32
      %dma_start3A_411 = arith.constant 0 : i32
      %dma_start3A_412 = tpu.memref_slice %arg2[%dma_start3A_410, %dma_start3A_411] : memref<10000x128xf32, #tpu.memory_space<hbm>> -> memref<10000x128xf32, #tpu.memory_space<hbm>>
      tpu.enqueue_indirect_dma source(%dma_start3A_412 : memref<10000x128xf32, #tpu.memory_space<hbm>>) target(%arg9 : memref<64x128xf32, #tpu.memory_space<vmem>>) offsets(%dma_start3A_409 : memref<64xi32, #tpu.memory_space<vmem>>) semaphore(%arg16 : memref<!tpu.dma_semaphore, #tpu.memory_space<semaphore_mem>>)
      %dma_wait3A_413 = arith.constant 1 : i32
      %dma_wait3A_414 = arith.constant 1 : i32
      %dma_wait3A_415 = arith.constant 0 : i32
      %dma_wait3A_416 = tpu.memref_slice %arg7[%dma_wait3A_413, %dma_wait3A_414, %dma_wait3A_415] : memref<2x8x64xi32, #tpu.memory_space<vmem>> -> memref<1x1x64xi32, #tpu.memory_space<vmem>>
      %dma_wait3A_417 = tpu.memref_squeeze %dma_wait3A_416 : memref<1x1x64xi32, #tpu.memory_space<vmem>> -> memref<64xi32, #tpu.memory_space<vmem>>
      %dma_wait3A_418 = arith.constant 0 : i32
      %dma_wait3A_419 = arith.constant 0 : i32
      %dma_wait3A_420 = tpu.memref_slice %arg2[%dma_wait3A_418, %dma_wait3A_419] : memref<10000x128xf32, #tpu.memory_space<hbm>> -> memref<10000x128xf32, #tpu.memory_space<hbm>>
      tpu.wait_indirect_dma semaphore(%arg17 : memref<!tpu.dma_semaphore, #tpu.memory_space<semaphore_mem>>) src(%dma_wait3A_420 : memref<10000x128xf32, #tpu.memory_space<hbm>>) dst(%arg10 : memref<64x128xf32, #tpu.memory_space<vmem>>)
      %run_scoped3A_421 = arith.constant 1 : i32
      %run_scoped3A_422 = arith.constant 1 : i32
      "tpu.region"() ({
        %run_scoped3A_542 = tpu.sem_alloc : memref<!tpu.dma_semaphore, #tpu.memory_space<semaphore_mem>>
        %dma_start3A_543 = arith.constant 0 : i32
        %dma_start3A_544 = tpu.memref_slice %arg8[%run_scoped3A_421, %run_scoped3A_422, %dma_start3A_543] : memref<2x8x64xi32, #tpu.memory_space<vmem>> -> memref<1x1x64xi32, #tpu.memory_space<vmem>>
        %dma_start3A_545 = tpu.memref_squeeze %dma_start3A_544 : memref<1x1x64xi32, #tpu.memory_space<vmem>> -> memref<64xi32, #tpu.memory_space<vmem>>
        %dma_start3A_546 = arith.constant 0 : i32
        %dma_start3A_547 = arith.constant 0 : i32
        %dma_start3A_548 = tpu.memref_slice %arg13[%dma_start3A_546, %dma_start3A_547] : memref<10112x128xf32, #tpu.memory_space<vmem_shared>> -> memref<10112x128xf32, #tpu.memory_space<vmem_shared>>
        tpu.enqueue_indirect_dma source(%arg10 : memref<64x128xf32, #tpu.memory_space<vmem>>) target(%dma_start3A_548 : memref<10112x128xf32, #tpu.memory_space<vmem_shared>>) offsets(%dma_start3A_545 : memref<64xi32, #tpu.memory_space<vmem>>) semaphore(%run_scoped3A_542 : memref<!tpu.dma_semaphore, #tpu.memory_space<semaphore_mem>>) {add = true}
        %dma_wait3A_549 = arith.constant 0 : i32
        %dma_wait3A_550 = tpu.memref_slice %arg8[%run_scoped3A_421, %run_scoped3A_422, %dma_wait3A_549] : memref<2x8x64xi32, #tpu.memory_space<vmem>> -> memref<1x1x64xi32, #tpu.memory_space<vmem>>
        %dma_wait3A_551 = tpu.memref_squeeze %dma_wait3A_550 : memref<1x1x64xi32, #tpu.memory_space<vmem>> -> memref<64xi32, #tpu.memory_space<vmem>>
        %dma_wait3A_552 = arith.constant 0 : i32
        %dma_wait3A_553 = arith.constant 0 : i32
        %dma_wait3A_554 = tpu.memref_slice %arg13[%dma_wait3A_552, %dma_wait3A_553] : memref<10112x128xf32, #tpu.memory_space<vmem_shared>> -> memref<10112x128xf32, #tpu.memory_space<vmem_shared>>
        tpu.wait_indirect_dma semaphore(%run_scoped3A_542 : memref<!tpu.dma_semaphore, #tpu.memory_space<semaphore_mem>>) src(%arg10 : memref<64x128xf32, #tpu.memory_space<vmem>>) dst(%dma_wait3A_554 : memref<10112x128xf32, #tpu.memory_space<vmem_shared>>)
        tpu.yield
      }) : () -> ()
      %dma_start3A_423 = arith.constant 1 : i32
      %dma_start3A_424 = arith.constant 5 : i32
      %dma_start3A_425 = arith.constant 0 : i32
      %dma_start3A_426 = tpu.memref_slice %arg7[%dma_start3A_423, %dma_start3A_424, %dma_start3A_425] : memref<2x8x64xi32, #tpu.memory_space<vmem>> -> memref<1x1x64xi32, #tpu.memory_space<vmem>>
      %dma_start3A_427 = tpu.memref_squeeze %dma_start3A_426 : memref<1x1x64xi32, #tpu.memory_space<vmem>> -> memref<64xi32, #tpu.memory_space<vmem>>
      %dma_start3A_428 = arith.constant 0 : i32
      %dma_start3A_429 = arith.constant 0 : i32
      %dma_start3A_430 = tpu.memref_slice %arg2[%dma_start3A_428, %dma_start3A_429] : memref<10000x128xf32, #tpu.memory_space<hbm>> -> memref<10000x128xf32, #tpu.memory_space<hbm>>
      tpu.enqueue_indirect_dma source(%dma_start3A_430 : memref<10000x128xf32, #tpu.memory_space<hbm>>) target(%arg10 : memref<64x128xf32, #tpu.memory_space<vmem>>) offsets(%dma_start3A_427 : memref<64xi32, #tpu.memory_space<vmem>>) semaphore(%arg17 : memref<!tpu.dma_semaphore, #tpu.memory_space<semaphore_mem>>)
      %dma_wait3A_431 = arith.constant 1 : i32
      %dma_wait3A_432 = arith.constant 2 : i32
      %dma_wait3A_433 = arith.constant 0 : i32
      %dma_wait3A_434 = tpu.memref_slice %arg7[%dma_wait3A_431, %dma_wait3A_432, %dma_wait3A_433] : memref<2x8x64xi32, #tpu.memory_space<vmem>> -> memref<1x1x64xi32, #tpu.memory_space<vmem>>
      %dma_wait3A_435 = tpu.memref_squeeze %dma_wait3A_434 : memref<1x1x64xi32, #tpu.memory_space<vmem>> -> memref<64xi32, #tpu.memory_space<vmem>>
      %dma_wait3A_436 = arith.constant 0 : i32
      %dma_wait3A_437 = arith.constant 0 : i32
      %dma_wait3A_438 = tpu.memref_slice %arg2[%dma_wait3A_436, %dma_wait3A_437] : memref<10000x128xf32, #tpu.memory_space<hbm>> -> memref<10000x128xf32, #tpu.memory_space<hbm>>
      tpu.wait_indirect_dma semaphore(%arg18 : memref<!tpu.dma_semaphore, #tpu.memory_space<semaphore_mem>>) src(%dma_wait3A_438 : memref<10000x128xf32, #tpu.memory_space<hbm>>) dst(%arg11 : memref<64x128xf32, #tpu.memory_space<vmem>>)
      %run_scoped3A_439 = arith.constant 1 : i32
      %run_scoped3A_440 = arith.constant 2 : i32
      "tpu.region"() ({
        %run_scoped3A_542 = tpu.sem_alloc : memref<!tpu.dma_semaphore, #tpu.memory_space<semaphore_mem>>
        %dma_start3A_543 = arith.constant 0 : i32
        %dma_start3A_544 = tpu.memref_slice %arg8[%run_scoped3A_439, %run_scoped3A_440, %dma_start3A_543] : memref<2x8x64xi32, #tpu.memory_space<vmem>> -> memref<1x1x64xi32, #tpu.memory_space<vmem>>
        %dma_start3A_545 = tpu.memref_squeeze %dma_start3A_544 : memref<1x1x64xi32, #tpu.memory_space<vmem>> -> memref<64xi32, #tpu.memory_space<vmem>>
        %dma_start3A_546 = arith.constant 0 : i32
        %dma_start3A_547 = arith.constant 0 : i32
        %dma_start3A_548 = tpu.memref_slice %arg13[%dma_start3A_546, %dma_start3A_547] : memref<10112x128xf32, #tpu.memory_space<vmem_shared>> -> memref<10112x128xf32, #tpu.memory_space<vmem_shared>>
        tpu.enqueue_indirect_dma source(%arg11 : memref<64x128xf32, #tpu.memory_space<vmem>>) target(%dma_start3A_548 : memref<10112x128xf32, #tpu.memory_space<vmem_shared>>) offsets(%dma_start3A_545 : memref<64xi32, #tpu.memory_space<vmem>>) semaphore(%run_scoped3A_542 : memref<!tpu.dma_semaphore, #tpu.memory_space<semaphore_mem>>) {add = true}
        %dma_wait3A_549 = arith.constant 0 : i32
        %dma_wait3A_550 = tpu.memref_slice %arg8[%run_scoped3A_439, %run_scoped3A_440, %dma_wait3A_549] : memref<2x8x64xi32, #tpu.memory_space<vmem>> -> memref<1x1x64xi32, #tpu.memory_space<vmem>>
        %dma_wait3A_551 = tpu.memref_squeeze %dma_wait3A_550 : memref<1x1x64xi32, #tpu.memory_space<vmem>> -> memref<64xi32, #tpu.memory_space<vmem>>
        %dma_wait3A_552 = arith.constant 0 : i32
        %dma_wait3A_553 = arith.constant 0 : i32
        %dma_wait3A_554 = tpu.memref_slice %arg13[%dma_wait3A_552, %dma_wait3A_553] : memref<10112x128xf32, #tpu.memory_space<vmem_shared>> -> memref<10112x128xf32, #tpu.memory_space<vmem_shared>>
        tpu.wait_indirect_dma semaphore(%run_scoped3A_542 : memref<!tpu.dma_semaphore, #tpu.memory_space<semaphore_mem>>) src(%arg11 : memref<64x128xf32, #tpu.memory_space<vmem>>) dst(%dma_wait3A_554 : memref<10112x128xf32, #tpu.memory_space<vmem_shared>>)
        tpu.yield
      }) : () -> ()
      %dma_start3A_441 = arith.constant 1 : i32
      %dma_start3A_442 = arith.constant 6 : i32
      %dma_start3A_443 = arith.constant 0 : i32
      %dma_start3A_444 = tpu.memref_slice %arg7[%dma_start3A_441, %dma_start3A_442, %dma_start3A_443] : memref<2x8x64xi32, #tpu.memory_space<vmem>> -> memref<1x1x64xi32, #tpu.memory_space<vmem>>
      %dma_start3A_445 = tpu.memref_squeeze %dma_start3A_444 : memref<1x1x64xi32, #tpu.memory_space<vmem>> -> memref<64xi32, #tpu.memory_space<vmem>>
      %dma_start3A_446 = arith.constant 0 : i32
      %dma_start3A_447 = arith.constant 0 : i32
      %dma_start3A_448 = tpu.memref_slice %arg2[%dma_start3A_446, %dma_start3A_447] : memref<10000x128xf32, #tpu.memory_space<hbm>> -> memref<10000x128xf32, #tpu.memory_space<hbm>>
      tpu.enqueue_indirect_dma source(%dma_start3A_448 : memref<10000x128xf32, #tpu.memory_space<hbm>>) target(%arg11 : memref<64x128xf32, #tpu.memory_space<vmem>>) offsets(%dma_start3A_445 : memref<64xi32, #tpu.memory_space<vmem>>) semaphore(%arg18 : memref<!tpu.dma_semaphore, #tpu.memory_space<semaphore_mem>>)
      %dma_wait3A_449 = arith.constant 1 : i32
      %dma_wait3A_450 = arith.constant 3 : i32
      %dma_wait3A_451 = arith.constant 0 : i32
      %dma_wait3A_452 = tpu.memref_slice %arg7[%dma_wait3A_449, %dma_wait3A_450, %dma_wait3A_451] : memref<2x8x64xi32, #tpu.memory_space<vmem>> -> memref<1x1x64xi32, #tpu.memory_space<vmem>>
      %dma_wait3A_453 = tpu.memref_squeeze %dma_wait3A_452 : memref<1x1x64xi32, #tpu.memory_space<vmem>> -> memref<64xi32, #tpu.memory_space<vmem>>
      %dma_wait3A_454 = arith.constant 0 : i32
      %dma_wait3A_455 = arith.constant 0 : i32
      %dma_wait3A_456 = tpu.memref_slice %arg2[%dma_wait3A_454, %dma_wait3A_455] : memref<10000x128xf32, #tpu.memory_space<hbm>> -> memref<10000x128xf32, #tpu.memory_space<hbm>>
      tpu.wait_indirect_dma semaphore(%arg19 : memref<!tpu.dma_semaphore, #tpu.memory_space<semaphore_mem>>) src(%dma_wait3A_456 : memref<10000x128xf32, #tpu.memory_space<hbm>>) dst(%arg12 : memref<64x128xf32, #tpu.memory_space<vmem>>)
      %run_scoped3A_457 = arith.constant 1 : i32
      %run_scoped3A_458 = arith.constant 3 : i32
      "tpu.region"() ({
        %run_scoped3A_542 = tpu.sem_alloc : memref<!tpu.dma_semaphore, #tpu.memory_space<semaphore_mem>>
        %dma_start3A_543 = arith.constant 0 : i32
        %dma_start3A_544 = tpu.memref_slice %arg8[%run_scoped3A_457, %run_scoped3A_458, %dma_start3A_543] : memref<2x8x64xi32, #tpu.memory_space<vmem>> -> memref<1x1x64xi32, #tpu.memory_space<vmem>>
        %dma_start3A_545 = tpu.memref_squeeze %dma_start3A_544 : memref<1x1x64xi32, #tpu.memory_space<vmem>> -> memref<64xi32, #tpu.memory_space<vmem>>
        %dma_start3A_546 = arith.constant 0 : i32
        %dma_start3A_547 = arith.constant 0 : i32
        %dma_start3A_548 = tpu.memref_slice %arg13[%dma_start3A_546, %dma_start3A_547] : memref<10112x128xf32, #tpu.memory_space<vmem_shared>> -> memref<10112x128xf32, #tpu.memory_space<vmem_shared>>
        tpu.enqueue_indirect_dma source(%arg12 : memref<64x128xf32, #tpu.memory_space<vmem>>) target(%dma_start3A_548 : memref<10112x128xf32, #tpu.memory_space<vmem_shared>>) offsets(%dma_start3A_545 : memref<64xi32, #tpu.memory_space<vmem>>) semaphore(%run_scoped3A_542 : memref<!tpu.dma_semaphore, #tpu.memory_space<semaphore_mem>>) {add = true}
        %dma_wait3A_549 = arith.constant 0 : i32
        %dma_wait3A_550 = tpu.memref_slice %arg8[%run_scoped3A_457, %run_scoped3A_458, %dma_wait3A_549] : memref<2x8x64xi32, #tpu.memory_space<vmem>> -> memref<1x1x64xi32, #tpu.memory_space<vmem>>
        %dma_wait3A_551 = tpu.memref_squeeze %dma_wait3A_550 : memref<1x1x64xi32, #tpu.memory_space<vmem>> -> memref<64xi32, #tpu.memory_space<vmem>>
        %dma_wait3A_552 = arith.constant 0 : i32
        %dma_wait3A_553 = arith.constant 0 : i32
        %dma_wait3A_554 = tpu.memref_slice %arg13[%dma_wait3A_552, %dma_wait3A_553] : memref<10112x128xf32, #tpu.memory_space<vmem_shared>> -> memref<10112x128xf32, #tpu.memory_space<vmem_shared>>
        tpu.wait_indirect_dma semaphore(%run_scoped3A_542 : memref<!tpu.dma_semaphore, #tpu.memory_space<semaphore_mem>>) src(%arg12 : memref<64x128xf32, #tpu.memory_space<vmem>>) dst(%dma_wait3A_554 : memref<10112x128xf32, #tpu.memory_space<vmem_shared>>)
        tpu.yield
      }) : () -> ()
      %dma_start3A_459 = arith.constant 1 : i32
      %dma_start3A_460 = arith.constant 7 : i32
      %dma_start3A_461 = arith.constant 0 : i32
      %dma_start3A_462 = tpu.memref_slice %arg7[%dma_start3A_459, %dma_start3A_460, %dma_start3A_461] : memref<2x8x64xi32, #tpu.memory_space<vmem>> -> memref<1x1x64xi32, #tpu.memory_space<vmem>>
      %dma_start3A_463 = tpu.memref_squeeze %dma_start3A_462 : memref<1x1x64xi32, #tpu.memory_space<vmem>> -> memref<64xi32, #tpu.memory_space<vmem>>
      %dma_start3A_464 = arith.constant 0 : i32
      %dma_start3A_465 = arith.constant 0 : i32
      %dma_start3A_466 = tpu.memref_slice %arg2[%dma_start3A_464, %dma_start3A_465] : memref<10000x128xf32, #tpu.memory_space<hbm>> -> memref<10000x128xf32, #tpu.memory_space<hbm>>
      tpu.enqueue_indirect_dma source(%dma_start3A_466 : memref<10000x128xf32, #tpu.memory_space<hbm>>) target(%arg12 : memref<64x128xf32, #tpu.memory_space<vmem>>) offsets(%dma_start3A_463 : memref<64xi32, #tpu.memory_space<vmem>>) semaphore(%arg19 : memref<!tpu.dma_semaphore, #tpu.memory_space<semaphore_mem>>)
      %dma_wait3A_467 = arith.constant 1 : i32
      %dma_wait3A_468 = arith.constant 4 : i32
      %dma_wait3A_469 = arith.constant 0 : i32
      %dma_wait3A_470 = tpu.memref_slice %arg7[%dma_wait3A_467, %dma_wait3A_468, %dma_wait3A_469] : memref<2x8x64xi32, #tpu.memory_space<vmem>> -> memref<1x1x64xi32, #tpu.memory_space<vmem>>
      %dma_wait3A_471 = tpu.memref_squeeze %dma_wait3A_470 : memref<1x1x64xi32, #tpu.memory_space<vmem>> -> memref<64xi32, #tpu.memory_space<vmem>>
      %dma_wait3A_472 = arith.constant 0 : i32
      %dma_wait3A_473 = arith.constant 0 : i32
      %dma_wait3A_474 = tpu.memref_slice %arg2[%dma_wait3A_472, %dma_wait3A_473] : memref<10000x128xf32, #tpu.memory_space<hbm>> -> memref<10000x128xf32, #tpu.memory_space<hbm>>
      tpu.wait_indirect_dma semaphore(%arg16 : memref<!tpu.dma_semaphore, #tpu.memory_space<semaphore_mem>>) src(%dma_wait3A_474 : memref<10000x128xf32, #tpu.memory_space<hbm>>) dst(%arg9 : memref<64x128xf32, #tpu.memory_space<vmem>>)
      %run_scoped3A_475 = arith.constant 1 : i32
      %run_scoped3A_476 = arith.constant 4 : i32
      "tpu.region"() ({
        %run_scoped3A_542 = tpu.sem_alloc : memref<!tpu.dma_semaphore, #tpu.memory_space<semaphore_mem>>
        %dma_start3A_543 = arith.constant 0 : i32
        %dma_start3A_544 = tpu.memref_slice %arg8[%run_scoped3A_475, %run_scoped3A_476, %dma_start3A_543] : memref<2x8x64xi32, #tpu.memory_space<vmem>> -> memref<1x1x64xi32, #tpu.memory_space<vmem>>
        %dma_start3A_545 = tpu.memref_squeeze %dma_start3A_544 : memref<1x1x64xi32, #tpu.memory_space<vmem>> -> memref<64xi32, #tpu.memory_space<vmem>>
        %dma_start3A_546 = arith.constant 0 : i32
        %dma_start3A_547 = arith.constant 0 : i32
        %dma_start3A_548 = tpu.memref_slice %arg13[%dma_start3A_546, %dma_start3A_547] : memref<10112x128xf32, #tpu.memory_space<vmem_shared>> -> memref<10112x128xf32, #tpu.memory_space<vmem_shared>>
        tpu.enqueue_indirect_dma source(%arg9 : memref<64x128xf32, #tpu.memory_space<vmem>>) target(%dma_start3A_548 : memref<10112x128xf32, #tpu.memory_space<vmem_shared>>) offsets(%dma_start3A_545 : memref<64xi32, #tpu.memory_space<vmem>>) semaphore(%run_scoped3A_542 : memref<!tpu.dma_semaphore, #tpu.memory_space<semaphore_mem>>) {add = true}
        %dma_wait3A_549 = arith.constant 0 : i32
        %dma_wait3A_550 = tpu.memref_slice %arg8[%run_scoped3A_475, %run_scoped3A_476, %dma_wait3A_549] : memref<2x8x64xi32, #tpu.memory_space<vmem>> -> memref<1x1x64xi32, #tpu.memory_space<vmem>>
        %dma_wait3A_551 = tpu.memref_squeeze %dma_wait3A_550 : memref<1x1x64xi32, #tpu.memory_space<vmem>> -> memref<64xi32, #tpu.memory_space<vmem>>
        %dma_wait3A_552 = arith.constant 0 : i32
        %dma_wait3A_553 = arith.constant 0 : i32
        %dma_wait3A_554 = tpu.memref_slice %arg13[%dma_wait3A_552, %dma_wait3A_553] : memref<10112x128xf32, #tpu.memory_space<vmem_shared>> -> memref<10112x128xf32, #tpu.memory_space<vmem_shared>>
        tpu.wait_indirect_dma semaphore(%run_scoped3A_542 : memref<!tpu.dma_semaphore, #tpu.memory_space<semaphore_mem>>) src(%arg9 : memref<64x128xf32, #tpu.memory_space<vmem>>) dst(%dma_wait3A_554 : memref<10112x128xf32, #tpu.memory_space<vmem_shared>>)
        tpu.yield
      }) : () -> ()
      %add3A_477 = arith.constant 1 : i32
      %add3A_478 = arith.addi %add3A_387, %add3A_477 : i32
      %lt3A_479 = arith.constant 20 : i32
      %lt3A_480 = arith.cmpi slt, %add3A_478, %lt3A_479 : i32
      %convert_element_type3A_481 = arith.extui %lt3A_480 : i1 to i32
      %cond3A_482 = arith.constant 0 : i32
      %cond3A_483 = arith.cmpi ne, %convert_element_type3A_481, %cond3A_482 : i32
      scf.if %cond3A_483 {
        %add3A_542 = arith.constant 1 : i32
        %add3A_543 = arith.addi %add3A_387, %add3A_542 : i32
        %dma_wait3A_544 = arith.constant 0 : i32
        %dma_wait3A_545 = arith.constant 0 : i32
        %dma_wait3A_546 = arith.constant 0 : i32
        %dma_wait3A_547 = arith.constant 0 : i32
        %dma_wait3A_548 = tpu.memref_slice %arg7[%dma_wait3A_545, %dma_wait3A_546, %dma_wait3A_547] : memref<2x8x64xi32, #tpu.memory_space<vmem>> -> memref<1x8x64xi32, #tpu.memory_space<vmem>>
        %dma_wait3A_549 = tpu.memref_squeeze %dma_wait3A_548 : memref<1x8x64xi32, #tpu.memory_space<vmem>> -> memref<8x64xi32, #tpu.memory_space<vmem>>
        %dma_wait3A_550 = arith.constant 0 : i32
        %dma_wait3A_551 = arith.constant 0 : i32
        %dma_wait3A_552 = tpu.memref_slice %arg3[%dma_wait3A_544, %dma_wait3A_550, %dma_wait3A_551] : memref<2x5000x64xi32, #tpu.memory_space<hbm>> -> memref<1x8x64xi32, #tpu.memory_space<hbm>>
        %dma_wait3A_553 = tpu.memref_squeeze %dma_wait3A_552 : memref<1x8x64xi32, #tpu.memory_space<hbm>> -> memref<8x64xi32, #tpu.memory_space<hbm>>
        %dma_wait3A_554 = arith.constant 0 : i32
        %dma_wait3A_555 = arith.constant 0 : i32
        %dma_wait3A_556 = tpu.memref_slice %arg7[%dma_wait3A_545, %dma_wait3A_554, %dma_wait3A_555] : memref<2x8x64xi32, #tpu.memory_space<vmem>> -> memref<1x8x64xi32, #tpu.memory_space<vmem>>
        %dma_wait3A_557 = tpu.memref_squeeze %dma_wait3A_556 : memref<1x8x64xi32, #tpu.memory_space<vmem>> -> memref<8x64xi32, #tpu.memory_space<vmem>>
        %dma_wait3A_558 = arith.constant 0 : i32
        %dma_wait3A_559 = arith.constant 0 : i32
        %dma_wait3A_560 = tpu.memref_slice %arg3[%dma_wait3A_544, %dma_wait3A_558, %dma_wait3A_559] : memref<2x5000x64xi32, #tpu.memory_space<hbm>> -> memref<1x8x64xi32, #tpu.memory_space<hbm>>
        %dma_wait3A_561 = tpu.memref_squeeze %dma_wait3A_560 : memref<1x8x64xi32, #tpu.memory_space<hbm>> -> memref<8x64xi32, #tpu.memory_space<hbm>>
        tpu.wait_dma2 semaphore(%arg14 : memref<!tpu.dma_semaphore, #tpu.memory_space<semaphore_mem>>) src(%dma_wait3A_561 : memref<8x64xi32, #tpu.memory_space<hbm>>) dst(%dma_wait3A_557 : memref<8x64xi32, #tpu.memory_space<vmem>>)
        %dma_wait3A_562 = arith.constant 1 : i32
        %dma_wait3A_563 = arith.constant 0 : i32
        %dma_wait3A_564 = arith.constant 0 : i32
        %dma_wait3A_565 = arith.constant 0 : i32
        %dma_wait3A_566 = tpu.memref_slice %arg8[%dma_wait3A_563, %dma_wait3A_564, %dma_wait3A_565] : memref<2x8x64xi32, #tpu.memory_space<vmem>> -> memref<1x8x64xi32, #tpu.memory_space<vmem>>
        %dma_wait3A_567 = tpu.memref_squeeze %dma_wait3A_566 : memref<1x8x64xi32, #tpu.memory_space<vmem>> -> memref<8x64xi32, #tpu.memory_space<vmem>>
        %dma_wait3A_568 = arith.constant 0 : i32
        %dma_wait3A_569 = arith.constant 0 : i32
        %dma_wait3A_570 = tpu.memref_slice %arg3[%dma_wait3A_562, %dma_wait3A_568, %dma_wait3A_569] : memref<2x5000x64xi32, #tpu.memory_space<hbm>> -> memref<1x8x64xi32, #tpu.memory_space<hbm>>
        %dma_wait3A_571 = tpu.memref_squeeze %dma_wait3A_570 : memref<1x8x64xi32, #tpu.memory_space<hbm>> -> memref<8x64xi32, #tpu.memory_space<hbm>>
        %dma_wait3A_572 = arith.constant 0 : i32
        %dma_wait3A_573 = arith.constant 0 : i32
        %dma_wait3A_574 = tpu.memref_slice %arg8[%dma_wait3A_563, %dma_wait3A_572, %dma_wait3A_573] : memref<2x8x64xi32, #tpu.memory_space<vmem>> -> memref<1x8x64xi32, #tpu.memory_space<vmem>>
        %dma_wait3A_575 = tpu.memref_squeeze %dma_wait3A_574 : memref<1x8x64xi32, #tpu.memory_space<vmem>> -> memref<8x64xi32, #tpu.memory_space<vmem>>
        %dma_wait3A_576 = arith.constant 0 : i32
        %dma_wait3A_577 = arith.constant 0 : i32
        %dma_wait3A_578 = tpu.memref_slice %arg3[%dma_wait3A_562, %dma_wait3A_576, %dma_wait3A_577] : memref<2x5000x64xi32, #tpu.memory_space<hbm>> -> memref<1x8x64xi32, #tpu.memory_space<hbm>>
        %dma_wait3A_579 = tpu.memref_squeeze %dma_wait3A_578 : memref<1x8x64xi32, #tpu.memory_space<hbm>> -> memref<8x64xi32, #tpu.memory_space<hbm>>
        tpu.wait_dma2 semaphore(%arg14 : memref<!tpu.dma_semaphore, #tpu.memory_space<semaphore_mem>>) src(%dma_wait3A_579 : memref<8x64xi32, #tpu.memory_space<hbm>>) dst(%dma_wait3A_575 : memref<8x64xi32, #tpu.memory_space<vmem>>)
      } else {
      }
      %add3A_484 = arith.constant 1 : i32
      %add3A_485 = arith.addi %add3A_387, %add3A_484 : i32
      %lt3A_486 = arith.constant 20 : i32
      %lt3A_487 = arith.cmpi slt, %add3A_485, %lt3A_486 : i32
      %convert_element_type3A_488 = arith.extui %lt3A_487 : i1 to i32
      %cond3A_489 = arith.constant 0 : i32
      %cond3A_490 = arith.cmpi ne, %convert_element_type3A_488, %cond3A_489 : i32
      scf.if %cond3A_490 {
        %dma_start3A_542 = arith.constant 0 : i32
        %dma_start3A_543 = arith.constant 0 : i32
        %dma_start3A_544 = arith.constant 0 : i32
        %dma_start3A_545 = tpu.memref_slice %arg7[%dma_start3A_542, %dma_start3A_543, %dma_start3A_544] : memref<2x8x64xi32, #tpu.memory_space<vmem>> -> memref<1x1x64xi32, #tpu.memory_space<vmem>>
        %dma_start3A_546 = tpu.memref_squeeze %dma_start3A_545 : memref<1x1x64xi32, #tpu.memory_space<vmem>> -> memref<64xi32, #tpu.memory_space<vmem>>
        %dma_start3A_547 = arith.constant 0 : i32
        %dma_start3A_548 = arith.constant 0 : i32
        %dma_start3A_549 = tpu.memref_slice %arg2[%dma_start3A_547, %dma_start3A_548] : memref<10000x128xf32, #tpu.memory_space<hbm>> -> memref<10000x128xf32, #tpu.memory_space<hbm>>
        tpu.enqueue_indirect_dma source(%dma_start3A_549 : memref<10000x128xf32, #tpu.memory_space<hbm>>) target(%arg9 : memref<64x128xf32, #tpu.memory_space<vmem>>) offsets(%dma_start3A_546 : memref<64xi32, #tpu.memory_space<vmem>>) semaphore(%arg16 : memref<!tpu.dma_semaphore, #tpu.memory_space<semaphore_mem>>)
      } else {
      }
      %dma_wait3A_491 = arith.constant 1 : i32
      %dma_wait3A_492 = arith.constant 5 : i32
      %dma_wait3A_493 = arith.constant 0 : i32
      %dma_wait3A_494 = tpu.memref_slice %arg7[%dma_wait3A_491, %dma_wait3A_492, %dma_wait3A_493] : memref<2x8x64xi32, #tpu.memory_space<vmem>> -> memref<1x1x64xi32, #tpu.memory_space<vmem>>
      %dma_wait3A_495 = tpu.memref_squeeze %dma_wait3A_494 : memref<1x1x64xi32, #tpu.memory_space<vmem>> -> memref<64xi32, #tpu.memory_space<vmem>>
      %dma_wait3A_496 = arith.constant 0 : i32
      %dma_wait3A_497 = arith.constant 0 : i32
      %dma_wait3A_498 = tpu.memref_slice %arg2[%dma_wait3A_496, %dma_wait3A_497] : memref<10000x128xf32, #tpu.memory_space<hbm>> -> memref<10000x128xf32, #tpu.memory_space<hbm>>
      tpu.wait_indirect_dma semaphore(%arg17 : memref<!tpu.dma_semaphore, #tpu.memory_space<semaphore_mem>>) src(%dma_wait3A_498 : memref<10000x128xf32, #tpu.memory_space<hbm>>) dst(%arg10 : memref<64x128xf32, #tpu.memory_space<vmem>>)
      %run_scoped3A_499 = arith.constant 1 : i32
      %run_scoped3A_500 = arith.constant 5 : i32
      "tpu.region"() ({
        %run_scoped3A_542 = tpu.sem_alloc : memref<!tpu.dma_semaphore, #tpu.memory_space<semaphore_mem>>
        %dma_start3A_543 = arith.constant 0 : i32
        %dma_start3A_544 = tpu.memref_slice %arg8[%run_scoped3A_499, %run_scoped3A_500, %dma_start3A_543] : memref<2x8x64xi32, #tpu.memory_space<vmem>> -> memref<1x1x64xi32, #tpu.memory_space<vmem>>
        %dma_start3A_545 = tpu.memref_squeeze %dma_start3A_544 : memref<1x1x64xi32, #tpu.memory_space<vmem>> -> memref<64xi32, #tpu.memory_space<vmem>>
        %dma_start3A_546 = arith.constant 0 : i32
        %dma_start3A_547 = arith.constant 0 : i32
        %dma_start3A_548 = tpu.memref_slice %arg13[%dma_start3A_546, %dma_start3A_547] : memref<10112x128xf32, #tpu.memory_space<vmem_shared>> -> memref<10112x128xf32, #tpu.memory_space<vmem_shared>>
        tpu.enqueue_indirect_dma source(%arg10 : memref<64x128xf32, #tpu.memory_space<vmem>>) target(%dma_start3A_548 : memref<10112x128xf32, #tpu.memory_space<vmem_shared>>) offsets(%dma_start3A_545 : memref<64xi32, #tpu.memory_space<vmem>>) semaphore(%run_scoped3A_542 : memref<!tpu.dma_semaphore, #tpu.memory_space<semaphore_mem>>) {add = true}
        %dma_wait3A_549 = arith.constant 0 : i32
        %dma_wait3A_550 = tpu.memref_slice %arg8[%run_scoped3A_499, %run_scoped3A_500, %dma_wait3A_549] : memref<2x8x64xi32, #tpu.memory_space<vmem>> -> memref<1x1x64xi32, #tpu.memory_space<vmem>>
        %dma_wait3A_551 = tpu.memref_squeeze %dma_wait3A_550 : memref<1x1x64xi32, #tpu.memory_space<vmem>> -> memref<64xi32, #tpu.memory_space<vmem>>
        %dma_wait3A_552 = arith.constant 0 : i32
        %dma_wait3A_553 = arith.constant 0 : i32
        %dma_wait3A_554 = tpu.memref_slice %arg13[%dma_wait3A_552, %dma_wait3A_553] : memref<10112x128xf32, #tpu.memory_space<vmem_shared>> -> memref<10112x128xf32, #tpu.memory_space<vmem_shared>>
        tpu.wait_indirect_dma semaphore(%run_scoped3A_542 : memref<!tpu.dma_semaphore, #tpu.memory_space<semaphore_mem>>) src(%arg10 : memref<64x128xf32, #tpu.memory_space<vmem>>) dst(%dma_wait3A_554 : memref<10112x128xf32, #tpu.memory_space<vmem_shared>>)
        tpu.yield
      }) : () -> ()
      %add3A_501 = arith.constant 1 : i32
      %add3A_502 = arith.addi %add3A_387, %add3A_501 : i32
      %lt3A_503 = arith.constant 20 : i32
      %lt3A_504 = arith.cmpi slt, %add3A_502, %lt3A_503 : i32
      %convert_element_type3A_505 = arith.extui %lt3A_504 : i1 to i32
      %cond3A_506 = arith.constant 0 : i32
      %cond3A_507 = arith.cmpi ne, %convert_element_type3A_505, %cond3A_506 : i32
      scf.if %cond3A_507 {
        %dma_start3A_542 = arith.constant 0 : i32
        %dma_start3A_543 = arith.constant 1 : i32
        %dma_start3A_544 = arith.constant 0 : i32
        %dma_start3A_545 = tpu.memref_slice %arg7[%dma_start3A_542, %dma_start3A_543, %dma_start3A_544] : memref<2x8x64xi32, #tpu.memory_space<vmem>> -> memref<1x1x64xi32, #tpu.memory_space<vmem>>
        %dma_start3A_546 = tpu.memref_squeeze %dma_start3A_545 : memref<1x1x64xi32, #tpu.memory_space<vmem>> -> memref<64xi32, #tpu.memory_space<vmem>>
        %dma_start3A_547 = arith.constant 0 : i32
        %dma_start3A_548 = arith.constant 0 : i32
        %dma_start3A_549 = tpu.memref_slice %arg2[%dma_start3A_547, %dma_start3A_548] : memref<10000x128xf32, #tpu.memory_space<hbm>> -> memref<10000x128xf32, #tpu.memory_space<hbm>>
        tpu.enqueue_indirect_dma source(%dma_start3A_549 : memref<10000x128xf32, #tpu.memory_space<hbm>>) target(%arg10 : memref<64x128xf32, #tpu.memory_space<vmem>>) offsets(%dma_start3A_546 : memref<64xi32, #tpu.memory_space<vmem>>) semaphore(%arg17 : memref<!tpu.dma_semaphore, #tpu.memory_space<semaphore_mem>>)
      } else {
      }
      %dma_wait3A_508 = arith.constant 1 : i32
      %dma_wait3A_509 = arith.constant 6 : i32
      %dma_wait3A_510 = arith.constant 0 : i32
      %dma_wait3A_511 = tpu.memref_slice %arg7[%dma_wait3A_508, %dma_wait3A_509, %dma_wait3A_510] : memref<2x8x64xi32, #tpu.memory_space<vmem>> -> memref<1x1x64xi32, #tpu.memory_space<vmem>>
      %dma_wait3A_512 = tpu.memref_squeeze %dma_wait3A_511 : memref<1x1x64xi32, #tpu.memory_space<vmem>> -> memref<64xi32, #tpu.memory_space<vmem>>
      %dma_wait3A_513 = arith.constant 0 : i32
      %dma_wait3A_514 = arith.constant 0 : i32
      %dma_wait3A_515 = tpu.memref_slice %arg2[%dma_wait3A_513, %dma_wait3A_514] : memref<10000x128xf32, #tpu.memory_space<hbm>> -> memref<10000x128xf32, #tpu.memory_space<hbm>>
      tpu.wait_indirect_dma semaphore(%arg18 : memref<!tpu.dma_semaphore, #tpu.memory_space<semaphore_mem>>) src(%dma_wait3A_515 : memref<10000x128xf32, #tpu.memory_space<hbm>>) dst(%arg11 : memref<64x128xf32, #tpu.memory_space<vmem>>)
      %run_scoped3A_516 = arith.constant 1 : i32
      %run_scoped3A_517 = arith.constant 6 : i32
      "tpu.region"() ({
        %run_scoped3A_542 = tpu.sem_alloc : memref<!tpu.dma_semaphore, #tpu.memory_space<semaphore_mem>>
        %dma_start3A_543 = arith.constant 0 : i32
        %dma_start3A_544 = tpu.memref_slice %arg8[%run_scoped3A_516, %run_scoped3A_517, %dma_start3A_543] : memref<2x8x64xi32, #tpu.memory_space<vmem>> -> memref<1x1x64xi32, #tpu.memory_space<vmem>>
        %dma_start3A_545 = tpu.memref_squeeze %dma_start3A_544 : memref<1x1x64xi32, #tpu.memory_space<vmem>> -> memref<64xi32, #tpu.memory_space<vmem>>
        %dma_start3A_546 = arith.constant 0 : i32
        %dma_start3A_547 = arith.constant 0 : i32
        %dma_start3A_548 = tpu.memref_slice %arg13[%dma_start3A_546, %dma_start3A_547] : memref<10112x128xf32, #tpu.memory_space<vmem_shared>> -> memref<10112x128xf32, #tpu.memory_space<vmem_shared>>
        tpu.enqueue_indirect_dma source(%arg11 : memref<64x128xf32, #tpu.memory_space<vmem>>) target(%dma_start3A_548 : memref<10112x128xf32, #tpu.memory_space<vmem_shared>>) offsets(%dma_start3A_545 : memref<64xi32, #tpu.memory_space<vmem>>) semaphore(%run_scoped3A_542 : memref<!tpu.dma_semaphore, #tpu.memory_space<semaphore_mem>>) {add = true}
        %dma_wait3A_549 = arith.constant 0 : i32
        %dma_wait3A_550 = tpu.memref_slice %arg8[%run_scoped3A_516, %run_scoped3A_517, %dma_wait3A_549] : memref<2x8x64xi32, #tpu.memory_space<vmem>> -> memref<1x1x64xi32, #tpu.memory_space<vmem>>
        %dma_wait3A_551 = tpu.memref_squeeze %dma_wait3A_550 : memref<1x1x64xi32, #tpu.memory_space<vmem>> -> memref<64xi32, #tpu.memory_space<vmem>>
        %dma_wait3A_552 = arith.constant 0 : i32
        %dma_wait3A_553 = arith.constant 0 : i32
        %dma_wait3A_554 = tpu.memref_slice %arg13[%dma_wait3A_552, %dma_wait3A_553] : memref<10112x128xf32, #tpu.memory_space<vmem_shared>> -> memref<10112x128xf32, #tpu.memory_space<vmem_shared>>
        tpu.wait_indirect_dma semaphore(%run_scoped3A_542 : memref<!tpu.dma_semaphore, #tpu.memory_space<semaphore_mem>>) src(%arg11 : memref<64x128xf32, #tpu.memory_space<vmem>>) dst(%dma_wait3A_554 : memref<10112x128xf32, #tpu.memory_space<vmem_shared>>)
        tpu.yield
      }) : () -> ()
      %add3A_518 = arith.constant 1 : i32
      %add3A_519 = arith.addi %add3A_387, %add3A_518 : i32
      %lt3A_520 = arith.constant 20 : i32
      %lt3A_521 = arith.cmpi slt, %add3A_519, %lt3A_520 : i32
      %convert_element_type3A_522 = arith.extui %lt3A_521 : i1 to i32
      %cond3A_523 = arith.constant 0 : i32
      %cond3A_524 = arith.cmpi ne, %convert_element_type3A_522, %cond3A_523 : i32
      scf.if %cond3A_524 {
        %dma_start3A_542 = arith.constant 0 : i32
        %dma_start3A_543 = arith.constant 2 : i32
        %dma_start3A_544 = arith.constant 0 : i32
        %dma_start3A_545 = tpu.memref_slice %arg7[%dma_start3A_542, %dma_start3A_543, %dma_start3A_544] : memref<2x8x64xi32, #tpu.memory_space<vmem>> -> memref<1x1x64xi32, #tpu.memory_space<vmem>>
        %dma_start3A_546 = tpu.memref_squeeze %dma_start3A_545 : memref<1x1x64xi32, #tpu.memory_space<vmem>> -> memref<64xi32, #tpu.memory_space<vmem>>
        %dma_start3A_547 = arith.constant 0 : i32
        %dma_start3A_548 = arith.constant 0 : i32
        %dma_start3A_549 = tpu.memref_slice %arg2[%dma_start3A_547, %dma_start3A_548] : memref<10000x128xf32, #tpu.memory_space<hbm>> -> memref<10000x128xf32, #tpu.memory_space<hbm>>
        tpu.enqueue_indirect_dma source(%dma_start3A_549 : memref<10000x128xf32, #tpu.memory_space<hbm>>) target(%arg11 : memref<64x128xf32, #tpu.memory_space<vmem>>) offsets(%dma_start3A_546 : memref<64xi32, #tpu.memory_space<vmem>>) semaphore(%arg18 : memref<!tpu.dma_semaphore, #tpu.memory_space<semaphore_mem>>)
      } else {
      }
      %dma_wait3A_525 = arith.constant 1 : i32
      %dma_wait3A_526 = arith.constant 7 : i32
      %dma_wait3A_527 = arith.constant 0 : i32
      %dma_wait3A_528 = tpu.memref_slice %arg7[%dma_wait3A_525, %dma_wait3A_526, %dma_wait3A_527] : memref<2x8x64xi32, #tpu.memory_space<vmem>> -> memref<1x1x64xi32, #tpu.memory_space<vmem>>
      %dma_wait3A_529 = tpu.memref_squeeze %dma_wait3A_528 : memref<1x1x64xi32, #tpu.memory_space<vmem>> -> memref<64xi32, #tpu.memory_space<vmem>>
      %dma_wait3A_530 = arith.constant 0 : i32
      %dma_wait3A_531 = arith.constant 0 : i32
      %dma_wait3A_532 = tpu.memref_slice %arg2[%dma_wait3A_530, %dma_wait3A_531] : memref<10000x128xf32, #tpu.memory_space<hbm>> -> memref<10000x128xf32, #tpu.memory_space<hbm>>
      tpu.wait_indirect_dma semaphore(%arg19 : memref<!tpu.dma_semaphore, #tpu.memory_space<semaphore_mem>>) src(%dma_wait3A_532 : memref<10000x128xf32, #tpu.memory_space<hbm>>) dst(%arg12 : memref<64x128xf32, #tpu.memory_space<vmem>>)
      %run_scoped3A_533 = arith.constant 1 : i32
      %run_scoped3A_534 = arith.constant 7 : i32
      "tpu.region"() ({
        %run_scoped3A_542 = tpu.sem_alloc : memref<!tpu.dma_semaphore, #tpu.memory_space<semaphore_mem>>
        %dma_start3A_543 = arith.constant 0 : i32
        %dma_start3A_544 = tpu.memref_slice %arg8[%run_scoped3A_533, %run_scoped3A_534, %dma_start3A_543] : memref<2x8x64xi32, #tpu.memory_space<vmem>> -> memref<1x1x64xi32, #tpu.memory_space<vmem>>
        %dma_start3A_545 = tpu.memref_squeeze %dma_start3A_544 : memref<1x1x64xi32, #tpu.memory_space<vmem>> -> memref<64xi32, #tpu.memory_space<vmem>>
        %dma_start3A_546 = arith.constant 0 : i32
        %dma_start3A_547 = arith.constant 0 : i32
        %dma_start3A_548 = tpu.memref_slice %arg13[%dma_start3A_546, %dma_start3A_547] : memref<10112x128xf32, #tpu.memory_space<vmem_shared>> -> memref<10112x128xf32, #tpu.memory_space<vmem_shared>>
        tpu.enqueue_indirect_dma source(%arg12 : memref<64x128xf32, #tpu.memory_space<vmem>>) target(%dma_start3A_548 : memref<10112x128xf32, #tpu.memory_space<vmem_shared>>) offsets(%dma_start3A_545 : memref<64xi32, #tpu.memory_space<vmem>>) semaphore(%run_scoped3A_542 : memref<!tpu.dma_semaphore, #tpu.memory_space<semaphore_mem>>) {add = true}
        %dma_wait3A_549 = arith.constant 0 : i32
        %dma_wait3A_550 = tpu.memref_slice %arg8[%run_scoped3A_533, %run_scoped3A_534, %dma_wait3A_549] : memref<2x8x64xi32, #tpu.memory_space<vmem>> -> memref<1x1x64xi32, #tpu.memory_space<vmem>>
        %dma_wait3A_551 = tpu.memref_squeeze %dma_wait3A_550 : memref<1x1x64xi32, #tpu.memory_space<vmem>> -> memref<64xi32, #tpu.memory_space<vmem>>
        %dma_wait3A_552 = arith.constant 0 : i32
        %dma_wait3A_553 = arith.constant 0 : i32
        %dma_wait3A_554 = tpu.memref_slice %arg13[%dma_wait3A_552, %dma_wait3A_553] : memref<10112x128xf32, #tpu.memory_space<vmem_shared>> -> memref<10112x128xf32, #tpu.memory_space<vmem_shared>>
        tpu.wait_indirect_dma semaphore(%run_scoped3A_542 : memref<!tpu.dma_semaphore, #tpu.memory_space<semaphore_mem>>) src(%arg12 : memref<64x128xf32, #tpu.memory_space<vmem>>) dst(%dma_wait3A_554 : memref<10112x128xf32, #tpu.memory_space<vmem_shared>>)
        tpu.yield
      }) : () -> ()
      %add3A_535 = arith.constant 1 : i32
      %add3A_536 = arith.addi %add3A_387, %add3A_535 : i32
      %lt3A_537 = arith.constant 20 : i32
      %lt3A_538 = arith.cmpi slt, %add3A_536, %lt3A_537 : i32
      %convert_element_type3A_539 = arith.extui %lt3A_538 : i1 to i32
      %cond3A_540 = arith.constant 0 : i32
      %cond3A_541 = arith.cmpi ne, %convert_element_type3A_539, %cond3A_540 : i32
      scf.if %cond3A_541 {
        %dma_start3A_542 = arith.constant 0 : i32
        %dma_start3A_543 = arith.constant 3 : i32
        %dma_start3A_544 = arith.constant 0 : i32
        %dma_start3A_545 = tpu.memref_slice %arg7[%dma_start3A_542, %dma_start3A_543, %dma_start3A_544] : memref<2x8x64xi32, #tpu.memory_space<vmem>> -> memref<1x1x64xi32, #tpu.memory_space<vmem>>
        %dma_start3A_546 = tpu.memref_squeeze %dma_start3A_545 : memref<1x1x64xi32, #tpu.memory_space<vmem>> -> memref<64xi32, #tpu.memory_space<vmem>>
        %dma_start3A_547 = arith.constant 0 : i32
        %dma_start3A_548 = arith.constant 0 : i32
        %dma_start3A_549 = tpu.memref_slice %arg2[%dma_start3A_547, %dma_start3A_548] : memref<10000x128xf32, #tpu.memory_space<hbm>> -> memref<10000x128xf32, #tpu.memory_space<hbm>>
        tpu.enqueue_indirect_dma source(%dma_start3A_549 : memref<10000x128xf32, #tpu.memory_space<hbm>>) target(%arg12 : memref<64x128xf32, #tpu.memory_space<vmem>>) offsets(%dma_start3A_546 : memref<64xi32, #tpu.memory_space<vmem>>) semaphore(%arg19 : memref<!tpu.dma_semaphore, #tpu.memory_space<semaphore_mem>>)
      } else {
      }
    }
    %scan3A_222 = arith.constant 10 : i32
    %barrier3A_223 = arith.constant 0 : index
    tpu.barrier barrier_id(%barrier3A_223)
    %mul3A_224 = arith.constant 632 : i32
    %mul3A_225 = arith.muli %arg1, %mul3A_224 : i32
    "tpu.region"() ({
      %run_scoped3A = tpu.sem_alloc : memref<!tpu.dma_semaphore, #tpu.memory_space<semaphore_mem>>
      %dma_start3A_226 = arith.constant 0 : i32
      %dma_start3A_227 = tpu.memref_slice %arg6[%arg0, %mul3A_225, %dma_start3A_226] : memref<2x10112x128xf32, #tpu.memory_space<hbm>> -> memref<1x632x128xf32, #tpu.memory_space<hbm>>
      %dma_start3A_228 = tpu.memref_squeeze %dma_start3A_227 : memref<1x632x128xf32, #tpu.memory_space<hbm>> -> memref<632x128xf32, #tpu.memory_space<hbm>>
      %dma_start3A_229 = arith.constant 0 : i32
      %dma_start3A_230 = tpu.memref_slice %arg13[%mul3A_225, %dma_start3A_229] : memref<10112x128xf32, #tpu.memory_space<vmem_shared>> -> memref<632x128xf32, #tpu.memory_space<vmem_shared>>
      tpu.enqueue_dma source(%dma_start3A_230 : memref<632x128xf32, #tpu.memory_space<vmem_shared>>) target(%dma_start3A_228 : memref<632x128xf32, #tpu.memory_space<hbm>>) target_semaphore(%run_scoped3A : memref<!tpu.dma_semaphore, #tpu.memory_space<semaphore_mem>>)
      %dma_wait3A_231 = arith.constant 0 : i32
      %dma_wait3A_232 = tpu.memref_slice %arg6[%arg0, %mul3A_225, %dma_wait3A_231] : memref<2x10112x128xf32, #tpu.memory_space<hbm>> -> memref<1x632x128xf32, #tpu.memory_space<hbm>>
      %dma_wait3A_233 = tpu.memref_squeeze %dma_wait3A_232 : memref<1x632x128xf32, #tpu.memory_space<hbm>> -> memref<632x128xf32, #tpu.memory_space<hbm>>
      %dma_wait3A_234 = arith.constant 0 : i32
      %dma_wait3A_235 = tpu.memref_slice %arg13[%mul3A_225, %dma_wait3A_234] : memref<10112x128xf32, #tpu.memory_space<vmem_shared>> -> memref<632x128xf32, #tpu.memory_space<vmem_shared>>
      tpu.wait_dma2 semaphore(%run_scoped3A : memref<!tpu.dma_semaphore, #tpu.memory_space<semaphore_mem>>) src(%dma_wait3A_235 : memref<632x128xf32, #tpu.memory_space<vmem_shared>>) dst(%dma_wait3A_233 : memref<632x128xf32, #tpu.memory_space<hbm>>)
      tpu.yield
    }) : () -> ()
    return
  }
}

#map = affine_map<(d0, d1) -> (0, 0)>
#map1 = affine_map<(d0, d1) -> (0, 0, 0)>
module attributes {stable_mosaic.version = 14 : i64} {
  func.func @k(%arg0: i32, %arg1: i32, %arg2: memref<10000x128xf32, #tpu.memory_space<hbm>>, %arg3: memref<2x5000x64xi32, #tpu.memory_space<hbm>>, %arg4: memref<120x64xi32, #tpu.memory_space<hbm>>, %arg5: memref<120x64xi32, #tpu.memory_space<hbm>>, %arg6: memref<2x10112x128xf32, #tpu.memory_space<hbm>>, %arg7: memref<2x8x64xi32, #tpu.memory_space<vmem>>, %arg8: memref<2x8x64xi32, #tpu.memory_space<vmem>>, %arg9: memref<64x128xf32, #tpu.memory_space<vmem>>, %arg10: memref<64x128xf32, #tpu.memory_space<vmem>>, %arg11: memref<64x128xf32, #tpu.memory_space<vmem>>, %arg12: memref<64x128xf32, #tpu.memory_space<vmem>>, %arg13: memref<10112x128xf32, #tpu.memory_space<vmem_shared>>, %arg14: memref<!tpu.dma_semaphore, #tpu.memory_space<semaphore_mem>>, %arg15: memref<!tpu.dma_semaphore, #tpu.memory_space<semaphore_mem>>, %arg16: memref<!tpu.dma_semaphore, #tpu.memory_space<semaphore_mem>>, %arg17: memref<!tpu.dma_semaphore, #tpu.memory_space<semaphore_mem>>, %arg18: memref<!tpu.dma_semaphore, #tpu.memory_space<semaphore_mem>>, %arg19: memref<!tpu.dma_semaphore, #tpu.memory_space<semaphore_mem>>, %arg20: memref<!tpu.dma_semaphore, #tpu.memory_space<semaphore_mem>>) attributes {dimension_semantics = [#tpu.dimension_semantics<core_parallel>, #tpu.dimension_semantics<subcore_parallel>], iteration_bounds = array<i64: 2, 16>, scalar_prefetch = 0 : i64, scratch_operands = 14 : i64, tpu.core_type = #tpu.core_type<sc_vector_subcore>, window_params = [{transform_indices = #map}, {transform_indices = #map1}, {transform_indices = #map}, {transform_indices = #map}, {transform_indices = #map1}]} {
    %mul3A = arith.constant 16 : i32
    %mul3A_0 = arith.muli %arg0, %mul3A : i32
    %add3A = arith.addi %mul3A_0, %arg1 : i32
    %mul3A_1 = arith.constant 160 : i32
    %mul3A_2 = arith.muli %add3A, %mul3A_1 : i32
    %add3A_3 = arith.constant 0 : i32
    %add3A_4 = arith.addi %mul3A_2, %add3A_3 : i32
    %lt3A = arith.constant 5000 : i32
    %lt3A_5 = arith.cmpi slt, %add3A_4, %lt3A : i32
    %convert_element_type3A = arith.extui %lt3A_5 : i1 to i32
    %cond3A = arith.constant 0 : i32
    %cond3A_6 = arith.cmpi ne, %convert_element_type3A, %cond3A : i32
    scf.if %cond3A_6 {
      %multiple_of3A = tpu.assume_multiple %add3A_4, 8 : i32
      %dma_start3A_226 = arith.constant 0 : i32
      %dma_start3A_227 = arith.constant 0 : i32
      %dma_start3A_228 = arith.constant 0 : i32
      %dma_start3A_229 = arith.constant 0 : i32
      %dma_start3A_230 = tpu.memref_slice %arg7[%dma_start3A_227, %dma_start3A_228, %dma_start3A_229] : memref<2x8x64xi32, #tpu.memory_space<vmem>> -> memref<1x8x64xi32, #tpu.memory_space<vmem>>
      %dma_start3A_231 = tpu.memref_squeeze %dma_start3A_230 : memref<1x8x64xi32, #tpu.memory_space<vmem>> -> memref<8x64xi32, #tpu.memory_space<vmem>>
      %dma_start3A_232 = arith.constant 0 : i32
      %dma_start3A_233 = tpu.memref_slice %arg3[%dma_start3A_226, %multiple_of3A, %dma_start3A_232] : memref<2x5000x64xi32, #tpu.memory_space<hbm>> -> memref<1x8x64xi32, #tpu.memory_space<hbm>>
      %dma_start3A_234 = tpu.memref_squeeze %dma_start3A_233 : memref<1x8x64xi32, #tpu.memory_space<hbm>> -> memref<8x64xi32, #tpu.memory_space<hbm>>
      %dma_start3A_235 = arith.constant 0 : i32
      %dma_start3A_236 = arith.constant 0 : i32
      %dma_start3A_237 = tpu.memref_slice %arg7[%dma_start3A_227, %dma_start3A_235, %dma_start3A_236] : memref<2x8x64xi32, #tpu.memory_space<vmem>> -> memref<1x8x64xi32, #tpu.memory_space<vmem>>
      %dma_start3A_238 = tpu.memref_squeeze %dma_start3A_237 : memref<1x8x64xi32, #tpu.memory_space<vmem>> -> memref<8x64xi32, #tpu.memory_space<vmem>>
      %dma_start3A_239 = arith.constant 0 : i32
      %dma_start3A_240 = tpu.memref_slice %arg3[%dma_start3A_226, %multiple_of3A, %dma_start3A_239] : memref<2x5000x64xi32, #tpu.memory_space<hbm>> -> memref<1x8x64xi32, #tpu.memory_space<hbm>>
      %dma_start3A_241 = tpu.memref_squeeze %dma_start3A_240 : memref<1x8x64xi32, #tpu.memory_space<hbm>> -> memref<8x64xi32, #tpu.memory_space<hbm>>
      tpu.enqueue_dma source(%dma_start3A_241 : memref<8x64xi32, #tpu.memory_space<hbm>>) target(%dma_start3A_238 : memref<8x64xi32, #tpu.memory_space<vmem>>) target_semaphore(%arg14 : memref<!tpu.dma_semaphore, #tpu.memory_space<semaphore_mem>>)
      %dma_start3A_242 = arith.constant 1 : i32
      %dma_start3A_243 = arith.constant 0 : i32
      %dma_start3A_244 = arith.constant 0 : i32
      %dma_start3A_245 = arith.constant 0 : i32
      %dma_start3A_246 = tpu.memref_slice %arg8[%dma_start3A_243, %dma_start3A_244, %dma_start3A_245] : memref<2x8x64xi32, #tpu.memory_space<vmem>> -> memref<1x8x64xi32, #tpu.memory_space<vmem>>
      %dma_start3A_247 = tpu.memref_squeeze %dma_start3A_246 : memref<1x8x64xi32, #tpu.memory_space<vmem>> -> memref<8x64xi32, #tpu.memory_space<vmem>>
      %dma_start3A_248 = arith.constant 0 : i32
      %dma_start3A_249 = tpu.memref_slice %arg3[%dma_start3A_242, %multiple_of3A, %dma_start3A_248] : memref<2x5000x64xi32, #tpu.memory_space<hbm>> -> memref<1x8x64xi32, #tpu.memory_space<hbm>>
      %dma_start3A_250 = tpu.memref_squeeze %dma_start3A_249 : memref<1x8x64xi32, #tpu.memory_space<hbm>> -> memref<8x64xi32, #tpu.memory_space<hbm>>
      %dma_start3A_251 = arith.constant 0 : i32
      %dma_start3A_252 = arith.constant 0 : i32
      %dma_start3A_253 = tpu.memref_slice %arg8[%dma_start3A_243, %dma_start3A_251, %dma_start3A_252] : memref<2x8x64xi32, #tpu.memory_space<vmem>> -> memref<1x8x64xi32, #tpu.memory_space<vmem>>
      %dma_start3A_254 = tpu.memref_squeeze %dma_start3A_253 : memref<1x8x64xi32, #tpu.memory_space<vmem>> -> memref<8x64xi32, #tpu.memory_space<vmem>>
      %dma_start3A_255 = arith.constant 0 : i32
      %dma_start3A_256 = tpu.memref_slice %arg3[%dma_start3A_242, %multiple_of3A, %dma_start3A_255] : memref<2x5000x64xi32, #tpu.memory_space<hbm>> -> memref<1x8x64xi32, #tpu.memory_space<hbm>>
      %dma_start3A_257 = tpu.memref_squeeze %dma_start3A_256 : memref<1x8x64xi32, #tpu.memory_space<hbm>> -> memref<8x64xi32, #tpu.memory_space<hbm>>
      tpu.enqueue_dma source(%dma_start3A_257 : memref<8x64xi32, #tpu.memory_space<hbm>>) target(%dma_start3A_254 : memref<8x64xi32, #tpu.memory_space<vmem>>) target_semaphore(%arg14 : memref<!tpu.dma_semaphore, #tpu.memory_space<semaphore_mem>>)
    } else {
    }
    %ge3A = arith.constant 5000 : i32
    %ge3A_7 = arith.cmpi sge, %add3A_4, %ge3A : i32
    %convert_element_type3A_8 = arith.extui %ge3A_7 : i1 to i32
    %cond3A_9 = arith.constant 0 : i32
    %cond3A_10 = arith.cmpi ne, %convert_element_type3A_8, %cond3A_9 : i32
    scf.if %cond3A_10 {
      %sub3A_226 = arith.constant 5000 : i32
      %sub3A_227 = arith.subi %add3A_4, %sub3A_226 : i32
      %multiple_of3A = tpu.assume_multiple %sub3A_227, 8 : i32
      %dma_start3A_228 = arith.constant 0 : i32
      %dma_start3A_229 = arith.constant 0 : i32
      %dma_start3A_230 = arith.constant 0 : i32
      %dma_start3A_231 = tpu.memref_slice %arg7[%dma_start3A_228, %dma_start3A_229, %dma_start3A_230] : memref<2x8x64xi32, #tpu.memory_space<vmem>> -> memref<1x8x64xi32, #tpu.memory_space<vmem>>
      %dma_start3A_232 = tpu.memref_squeeze %dma_start3A_231 : memref<1x8x64xi32, #tpu.memory_space<vmem>> -> memref<8x64xi32, #tpu.memory_space<vmem>>
      %dma_start3A_233 = arith.constant 0 : i32
      %dma_start3A_234 = tpu.memref_slice %arg4[%multiple_of3A, %dma_start3A_233] : memref<120x64xi32, #tpu.memory_space<hbm>> -> memref<8x64xi32, #tpu.memory_space<hbm>>
      %dma_start3A_235 = arith.constant 0 : i32
      %dma_start3A_236 = arith.constant 0 : i32
      %dma_start3A_237 = tpu.memref_slice %arg7[%dma_start3A_228, %dma_start3A_235, %dma_start3A_236] : memref<2x8x64xi32, #tpu.memory_space<vmem>> -> memref<1x8x64xi32, #tpu.memory_space<vmem>>
      %dma_start3A_238 = tpu.memref_squeeze %dma_start3A_237 : memref<1x8x64xi32, #tpu.memory_space<vmem>> -> memref<8x64xi32, #tpu.memory_space<vmem>>
      %dma_start3A_239 = arith.constant 0 : i32
      %dma_start3A_240 = tpu.memref_slice %arg4[%multiple_of3A, %dma_start3A_239] : memref<120x64xi32, #tpu.memory_space<hbm>> -> memref<8x64xi32, #tpu.memory_space<hbm>>
      tpu.enqueue_dma source(%dma_start3A_240 : memref<8x64xi32, #tpu.memory_space<hbm>>) target(%dma_start3A_238 : memref<8x64xi32, #tpu.memory_space<vmem>>) target_semaphore(%arg14 : memref<!tpu.dma_semaphore, #tpu.memory_space<semaphore_mem>>)
      %dma_start3A_241 = arith.constant 0 : i32
      %dma_start3A_242 = arith.constant 0 : i32
      %dma_start3A_243 = arith.constant 0 : i32
      %dma_start3A_244 = tpu.memref_slice %arg8[%dma_start3A_241, %dma_start3A_242, %dma_start3A_243] : memref<2x8x64xi32, #tpu.memory_space<vmem>> -> memref<1x8x64xi32, #tpu.memory_space<vmem>>
      %dma_start3A_245 = tpu.memref_squeeze %dma_start3A_244 : memref<1x8x64xi32, #tpu.memory_space<vmem>> -> memref<8x64xi32, #tpu.memory_space<vmem>>
      %dma_start3A_246 = arith.constant 0 : i32
      %dma_start3A_247 = tpu.memref_slice %arg5[%multiple_of3A, %dma_start3A_246] : memref<120x64xi32, #tpu.memory_space<hbm>> -> memref<8x64xi32, #tpu.memory_space<hbm>>
      %dma_start3A_248 = arith.constant 0 : i32
      %dma_start3A_249 = arith.constant 0 : i32
      %dma_start3A_250 = tpu.memref_slice %arg8[%dma_start3A_241, %dma_start3A_248, %dma_start3A_249] : memref<2x8x64xi32, #tpu.memory_space<vmem>> -> memref<1x8x64xi32, #tpu.memory_space<vmem>>
      %dma_start3A_251 = tpu.memref_squeeze %dma_start3A_250 : memref<1x8x64xi32, #tpu.memory_space<vmem>> -> memref<8x64xi32, #tpu.memory_space<vmem>>
      %dma_start3A_252 = arith.constant 0 : i32
      %dma_start3A_253 = tpu.memref_slice %arg5[%multiple_of3A, %dma_start3A_252] : memref<120x64xi32, #tpu.memory_space<hbm>> -> memref<8x64xi32, #tpu.memory_space<hbm>>
      tpu.enqueue_dma source(%dma_start3A_253 : memref<8x64xi32, #tpu.memory_space<hbm>>) target(%dma_start3A_251 : memref<8x64xi32, #tpu.memory_space<vmem>>) target_semaphore(%arg14 : memref<!tpu.dma_semaphore, #tpu.memory_space<semaphore_mem>>)
    } else {
    }
    %scan3A = arith.constant 0 : i32
    %scan3A_11 = arith.constant 64 : i32
    %scan3A_12 = arith.addi %scan3A, %scan3A_11 : i32
    %scan3A_13 = arith.constant 1 : i32
    scf.for %scan3A_226 = %scan3A to %scan3A_12 step %scan3A_13  : i32 {
      %mul3A_227 = arith.constant 1 : i32
      %mul3A_228 = arith.muli %scan3A_226, %mul3A_227 : i32
      %add3A_229 = arith.constant 0 : i32
      %add3A_230 = arith.addi %add3A_229, %mul3A_228 : i32
      %scan3A_231 = arith.constant 0 : i32
      %scan3A_232 = arith.constant 8 : i32
      %scan3A_233 = arith.addi %scan3A_231, %scan3A_232 : i32
      %scan3A_234 = arith.constant 1 : i32
      scf.for %scan3A_236 = %scan3A_231 to %scan3A_233 step %scan3A_234  : i32 {
        %mul3A_237 = arith.constant 16 : i32
        %mul3A_238 = arith.muli %scan3A_236, %mul3A_237 : i32
        %add3A_239 = arith.constant 0 : i32
        %add3A_240 = arith.addi %add3A_239, %mul3A_238 : i32
        %broadcast_in_dim3A = arith.constant 0.000000e+00 : f32
        %broadcast_in_dim3A_241 = vector.broadcast %broadcast_in_dim3A : f32 to vector<16xf32>
        %swap3A = arith.index_cast %add3A_230 : i32 to index
        %swap3A_242 = arith.index_cast %add3A_240 : i32 to index
        %swap3A_243 = tpu.vector_load %arg12[%swap3A, %swap3A_242] {strides = array<i32>} : memref<64x128xf32, #tpu.memory_space<vmem>>, vector<1x16xf32>,
        %swap3A_244 = vector.shape_cast %swap3A_243 : vector<1x16xf32> to vector<16xf32>
        %swap3A_245 = vector.shape_cast %broadcast_in_dim3A_241 : vector<16xf32> to vector<1x16xf32>
        tpu.vector_store %arg12[%swap3A, %swap3A_242], %swap3A_245 {strides = array<i32>} : memref<64x128xf32, #tpu.memory_space<vmem>>, vector<1x16xf32>,
      }
      %scan3A_235 = arith.constant 8 : i32
    }
    %scan3A_14 = arith.constant 64 : i32
    %mul3A_15 = arith.constant 632 : i32
    %mul3A_16 = arith.muli %arg1, %mul3A_15 : i32
    %add3A_17 = arith.constant 0 : i32
    %add3A_18 = arith.addi %mul3A_16, %add3A_17 : i32
    %dma_start3A = arith.constant 0 : i32
    %dma_start3A_19 = tpu.memref_slice %arg13[%add3A_18, %dma_start3A] : memref<10112x128xf32, #tpu.memory_space<vmem_shared>> -> memref<64x128xf32, #tpu.memory_space<vmem_shared>>
    %dma_start3A_20 = arith.constant 0 : i32
    %dma_start3A_21 = tpu.memref_slice %arg13[%add3A_18, %dma_start3A_20] : memref<10112x128xf32, #tpu.memory_space<vmem_shared>> -> memref<64x128xf32, #tpu.memory_space<vmem_shared>>
    tpu.enqueue_dma source(%arg12 : memref<64x128xf32, #tpu.memory_space<vmem>>) target(%dma_start3A_21 : memref<64x128xf32, #tpu.memory_space<vmem_shared>>) target_semaphore(%arg20 : memref<!tpu.dma_semaphore, #tpu.memory_space<semaphore_mem>>)
    %add3A_22 = arith.constant 64 : i32
    %add3A_23 = arith.addi %mul3A_16, %add3A_22 : i32
    %dma_start3A_24 = arith.constant 0 : i32
    %dma_start3A_25 = tpu.memref_slice %arg13[%add3A_23, %dma_start3A_24] : memref<10112x128xf32, #tpu.memory_space<vmem_shared>> -> memref<64x128xf32, #tpu.memory_space<vmem_shared>>
    %dma_start3A_26 = arith.constant 0 : i32
    %dma_start3A_27 = tpu.memref_slice %arg13[%add3A_23, %dma_start3A_26] : memref<10112x128xf32, #tpu.memory_space<vmem_shared>> -> memref<64x128xf32, #tpu.memory_space<vmem_shared>>
    tpu.enqueue_dma source(%arg12 : memref<64x128xf32, #tpu.memory_space<vmem>>) target(%dma_start3A_27 : memref<64x128xf32, #tpu.memory_space<vmem_shared>>) target_semaphore(%arg20 : memref<!tpu.dma_semaphore, #tpu.memory_space<semaphore_mem>>)
    %add3A_28 = arith.constant 128 : i32
    %add3A_29 = arith.addi %mul3A_16, %add3A_28 : i32
    %dma_start3A_30 = arith.constant 0 : i32
    %dma_start3A_31 = tpu.memref_slice %arg13[%add3A_29, %dma_start3A_30] : memref<10112x128xf32, #tpu.memory_space<vmem_shared>> -> memref<64x128xf32, #tpu.memory_space<vmem_shared>>
    %dma_start3A_32 = arith.constant 0 : i32
    %dma_start3A_33 = tpu.memref_slice %arg13[%add3A_29, %dma_start3A_32] : memref<10112x128xf32, #tpu.memory_space<vmem_shared>> -> memref<64x128xf32, #tpu.memory_space<vmem_shared>>
    tpu.enqueue_dma source(%arg12 : memref<64x128xf32, #tpu.memory_space<vmem>>) target(%dma_start3A_33 : memref<64x128xf32, #tpu.memory_space<vmem_shared>>) target_semaphore(%arg20 : memref<!tpu.dma_semaphore, #tpu.memory_space<semaphore_mem>>)
    %add3A_34 = arith.constant 192 : i32
    %add3A_35 = arith.addi %mul3A_16, %add3A_34 : i32
    %dma_start3A_36 = arith.constant 0 : i32
    %dma_start3A_37 = tpu.memref_slice %arg13[%add3A_35, %dma_start3A_36] : memref<10112x128xf32, #tpu.memory_space<vmem_shared>> -> memref<64x128xf32, #tpu.memory_space<vmem_shared>>
    %dma_start3A_38 = arith.constant 0 : i32
    %dma_start3A_39 = tpu.memref_slice %arg13[%add3A_35, %dma_start3A_38] : memref<10112x128xf32, #tpu.memory_space<vmem_shared>> -> memref<64x128xf32, #tpu.memory_space<vmem_shared>>
    tpu.enqueue_dma source(%arg12 : memref<64x128xf32, #tpu.memory_space<vmem>>) target(%dma_start3A_39 : memref<64x128xf32, #tpu.memory_space<vmem_shared>>) target_semaphore(%arg20 : memref<!tpu.dma_semaphore, #tpu.memory_space<semaphore_mem>>)
    %add3A_40 = arith.constant 256 : i32
    %add3A_41 = arith.addi %mul3A_16, %add3A_40 : i32
    %dma_start3A_42 = arith.constant 0 : i32
    %dma_start3A_43 = tpu.memref_slice %arg13[%add3A_41, %dma_start3A_42] : memref<10112x128xf32, #tpu.memory_space<vmem_shared>> -> memref<64x128xf32, #tpu.memory_space<vmem_shared>>
    %dma_start3A_44 = arith.constant 0 : i32
    %dma_start3A_45 = tpu.memref_slice %arg13[%add3A_41, %dma_start3A_44] : memref<10112x128xf32, #tpu.memory_space<vmem_shared>> -> memref<64x128xf32, #tpu.memory_space<vmem_shared>>
    tpu.enqueue_dma source(%arg12 : memref<64x128xf32, #tpu.memory_space<vmem>>) target(%dma_start3A_45 : memref<64x128xf32, #tpu.memory_space<vmem_shared>>) target_semaphore(%arg20 : memref<!tpu.dma_semaphore, #tpu.memory_space<semaphore_mem>>)
    %add3A_46 = arith.constant 320 : i32
    %add3A_47 = arith.addi %mul3A_16, %add3A_46 : i32
    %dma_start3A_48 = arith.constant 0 : i32
    %dma_start3A_49 = tpu.memref_slice %arg13[%add3A_47, %dma_start3A_48] : memref<10112x128xf32, #tpu.memory_space<vmem_shared>> -> memref<64x128xf32, #tpu.memory_space<vmem_shared>>
    %dma_start3A_50 = arith.constant 0 : i32
    %dma_start3A_51 = tpu.memref_slice %arg13[%add3A_47, %dma_start3A_50] : memref<10112x128xf32, #tpu.memory_space<vmem_shared>> -> memref<64x128xf32, #tpu.memory_space<vmem_shared>>
    tpu.enqueue_dma source(%arg12 : memref<64x128xf32, #tpu.memory_space<vmem>>) target(%dma_start3A_51 : memref<64x128xf32, #tpu.memory_space<vmem_shared>>) target_semaphore(%arg20 : memref<!tpu.dma_semaphore, #tpu.memory_space<semaphore_mem>>)
    %add3A_52 = arith.constant 384 : i32
    %add3A_53 = arith.addi %mul3A_16, %add3A_52 : i32
    %dma_start3A_54 = arith.constant 0 : i32
    %dma_start3A_55 = tpu.memref_slice %arg13[%add3A_53, %dma_start3A_54] : memref<10112x128xf32, #tpu.memory_space<vmem_shared>> -> memref<64x128xf32, #tpu.memory_space<vmem_shared>>
    %dma_start3A_56 = arith.constant 0 : i32
    %dma_start3A_57 = tpu.memref_slice %arg13[%add3A_53, %dma_start3A_56] : memref<10112x128xf32, #tpu.memory_space<vmem_shared>> -> memref<64x128xf32, #tpu.memory_space<vmem_shared>>
    tpu.enqueue_dma source(%arg12 : memref<64x128xf32, #tpu.memory_space<vmem>>) target(%dma_start3A_57 : memref<64x128xf32, #tpu.memory_space<vmem_shared>>) target_semaphore(%arg20 : memref<!tpu.dma_semaphore, #tpu.memory_space<semaphore_mem>>)
    %add3A_58 = arith.constant 448 : i32
    %add3A_59 = arith.addi %mul3A_16, %add3A_58 : i32
    %dma_start3A_60 = arith.constant 0 : i32
    %dma_start3A_61 = tpu.memref_slice %arg13[%add3A_59, %dma_start3A_60] : memref<10112x128xf32, #tpu.memory_space<vmem_shared>> -> memref<64x128xf32, #tpu.memory_space<vmem_shared>>
    %dma_start3A_62 = arith.constant 0 : i32
    %dma_start3A_63 = tpu.memref_slice %arg13[%add3A_59, %dma_start3A_62] : memref<10112x128xf32, #tpu.memory_space<vmem_shared>> -> memref<64x128xf32, #tpu.memory_space<vmem_shared>>
    tpu.enqueue_dma source(%arg12 : memref<64x128xf32, #tpu.memory_space<vmem>>) target(%dma_start3A_63 : memref<64x128xf32, #tpu.memory_space<vmem_shared>>) target_semaphore(%arg20 : memref<!tpu.dma_semaphore, #tpu.memory_space<semaphore_mem>>)
    %add3A_64 = arith.constant 512 : i32
    %add3A_65 = arith.addi %mul3A_16, %add3A_64 : i32
    %dma_start3A_66 = arith.constant 0 : i32
    %dma_start3A_67 = tpu.memref_slice %arg13[%add3A_65, %dma_start3A_66] : memref<10112x128xf32, #tpu.memory_space<vmem_shared>> -> memref<64x128xf32, #tpu.memory_space<vmem_shared>>
    %dma_start3A_68 = arith.constant 0 : i32
    %dma_start3A_69 = tpu.memref_slice %arg13[%add3A_65, %dma_start3A_68] : memref<10112x128xf32, #tpu.memory_space<vmem_shared>> -> memref<64x128xf32, #tpu.memory_space<vmem_shared>>
    tpu.enqueue_dma source(%arg12 : memref<64x128xf32, #tpu.memory_space<vmem>>) target(%dma_start3A_69 : memref<64x128xf32, #tpu.memory_space<vmem_shared>>) target_semaphore(%arg20 : memref<!tpu.dma_semaphore, #tpu.memory_space<semaphore_mem>>)
    %add3A_70 = arith.constant 632 : i32
    %add3A_71 = arith.addi %mul3A_16, %add3A_70 : i32
    %sub3A = arith.constant 56 : i32
    %sub3A_72 = arith.subi %add3A_71, %sub3A : i32
    %dma_start3A_73 = arith.constant 0 : i32
    %dma_start3A_74 = arith.constant 0 : i32
    %dma_start3A_75 = tpu.memref_slice %arg12[%dma_start3A_73, %dma_start3A_74] : memref<64x128xf32, #tpu.memory_space<vmem>> -> memref<56x128xf32, #tpu.memory_space<vmem>>
    %dma_start3A_76 = arith.constant 0 : i32
    %dma_start3A_77 = tpu.memref_slice %arg13[%sub3A_72, %dma_start3A_76] : memref<10112x128xf32, #tpu.memory_space<vmem_shared>> -> memref<56x128xf32, #tpu.memory_space<vmem_shared>>
    %dma_start3A_78 = arith.constant 0 : i32
    %dma_start3A_79 = tpu.memref_slice %arg13[%sub3A_72, %dma_start3A_78] : memref<10112x128xf32, #tpu.memory_space<vmem_shared>> -> memref<56x128xf32, #tpu.memory_space<vmem_shared>>
    %dma_start3A_80 = arith.constant 0 : i32
    %dma_start3A_81 = arith.constant 0 : i32
    %dma_start3A_82 = tpu.memref_slice %arg12[%dma_start3A_80, %dma_start3A_81] : memref<64x128xf32, #tpu.memory_space<vmem>> -> memref<56x128xf32, #tpu.memory_space<vmem>>
    tpu.enqueue_dma source(%dma_start3A_82 : memref<56x128xf32, #tpu.memory_space<vmem>>) target(%dma_start3A_79 : memref<56x128xf32, #tpu.memory_space<vmem_shared>>) target_semaphore(%arg20 : memref<!tpu.dma_semaphore, #tpu.memory_space<semaphore_mem>>)
    %dma_wait3A = arith.constant 0 : i32
    %dma_wait3A_83 = arith.constant 0 : i32
    %dma_wait3A_84 = arith.constant 0 : i32
    %dma_wait3A_85 = arith.constant 0 : i32
    %dma_wait3A_86 = tpu.memref_slice %arg7[%dma_wait3A_83, %dma_wait3A_84, %dma_wait3A_85] : memref<2x8x64xi32, #tpu.memory_space<vmem>> -> memref<1x8x64xi32, #tpu.memory_space<vmem>>
    %dma_wait3A_87 = tpu.memref_squeeze %dma_wait3A_86 : memref<1x8x64xi32, #tpu.memory_space<vmem>> -> memref<8x64xi32, #tpu.memory_space<vmem>>
    %dma_wait3A_88 = arith.constant 0 : i32
    %dma_wait3A_89 = arith.constant 0 : i32
    %dma_wait3A_90 = tpu.memref_slice %arg3[%dma_wait3A, %dma_wait3A_88, %dma_wait3A_89] : memref<2x5000x64xi32, #tpu.memory_space<hbm>> -> memref<1x8x64xi32, #tpu.memory_space<hbm>>
    %dma_wait3A_91 = tpu.memref_squeeze %dma_wait3A_90 : memref<1x8x64xi32, #tpu.memory_space<hbm>> -> memref<8x64xi32, #tpu.memory_space<hbm>>
    %dma_wait3A_92 = arith.constant 0 : i32
    %dma_wait3A_93 = arith.constant 0 : i32
    %dma_wait3A_94 = tpu.memref_slice %arg7[%dma_wait3A_83, %dma_wait3A_92, %dma_wait3A_93] : memref<2x8x64xi32, #tpu.memory_space<vmem>> -> memref<1x8x64xi32, #tpu.memory_space<vmem>>
    %dma_wait3A_95 = tpu.memref_squeeze %dma_wait3A_94 : memref<1x8x64xi32, #tpu.memory_space<vmem>> -> memref<8x64xi32, #tpu.memory_space<vmem>>
    %dma_wait3A_96 = arith.constant 0 : i32
    %dma_wait3A_97 = arith.constant 0 : i32
    %dma_wait3A_98 = tpu.memref_slice %arg3[%dma_wait3A, %dma_wait3A_96, %dma_wait3A_97] : memref<2x5000x64xi32, #tpu.memory_space<hbm>> -> memref<1x8x64xi32, #tpu.memory_space<hbm>>
    %dma_wait3A_99 = tpu.memref_squeeze %dma_wait3A_98 : memref<1x8x64xi32, #tpu.memory_space<hbm>> -> memref<8x64xi32, #tpu.memory_space<hbm>>
    tpu.wait_dma2 semaphore(%arg14 : memref<!tpu.dma_semaphore, #tpu.memory_space<semaphore_mem>>) src(%dma_wait3A_99 : memref<8x64xi32, #tpu.memory_space<hbm>>) dst(%dma_wait3A_95 : memref<8x64xi32, #tpu.memory_space<vmem>>)
    %dma_wait3A_100 = arith.constant 1 : i32
    %dma_wait3A_101 = arith.constant 0 : i32
    %dma_wait3A_102 = arith.constant 0 : i32
    %dma_wait3A_103 = arith.constant 0 : i32
    %dma_wait3A_104 = tpu.memref_slice %arg8[%dma_wait3A_101, %dma_wait3A_102, %dma_wait3A_103] : memref<2x8x64xi32, #tpu.memory_space<vmem>> -> memref<1x8x64xi32, #tpu.memory_space<vmem>>
    %dma_wait3A_105 = tpu.memref_squeeze %dma_wait3A_104 : memref<1x8x64xi32, #tpu.memory_space<vmem>> -> memref<8x64xi32, #tpu.memory_space<vmem>>
    %dma_wait3A_106 = arith.constant 0 : i32
    %dma_wait3A_107 = arith.constant 0 : i32
    %dma_wait3A_108 = tpu.memref_slice %arg3[%dma_wait3A_100, %dma_wait3A_106, %dma_wait3A_107] : memref<2x5000x64xi32, #tpu.memory_space<hbm>> -> memref<1x8x64xi32, #tpu.memory_space<hbm>>
    %dma_wait3A_109 = tpu.memref_squeeze %dma_wait3A_108 : memref<1x8x64xi32, #tpu.memory_space<hbm>> -> memref<8x64xi32, #tpu.memory_space<hbm>>
    %dma_wait3A_110 = arith.constant 0 : i32
    %dma_wait3A_111 = arith.constant 0 : i32
    %dma_wait3A_112 = tpu.memref_slice %arg8[%dma_wait3A_101, %dma_wait3A_110, %dma_wait3A_111] : memref<2x8x64xi32, #tpu.memory_space<vmem>> -> memref<1x8x64xi32, #tpu.memory_space<vmem>>
    %dma_wait3A_113 = tpu.memref_squeeze %dma_wait3A_112 : memref<1x8x64xi32, #tpu.memory_space<vmem>> -> memref<8x64xi32, #tpu.memory_space<vmem>>
    %dma_wait3A_114 = arith.constant 0 : i32
    %dma_wait3A_115 = arith.constant 0 : i32
    %dma_wait3A_116 = tpu.memref_slice %arg3[%dma_wait3A_100, %dma_wait3A_114, %dma_wait3A_115] : memref<2x5000x64xi32, #tpu.memory_space<hbm>> -> memref<1x8x64xi32, #tpu.memory_space<hbm>>
    %dma_wait3A_117 = tpu.memref_squeeze %dma_wait3A_116 : memref<1x8x64xi32, #tpu.memory_space<hbm>> -> memref<8x64xi32, #tpu.memory_space<hbm>>
    tpu.wait_dma2 semaphore(%arg14 : memref<!tpu.dma_semaphore, #tpu.memory_space<semaphore_mem>>) src(%dma_wait3A_117 : memref<8x64xi32, #tpu.memory_space<hbm>>) dst(%dma_wait3A_113 : memref<8x64xi32, #tpu.memory_space<vmem>>)
    %dma_start3A_118 = arith.constant 0 : i32
    %dma_start3A_119 = arith.constant 0 : i32
    %dma_start3A_120 = arith.constant 0 : i32
    %dma_start3A_121 = tpu.memref_slice %arg7[%dma_start3A_118, %dma_start3A_119, %dma_start3A_120] : memref<2x8x64xi32, #tpu.memory_space<vmem>> -> memref<1x1x64xi32, #tpu.memory_space<vmem>>
    %dma_start3A_122 = tpu.memref_squeeze %dma_start3A_121 : memref<1x1x64xi32, #tpu.memory_space<vmem>> -> memref<64xi32, #tpu.memory_space<vmem>>
    %dma_start3A_123 = arith.constant 0 : i32
    %dma_start3A_124 = arith.constant 0 : i32
    %dma_start3A_125 = tpu.memref_slice %arg2[%dma_start3A_123, %dma_start3A_124] : memref<10000x128xf32, #tpu.memory_space<hbm>> -> memref<10000x128xf32, #tpu.memory_space<hbm>>
    tpu.enqueue_indirect_dma source(%dma_start3A_125 : memref<10000x128xf32, #tpu.memory_space<hbm>>) target(%arg9 : memref<64x128xf32, #tpu.memory_space<vmem>>) offsets(%dma_start3A_122 : memref<64xi32, #tpu.memory_space<vmem>>) semaphore(%arg16 : memref<!tpu.dma_semaphore, #tpu.memory_space<semaphore_mem>>)
    %dma_start3A_126 = arith.constant 0 : i32
    %dma_start3A_127 = arith.constant 1 : i32
    %dma_start3A_128 = arith.constant 0 : i32
    %dma_start3A_129 = tpu.memref_slice %arg7[%dma_start3A_126, %dma_start3A_127, %dma_start3A_128] : memref<2x8x64xi32, #tpu.memory_space<vmem>> -> memref<1x1x64xi32, #tpu.memory_space<vmem>>
    %dma_start3A_130 = tpu.memref_squeeze %dma_start3A_129 : memref<1x1x64xi32, #tpu.memory_space<vmem>> -> memref<64xi32, #tpu.memory_space<vmem>>
    %dma_start3A_131 = arith.constant 0 : i32
    %dma_start3A_132 = arith.constant 0 : i32
    %dma_start3A_133 = tpu.memref_slice %arg2[%dma_start3A_131, %dma_start3A_132] : memref<10000x128xf32, #tpu.memory_space<hbm>> -> memref<10000x128xf32, #tpu.memory_space<hbm>>
    tpu.enqueue_indirect_dma source(%dma_start3A_133 : memref<10000x128xf32, #tpu.memory_space<hbm>>) target(%arg10 : memref<64x128xf32, #tpu.memory_space<vmem>>) offsets(%dma_start3A_130 : memref<64xi32, #tpu.memory_space<vmem>>) semaphore(%arg17 : memref<!tpu.dma_semaphore, #tpu.memory_space<semaphore_mem>>)
    %dma_start3A_134 = arith.constant 0 : i32
    %dma_start3A_135 = arith.constant 2 : i32
    %dma_start3A_136 = arith.constant 0 : i32
    %dma_start3A_137 = tpu.memref_slice %arg7[%dma_start3A_134, %dma_start3A_135, %dma_start3A_136] : memref<2x8x64xi32, #tpu.memory_space<vmem>> -> memref<1x1x64xi32, #tpu.memory_space<vmem>>
    %dma_start3A_138 = tpu.memref_squeeze %dma_start3A_137 : memref<1x1x64xi32, #tpu.memory_space<vmem>> -> memref<64xi32, #tpu.memory_space<vmem>>
    %dma_start3A_139 = arith.constant 0 : i32
    %dma_start3A_140 = arith.constant 0 : i32
    %dma_start3A_141 = tpu.memref_slice %arg2[%dma_start3A_139, %dma_start3A_140] : memref<10000x128xf32, #tpu.memory_space<hbm>> -> memref<10000x128xf32, #tpu.memory_space<hbm>>
    tpu.enqueue_indirect_dma source(%dma_start3A_141 : memref<10000x128xf32, #tpu.memory_space<hbm>>) target(%arg11 : memref<64x128xf32, #tpu.memory_space<vmem>>) offsets(%dma_start3A_138 : memref<64xi32, #tpu.memory_space<vmem>>) semaphore(%arg18 : memref<!tpu.dma_semaphore, #tpu.memory_space<semaphore_mem>>)
    %add3A_142 = arith.constant 0 : i32
    %add3A_143 = arith.addi %mul3A_16, %add3A_142 : i32
    %dma_wait3A_144 = arith.constant 0 : i32
    %dma_wait3A_145 = tpu.memref_slice %arg13[%add3A_143, %dma_wait3A_144] : memref<10112x128xf32, #tpu.memory_space<vmem_shared>> -> memref<64x128xf32, #tpu.memory_space<vmem_shared>>
    %dma_wait3A_146 = arith.constant 0 : i32
    %dma_wait3A_147 = tpu.memref_slice %arg13[%add3A_143, %dma_wait3A_146] : memref<10112x128xf32, #tpu.memory_space<vmem_shared>> -> memref<64x128xf32, #tpu.memory_space<vmem_shared>>
    tpu.wait_dma2 semaphore(%arg20 : memref<!tpu.dma_semaphore, #tpu.memory_space<semaphore_mem>>) src(%arg12 : memref<64x128xf32, #tpu.memory_space<vmem>>) dst(%dma_wait3A_147 : memref<64x128xf32, #tpu.memory_space<vmem_shared>>)
    %add3A_148 = arith.constant 64 : i32
    %add3A_149 = arith.addi %mul3A_16, %add3A_148 : i32
    %dma_wait3A_150 = arith.constant 0 : i32
    %dma_wait3A_151 = tpu.memref_slice %arg13[%add3A_149, %dma_wait3A_150] : memref<10112x128xf32, #tpu.memory_space<vmem_shared>> -> memref<64x128xf32, #tpu.memory_space<vmem_shared>>
    %dma_wait3A_152 = arith.constant 0 : i32
    %dma_wait3A_153 = tpu.memref_slice %arg13[%add3A_149, %dma_wait3A_152] : memref<10112x128xf32, #tpu.memory_space<vmem_shared>> -> memref<64x128xf32, #tpu.memory_space<vmem_shared>>
    tpu.wait_dma2 semaphore(%arg20 : memref<!tpu.dma_semaphore, #tpu.memory_space<semaphore_mem>>) src(%arg12 : memref<64x128xf32, #tpu.memory_space<vmem>>) dst(%dma_wait3A_153 : memref<64x128xf32, #tpu.memory_space<vmem_shared>>)
    %add3A_154 = arith.constant 128 : i32
    %add3A_155 = arith.addi %mul3A_16, %add3A_154 : i32
    %dma_wait3A_156 = arith.constant 0 : i32
    %dma_wait3A_157 = tpu.memref_slice %arg13[%add3A_155, %dma_wait3A_156] : memref<10112x128xf32, #tpu.memory_space<vmem_shared>> -> memref<64x128xf32, #tpu.memory_space<vmem_shared>>
    %dma_wait3A_158 = arith.constant 0 : i32
    %dma_wait3A_159 = tpu.memref_slice %arg13[%add3A_155, %dma_wait3A_158] : memref<10112x128xf32, #tpu.memory_space<vmem_shared>> -> memref<64x128xf32, #tpu.memory_space<vmem_shared>>
    tpu.wait_dma2 semaphore(%arg20 : memref<!tpu.dma_semaphore, #tpu.memory_space<semaphore_mem>>) src(%arg12 : memref<64x128xf32, #tpu.memory_space<vmem>>) dst(%dma_wait3A_159 : memref<64x128xf32, #tpu.memory_space<vmem_shared>>)
    %add3A_160 = arith.constant 192 : i32
    %add3A_161 = arith.addi %mul3A_16, %add3A_160 : i32
    %dma_wait3A_162 = arith.constant 0 : i32
    %dma_wait3A_163 = tpu.memref_slice %arg13[%add3A_161, %dma_wait3A_162] : memref<10112x128xf32, #tpu.memory_space<vmem_shared>> -> memref<64x128xf32, #tpu.memory_space<vmem_shared>>
    %dma_wait3A_164 = arith.constant 0 : i32
    %dma_wait3A_165 = tpu.memref_slice %arg13[%add3A_161, %dma_wait3A_164] : memref<10112x128xf32, #tpu.memory_space<vmem_shared>> -> memref<64x128xf32, #tpu.memory_space<vmem_shared>>
    tpu.wait_dma2 semaphore(%arg20 : memref<!tpu.dma_semaphore, #tpu.memory_space<semaphore_mem>>) src(%arg12 : memref<64x128xf32, #tpu.memory_space<vmem>>) dst(%dma_wait3A_165 : memref<64x128xf32, #tpu.memory_space<vmem_shared>>)
    %add3A_166 = arith.constant 256 : i32
    %add3A_167 = arith.addi %mul3A_16, %add3A_166 : i32
    %dma_wait3A_168 = arith.constant 0 : i32
    %dma_wait3A_169 = tpu.memref_slice %arg13[%add3A_167, %dma_wait3A_168] : memref<10112x128xf32, #tpu.memory_space<vmem_shared>> -> memref<64x128xf32, #tpu.memory_space<vmem_shared>>
    %dma_wait3A_170 = arith.constant 0 : i32
    %dma_wait3A_171 = tpu.memref_slice %arg13[%add3A_167, %dma_wait3A_170] : memref<10112x128xf32, #tpu.memory_space<vmem_shared>> -> memref<64x128xf32, #tpu.memory_space<vmem_shared>>
    tpu.wait_dma2 semaphore(%arg20 : memref<!tpu.dma_semaphore, #tpu.memory_space<semaphore_mem>>) src(%arg12 : memref<64x128xf32, #tpu.memory_space<vmem>>) dst(%dma_wait3A_171 : memref<64x128xf32, #tpu.memory_space<vmem_shared>>)
    %add3A_172 = arith.constant 320 : i32
    %add3A_173 = arith.addi %mul3A_16, %add3A_172 : i32
    %dma_wait3A_174 = arith.constant 0 : i32
    %dma_wait3A_175 = tpu.memref_slice %arg13[%add3A_173, %dma_wait3A_174] : memref<10112x128xf32, #tpu.memory_space<vmem_shared>> -> memref<64x128xf32, #tpu.memory_space<vmem_shared>>
    %dma_wait3A_176 = arith.constant 0 : i32
    %dma_wait3A_177 = tpu.memref_slice %arg13[%add3A_173, %dma_wait3A_176] : memref<10112x128xf32, #tpu.memory_space<vmem_shared>> -> memref<64x128xf32, #tpu.memory_space<vmem_shared>>
    tpu.wait_dma2 semaphore(%arg20 : memref<!tpu.dma_semaphore, #tpu.memory_space<semaphore_mem>>) src(%arg12 : memref<64x128xf32, #tpu.memory_space<vmem>>) dst(%dma_wait3A_177 : memref<64x128xf32, #tpu.memory_space<vmem_shared>>)
    %add3A_178 = arith.constant 384 : i32
    %add3A_179 = arith.addi %mul3A_16, %add3A_178 : i32
    %dma_wait3A_180 = arith.constant 0 : i32
    %dma_wait3A_181 = tpu.memref_slice %arg13[%add3A_179, %dma_wait3A_180] : memref<10112x128xf32, #tpu.memory_space<vmem_shared>> -> memref<64x128xf32, #tpu.memory_space<vmem_shared>>
    %dma_wait3A_182 = arith.constant 0 : i32
    %dma_wait3A_183 = tpu.memref_slice %arg13[%add3A_179, %dma_wait3A_182] : memref<10112x128xf32, #tpu.memory_space<vmem_shared>> -> memref<64x128xf32, #tpu.memory_space<vmem_shared>>
    tpu.wait_dma2 semaphore(%arg20 : memref<!tpu.dma_semaphore, #tpu.memory_space<semaphore_mem>>) src(%arg12 : memref<64x128xf32, #tpu.memory_space<vmem>>) dst(%dma_wait3A_183 : memref<64x128xf32, #tpu.memory_space<vmem_shared>>)
    %add3A_184 = arith.constant 448 : i32
    %add3A_185 = arith.addi %mul3A_16, %add3A_184 : i32
    %dma_wait3A_186 = arith.constant 0 : i32
    %dma_wait3A_187 = tpu.memref_slice %arg13[%add3A_185, %dma_wait3A_186] : memref<10112x128xf32, #tpu.memory_space<vmem_shared>> -> memref<64x128xf32, #tpu.memory_space<vmem_shared>>
    %dma_wait3A_188 = arith.constant 0 : i32
    %dma_wait3A_189 = tpu.memref_slice %arg13[%add3A_185, %dma_wait3A_188] : memref<10112x128xf32, #tpu.memory_space<vmem_shared>> -> memref<64x128xf32, #tpu.memory_space<vmem_shared>>
    tpu.wait_dma2 semaphore(%arg20 : memref<!tpu.dma_semaphore, #tpu.memory_space<semaphore_mem>>) src(%arg12 : memref<64x128xf32, #tpu.memory_space<vmem>>) dst(%dma_wait3A_189 : memref<64x128xf32, #tpu.memory_space<vmem_shared>>)
    %add3A_190 = arith.constant 512 : i32
    %add3A_191 = arith.addi %mul3A_16, %add3A_190 : i32
    %dma_wait3A_192 = arith.constant 0 : i32
    %dma_wait3A_193 = tpu.memref_slice %arg13[%add3A_191, %dma_wait3A_192] : memref<10112x128xf32, #tpu.memory_space<vmem_shared>> -> memref<64x128xf32, #tpu.memory_space<vmem_shared>>
    %dma_wait3A_194 = arith.constant 0 : i32
    %dma_wait3A_195 = tpu.memref_slice %arg13[%add3A_191, %dma_wait3A_194] : memref<10112x128xf32, #tpu.memory_space<vmem_shared>> -> memref<64x128xf32, #tpu.memory_space<vmem_shared>>
    tpu.wait_dma2 semaphore(%arg20 : memref<!tpu.dma_semaphore, #tpu.memory_space<semaphore_mem>>) src(%arg12 : memref<64x128xf32, #tpu.memory_space<vmem>>) dst(%dma_wait3A_195 : memref<64x128xf32, #tpu.memory_space<vmem_shared>>)
    %add3A_196 = arith.constant 632 : i32
    %add3A_197 = arith.addi %mul3A_16, %add3A_196 : i32
    %sub3A_198 = arith.constant 56 : i32
    %sub3A_199 = arith.subi %add3A_197, %sub3A_198 : i32
    %dma_wait3A_200 = arith.constant 0 : i32
    %dma_wait3A_201 = arith.constant 0 : i32
    %dma_wait3A_202 = tpu.memref_slice %arg12[%dma_wait3A_200, %dma_wait3A_201] : memref<64x128xf32, #tpu.memory_space<vmem>> -> memref<56x128xf32, #tpu.memory_space<vmem>>
    %dma_wait3A_203 = arith.constant 0 : i32
    %dma_wait3A_204 = tpu.memref_slice %arg13[%sub3A_199, %dma_wait3A_203] : memref<10112x128xf32, #tpu.memory_space<vmem_shared>> -> memref<56x128xf32, #tpu.memory_space<vmem_shared>>
    %dma_wait3A_205 = arith.constant 0 : i32
    %dma_wait3A_206 = tpu.memref_slice %arg13[%sub3A_199, %dma_wait3A_205] : memref<10112x128xf32, #tpu.memory_space<vmem_shared>> -> memref<56x128xf32, #tpu.memory_space<vmem_shared>>
    %dma_wait3A_207 = arith.constant 0 : i32
    %dma_wait3A_208 = arith.constant 0 : i32
    %dma_wait3A_209 = tpu.memref_slice %arg12[%dma_wait3A_207, %dma_wait3A_208] : memref<64x128xf32, #tpu.memory_space<vmem>> -> memref<56x128xf32, #tpu.memory_space<vmem>>
    tpu.wait_dma2 semaphore(%arg20 : memref<!tpu.dma_semaphore, #tpu.memory_space<semaphore_mem>>) src(%dma_wait3A_209 : memref<56x128xf32, #tpu.memory_space<vmem>>) dst(%dma_wait3A_206 : memref<56x128xf32, #tpu.memory_space<vmem_shared>>)
    %dma_start3A_210 = arith.constant 0 : i32
    %dma_start3A_211 = arith.constant 3 : i32
    %dma_start3A_212 = arith.constant 0 : i32
    %dma_start3A_213 = tpu.memref_slice %arg7[%dma_start3A_210, %dma_start3A_211, %dma_start3A_212] : memref<2x8x64xi32, #tpu.memory_space<vmem>> -> memref<1x1x64xi32, #tpu.memory_space<vmem>>
    %dma_start3A_214 = tpu.memref_squeeze %dma_start3A_213 : memref<1x1x64xi32, #tpu.memory_space<vmem>> -> memref<64xi32, #tpu.memory_space<vmem>>
    %dma_start3A_215 = arith.constant 0 : i32
    %dma_start3A_216 = arith.constant 0 : i32
    %dma_start3A_217 = tpu.memref_slice %arg2[%dma_start3A_215, %dma_start3A_216] : memref<10000x128xf32, #tpu.memory_space<hbm>> -> memref<10000x128xf32, #tpu.memory_space<hbm>>
    tpu.enqueue_indirect_dma source(%dma_start3A_217 : memref<10000x128xf32, #tpu.memory_space<hbm>>) target(%arg12 : memref<64x128xf32, #tpu.memory_space<vmem>>) offsets(%dma_start3A_214 : memref<64xi32, #tpu.memory_space<vmem>>) semaphore(%arg19 : memref<!tpu.dma_semaphore, #tpu.memory_space<semaphore_mem>>)
    %barrier3A = arith.constant 0 : index
    tpu.barrier barrier_id(%barrier3A)
    %scan3A_218 = arith.constant 0 : i32
    %scan3A_219 = arith.constant 10 : i32
    %scan3A_220 = arith.addi %scan3A_218, %scan3A_219 : i32
    %scan3A_221 = arith.constant 1 : i32
    scf.for %scan3A_226 = %scan3A_218 to %scan3A_220 step %scan3A_221  : i32 {
      %mul3A_227 = arith.constant 2 : i32
      %mul3A_228 = arith.muli %scan3A_226, %mul3A_227 : i32
      %add3A_229 = arith.constant 0 : i32
      %add3A_230 = arith.addi %add3A_229, %mul3A_228 : i32
      %add3A_231 = arith.constant 0 : i32
      %add3A_232 = arith.addi %add3A_230, %add3A_231 : i32
      %add3A_233 = arith.constant 1 : i32
      %add3A_234 = arith.addi %add3A_232, %add3A_233 : i32
      %lt3A_235 = arith.constant 20 : i32
      %lt3A_236 = arith.cmpi slt, %add3A_234, %lt3A_235 : i32
      %convert_element_type3A_237 = arith.extui %lt3A_236 : i1 to i32
      %cond3A_238 = arith.constant 0 : i32
      %cond3A_239 = arith.cmpi ne, %convert_element_type3A_237, %cond3A_238 : i32
      scf.if %cond3A_239 {
        %add3A_542 = arith.constant 1 : i32
        %add3A_543 = arith.addi %add3A_232, %add3A_542 : i32
        %mul3A_544 = arith.constant 8 : i32
        %mul3A_545 = arith.muli %add3A_543, %mul3A_544 : i32
        %add3A_546 = arith.addi %mul3A_2, %mul3A_545 : i32
        %lt3A_547 = arith.constant 5000 : i32
        %lt3A_548 = arith.cmpi slt, %add3A_546, %lt3A_547 : i32
        %convert_element_type3A_549 = arith.extui %lt3A_548 : i1 to i32
        %cond3A_550 = arith.constant 0 : i32
        %cond3A_551 = arith.cmpi ne, %convert_element_type3A_549, %cond3A_550 : i32
        scf.if %cond3A_551 {
          %multiple_of3A = tpu.assume_multiple %add3A_546, 8 : i32
          %dma_start3A_557 = arith.constant 0 : i32
          %dma_start3A_558 = arith.constant 1 : i32
          %dma_start3A_559 = arith.constant 0 : i32
          %dma_start3A_560 = arith.constant 0 : i32
          %dma_start3A_561 = tpu.memref_slice %arg7[%dma_start3A_558, %dma_start3A_559, %dma_start3A_560] : memref<2x8x64xi32, #tpu.memory_space<vmem>> -> memref<1x8x64xi32, #tpu.memory_space<vmem>>
          %dma_start3A_562 = tpu.memref_squeeze %dma_start3A_561 : memref<1x8x64xi32, #tpu.memory_space<vmem>> -> memref<8x64xi32, #tpu.memory_space<vmem>>
          %dma_start3A_563 = arith.constant 0 : i32
          %dma_start3A_564 = tpu.memref_slice %arg3[%dma_start3A_557, %multiple_of3A, %dma_start3A_563] : memref<2x5000x64xi32, #tpu.memory_space<hbm>> -> memref<1x8x64xi32, #tpu.memory_space<hbm>>
          %dma_start3A_565 = tpu.memref_squeeze %dma_start3A_564 : memref<1x8x64xi32, #tpu.memory_space<hbm>> -> memref<8x64xi32, #tpu.memory_space<hbm>>
          %dma_start3A_566 = arith.constant 0 : i32
          %dma_start3A_567 = arith.constant 0 : i32
          %dma_start3A_568 = tpu.memref_slice %arg7[%dma_start3A_558, %dma_start3A_566, %dma_start3A_567] : memref<2x8x64xi32, #tpu.memory_space<vmem>> -> memref<1x8x64xi32, #tpu.memory_space<vmem>>
          %dma_start3A_569 = tpu.memref_squeeze %dma_start3A_568 : memref<1x8x64xi32, #tpu.memory_space<vmem>> -> memref<8x64xi32, #tpu.memory_space<vmem>>
          %dma_start3A_570 = arith.constant 0 : i32
          %dma_start3A_571 = tpu.memref_slice %arg3[%dma_start3A_557, %multiple_of3A, %dma_start3A_570] : memref<2x5000x64xi32, #tpu.memory_space<hbm>> -> memref<1x8x64xi32, #tpu.memory_space<hbm>>
          %dma_start3A_572 = tpu.memref_squeeze %dma_start3A_571 : memref<1x8x64xi32, #tpu.memory_space<hbm>> -> memref<8x64xi32, #tpu.memory_space<hbm>>
          tpu.enqueue_dma source(%dma_start3A_572 : memref<8x64xi32, #tpu.memory_space<hbm>>) target(%dma_start3A_569 : memref<8x64xi32, #tpu.memory_space<vmem>>) target_semaphore(%arg15 : memref<!tpu.dma_semaphore, #tpu.memory_space<semaphore_mem>>)
          %dma_start3A_573 = arith.constant 1 : i32
          %dma_start3A_574 = arith.constant 1 : i32
          %dma_start3A_575 = arith.constant 0 : i32
          %dma_start3A_576 = arith.constant 0 : i32
          %dma_start3A_577 = tpu.memref_slice %arg8[%dma_start3A_574, %dma_start3A_575, %dma_start3A_576] : memref<2x8x64xi32, #tpu.memory_space<vmem>> -> memref<1x8x64xi32, #tpu.memory_space<vmem>>
          %dma_start3A_578 = tpu.memref_squeeze %dma_start3A_577 : memref<1x8x64xi32, #tpu.memory_space<vmem>> -> memref<8x64xi32, #tpu.memory_space<vmem>>
          %dma_start3A_579 = arith.constant 0 : i32
          %dma_start3A_580 = tpu.memref_slice %arg3[%dma_start3A_573, %multiple_of3A, %dma_start3A_579] : memref<2x5000x64xi32, #tpu.memory_space<hbm>> -> memref<1x8x64xi32, #tpu.memory_space<hbm>>
          %dma_start3A_581 = tpu.memref_squeeze %dma_start3A_580 : memref<1x8x64xi32, #tpu.memory_space<hbm>> -> memref<8x64xi32, #tpu.memory_space<hbm>>
          %dma_start3A_582 = arith.constant 0 : i32
          %dma_start3A_583 = arith.constant 0 : i32
          %dma_start3A_584 = tpu.memref_slice %arg8[%dma_start3A_574, %dma_start3A_582, %dma_start3A_583] : memref<2x8x64xi32, #tpu.memory_space<vmem>> -> memref<1x8x64xi32, #tpu.memory_space<vmem>>
          %dma_start3A_585 = tpu.memref_squeeze %dma_start3A_584 : memref<1x8x64xi32, #tpu.memory_space<vmem>> -> memref<8x64xi32, #tpu.memory_space<vmem>>
          %dma_start3A_586 = arith.constant 0 : i32
          %dma_start3A_587 = tpu.memref_slice %arg3[%dma_start3A_573, %multiple_of3A, %dma_start3A_586] : memref<2x5000x64xi32, #tpu.memory_space<hbm>> -> memref<1x8x64xi32, #tpu.memory_space<hbm>>
          %dma_start3A_588 = tpu.memref_squeeze %dma_start3A_587 : memref<1x8x64xi32, #tpu.memory_space<hbm>> -> memref<8x64xi32, #tpu.memory_space<hbm>>
          tpu.enqueue_dma source(%dma_start3A_588 : memref<8x64xi32, #tpu.memory_space<hbm>>) target(%dma_start3A_585 : memref<8x64xi32, #tpu.memory_space<vmem>>) target_semaphore(%arg15 : memref<!tpu.dma_semaphore, #tpu.memory_space<semaphore_mem>>)
        } else {
        }
        %ge3A_552 = arith.constant 5000 : i32
        %ge3A_553 = arith.cmpi sge, %add3A_546, %ge3A_552 : i32
        %convert_element_type3A_554 = arith.extui %ge3A_553 : i1 to i32
        %cond3A_555 = arith.constant 0 : i32
        %cond3A_556 = arith.cmpi ne, %convert_element_type3A_554, %cond3A_555 : i32
        scf.if %cond3A_556 {
          %sub3A_557 = arith.constant 5000 : i32
          %sub3A_558 = arith.subi %add3A_546, %sub3A_557 : i32
          %multiple_of3A = tpu.assume_multiple %sub3A_558, 8 : i32
          %dma_start3A_559 = arith.constant 1 : i32
          %dma_start3A_560 = arith.constant 0 : i32
          %dma_start3A_561 = arith.constant 0 : i32
          %dma_start3A_562 = tpu.memref_slice %arg7[%dma_start3A_559, %dma_start3A_560, %dma_start3A_561] : memref<2x8x64xi32, #tpu.memory_space<vmem>> -> memref<1x8x64xi32, #tpu.memory_space<vmem>>
          %dma_start3A_563 = tpu.memref_squeeze %dma_start3A_562 : memref<1x8x64xi32, #tpu.memory_space<vmem>> -> memref<8x64xi32, #tpu.memory_space<vmem>>
          %dma_start3A_564 = arith.constant 0 : i32
          %dma_start3A_565 = tpu.memref_slice %arg4[%multiple_of3A, %dma_start3A_564] : memref<120x64xi32, #tpu.memory_space<hbm>> -> memref<8x64xi32, #tpu.memory_space<hbm>>
          %dma_start3A_566 = arith.constant 0 : i32
          %dma_start3A_567 = arith.constant 0 : i32
          %dma_start3A_568 = tpu.memref_slice %arg7[%dma_start3A_559, %dma_start3A_566, %dma_start3A_567] : memref<2x8x64xi32, #tpu.memory_space<vmem>> -> memref<1x8x64xi32, #tpu.memory_space<vmem>>
          %dma_start3A_569 = tpu.memref_squeeze %dma_start3A_568 : memref<1x8x64xi32, #tpu.memory_space<vmem>> -> memref<8x64xi32, #tpu.memory_space<vmem>>
          %dma_start3A_570 = arith.constant 0 : i32
          %dma_start3A_571 = tpu.memref_slice %arg4[%multiple_of3A, %dma_start3A_570] : memref<120x64xi32, #tpu.memory_space<hbm>> -> memref<8x64xi32, #tpu.memory_space<hbm>>
          tpu.enqueue_dma source(%dma_start3A_571 : memref<8x64xi32, #tpu.memory_space<hbm>>) target(%dma_start3A_569 : memref<8x64xi32, #tpu.memory_space<vmem>>) target_semaphore(%arg15 : memref<!tpu.dma_semaphore, #tpu.memory_space<semaphore_mem>>)
          %dma_start3A_572 = arith.constant 1 : i32
          %dma_start3A_573 = arith.constant 0 : i32
          %dma_start3A_574 = arith.constant 0 : i32
          %dma_start3A_575 = tpu.memref_slice %arg8[%dma_start3A_572, %dma_start3A_573, %dma_start3A_574] : memref<2x8x64xi32, #tpu.memory_space<vmem>> -> memref<1x8x64xi32, #tpu.memory_space<vmem>>
          %dma_start3A_576 = tpu.memref_squeeze %dma_start3A_575 : memref<1x8x64xi32, #tpu.memory_space<vmem>> -> memref<8x64xi32, #tpu.memory_space<vmem>>
          %dma_start3A_577 = arith.constant 0 : i32
          %dma_start3A_578 = tpu.memref_slice %arg5[%multiple_of3A, %dma_start3A_577] : memref<120x64xi32, #tpu.memory_space<hbm>> -> memref<8x64xi32, #tpu.memory_space<hbm>>
          %dma_start3A_579 = arith.constant 0 : i32
          %dma_start3A_580 = arith.constant 0 : i32
          %dma_start3A_581 = tpu.memref_slice %arg8[%dma_start3A_572, %dma_start3A_579, %dma_start3A_580] : memref<2x8x64xi32, #tpu.memory_space<vmem>> -> memref<1x8x64xi32, #tpu.memory_space<vmem>>
          %dma_start3A_582 = tpu.memref_squeeze %dma_start3A_581 : memref<1x8x64xi32, #tpu.memory_space<vmem>> -> memref<8x64xi32, #tpu.memory_space<vmem>>
          %dma_start3A_583 = arith.constant 0 : i32
          %dma_start3A_584 = tpu.memref_slice %arg5[%multiple_of3A, %dma_start3A_583] : memref<120x64xi32, #tpu.memory_space<hbm>> -> memref<8x64xi32, #tpu.memory_space<hbm>>
          tpu.enqueue_dma source(%dma_start3A_584 : memref<8x64xi32, #tpu.memory_space<hbm>>) target(%dma_start3A_582 : memref<8x64xi32, #tpu.memory_space<vmem>>) target_semaphore(%arg15 : memref<!tpu.dma_semaphore, #tpu.memory_space<semaphore_mem>>)
        } else {
        }
      } else {
      }
      %dma_wait3A_240 = arith.constant 0 : i32
      %dma_wait3A_241 = arith.constant 0 : i32
      %dma_wait3A_242 = arith.constant 0 : i32
      %dma_wait3A_243 = tpu.memref_slice %arg7[%dma_wait3A_240, %dma_wait3A_241, %dma_wait3A_242] : memref<2x8x64xi32, #tpu.memory_space<vmem>> -> memref<1x1x64xi32, #tpu.memory_space<vmem>>
      %dma_wait3A_244 = tpu.memref_squeeze %dma_wait3A_243 : memref<1x1x64xi32, #tpu.memory_space<vmem>> -> memref<64xi32, #tpu.memory_space<vmem>>
      %dma_wait3A_245 = arith.constant 0 : i32
      %dma_wait3A_246 = arith.constant 0 : i32
      %dma_wait3A_247 = tpu.memref_slice %arg2[%dma_wait3A_245, %dma_wait3A_246] : memref<10000x128xf32, #tpu.memory_space<hbm>> -> memref<10000x128xf32, #tpu.memory_space<hbm>>
      tpu.wait_indirect_dma semaphore(%arg16 : memref<!tpu.dma_semaphore, #tpu.memory_space<semaphore_mem>>) src(%dma_wait3A_247 : memref<10000x128xf32, #tpu.memory_space<hbm>>) dst(%arg9 : memref<64x128xf32, #tpu.memory_space<vmem>>)
      %run_scoped3A = arith.constant 0 : i32
      %run_scoped3A_248 = arith.constant 0 : i32
      "tpu.region"() ({
        %run_scoped3A_542 = tpu.sem_alloc : memref<!tpu.dma_semaphore, #tpu.memory_space<semaphore_mem>>
        %dma_start3A_543 = arith.constant 0 : i32
        %dma_start3A_544 = tpu.memref_slice %arg8[%run_scoped3A, %run_scoped3A_248, %dma_start3A_543] : memref<2x8x64xi32, #tpu.memory_space<vmem>> -> memref<1x1x64xi32, #tpu.memory_space<vmem>>
        %dma_start3A_545 = tpu.memref_squeeze %dma_start3A_544 : memref<1x1x64xi32, #tpu.memory_space<vmem>> -> memref<64xi32, #tpu.memory_space<vmem>>
        %dma_start3A_546 = arith.constant 0 : i32
        %dma_start3A_547 = arith.constant 0 : i32
        %dma_start3A_548 = tpu.memref_slice %arg13[%dma_start3A_546, %dma_start3A_547] : memref<10112x128xf32, #tpu.memory_space<vmem_shared>> -> memref<10112x128xf32, #tpu.memory_space<vmem_shared>>
        tpu.enqueue_indirect_dma source(%arg9 : memref<64x128xf32, #tpu.memory_space<vmem>>) target(%dma_start3A_548 : memref<10112x128xf32, #tpu.memory_space<vmem_shared>>) offsets(%dma_start3A_545 : memref<64xi32, #tpu.memory_space<vmem>>) semaphore(%run_scoped3A_542 : memref<!tpu.dma_semaphore, #tpu.memory_space<semaphore_mem>>) {add = true}
        %dma_wait3A_549 = arith.constant 0 : i32
        %dma_wait3A_550 = tpu.memref_slice %arg8[%run_scoped3A, %run_scoped3A_248, %dma_wait3A_549] : memref<2x8x64xi32, #tpu.memory_space<vmem>> -> memref<1x1x64xi32, #tpu.memory_space<vmem>>
        %dma_wait3A_551 = tpu.memref_squeeze %dma_wait3A_550 : memref<1x1x64xi32, #tpu.memory_space<vmem>> -> memref<64xi32, #tpu.memory_space<vmem>>
        %dma_wait3A_552 = arith.constant 0 : i32
        %dma_wait3A_553 = arith.constant 0 : i32
        %dma_wait3A_554 = tpu.memref_slice %arg13[%dma_wait3A_552, %dma_wait3A_553] : memref<10112x128xf32, #tpu.memory_space<vmem_shared>> -> memref<10112x128xf32, #tpu.memory_space<vmem_shared>>
        tpu.wait_indirect_dma semaphore(%run_scoped3A_542 : memref<!tpu.dma_semaphore, #tpu.memory_space<semaphore_mem>>) src(%arg9 : memref<64x128xf32, #tpu.memory_space<vmem>>) dst(%dma_wait3A_554 : memref<10112x128xf32, #tpu.memory_space<vmem_shared>>)
        tpu.yield
      }) : () -> ()
      %dma_start3A_249 = arith.constant 0 : i32
      %dma_start3A_250 = arith.constant 4 : i32
      %dma_start3A_251 = arith.constant 0 : i32
      %dma_start3A_252 = tpu.memref_slice %arg7[%dma_start3A_249, %dma_start3A_250, %dma_start3A_251] : memref<2x8x64xi32, #tpu.memory_space<vmem>> -> memref<1x1x64xi32, #tpu.memory_space<vmem>>
      %dma_start3A_253 = tpu.memref_squeeze %dma_start3A_252 : memref<1x1x64xi32, #tpu.memory_space<vmem>> -> memref<64xi32, #tpu.memory_space<vmem>>
      %dma_start3A_254 = arith.constant 0 : i32
      %dma_start3A_255 = arith.constant 0 : i32
      %dma_start3A_256 = tpu.memref_slice %arg2[%dma_start3A_254, %dma_start3A_255] : memref<10000x128xf32, #tpu.memory_space<hbm>> -> memref<10000x128xf32, #tpu.memory_space<hbm>>
      tpu.enqueue_indirect_dma source(%dma_start3A_256 : memref<10000x128xf32, #tpu.memory_space<hbm>>) target(%arg9 : memref<64x128xf32, #tpu.memory_space<vmem>>) offsets(%dma_start3A_253 : memref<64xi32, #tpu.memory_space<vmem>>) semaphore(%arg16 : memref<!tpu.dma_semaphore, #tpu.memory_space<semaphore_mem>>)
      %dma_wait3A_257 = arith.constant 0 : i32
      %dma_wait3A_258 = arith.constant 1 : i32
      %dma_wait3A_259 = arith.constant 0 : i32
      %dma_wait3A_260 = tpu.memref_slice %arg7[%dma_wait3A_257, %dma_wait3A_258, %dma_wait3A_259] : memref<2x8x64xi32, #tpu.memory_space<vmem>> -> memref<1x1x64xi32, #tpu.memory_space<vmem>>
      %dma_wait3A_261 = tpu.memref_squeeze %dma_wait3A_260 : memref<1x1x64xi32, #tpu.memory_space<vmem>> -> memref<64xi32, #tpu.memory_space<vmem>>
      %dma_wait3A_262 = arith.constant 0 : i32
      %dma_wait3A_263 = arith.constant 0 : i32
      %dma_wait3A_264 = tpu.memref_slice %arg2[%dma_wait3A_262, %dma_wait3A_263] : memref<10000x128xf32, #tpu.memory_space<hbm>> -> memref<10000x128xf32, #tpu.memory_space<hbm>>
      tpu.wait_indirect_dma semaphore(%arg17 : memref<!tpu.dma_semaphore, #tpu.memory_space<semaphore_mem>>) src(%dma_wait3A_264 : memref<10000x128xf32, #tpu.memory_space<hbm>>) dst(%arg10 : memref<64x128xf32, #tpu.memory_space<vmem>>)
      %run_scoped3A_265 = arith.constant 0 : i32
      %run_scoped3A_266 = arith.constant 1 : i32
      "tpu.region"() ({
        %run_scoped3A_542 = tpu.sem_alloc : memref<!tpu.dma_semaphore, #tpu.memory_space<semaphore_mem>>
        %dma_start3A_543 = arith.constant 0 : i32
        %dma_start3A_544 = tpu.memref_slice %arg8[%run_scoped3A_265, %run_scoped3A_266, %dma_start3A_543] : memref<2x8x64xi32, #tpu.memory_space<vmem>> -> memref<1x1x64xi32, #tpu.memory_space<vmem>>
        %dma_start3A_545 = tpu.memref_squeeze %dma_start3A_544 : memref<1x1x64xi32, #tpu.memory_space<vmem>> -> memref<64xi32, #tpu.memory_space<vmem>>
        %dma_start3A_546 = arith.constant 0 : i32
        %dma_start3A_547 = arith.constant 0 : i32
        %dma_start3A_548 = tpu.memref_slice %arg13[%dma_start3A_546, %dma_start3A_547] : memref<10112x128xf32, #tpu.memory_space<vmem_shared>> -> memref<10112x128xf32, #tpu.memory_space<vmem_shared>>
        tpu.enqueue_indirect_dma source(%arg10 : memref<64x128xf32, #tpu.memory_space<vmem>>) target(%dma_start3A_548 : memref<10112x128xf32, #tpu.memory_space<vmem_shared>>) offsets(%dma_start3A_545 : memref<64xi32, #tpu.memory_space<vmem>>) semaphore(%run_scoped3A_542 : memref<!tpu.dma_semaphore, #tpu.memory_space<semaphore_mem>>) {add = true}
        %dma_wait3A_549 = arith.constant 0 : i32
        %dma_wait3A_550 = tpu.memref_slice %arg8[%run_scoped3A_265, %run_scoped3A_266, %dma_wait3A_549] : memref<2x8x64xi32, #tpu.memory_space<vmem>> -> memref<1x1x64xi32, #tpu.memory_space<vmem>>
        %dma_wait3A_551 = tpu.memref_squeeze %dma_wait3A_550 : memref<1x1x64xi32, #tpu.memory_space<vmem>> -> memref<64xi32, #tpu.memory_space<vmem>>
        %dma_wait3A_552 = arith.constant 0 : i32
        %dma_wait3A_553 = arith.constant 0 : i32
        %dma_wait3A_554 = tpu.memref_slice %arg13[%dma_wait3A_552, %dma_wait3A_553] : memref<10112x128xf32, #tpu.memory_space<vmem_shared>> -> memref<10112x128xf32, #tpu.memory_space<vmem_shared>>
        tpu.wait_indirect_dma semaphore(%run_scoped3A_542 : memref<!tpu.dma_semaphore, #tpu.memory_space<semaphore_mem>>) src(%arg10 : memref<64x128xf32, #tpu.memory_space<vmem>>) dst(%dma_wait3A_554 : memref<10112x128xf32, #tpu.memory_space<vmem_shared>>)
        tpu.yield
      }) : () -> ()
      %dma_start3A_267 = arith.constant 0 : i32
      %dma_start3A_268 = arith.constant 5 : i32
      %dma_start3A_269 = arith.constant 0 : i32
      %dma_start3A_270 = tpu.memref_slice %arg7[%dma_start3A_267, %dma_start3A_268, %dma_start3A_269] : memref<2x8x64xi32, #tpu.memory_space<vmem>> -> memref<1x1x64xi32, #tpu.memory_space<vmem>>
      %dma_start3A_271 = tpu.memref_squeeze %dma_start3A_270 : memref<1x1x64xi32, #tpu.memory_space<vmem>> -> memref<64xi32, #tpu.memory_space<vmem>>
      %dma_start3A_272 = arith.constant 0 : i32
      %dma_start3A_273 = arith.constant 0 : i32
      %dma_start3A_274 = tpu.memref_slice %arg2[%dma_start3A_272, %dma_start3A_273] : memref<10000x128xf32, #tpu.memory_space<hbm>> -> memref<10000x128xf32, #tpu.memory_space<hbm>>
      tpu.enqueue_indirect_dma source(%dma_start3A_274 : memref<10000x128xf32, #tpu.memory_space<hbm>>) target(%arg10 : memref<64x128xf32, #tpu.memory_space<vmem>>) offsets(%dma_start3A_271 : memref<64xi32, #tpu.memory_space<vmem>>) semaphore(%arg17 : memref<!tpu.dma_semaphore, #tpu.memory_space<semaphore_mem>>)
      %dma_wait3A_275 = arith.constant 0 : i32
      %dma_wait3A_276 = arith.constant 2 : i32
      %dma_wait3A_277 = arith.constant 0 : i32
      %dma_wait3A_278 = tpu.memref_slice %arg7[%dma_wait3A_275, %dma_wait3A_276, %dma_wait3A_277] : memref<2x8x64xi32, #tpu.memory_space<vmem>> -> memref<1x1x64xi32, #tpu.memory_space<vmem>>
      %dma_wait3A_279 = tpu.memref_squeeze %dma_wait3A_278 : memref<1x1x64xi32, #tpu.memory_space<vmem>> -> memref<64xi32, #tpu.memory_space<vmem>>
      %dma_wait3A_280 = arith.constant 0 : i32
      %dma_wait3A_281 = arith.constant 0 : i32
      %dma_wait3A_282 = tpu.memref_slice %arg2[%dma_wait3A_280, %dma_wait3A_281] : memref<10000x128xf32, #tpu.memory_space<hbm>> -> memref<10000x128xf32, #tpu.memory_space<hbm>>
      tpu.wait_indirect_dma semaphore(%arg18 : memref<!tpu.dma_semaphore, #tpu.memory_space<semaphore_mem>>) src(%dma_wait3A_282 : memref<10000x128xf32, #tpu.memory_space<hbm>>) dst(%arg11 : memref<64x128xf32, #tpu.memory_space<vmem>>)
      %run_scoped3A_283 = arith.constant 0 : i32
      %run_scoped3A_284 = arith.constant 2 : i32
      "tpu.region"() ({
        %run_scoped3A_542 = tpu.sem_alloc : memref<!tpu.dma_semaphore, #tpu.memory_space<semaphore_mem>>
        %dma_start3A_543 = arith.constant 0 : i32
        %dma_start3A_544 = tpu.memref_slice %arg8[%run_scoped3A_283, %run_scoped3A_284, %dma_start3A_543] : memref<2x8x64xi32, #tpu.memory_space<vmem>> -> memref<1x1x64xi32, #tpu.memory_space<vmem>>
        %dma_start3A_545 = tpu.memref_squeeze %dma_start3A_544 : memref<1x1x64xi32, #tpu.memory_space<vmem>> -> memref<64xi32, #tpu.memory_space<vmem>>
        %dma_start3A_546 = arith.constant 0 : i32
        %dma_start3A_547 = arith.constant 0 : i32
        %dma_start3A_548 = tpu.memref_slice %arg13[%dma_start3A_546, %dma_start3A_547] : memref<10112x128xf32, #tpu.memory_space<vmem_shared>> -> memref<10112x128xf32, #tpu.memory_space<vmem_shared>>
        tpu.enqueue_indirect_dma source(%arg11 : memref<64x128xf32, #tpu.memory_space<vmem>>) target(%dma_start3A_548 : memref<10112x128xf32, #tpu.memory_space<vmem_shared>>) offsets(%dma_start3A_545 : memref<64xi32, #tpu.memory_space<vmem>>) semaphore(%run_scoped3A_542 : memref<!tpu.dma_semaphore, #tpu.memory_space<semaphore_mem>>) {add = true}
        %dma_wait3A_549 = arith.constant 0 : i32
        %dma_wait3A_550 = tpu.memref_slice %arg8[%run_scoped3A_283, %run_scoped3A_284, %dma_wait3A_549] : memref<2x8x64xi32, #tpu.memory_space<vmem>> -> memref<1x1x64xi32, #tpu.memory_space<vmem>>
        %dma_wait3A_551 = tpu.memref_squeeze %dma_wait3A_550 : memref<1x1x64xi32, #tpu.memory_space<vmem>> -> memref<64xi32, #tpu.memory_space<vmem>>
        %dma_wait3A_552 = arith.constant 0 : i32
        %dma_wait3A_553 = arith.constant 0 : i32
        %dma_wait3A_554 = tpu.memref_slice %arg13[%dma_wait3A_552, %dma_wait3A_553] : memref<10112x128xf32, #tpu.memory_space<vmem_shared>> -> memref<10112x128xf32, #tpu.memory_space<vmem_shared>>
        tpu.wait_indirect_dma semaphore(%run_scoped3A_542 : memref<!tpu.dma_semaphore, #tpu.memory_space<semaphore_mem>>) src(%arg11 : memref<64x128xf32, #tpu.memory_space<vmem>>) dst(%dma_wait3A_554 : memref<10112x128xf32, #tpu.memory_space<vmem_shared>>)
        tpu.yield
      }) : () -> ()
      %dma_start3A_285 = arith.constant 0 : i32
      %dma_start3A_286 = arith.constant 6 : i32
      %dma_start3A_287 = arith.constant 0 : i32
      %dma_start3A_288 = tpu.memref_slice %arg7[%dma_start3A_285, %dma_start3A_286, %dma_start3A_287] : memref<2x8x64xi32, #tpu.memory_space<vmem>> -> memref<1x1x64xi32, #tpu.memory_space<vmem>>
      %dma_start3A_289 = tpu.memref_squeeze %dma_start3A_288 : memref<1x1x64xi32, #tpu.memory_space<vmem>> -> memref<64xi32, #tpu.memory_space<vmem>>
      %dma_start3A_290 = arith.constant 0 : i32
      %dma_start3A_291 = arith.constant 0 : i32
      %dma_start3A_292 = tpu.memref_slice %arg2[%dma_start3A_290, %dma_start3A_291] : memref<10000x128xf32, #tpu.memory_space<hbm>> -> memref<10000x128xf32, #tpu.memory_space<hbm>>
      tpu.enqueue_indirect_dma source(%dma_start3A_292 : memref<10000x128xf32, #tpu.memory_space<hbm>>) target(%arg11 : memref<64x128xf32, #tpu.memory_space<vmem>>) offsets(%dma_start3A_289 : memref<64xi32, #tpu.memory_space<vmem>>) semaphore(%arg18 : memref<!tpu.dma_semaphore, #tpu.memory_space<semaphore_mem>>)
      %dma_wait3A_293 = arith.constant 0 : i32
      %dma_wait3A_294 = arith.constant 3 : i32
      %dma_wait3A_295 = arith.constant 0 : i32
      %dma_wait3A_296 = tpu.memref_slice %arg7[%dma_wait3A_293, %dma_wait3A_294, %dma_wait3A_295] : memref<2x8x64xi32, #tpu.memory_space<vmem>> -> memref<1x1x64xi32, #tpu.memory_space<vmem>>
      %dma_wait3A_297 = tpu.memref_squeeze %dma_wait3A_296 : memref<1x1x64xi32, #tpu.memory_space<vmem>> -> memref<64xi32, #tpu.memory_space<vmem>>
      %dma_wait3A_298 = arith.constant 0 : i32
      %dma_wait3A_299 = arith.constant 0 : i32
      %dma_wait3A_300 = tpu.memref_slice %arg2[%dma_wait3A_298, %dma_wait3A_299] : memref<10000x128xf32, #tpu.memory_space<hbm>> -> memref<10000x128xf32, #tpu.memory_space<hbm>>
      tpu.wait_indirect_dma semaphore(%arg19 : memref<!tpu.dma_semaphore, #tpu.memory_space<semaphore_mem>>) src(%dma_wait3A_300 : memref<10000x128xf32, #tpu.memory_space<hbm>>) dst(%arg12 : memref<64x128xf32, #tpu.memory_space<vmem>>)
      %run_scoped3A_301 = arith.constant 0 : i32
      %run_scoped3A_302 = arith.constant 3 : i32
      "tpu.region"() ({
        %run_scoped3A_542 = tpu.sem_alloc : memref<!tpu.dma_semaphore, #tpu.memory_space<semaphore_mem>>
        %dma_start3A_543 = arith.constant 0 : i32
        %dma_start3A_544 = tpu.memref_slice %arg8[%run_scoped3A_301, %run_scoped3A_302, %dma_start3A_543] : memref<2x8x64xi32, #tpu.memory_space<vmem>> -> memref<1x1x64xi32, #tpu.memory_space<vmem>>
        %dma_start3A_545 = tpu.memref_squeeze %dma_start3A_544 : memref<1x1x64xi32, #tpu.memory_space<vmem>> -> memref<64xi32, #tpu.memory_space<vmem>>
        %dma_start3A_546 = arith.constant 0 : i32
        %dma_start3A_547 = arith.constant 0 : i32
        %dma_start3A_548 = tpu.memref_slice %arg13[%dma_start3A_546, %dma_start3A_547] : memref<10112x128xf32, #tpu.memory_space<vmem_shared>> -> memref<10112x128xf32, #tpu.memory_space<vmem_shared>>
        tpu.enqueue_indirect_dma source(%arg12 : memref<64x128xf32, #tpu.memory_space<vmem>>) target(%dma_start3A_548 : memref<10112x128xf32, #tpu.memory_space<vmem_shared>>) offsets(%dma_start3A_545 : memref<64xi32, #tpu.memory_space<vmem>>) semaphore(%run_scoped3A_542 : memref<!tpu.dma_semaphore, #tpu.memory_space<semaphore_mem>>) {add = true}
        %dma_wait3A_549 = arith.constant 0 : i32
        %dma_wait3A_550 = tpu.memref_slice %arg8[%run_scoped3A_301, %run_scoped3A_302, %dma_wait3A_549] : memref<2x8x64xi32, #tpu.memory_space<vmem>> -> memref<1x1x64xi32, #tpu.memory_space<vmem>>
        %dma_wait3A_551 = tpu.memref_squeeze %dma_wait3A_550 : memref<1x1x64xi32, #tpu.memory_space<vmem>> -> memref<64xi32, #tpu.memory_space<vmem>>
        %dma_wait3A_552 = arith.constant 0 : i32
        %dma_wait3A_553 = arith.constant 0 : i32
        %dma_wait3A_554 = tpu.memref_slice %arg13[%dma_wait3A_552, %dma_wait3A_553] : memref<10112x128xf32, #tpu.memory_space<vmem_shared>> -> memref<10112x128xf32, #tpu.memory_space<vmem_shared>>
        tpu.wait_indirect_dma semaphore(%run_scoped3A_542 : memref<!tpu.dma_semaphore, #tpu.memory_space<semaphore_mem>>) src(%arg12 : memref<64x128xf32, #tpu.memory_space<vmem>>) dst(%dma_wait3A_554 : memref<10112x128xf32, #tpu.memory_space<vmem_shared>>)
        tpu.yield
      }) : () -> ()
      %dma_start3A_303 = arith.constant 0 : i32
      %dma_start3A_304 = arith.constant 7 : i32
      %dma_start3A_305 = arith.constant 0 : i32
      %dma_start3A_306 = tpu.memref_slice %arg7[%dma_start3A_303, %dma_start3A_304, %dma_start3A_305] : memref<2x8x64xi32, #tpu.memory_space<vmem>> -> memref<1x1x64xi32, #tpu.memory_space<vmem>>
      %dma_start3A_307 = tpu.memref_squeeze %dma_start3A_306 : memref<1x1x64xi32, #tpu.memory_space<vmem>> -> memref<64xi32, #tpu.memory_space<vmem>>
      %dma_start3A_308 = arith.constant 0 : i32
      %dma_start3A_309 = arith.constant 0 : i32
      %dma_start3A_310 = tpu.memref_slice %arg2[%dma_start3A_308, %dma_start3A_309] : memref<10000x128xf32, #tpu.memory_space<hbm>> -> memref<10000x128xf32, #tpu.memory_space<hbm>>
      tpu.enqueue_indirect_dma source(%dma_start3A_310 : memref<10000x128xf32, #tpu.memory_space<hbm>>) target(%arg12 : memref<64x128xf32, #tpu.memory_space<vmem>>) offsets(%dma_start3A_307 : memref<64xi32, #tpu.memory_space<vmem>>) semaphore(%arg19 : memref<!tpu.dma_semaphore, #tpu.memory_space<semaphore_mem>>)
      %dma_wait3A_311 = arith.constant 0 : i32
      %dma_wait3A_312 = arith.constant 4 : i32
      %dma_wait3A_313 = arith.constant 0 : i32
      %dma_wait3A_314 = tpu.memref_slice %arg7[%dma_wait3A_311, %dma_wait3A_312, %dma_wait3A_313] : memref<2x8x64xi32, #tpu.memory_space<vmem>> -> memref<1x1x64xi32, #tpu.memory_space<vmem>>
      %dma_wait3A_315 = tpu.memref_squeeze %dma_wait3A_314 : memref<1x1x64xi32, #tpu.memory_space<vmem>> -> memref<64xi32, #tpu.memory_space<vmem>>
      %dma_wait3A_316 = arith.constant 0 : i32
      %dma_wait3A_317 = arith.constant 0 : i32
      %dma_wait3A_318 = tpu.memref_slice %arg2[%dma_wait3A_316, %dma_wait3A_317] : memref<10000x128xf32, #tpu.memory_space<hbm>> -> memref<10000x128xf32, #tpu.memory_space<hbm>>
      tpu.wait_indirect_dma semaphore(%arg16 : memref<!tpu.dma_semaphore, #tpu.memory_space<semaphore_mem>>) src(%dma_wait3A_318 : memref<10000x128xf32, #tpu.memory_space<hbm>>) dst(%arg9 : memref<64x128xf32, #tpu.memory_space<vmem>>)
      %run_scoped3A_319 = arith.constant 0 : i32
      %run_scoped3A_320 = arith.constant 4 : i32
      "tpu.region"() ({
        %run_scoped3A_542 = tpu.sem_alloc : memref<!tpu.dma_semaphore, #tpu.memory_space<semaphore_mem>>
        %dma_start3A_543 = arith.constant 0 : i32
        %dma_start3A_544 = tpu.memref_slice %arg8[%run_scoped3A_319, %run_scoped3A_320, %dma_start3A_543] : memref<2x8x64xi32, #tpu.memory_space<vmem>> -> memref<1x1x64xi32, #tpu.memory_space<vmem>>
        %dma_start3A_545 = tpu.memref_squeeze %dma_start3A_544 : memref<1x1x64xi32, #tpu.memory_space<vmem>> -> memref<64xi32, #tpu.memory_space<vmem>>
        %dma_start3A_546 = arith.constant 0 : i32
        %dma_start3A_547 = arith.constant 0 : i32
        %dma_start3A_548 = tpu.memref_slice %arg13[%dma_start3A_546, %dma_start3A_547] : memref<10112x128xf32, #tpu.memory_space<vmem_shared>> -> memref<10112x128xf32, #tpu.memory_space<vmem_shared>>
        tpu.enqueue_indirect_dma source(%arg9 : memref<64x128xf32, #tpu.memory_space<vmem>>) target(%dma_start3A_548 : memref<10112x128xf32, #tpu.memory_space<vmem_shared>>) offsets(%dma_start3A_545 : memref<64xi32, #tpu.memory_space<vmem>>) semaphore(%run_scoped3A_542 : memref<!tpu.dma_semaphore, #tpu.memory_space<semaphore_mem>>) {add = true}
        %dma_wait3A_549 = arith.constant 0 : i32
        %dma_wait3A_550 = tpu.memref_slice %arg8[%run_scoped3A_319, %run_scoped3A_320, %dma_wait3A_549] : memref<2x8x64xi32, #tpu.memory_space<vmem>> -> memref<1x1x64xi32, #tpu.memory_space<vmem>>
        %dma_wait3A_551 = tpu.memref_squeeze %dma_wait3A_550 : memref<1x1x64xi32, #tpu.memory_space<vmem>> -> memref<64xi32, #tpu.memory_space<vmem>>
        %dma_wait3A_552 = arith.constant 0 : i32
        %dma_wait3A_553 = arith.constant 0 : i32
        %dma_wait3A_554 = tpu.memref_slice %arg13[%dma_wait3A_552, %dma_wait3A_553] : memref<10112x128xf32, #tpu.memory_space<vmem_shared>> -> memref<10112x128xf32, #tpu.memory_space<vmem_shared>>
        tpu.wait_indirect_dma semaphore(%run_scoped3A_542 : memref<!tpu.dma_semaphore, #tpu.memory_space<semaphore_mem>>) src(%arg9 : memref<64x128xf32, #tpu.memory_space<vmem>>) dst(%dma_wait3A_554 : memref<10112x128xf32, #tpu.memory_space<vmem_shared>>)
        tpu.yield
      }) : () -> ()
      %add3A_321 = arith.constant 1 : i32
      %add3A_322 = arith.addi %add3A_232, %add3A_321 : i32
      %lt3A_323 = arith.constant 20 : i32
      %lt3A_324 = arith.cmpi slt, %add3A_322, %lt3A_323 : i32
      %convert_element_type3A_325 = arith.extui %lt3A_324 : i1 to i32
      %cond3A_326 = arith.constant 0 : i32
      %cond3A_327 = arith.cmpi ne, %convert_element_type3A_325, %cond3A_326 : i32
      scf.if %cond3A_327 {
        %add3A_542 = arith.constant 1 : i32
        %add3A_543 = arith.addi %add3A_232, %add3A_542 : i32
        %dma_wait3A_544 = arith.constant 0 : i32
        %dma_wait3A_545 = arith.constant 1 : i32
        %dma_wait3A_546 = arith.constant 0 : i32
        %dma_wait3A_547 = arith.constant 0 : i32
        %dma_wait3A_548 = tpu.memref_slice %arg7[%dma_wait3A_545, %dma_wait3A_546, %dma_wait3A_547] : memref<2x8x64xi32, #tpu.memory_space<vmem>> -> memref<1x8x64xi32, #tpu.memory_space<vmem>>
        %dma_wait3A_549 = tpu.memref_squeeze %dma_wait3A_548 : memref<1x8x64xi32, #tpu.memory_space<vmem>> -> memref<8x64xi32, #tpu.memory_space<vmem>>
        %dma_wait3A_550 = arith.constant 0 : i32
        %dma_wait3A_551 = arith.constant 0 : i32
        %dma_wait3A_552 = tpu.memref_slice %arg3[%dma_wait3A_544, %dma_wait3A_550, %dma_wait3A_551] : memref<2x5000x64xi32, #tpu.memory_space<hbm>> -> memref<1x8x64xi32, #tpu.memory_space<hbm>>
        %dma_wait3A_553 = tpu.memref_squeeze %dma_wait3A_552 : memref<1x8x64xi32, #tpu.memory_space<hbm>> -> memref<8x64xi32, #tpu.memory_space<hbm>>
        %dma_wait3A_554 = arith.constant 0 : i32
        %dma_wait3A_555 = arith.constant 0 : i32
        %dma_wait3A_556 = tpu.memref_slice %arg7[%dma_wait3A_545, %dma_wait3A_554, %dma_wait3A_555] : memref<2x8x64xi32, #tpu.memory_space<vmem>> -> memref<1x8x64xi32, #tpu.memory_space<vmem>>
        %dma_wait3A_557 = tpu.memref_squeeze %dma_wait3A_556 : memref<1x8x64xi32, #tpu.memory_space<vmem>> -> memref<8x64xi32, #tpu.memory_space<vmem>>
        %dma_wait3A_558 = arith.constant 0 : i32
        %dma_wait3A_559 = arith.constant 0 : i32
        %dma_wait3A_560 = tpu.memref_slice %arg3[%dma_wait3A_544, %dma_wait3A_558, %dma_wait3A_559] : memref<2x5000x64xi32, #tpu.memory_space<hbm>> -> memref<1x8x64xi32, #tpu.memory_space<hbm>>
        %dma_wait3A_561 = tpu.memref_squeeze %dma_wait3A_560 : memref<1x8x64xi32, #tpu.memory_space<hbm>> -> memref<8x64xi32, #tpu.memory_space<hbm>>
        tpu.wait_dma2 semaphore(%arg15 : memref<!tpu.dma_semaphore, #tpu.memory_space<semaphore_mem>>) src(%dma_wait3A_561 : memref<8x64xi32, #tpu.memory_space<hbm>>) dst(%dma_wait3A_557 : memref<8x64xi32, #tpu.memory_space<vmem>>)
        %dma_wait3A_562 = arith.constant 1 : i32
        %dma_wait3A_563 = arith.constant 1 : i32
        %dma_wait3A_564 = arith.constant 0 : i32
        %dma_wait3A_565 = arith.constant 0 : i32
        %dma_wait3A_566 = tpu.memref_slice %arg8[%dma_wait3A_563, %dma_wait3A_564, %dma_wait3A_565] : memref<2x8x64xi32, #tpu.memory_space<vmem>> -> memref<1x8x64xi32, #tpu.memory_space<vmem>>
        %dma_wait3A_567 = tpu.memref_squeeze %dma_wait3A_566 : memref<1x8x64xi32, #tpu.memory_space<vmem>> -> memref<8x64xi32, #tpu.memory_space<vmem>>
        %dma_wait3A_568 = arith.constant 0 : i32
        %dma_wait3A_569 = arith.constant 0 : i32
        %dma_wait3A_570 = tpu.memref_slice %arg3[%dma_wait3A_562, %dma_wait3A_568, %dma_wait3A_569] : memref<2x5000x64xi32, #tpu.memory_space<hbm>> -> memref<1x8x64xi32, #tpu.memory_space<hbm>>
        %dma_wait3A_571 = tpu.memref_squeeze %dma_wait3A_570 : memref<1x8x64xi32, #tpu.memory_space<hbm>> -> memref<8x64xi32, #tpu.memory_space<hbm>>
        %dma_wait3A_572 = arith.constant 0 : i32
        %dma_wait3A_573 = arith.constant 0 : i32
        %dma_wait3A_574 = tpu.memref_slice %arg8[%dma_wait3A_563, %dma_wait3A_572, %dma_wait3A_573] : memref<2x8x64xi32, #tpu.memory_space<vmem>> -> memref<1x8x64xi32, #tpu.memory_space<vmem>>
        %dma_wait3A_575 = tpu.memref_squeeze %dma_wait3A_574 : memref<1x8x64xi32, #tpu.memory_space<vmem>> -> memref<8x64xi32, #tpu.memory_space<vmem>>
        %dma_wait3A_576 = arith.constant 0 : i32
        %dma_wait3A_577 = arith.constant 0 : i32
        %dma_wait3A_578 = tpu.memref_slice %arg3[%dma_wait3A_562, %dma_wait3A_576, %dma_wait3A_577] : memref<2x5000x64xi32, #tpu.memory_space<hbm>> -> memref<1x8x64xi32, #tpu.memory_space<hbm>>
        %dma_wait3A_579 = tpu.memref_squeeze %dma_wait3A_578 : memref<1x8x64xi32, #tpu.memory_space<hbm>> -> memref<8x64xi32, #tpu.memory_space<hbm>>
        tpu.wait_dma2 semaphore(%arg15 : memref<!tpu.dma_semaphore, #tpu.memory_space<semaphore_mem>>) src(%dma_wait3A_579 : memref<8x64xi32, #tpu.memory_space<hbm>>) dst(%dma_wait3A_575 : memref<8x64xi32, #tpu.memory_space<vmem>>)
      } else {
      }
      %add3A_328 = arith.constant 1 : i32
      %add3A_329 = arith.addi %add3A_232, %add3A_328 : i32
      %lt3A_330 = arith.constant 20 : i32
      %lt3A_331 = arith.cmpi slt, %add3A_329, %lt3A_330 : i32
      %convert_element_type3A_332 = arith.extui %lt3A_331 : i1 to i32
      %cond3A_333 = arith.constant 0 : i32
      %cond3A_334 = arith.cmpi ne, %convert_element_type3A_332, %cond3A_333 : i32
      scf.if %cond3A_334 {
        %dma_start3A_542 = arith.constant 1 : i32
        %dma_start3A_543 = arith.constant 0 : i32
        %dma_start3A_544 = arith.constant 0 : i32
        %dma_start3A_545 = tpu.memref_slice %arg7[%dma_start3A_542, %dma_start3A_543, %dma_start3A_544] : memref<2x8x64xi32, #tpu.memory_space<vmem>> -> memref<1x1x64xi32, #tpu.memory_space<vmem>>
        %dma_start3A_546 = tpu.memref_squeeze %dma_start3A_545 : memref<1x1x64xi32, #tpu.memory_space<vmem>> -> memref<64xi32, #tpu.memory_space<vmem>>
        %dma_start3A_547 = arith.constant 0 : i32
        %dma_start3A_548 = arith.constant 0 : i32
        %dma_start3A_549 = tpu.memref_slice %arg2[%dma_start3A_547, %dma_start3A_548] : memref<10000x128xf32, #tpu.memory_space<hbm>> -> memref<10000x128xf32, #tpu.memory_space<hbm>>
        tpu.enqueue_indirect_dma source(%dma_start3A_549 : memref<10000x128xf32, #tpu.memory_space<hbm>>) target(%arg9 : memref<64x128xf32, #tpu.memory_space<vmem>>) offsets(%dma_start3A_546 : memref<64xi32, #tpu.memory_space<vmem>>) semaphore(%arg16 : memref<!tpu.dma_semaphore, #tpu.memory_space<semaphore_mem>>)
      } else {
      }
      %dma_wait3A_335 = arith.constant 0 : i32
      %dma_wait3A_336 = arith.constant 5 : i32
      %dma_wait3A_337 = arith.constant 0 : i32
      %dma_wait3A_338 = tpu.memref_slice %arg7[%dma_wait3A_335, %dma_wait3A_336, %dma_wait3A_337] : memref<2x8x64xi32, #tpu.memory_space<vmem>> -> memref<1x1x64xi32, #tpu.memory_space<vmem>>
      %dma_wait3A_339 = tpu.memref_squeeze %dma_wait3A_338 : memref<1x1x64xi32, #tpu.memory_space<vmem>> -> memref<64xi32, #tpu.memory_space<vmem>>
      %dma_wait3A_340 = arith.constant 0 : i32
      %dma_wait3A_341 = arith.constant 0 : i32
      %dma_wait3A_342 = tpu.memref_slice %arg2[%dma_wait3A_340, %dma_wait3A_341] : memref<10000x128xf32, #tpu.memory_space<hbm>> -> memref<10000x128xf32, #tpu.memory_space<hbm>>
      tpu.wait_indirect_dma semaphore(%arg17 : memref<!tpu.dma_semaphore, #tpu.memory_space<semaphore_mem>>) src(%dma_wait3A_342 : memref<10000x128xf32, #tpu.memory_space<hbm>>) dst(%arg10 : memref<64x128xf32, #tpu.memory_space<vmem>>)
      %run_scoped3A_343 = arith.constant 0 : i32
      %run_scoped3A_344 = arith.constant 5 : i32
      "tpu.region"() ({
        %run_scoped3A_542 = tpu.sem_alloc : memref<!tpu.dma_semaphore, #tpu.memory_space<semaphore_mem>>
        %dma_start3A_543 = arith.constant 0 : i32
        %dma_start3A_544 = tpu.memref_slice %arg8[%run_scoped3A_343, %run_scoped3A_344, %dma_start3A_543] : memref<2x8x64xi32, #tpu.memory_space<vmem>> -> memref<1x1x64xi32, #tpu.memory_space<vmem>>
        %dma_start3A_545 = tpu.memref_squeeze %dma_start3A_544 : memref<1x1x64xi32, #tpu.memory_space<vmem>> -> memref<64xi32, #tpu.memory_space<vmem>>
        %dma_start3A_546 = arith.constant 0 : i32
        %dma_start3A_547 = arith.constant 0 : i32
        %dma_start3A_548 = tpu.memref_slice %arg13[%dma_start3A_546, %dma_start3A_547] : memref<10112x128xf32, #tpu.memory_space<vmem_shared>> -> memref<10112x128xf32, #tpu.memory_space<vmem_shared>>
        tpu.enqueue_indirect_dma source(%arg10 : memref<64x128xf32, #tpu.memory_space<vmem>>) target(%dma_start3A_548 : memref<10112x128xf32, #tpu.memory_space<vmem_shared>>) offsets(%dma_start3A_545 : memref<64xi32, #tpu.memory_space<vmem>>) semaphore(%run_scoped3A_542 : memref<!tpu.dma_semaphore, #tpu.memory_space<semaphore_mem>>) {add = true}
        %dma_wait3A_549 = arith.constant 0 : i32
        %dma_wait3A_550 = tpu.memref_slice %arg8[%run_scoped3A_343, %run_scoped3A_344, %dma_wait3A_549] : memref<2x8x64xi32, #tpu.memory_space<vmem>> -> memref<1x1x64xi32, #tpu.memory_space<vmem>>
        %dma_wait3A_551 = tpu.memref_squeeze %dma_wait3A_550 : memref<1x1x64xi32, #tpu.memory_space<vmem>> -> memref<64xi32, #tpu.memory_space<vmem>>
        %dma_wait3A_552 = arith.constant 0 : i32
        %dma_wait3A_553 = arith.constant 0 : i32
        %dma_wait3A_554 = tpu.memref_slice %arg13[%dma_wait3A_552, %dma_wait3A_553] : memref<10112x128xf32, #tpu.memory_space<vmem_shared>> -> memref<10112x128xf32, #tpu.memory_space<vmem_shared>>
        tpu.wait_indirect_dma semaphore(%run_scoped3A_542 : memref<!tpu.dma_semaphore, #tpu.memory_space<semaphore_mem>>) src(%arg10 : memref<64x128xf32, #tpu.memory_space<vmem>>) dst(%dma_wait3A_554 : memref<10112x128xf32, #tpu.memory_space<vmem_shared>>)
        tpu.yield
      }) : () -> ()
      %add3A_345 = arith.constant 1 : i32
      %add3A_346 = arith.addi %add3A_232, %add3A_345 : i32
      %lt3A_347 = arith.constant 20 : i32
      %lt3A_348 = arith.cmpi slt, %add3A_346, %lt3A_347 : i32
      %convert_element_type3A_349 = arith.extui %lt3A_348 : i1 to i32
      %cond3A_350 = arith.constant 0 : i32
      %cond3A_351 = arith.cmpi ne, %convert_element_type3A_349, %cond3A_350 : i32
      scf.if %cond3A_351 {
        %dma_start3A_542 = arith.constant 1 : i32
        %dma_start3A_543 = arith.constant 1 : i32
        %dma_start3A_544 = arith.constant 0 : i32
        %dma_start3A_545 = tpu.memref_slice %arg7[%dma_start3A_542, %dma_start3A_543, %dma_start3A_544] : memref<2x8x64xi32, #tpu.memory_space<vmem>> -> memref<1x1x64xi32, #tpu.memory_space<vmem>>
        %dma_start3A_546 = tpu.memref_squeeze %dma_start3A_545 : memref<1x1x64xi32, #tpu.memory_space<vmem>> -> memref<64xi32, #tpu.memory_space<vmem>>
        %dma_start3A_547 = arith.constant 0 : i32
        %dma_start3A_548 = arith.constant 0 : i32
        %dma_start3A_549 = tpu.memref_slice %arg2[%dma_start3A_547, %dma_start3A_548] : memref<10000x128xf32, #tpu.memory_space<hbm>> -> memref<10000x128xf32, #tpu.memory_space<hbm>>
        tpu.enqueue_indirect_dma source(%dma_start3A_549 : memref<10000x128xf32, #tpu.memory_space<hbm>>) target(%arg10 : memref<64x128xf32, #tpu.memory_space<vmem>>) offsets(%dma_start3A_546 : memref<64xi32, #tpu.memory_space<vmem>>) semaphore(%arg17 : memref<!tpu.dma_semaphore, #tpu.memory_space<semaphore_mem>>)
      } else {
      }
      %dma_wait3A_352 = arith.constant 0 : i32
      %dma_wait3A_353 = arith.constant 6 : i32
      %dma_wait3A_354 = arith.constant 0 : i32
      %dma_wait3A_355 = tpu.memref_slice %arg7[%dma_wait3A_352, %dma_wait3A_353, %dma_wait3A_354] : memref<2x8x64xi32, #tpu.memory_space<vmem>> -> memref<1x1x64xi32, #tpu.memory_space<vmem>>
      %dma_wait3A_356 = tpu.memref_squeeze %dma_wait3A_355 : memref<1x1x64xi32, #tpu.memory_space<vmem>> -> memref<64xi32, #tpu.memory_space<vmem>>
      %dma_wait3A_357 = arith.constant 0 : i32
      %dma_wait3A_358 = arith.constant 0 : i32
      %dma_wait3A_359 = tpu.memref_slice %arg2[%dma_wait3A_357, %dma_wait3A_358] : memref<10000x128xf32, #tpu.memory_space<hbm>> -> memref<10000x128xf32, #tpu.memory_space<hbm>>
      tpu.wait_indirect_dma semaphore(%arg18 : memref<!tpu.dma_semaphore, #tpu.memory_space<semaphore_mem>>) src(%dma_wait3A_359 : memref<10000x128xf32, #tpu.memory_space<hbm>>) dst(%arg11 : memref<64x128xf32, #tpu.memory_space<vmem>>)
      %run_scoped3A_360 = arith.constant 0 : i32
      %run_scoped3A_361 = arith.constant 6 : i32
      "tpu.region"() ({
        %run_scoped3A_542 = tpu.sem_alloc : memref<!tpu.dma_semaphore, #tpu.memory_space<semaphore_mem>>
        %dma_start3A_543 = arith.constant 0 : i32
        %dma_start3A_544 = tpu.memref_slice %arg8[%run_scoped3A_360, %run_scoped3A_361, %dma_start3A_543] : memref<2x8x64xi32, #tpu.memory_space<vmem>> -> memref<1x1x64xi32, #tpu.memory_space<vmem>>
        %dma_start3A_545 = tpu.memref_squeeze %dma_start3A_544 : memref<1x1x64xi32, #tpu.memory_space<vmem>> -> memref<64xi32, #tpu.memory_space<vmem>>
        %dma_start3A_546 = arith.constant 0 : i32
        %dma_start3A_547 = arith.constant 0 : i32
        %dma_start3A_548 = tpu.memref_slice %arg13[%dma_start3A_546, %dma_start3A_547] : memref<10112x128xf32, #tpu.memory_space<vmem_shared>> -> memref<10112x128xf32, #tpu.memory_space<vmem_shared>>
        tpu.enqueue_indirect_dma source(%arg11 : memref<64x128xf32, #tpu.memory_space<vmem>>) target(%dma_start3A_548 : memref<10112x128xf32, #tpu.memory_space<vmem_shared>>) offsets(%dma_start3A_545 : memref<64xi32, #tpu.memory_space<vmem>>) semaphore(%run_scoped3A_542 : memref<!tpu.dma_semaphore, #tpu.memory_space<semaphore_mem>>) {add = true}
        %dma_wait3A_549 = arith.constant 0 : i32
        %dma_wait3A_550 = tpu.memref_slice %arg8[%run_scoped3A_360, %run_scoped3A_361, %dma_wait3A_549] : memref<2x8x64xi32, #tpu.memory_space<vmem>> -> memref<1x1x64xi32, #tpu.memory_space<vmem>>
        %dma_wait3A_551 = tpu.memref_squeeze %dma_wait3A_550 : memref<1x1x64xi32, #tpu.memory_space<vmem>> -> memref<64xi32, #tpu.memory_space<vmem>>
        %dma_wait3A_552 = arith.constant 0 : i32
        %dma_wait3A_553 = arith.constant 0 : i32
        %dma_wait3A_554 = tpu.memref_slice %arg13[%dma_wait3A_552, %dma_wait3A_553] : memref<10112x128xf32, #tpu.memory_space<vmem_shared>> -> memref<10112x128xf32, #tpu.memory_space<vmem_shared>>
        tpu.wait_indirect_dma semaphore(%run_scoped3A_542 : memref<!tpu.dma_semaphore, #tpu.memory_space<semaphore_mem>>) src(%arg11 : memref<64x128xf32, #tpu.memory_space<vmem>>) dst(%dma_wait3A_554 : memref<10112x128xf32, #tpu.memory_space<vmem_shared>>)
        tpu.yield
      }) : () -> ()
      %add3A_362 = arith.constant 1 : i32
      %add3A_363 = arith.addi %add3A_232, %add3A_362 : i32
      %lt3A_364 = arith.constant 20 : i32
      %lt3A_365 = arith.cmpi slt, %add3A_363, %lt3A_364 : i32
      %convert_element_type3A_366 = arith.extui %lt3A_365 : i1 to i32
      %cond3A_367 = arith.constant 0 : i32
      %cond3A_368 = arith.cmpi ne, %convert_element_type3A_366, %cond3A_367 : i32
      scf.if %cond3A_368 {
        %dma_start3A_542 = arith.constant 1 : i32
        %dma_start3A_543 = arith.constant 2 : i32
        %dma_start3A_544 = arith.constant 0 : i32
        %dma_start3A_545 = tpu.memref_slice %arg7[%dma_start3A_542, %dma_start3A_543, %dma_start3A_544] : memref<2x8x64xi32, #tpu.memory_space<vmem>> -> memref<1x1x64xi32, #tpu.memory_space<vmem>>
        %dma_start3A_546 = tpu.memref_squeeze %dma_start3A_545 : memref<1x1x64xi32, #tpu.memory_space<vmem>> -> memref<64xi32, #tpu.memory_space<vmem>>
        %dma_start3A_547 = arith.constant 0 : i32
        %dma_start3A_548 = arith.constant 0 : i32
        %dma_start3A_549 = tpu.memref_slice %arg2[%dma_start3A_547, %dma_start3A_548] : memref<10000x128xf32, #tpu.memory_space<hbm>> -> memref<10000x128xf32, #tpu.memory_space<hbm>>
        tpu.enqueue_indirect_dma source(%dma_start3A_549 : memref<10000x128xf32, #tpu.memory_space<hbm>>) target(%arg11 : memref<64x128xf32, #tpu.memory_space<vmem>>) offsets(%dma_start3A_546 : memref<64xi32, #tpu.memory_space<vmem>>) semaphore(%arg18 : memref<!tpu.dma_semaphore, #tpu.memory_space<semaphore_mem>>)
      } else {
      }
      %dma_wait3A_369 = arith.constant 0 : i32
      %dma_wait3A_370 = arith.constant 7 : i32
      %dma_wait3A_371 = arith.constant 0 : i32
      %dma_wait3A_372 = tpu.memref_slice %arg7[%dma_wait3A_369, %dma_wait3A_370, %dma_wait3A_371] : memref<2x8x64xi32, #tpu.memory_space<vmem>> -> memref<1x1x64xi32, #tpu.memory_space<vmem>>
      %dma_wait3A_373 = tpu.memref_squeeze %dma_wait3A_372 : memref<1x1x64xi32, #tpu.memory_space<vmem>> -> memref<64xi32, #tpu.memory_space<vmem>>
      %dma_wait3A_374 = arith.constant 0 : i32
      %dma_wait3A_375 = arith.constant 0 : i32
      %dma_wait3A_376 = tpu.memref_slice %arg2[%dma_wait3A_374, %dma_wait3A_375] : memref<10000x128xf32, #tpu.memory_space<hbm>> -> memref<10000x128xf32, #tpu.memory_space<hbm>>
      tpu.wait_indirect_dma semaphore(%arg19 : memref<!tpu.dma_semaphore, #tpu.memory_space<semaphore_mem>>) src(%dma_wait3A_376 : memref<10000x128xf32, #tpu.memory_space<hbm>>) dst(%arg12 : memref<64x128xf32, #tpu.memory_space<vmem>>)
      %run_scoped3A_377 = arith.constant 0 : i32
      %run_scoped3A_378 = arith.constant 7 : i32
      "tpu.region"() ({
        %run_scoped3A_542 = tpu.sem_alloc : memref<!tpu.dma_semaphore, #tpu.memory_space<semaphore_mem>>
        %dma_start3A_543 = arith.constant 0 : i32
        %dma_start3A_544 = tpu.memref_slice %arg8[%run_scoped3A_377, %run_scoped3A_378, %dma_start3A_543] : memref<2x8x64xi32, #tpu.memory_space<vmem>> -> memref<1x1x64xi32, #tpu.memory_space<vmem>>
        %dma_start3A_545 = tpu.memref_squeeze %dma_start3A_544 : memref<1x1x64xi32, #tpu.memory_space<vmem>> -> memref<64xi32, #tpu.memory_space<vmem>>
        %dma_start3A_546 = arith.constant 0 : i32
        %dma_start3A_547 = arith.constant 0 : i32
        %dma_start3A_548 = tpu.memref_slice %arg13[%dma_start3A_546, %dma_start3A_547] : memref<10112x128xf32, #tpu.memory_space<vmem_shared>> -> memref<10112x128xf32, #tpu.memory_space<vmem_shared>>
        tpu.enqueue_indirect_dma source(%arg12 : memref<64x128xf32, #tpu.memory_space<vmem>>) target(%dma_start3A_548 : memref<10112x128xf32, #tpu.memory_space<vmem_shared>>) offsets(%dma_start3A_545 : memref<64xi32, #tpu.memory_space<vmem>>) semaphore(%run_scoped3A_542 : memref<!tpu.dma_semaphore, #tpu.memory_space<semaphore_mem>>) {add = true}
        %dma_wait3A_549 = arith.constant 0 : i32
        %dma_wait3A_550 = tpu.memref_slice %arg8[%run_scoped3A_377, %run_scoped3A_378, %dma_wait3A_549] : memref<2x8x64xi32, #tpu.memory_space<vmem>> -> memref<1x1x64xi32, #tpu.memory_space<vmem>>
        %dma_wait3A_551 = tpu.memref_squeeze %dma_wait3A_550 : memref<1x1x64xi32, #tpu.memory_space<vmem>> -> memref<64xi32, #tpu.memory_space<vmem>>
        %dma_wait3A_552 = arith.constant 0 : i32
        %dma_wait3A_553 = arith.constant 0 : i32
        %dma_wait3A_554 = tpu.memref_slice %arg13[%dma_wait3A_552, %dma_wait3A_553] : memref<10112x128xf32, #tpu.memory_space<vmem_shared>> -> memref<10112x128xf32, #tpu.memory_space<vmem_shared>>
        tpu.wait_indirect_dma semaphore(%run_scoped3A_542 : memref<!tpu.dma_semaphore, #tpu.memory_space<semaphore_mem>>) src(%arg12 : memref<64x128xf32, #tpu.memory_space<vmem>>) dst(%dma_wait3A_554 : memref<10112x128xf32, #tpu.memory_space<vmem_shared>>)
        tpu.yield
      }) : () -> ()
      %add3A_379 = arith.constant 1 : i32
      %add3A_380 = arith.addi %add3A_232, %add3A_379 : i32
      %lt3A_381 = arith.constant 20 : i32
      %lt3A_382 = arith.cmpi slt, %add3A_380, %lt3A_381 : i32
      %convert_element_type3A_383 = arith.extui %lt3A_382 : i1 to i32
      %cond3A_384 = arith.constant 0 : i32
      %cond3A_385 = arith.cmpi ne, %convert_element_type3A_383, %cond3A_384 : i32
      scf.if %cond3A_385 {
        %dma_start3A_542 = arith.constant 1 : i32
        %dma_start3A_543 = arith.constant 3 : i32
        %dma_start3A_544 = arith.constant 0 : i32
        %dma_start3A_545 = tpu.memref_slice %arg7[%dma_start3A_542, %dma_start3A_543, %dma_start3A_544] : memref<2x8x64xi32, #tpu.memory_space<vmem>> -> memref<1x1x64xi32, #tpu.memory_space<vmem>>
        %dma_start3A_546 = tpu.memref_squeeze %dma_start3A_545 : memref<1x1x64xi32, #tpu.memory_space<vmem>> -> memref<64xi32, #tpu.memory_space<vmem>>
        %dma_start3A_547 = arith.constant 0 : i32
        %dma_start3A_548 = arith.constant 0 : i32
        %dma_start3A_549 = tpu.memref_slice %arg2[%dma_start3A_547, %dma_start3A_548] : memref<10000x128xf32, #tpu.memory_space<hbm>> -> memref<10000x128xf32, #tpu.memory_space<hbm>>
        tpu.enqueue_indirect_dma source(%dma_start3A_549 : memref<10000x128xf32, #tpu.memory_space<hbm>>) target(%arg12 : memref<64x128xf32, #tpu.memory_space<vmem>>) offsets(%dma_start3A_546 : memref<64xi32, #tpu.memory_space<vmem>>) semaphore(%arg19 : memref<!tpu.dma_semaphore, #tpu.memory_space<semaphore_mem>>)
      } else {
      }
      %add3A_386 = arith.constant 1 : i32
      %add3A_387 = arith.addi %add3A_230, %add3A_386 : i32
      %add3A_388 = arith.constant 1 : i32
      %add3A_389 = arith.addi %add3A_387, %add3A_388 : i32
      %lt3A_390 = arith.constant 20 : i32
      %lt3A_391 = arith.cmpi slt, %add3A_389, %lt3A_390 : i32
      %convert_element_type3A_392 = arith.extui %lt3A_391 : i1 to i32
      %cond3A_393 = arith.constant 0 : i32
      %cond3A_394 = arith.cmpi ne, %convert_element_type3A_392, %cond3A_393 : i32
      scf.if %cond3A_394 {
        %add3A_542 = arith.constant 1 : i32
        %add3A_543 = arith.addi %add3A_387, %add3A_542 : i32
        %mul3A_544 = arith.constant 8 : i32
        %mul3A_545 = arith.muli %add3A_543, %mul3A_544 : i32
        %add3A_546 = arith.addi %mul3A_2, %mul3A_545 : i32
        %lt3A_547 = arith.constant 5000 : i32
        %lt3A_548 = arith.cmpi slt, %add3A_546, %lt3A_547 : i32
        %convert_element_type3A_549 = arith.extui %lt3A_548 : i1 to i32
        %cond3A_550 = arith.constant 0 : i32
        %cond3A_551 = arith.cmpi ne, %convert_element_type3A_549, %cond3A_550 : i32
        scf.if %cond3A_551 {
          %multiple_of3A = tpu.assume_multiple %add3A_546, 8 : i32
          %dma_start3A_557 = arith.constant 0 : i32
          %dma_start3A_558 = arith.constant 0 : i32
          %dma_start3A_559 = arith.constant 0 : i32
          %dma_start3A_560 = arith.constant 0 : i32
          %dma_start3A_561 = tpu.memref_slice %arg7[%dma_start3A_558, %dma_start3A_559, %dma_start3A_560] : memref<2x8x64xi32, #tpu.memory_space<vmem>> -> memref<1x8x64xi32, #tpu.memory_space<vmem>>
          %dma_start3A_562 = tpu.memref_squeeze %dma_start3A_561 : memref<1x8x64xi32, #tpu.memory_space<vmem>> -> memref<8x64xi32, #tpu.memory_space<vmem>>
          %dma_start3A_563 = arith.constant 0 : i32
          %dma_start3A_564 = tpu.memref_slice %arg3[%dma_start3A_557, %multiple_of3A, %dma_start3A_563] : memref<2x5000x64xi32, #tpu.memory_space<hbm>> -> memref<1x8x64xi32, #tpu.memory_space<hbm>>
          %dma_start3A_565 = tpu.memref_squeeze %dma_start3A_564 : memref<1x8x64xi32, #tpu.memory_space<hbm>> -> memref<8x64xi32, #tpu.memory_space<hbm>>
          %dma_start3A_566 = arith.constant 0 : i32
          %dma_start3A_567 = arith.constant 0 : i32
          %dma_start3A_568 = tpu.memref_slice %arg7[%dma_start3A_558, %dma_start3A_566, %dma_start3A_567] : memref<2x8x64xi32, #tpu.memory_space<vmem>> -> memref<1x8x64xi32, #tpu.memory_space<vmem>>
          %dma_start3A_569 = tpu.memref_squeeze %dma_start3A_568 : memref<1x8x64xi32, #tpu.memory_space<vmem>> -> memref<8x64xi32, #tpu.memory_space<vmem>>
          %dma_start3A_570 = arith.constant 0 : i32
          %dma_start3A_571 = tpu.memref_slice %arg3[%dma_start3A_557, %multiple_of3A, %dma_start3A_570] : memref<2x5000x64xi32, #tpu.memory_space<hbm>> -> memref<1x8x64xi32, #tpu.memory_space<hbm>>
          %dma_start3A_572 = tpu.memref_squeeze %dma_start3A_571 : memref<1x8x64xi32, #tpu.memory_space<hbm>> -> memref<8x64xi32, #tpu.memory_space<hbm>>
          tpu.enqueue_dma source(%dma_start3A_572 : memref<8x64xi32, #tpu.memory_space<hbm>>) target(%dma_start3A_569 : memref<8x64xi32, #tpu.memory_space<vmem>>) target_semaphore(%arg14 : memref<!tpu.dma_semaphore, #tpu.memory_space<semaphore_mem>>)
          %dma_start3A_573 = arith.constant 1 : i32
          %dma_start3A_574 = arith.constant 0 : i32
          %dma_start3A_575 = arith.constant 0 : i32
          %dma_start3A_576 = arith.constant 0 : i32
          %dma_start3A_577 = tpu.memref_slice %arg8[%dma_start3A_574, %dma_start3A_575, %dma_start3A_576] : memref<2x8x64xi32, #tpu.memory_space<vmem>> -> memref<1x8x64xi32, #tpu.memory_space<vmem>>
          %dma_start3A_578 = tpu.memref_squeeze %dma_start3A_577 : memref<1x8x64xi32, #tpu.memory_space<vmem>> -> memref<8x64xi32, #tpu.memory_space<vmem>>
          %dma_start3A_579 = arith.constant 0 : i32
          %dma_start3A_580 = tpu.memref_slice %arg3[%dma_start3A_573, %multiple_of3A, %dma_start3A_579] : memref<2x5000x64xi32, #tpu.memory_space<hbm>> -> memref<1x8x64xi32, #tpu.memory_space<hbm>>
          %dma_start3A_581 = tpu.memref_squeeze %dma_start3A_580 : memref<1x8x64xi32, #tpu.memory_space<hbm>> -> memref<8x64xi32, #tpu.memory_space<hbm>>
          %dma_start3A_582 = arith.constant 0 : i32
          %dma_start3A_583 = arith.constant 0 : i32
          %dma_start3A_584 = tpu.memref_slice %arg8[%dma_start3A_574, %dma_start3A_582, %dma_start3A_583] : memref<2x8x64xi32, #tpu.memory_space<vmem>> -> memref<1x8x64xi32, #tpu.memory_space<vmem>>
          %dma_start3A_585 = tpu.memref_squeeze %dma_start3A_584 : memref<1x8x64xi32, #tpu.memory_space<vmem>> -> memref<8x64xi32, #tpu.memory_space<vmem>>
          %dma_start3A_586 = arith.constant 0 : i32
          %dma_start3A_587 = tpu.memref_slice %arg3[%dma_start3A_573, %multiple_of3A, %dma_start3A_586] : memref<2x5000x64xi32, #tpu.memory_space<hbm>> -> memref<1x8x64xi32, #tpu.memory_space<hbm>>
          %dma_start3A_588 = tpu.memref_squeeze %dma_start3A_587 : memref<1x8x64xi32, #tpu.memory_space<hbm>> -> memref<8x64xi32, #tpu.memory_space<hbm>>
          tpu.enqueue_dma source(%dma_start3A_588 : memref<8x64xi32, #tpu.memory_space<hbm>>) target(%dma_start3A_585 : memref<8x64xi32, #tpu.memory_space<vmem>>) target_semaphore(%arg14 : memref<!tpu.dma_semaphore, #tpu.memory_space<semaphore_mem>>)
        } else {
        }
        %ge3A_552 = arith.constant 5000 : i32
        %ge3A_553 = arith.cmpi sge, %add3A_546, %ge3A_552 : i32
        %convert_element_type3A_554 = arith.extui %ge3A_553 : i1 to i32
        %cond3A_555 = arith.constant 0 : i32
        %cond3A_556 = arith.cmpi ne, %convert_element_type3A_554, %cond3A_555 : i32
        scf.if %cond3A_556 {
          %sub3A_557 = arith.constant 5000 : i32
          %sub3A_558 = arith.subi %add3A_546, %sub3A_557 : i32
          %multiple_of3A = tpu.assume_multiple %sub3A_558, 8 : i32
          %dma_start3A_559 = arith.constant 0 : i32
          %dma_start3A_560 = arith.constant 0 : i32
          %dma_start3A_561 = arith.constant 0 : i32
          %dma_start3A_562 = tpu.memref_slice %arg7[%dma_start3A_559, %dma_start3A_560, %dma_start3A_561] : memref<2x8x64xi32, #tpu.memory_space<vmem>> -> memref<1x8x64xi32, #tpu.memory_space<vmem>>
          %dma_start3A_563 = tpu.memref_squeeze %dma_start3A_562 : memref<1x8x64xi32, #tpu.memory_space<vmem>> -> memref<8x64xi32, #tpu.memory_space<vmem>>
          %dma_start3A_564 = arith.constant 0 : i32
          %dma_start3A_565 = tpu.memref_slice %arg4[%multiple_of3A, %dma_start3A_564] : memref<120x64xi32, #tpu.memory_space<hbm>> -> memref<8x64xi32, #tpu.memory_space<hbm>>
          %dma_start3A_566 = arith.constant 0 : i32
          %dma_start3A_567 = arith.constant 0 : i32
          %dma_start3A_568 = tpu.memref_slice %arg7[%dma_start3A_559, %dma_start3A_566, %dma_start3A_567] : memref<2x8x64xi32, #tpu.memory_space<vmem>> -> memref<1x8x64xi32, #tpu.memory_space<vmem>>
          %dma_start3A_569 = tpu.memref_squeeze %dma_start3A_568 : memref<1x8x64xi32, #tpu.memory_space<vmem>> -> memref<8x64xi32, #tpu.memory_space<vmem>>
          %dma_start3A_570 = arith.constant 0 : i32
          %dma_start3A_571 = tpu.memref_slice %arg4[%multiple_of3A, %dma_start3A_570] : memref<120x64xi32, #tpu.memory_space<hbm>> -> memref<8x64xi32, #tpu.memory_space<hbm>>
          tpu.enqueue_dma source(%dma_start3A_571 : memref<8x64xi32, #tpu.memory_space<hbm>>) target(%dma_start3A_569 : memref<8x64xi32, #tpu.memory_space<vmem>>) target_semaphore(%arg14 : memref<!tpu.dma_semaphore, #tpu.memory_space<semaphore_mem>>)
          %dma_start3A_572 = arith.constant 0 : i32
          %dma_start3A_573 = arith.constant 0 : i32
          %dma_start3A_574 = arith.constant 0 : i32
          %dma_start3A_575 = tpu.memref_slice %arg8[%dma_start3A_572, %dma_start3A_573, %dma_start3A_574] : memref<2x8x64xi32, #tpu.memory_space<vmem>> -> memref<1x8x64xi32, #tpu.memory_space<vmem>>
          %dma_start3A_576 = tpu.memref_squeeze %dma_start3A_575 : memref<1x8x64xi32, #tpu.memory_space<vmem>> -> memref<8x64xi32, #tpu.memory_space<vmem>>
          %dma_start3A_577 = arith.constant 0 : i32
          %dma_start3A_578 = tpu.memref_slice %arg5[%multiple_of3A, %dma_start3A_577] : memref<120x64xi32, #tpu.memory_space<hbm>> -> memref<8x64xi32, #tpu.memory_space<hbm>>
          %dma_start3A_579 = arith.constant 0 : i32
          %dma_start3A_580 = arith.constant 0 : i32
          %dma_start3A_581 = tpu.memref_slice %arg8[%dma_start3A_572, %dma_start3A_579, %dma_start3A_580] : memref<2x8x64xi32, #tpu.memory_space<vmem>> -> memref<1x8x64xi32, #tpu.memory_space<vmem>>
          %dma_start3A_582 = tpu.memref_squeeze %dma_start3A_581 : memref<1x8x64xi32, #tpu.memory_space<vmem>> -> memref<8x64xi32, #tpu.memory_space<vmem>>
          %dma_start3A_583 = arith.constant 0 : i32
          %dma_start3A_584 = tpu.memref_slice %arg5[%multiple_of3A, %dma_start3A_583] : memref<120x64xi32, #tpu.memory_space<hbm>> -> memref<8x64xi32, #tpu.memory_space<hbm>>
          tpu.enqueue_dma source(%dma_start3A_584 : memref<8x64xi32, #tpu.memory_space<hbm>>) target(%dma_start3A_582 : memref<8x64xi32, #tpu.memory_space<vmem>>) target_semaphore(%arg14 : memref<!tpu.dma_semaphore, #tpu.memory_space<semaphore_mem>>)
        } else {
        }
      } else {
      }
      %dma_wait3A_395 = arith.constant 1 : i32
      %dma_wait3A_396 = arith.constant 0 : i32
      %dma_wait3A_397 = arith.constant 0 : i32
      %dma_wait3A_398 = tpu.memref_slice %arg7[%dma_wait3A_395, %dma_wait3A_396, %dma_wait3A_397] : memref<2x8x64xi32, #tpu.memory_space<vmem>> -> memref<1x1x64xi32, #tpu.memory_space<vmem>>
      %dma_wait3A_399 = tpu.memref_squeeze %dma_wait3A_398 : memref<1x1x64xi32, #tpu.memory_space<vmem>> -> memref<64xi32, #tpu.memory_space<vmem>>
      %dma_wait3A_400 = arith.constant 0 : i32
      %dma_wait3A_401 = arith.constant 0 : i32
      %dma_wait3A_402 = tpu.memref_slice %arg2[%dma_wait3A_400, %dma_wait3A_401] : memref<10000x128xf32, #tpu.memory_space<hbm>> -> memref<10000x128xf32, #tpu.memory_space<hbm>>
      tpu.wait_indirect_dma semaphore(%arg16 : memref<!tpu.dma_semaphore, #tpu.memory_space<semaphore_mem>>) src(%dma_wait3A_402 : memref<10000x128xf32, #tpu.memory_space<hbm>>) dst(%arg9 : memref<64x128xf32, #tpu.memory_space<vmem>>)
      %run_scoped3A_403 = arith.constant 1 : i32
      %run_scoped3A_404 = arith.constant 0 : i32
      "tpu.region"() ({
        %run_scoped3A_542 = tpu.sem_alloc : memref<!tpu.dma_semaphore, #tpu.memory_space<semaphore_mem>>
        %dma_start3A_543 = arith.constant 0 : i32
        %dma_start3A_544 = tpu.memref_slice %arg8[%run_scoped3A_403, %run_scoped3A_404, %dma_start3A_543] : memref<2x8x64xi32, #tpu.memory_space<vmem>> -> memref<1x1x64xi32, #tpu.memory_space<vmem>>
        %dma_start3A_545 = tpu.memref_squeeze %dma_start3A_544 : memref<1x1x64xi32, #tpu.memory_space<vmem>> -> memref<64xi32, #tpu.memory_space<vmem>>
        %dma_start3A_546 = arith.constant 0 : i32
        %dma_start3A_547 = arith.constant 0 : i32
        %dma_start3A_548 = tpu.memref_slice %arg13[%dma_start3A_546, %dma_start3A_547] : memref<10112x128xf32, #tpu.memory_space<vmem_shared>> -> memref<10112x128xf32, #tpu.memory_space<vmem_shared>>
        tpu.enqueue_indirect_dma source(%arg9 : memref<64x128xf32, #tpu.memory_space<vmem>>) target(%dma_start3A_548 : memref<10112x128xf32, #tpu.memory_space<vmem_shared>>) offsets(%dma_start3A_545 : memref<64xi32, #tpu.memory_space<vmem>>) semaphore(%run_scoped3A_542 : memref<!tpu.dma_semaphore, #tpu.memory_space<semaphore_mem>>) {add = true}
        %dma_wait3A_549 = arith.constant 0 : i32
        %dma_wait3A_550 = tpu.memref_slice %arg8[%run_scoped3A_403, %run_scoped3A_404, %dma_wait3A_549] : memref<2x8x64xi32, #tpu.memory_space<vmem>> -> memref<1x1x64xi32, #tpu.memory_space<vmem>>
        %dma_wait3A_551 = tpu.memref_squeeze %dma_wait3A_550 : memref<1x1x64xi32, #tpu.memory_space<vmem>> -> memref<64xi32, #tpu.memory_space<vmem>>
        %dma_wait3A_552 = arith.constant 0 : i32
        %dma_wait3A_553 = arith.constant 0 : i32
        %dma_wait3A_554 = tpu.memref_slice %arg13[%dma_wait3A_552, %dma_wait3A_553] : memref<10112x128xf32, #tpu.memory_space<vmem_shared>> -> memref<10112x128xf32, #tpu.memory_space<vmem_shared>>
        tpu.wait_indirect_dma semaphore(%run_scoped3A_542 : memref<!tpu.dma_semaphore, #tpu.memory_space<semaphore_mem>>) src(%arg9 : memref<64x128xf32, #tpu.memory_space<vmem>>) dst(%dma_wait3A_554 : memref<10112x128xf32, #tpu.memory_space<vmem_shared>>)
        tpu.yield
      }) : () -> ()
      %dma_start3A_405 = arith.constant 1 : i32
      %dma_start3A_406 = arith.constant 4 : i32
      %dma_start3A_407 = arith.constant 0 : i32
      %dma_start3A_408 = tpu.memref_slice %arg7[%dma_start3A_405, %dma_start3A_406, %dma_start3A_407] : memref<2x8x64xi32, #tpu.memory_space<vmem>> -> memref<1x1x64xi32, #tpu.memory_space<vmem>>
      %dma_start3A_409 = tpu.memref_squeeze %dma_start3A_408 : memref<1x1x64xi32, #tpu.memory_space<vmem>> -> memref<64xi32, #tpu.memory_space<vmem>>
      %dma_start3A_410 = arith.constant 0 : i32
      %dma_start3A_411 = arith.constant 0 : i32
      %dma_start3A_412 = tpu.memref_slice %arg2[%dma_start3A_410, %dma_start3A_411] : memref<10000x128xf32, #tpu.memory_space<hbm>> -> memref<10000x128xf32, #tpu.memory_space<hbm>>
      tpu.enqueue_indirect_dma source(%dma_start3A_412 : memref<10000x128xf32, #tpu.memory_space<hbm>>) target(%arg9 : memref<64x128xf32, #tpu.memory_space<vmem>>) offsets(%dma_start3A_409 : memref<64xi32, #tpu.memory_space<vmem>>) semaphore(%arg16 : memref<!tpu.dma_semaphore, #tpu.memory_space<semaphore_mem>>)
      %dma_wait3A_413 = arith.constant 1 : i32
      %dma_wait3A_414 = arith.constant 1 : i32
      %dma_wait3A_415 = arith.constant 0 : i32
      %dma_wait3A_416 = tpu.memref_slice %arg7[%dma_wait3A_413, %dma_wait3A_414, %dma_wait3A_415] : memref<2x8x64xi32, #tpu.memory_space<vmem>> -> memref<1x1x64xi32, #tpu.memory_space<vmem>>
      %dma_wait3A_417 = tpu.memref_squeeze %dma_wait3A_416 : memref<1x1x64xi32, #tpu.memory_space<vmem>> -> memref<64xi32, #tpu.memory_space<vmem>>
      %dma_wait3A_418 = arith.constant 0 : i32
      %dma_wait3A_419 = arith.constant 0 : i32
      %dma_wait3A_420 = tpu.memref_slice %arg2[%dma_wait3A_418, %dma_wait3A_419] : memref<10000x128xf32, #tpu.memory_space<hbm>> -> memref<10000x128xf32, #tpu.memory_space<hbm>>
      tpu.wait_indirect_dma semaphore(%arg17 : memref<!tpu.dma_semaphore, #tpu.memory_space<semaphore_mem>>) src(%dma_wait3A_420 : memref<10000x128xf32, #tpu.memory_space<hbm>>) dst(%arg10 : memref<64x128xf32, #tpu.memory_space<vmem>>)
      %run_scoped3A_421 = arith.constant 1 : i32
      %run_scoped3A_422 = arith.constant 1 : i32
      "tpu.region"() ({
        %run_scoped3A_542 = tpu.sem_alloc : memref<!tpu.dma_semaphore, #tpu.memory_space<semaphore_mem>>
        %dma_start3A_543 = arith.constant 0 : i32
        %dma_start3A_544 = tpu.memref_slice %arg8[%run_scoped3A_421, %run_scoped3A_422, %dma_start3A_543] : memref<2x8x64xi32, #tpu.memory_space<vmem>> -> memref<1x1x64xi32, #tpu.memory_space<vmem>>
        %dma_start3A_545 = tpu.memref_squeeze %dma_start3A_544 : memref<1x1x64xi32, #tpu.memory_space<vmem>> -> memref<64xi32, #tpu.memory_space<vmem>>
        %dma_start3A_546 = arith.constant 0 : i32
        %dma_start3A_547 = arith.constant 0 : i32
        %dma_start3A_548 = tpu.memref_slice %arg13[%dma_start3A_546, %dma_start3A_547] : memref<10112x128xf32, #tpu.memory_space<vmem_shared>> -> memref<10112x128xf32, #tpu.memory_space<vmem_shared>>
        tpu.enqueue_indirect_dma source(%arg10 : memref<64x128xf32, #tpu.memory_space<vmem>>) target(%dma_start3A_548 : memref<10112x128xf32, #tpu.memory_space<vmem_shared>>) offsets(%dma_start3A_545 : memref<64xi32, #tpu.memory_space<vmem>>) semaphore(%run_scoped3A_542 : memref<!tpu.dma_semaphore, #tpu.memory_space<semaphore_mem>>) {add = true}
        %dma_wait3A_549 = arith.constant 0 : i32
        %dma_wait3A_550 = tpu.memref_slice %arg8[%run_scoped3A_421, %run_scoped3A_422, %dma_wait3A_549] : memref<2x8x64xi32, #tpu.memory_space<vmem>> -> memref<1x1x64xi32, #tpu.memory_space<vmem>>
        %dma_wait3A_551 = tpu.memref_squeeze %dma_wait3A_550 : memref<1x1x64xi32, #tpu.memory_space<vmem>> -> memref<64xi32, #tpu.memory_space<vmem>>
        %dma_wait3A_552 = arith.constant 0 : i32
        %dma_wait3A_553 = arith.constant 0 : i32
        %dma_wait3A_554 = tpu.memref_slice %arg13[%dma_wait3A_552, %dma_wait3A_553] : memref<10112x128xf32, #tpu.memory_space<vmem_shared>> -> memref<10112x128xf32, #tpu.memory_space<vmem_shared>>
        tpu.wait_indirect_dma semaphore(%run_scoped3A_542 : memref<!tpu.dma_semaphore, #tpu.memory_space<semaphore_mem>>) src(%arg10 : memref<64x128xf32, #tpu.memory_space<vmem>>) dst(%dma_wait3A_554 : memref<10112x128xf32, #tpu.memory_space<vmem_shared>>)
        tpu.yield
      }) : () -> ()
      %dma_start3A_423 = arith.constant 1 : i32
      %dma_start3A_424 = arith.constant 5 : i32
      %dma_start3A_425 = arith.constant 0 : i32
      %dma_start3A_426 = tpu.memref_slice %arg7[%dma_start3A_423, %dma_start3A_424, %dma_start3A_425] : memref<2x8x64xi32, #tpu.memory_space<vmem>> -> memref<1x1x64xi32, #tpu.memory_space<vmem>>
      %dma_start3A_427 = tpu.memref_squeeze %dma_start3A_426 : memref<1x1x64xi32, #tpu.memory_space<vmem>> -> memref<64xi32, #tpu.memory_space<vmem>>
      %dma_start3A_428 = arith.constant 0 : i32
      %dma_start3A_429 = arith.constant 0 : i32
      %dma_start3A_430 = tpu.memref_slice %arg2[%dma_start3A_428, %dma_start3A_429] : memref<10000x128xf32, #tpu.memory_space<hbm>> -> memref<10000x128xf32, #tpu.memory_space<hbm>>
      tpu.enqueue_indirect_dma source(%dma_start3A_430 : memref<10000x128xf32, #tpu.memory_space<hbm>>) target(%arg10 : memref<64x128xf32, #tpu.memory_space<vmem>>) offsets(%dma_start3A_427 : memref<64xi32, #tpu.memory_space<vmem>>) semaphore(%arg17 : memref<!tpu.dma_semaphore, #tpu.memory_space<semaphore_mem>>)
      %dma_wait3A_431 = arith.constant 1 : i32
      %dma_wait3A_432 = arith.constant 2 : i32
      %dma_wait3A_433 = arith.constant 0 : i32
      %dma_wait3A_434 = tpu.memref_slice %arg7[%dma_wait3A_431, %dma_wait3A_432, %dma_wait3A_433] : memref<2x8x64xi32, #tpu.memory_space<vmem>> -> memref<1x1x64xi32, #tpu.memory_space<vmem>>
      %dma_wait3A_435 = tpu.memref_squeeze %dma_wait3A_434 : memref<1x1x64xi32, #tpu.memory_space<vmem>> -> memref<64xi32, #tpu.memory_space<vmem>>
      %dma_wait3A_436 = arith.constant 0 : i32
      %dma_wait3A_437 = arith.constant 0 : i32
      %dma_wait3A_438 = tpu.memref_slice %arg2[%dma_wait3A_436, %dma_wait3A_437] : memref<10000x128xf32, #tpu.memory_space<hbm>> -> memref<10000x128xf32, #tpu.memory_space<hbm>>
      tpu.wait_indirect_dma semaphore(%arg18 : memref<!tpu.dma_semaphore, #tpu.memory_space<semaphore_mem>>) src(%dma_wait3A_438 : memref<10000x128xf32, #tpu.memory_space<hbm>>) dst(%arg11 : memref<64x128xf32, #tpu.memory_space<vmem>>)
      %run_scoped3A_439 = arith.constant 1 : i32
      %run_scoped3A_440 = arith.constant 2 : i32
      "tpu.region"() ({
        %run_scoped3A_542 = tpu.sem_alloc : memref<!tpu.dma_semaphore, #tpu.memory_space<semaphore_mem>>
        %dma_start3A_543 = arith.constant 0 : i32
        %dma_start3A_544 = tpu.memref_slice %arg8[%run_scoped3A_439, %run_scoped3A_440, %dma_start3A_543] : memref<2x8x64xi32, #tpu.memory_space<vmem>> -> memref<1x1x64xi32, #tpu.memory_space<vmem>>
        %dma_start3A_545 = tpu.memref_squeeze %dma_start3A_544 : memref<1x1x64xi32, #tpu.memory_space<vmem>> -> memref<64xi32, #tpu.memory_space<vmem>>
        %dma_start3A_546 = arith.constant 0 : i32
        %dma_start3A_547 = arith.constant 0 : i32
        %dma_start3A_548 = tpu.memref_slice %arg13[%dma_start3A_546, %dma_start3A_547] : memref<10112x128xf32, #tpu.memory_space<vmem_shared>> -> memref<10112x128xf32, #tpu.memory_space<vmem_shared>>
        tpu.enqueue_indirect_dma source(%arg11 : memref<64x128xf32, #tpu.memory_space<vmem>>) target(%dma_start3A_548 : memref<10112x128xf32, #tpu.memory_space<vmem_shared>>) offsets(%dma_start3A_545 : memref<64xi32, #tpu.memory_space<vmem>>) semaphore(%run_scoped3A_542 : memref<!tpu.dma_semaphore, #tpu.memory_space<semaphore_mem>>) {add = true}
        %dma_wait3A_549 = arith.constant 0 : i32
        %dma_wait3A_550 = tpu.memref_slice %arg8[%run_scoped3A_439, %run_scoped3A_440, %dma_wait3A_549] : memref<2x8x64xi32, #tpu.memory_space<vmem>> -> memref<1x1x64xi32, #tpu.memory_space<vmem>>
        %dma_wait3A_551 = tpu.memref_squeeze %dma_wait3A_550 : memref<1x1x64xi32, #tpu.memory_space<vmem>> -> memref<64xi32, #tpu.memory_space<vmem>>
        %dma_wait3A_552 = arith.constant 0 : i32
        %dma_wait3A_553 = arith.constant 0 : i32
        %dma_wait3A_554 = tpu.memref_slice %arg13[%dma_wait3A_552, %dma_wait3A_553] : memref<10112x128xf32, #tpu.memory_space<vmem_shared>> -> memref<10112x128xf32, #tpu.memory_space<vmem_shared>>
        tpu.wait_indirect_dma semaphore(%run_scoped3A_542 : memref<!tpu.dma_semaphore, #tpu.memory_space<semaphore_mem>>) src(%arg11 : memref<64x128xf32, #tpu.memory_space<vmem>>) dst(%dma_wait3A_554 : memref<10112x128xf32, #tpu.memory_space<vmem_shared>>)
        tpu.yield
      }) : () -> ()
      %dma_start3A_441 = arith.constant 1 : i32
      %dma_start3A_442 = arith.constant 6 : i32
      %dma_start3A_443 = arith.constant 0 : i32
      %dma_start3A_444 = tpu.memref_slice %arg7[%dma_start3A_441, %dma_start3A_442, %dma_start3A_443] : memref<2x8x64xi32, #tpu.memory_space<vmem>> -> memref<1x1x64xi32, #tpu.memory_space<vmem>>
      %dma_start3A_445 = tpu.memref_squeeze %dma_start3A_444 : memref<1x1x64xi32, #tpu.memory_space<vmem>> -> memref<64xi32, #tpu.memory_space<vmem>>
      %dma_start3A_446 = arith.constant 0 : i32
      %dma_start3A_447 = arith.constant 0 : i32
      %dma_start3A_448 = tpu.memref_slice %arg2[%dma_start3A_446, %dma_start3A_447] : memref<10000x128xf32, #tpu.memory_space<hbm>> -> memref<10000x128xf32, #tpu.memory_space<hbm>>
      tpu.enqueue_indirect_dma source(%dma_start3A_448 : memref<10000x128xf32, #tpu.memory_space<hbm>>) target(%arg11 : memref<64x128xf32, #tpu.memory_space<vmem>>) offsets(%dma_start3A_445 : memref<64xi32, #tpu.memory_space<vmem>>) semaphore(%arg18 : memref<!tpu.dma_semaphore, #tpu.memory_space<semaphore_mem>>)
      %dma_wait3A_449 = arith.constant 1 : i32
      %dma_wait3A_450 = arith.constant 3 : i32
      %dma_wait3A_451 = arith.constant 0 : i32
      %dma_wait3A_452 = tpu.memref_slice %arg7[%dma_wait3A_449, %dma_wait3A_450, %dma_wait3A_451] : memref<2x8x64xi32, #tpu.memory_space<vmem>> -> memref<1x1x64xi32, #tpu.memory_space<vmem>>
      %dma_wait3A_453 = tpu.memref_squeeze %dma_wait3A_452 : memref<1x1x64xi32, #tpu.memory_space<vmem>> -> memref<64xi32, #tpu.memory_space<vmem>>
      %dma_wait3A_454 = arith.constant 0 : i32
      %dma_wait3A_455 = arith.constant 0 : i32
      %dma_wait3A_456 = tpu.memref_slice %arg2[%dma_wait3A_454, %dma_wait3A_455] : memref<10000x128xf32, #tpu.memory_space<hbm>> -> memref<10000x128xf32, #tpu.memory_space<hbm>>
      tpu.wait_indirect_dma semaphore(%arg19 : memref<!tpu.dma_semaphore, #tpu.memory_space<semaphore_mem>>) src(%dma_wait3A_456 : memref<10000x128xf32, #tpu.memory_space<hbm>>) dst(%arg12 : memref<64x128xf32, #tpu.memory_space<vmem>>)
      %run_scoped3A_457 = arith.constant 1 : i32
      %run_scoped3A_458 = arith.constant 3 : i32
      "tpu.region"() ({
        %run_scoped3A_542 = tpu.sem_alloc : memref<!tpu.dma_semaphore, #tpu.memory_space<semaphore_mem>>
        %dma_start3A_543 = arith.constant 0 : i32
        %dma_start3A_544 = tpu.memref_slice %arg8[%run_scoped3A_457, %run_scoped3A_458, %dma_start3A_543] : memref<2x8x64xi32, #tpu.memory_space<vmem>> -> memref<1x1x64xi32, #tpu.memory_space<vmem>>
        %dma_start3A_545 = tpu.memref_squeeze %dma_start3A_544 : memref<1x1x64xi32, #tpu.memory_space<vmem>> -> memref<64xi32, #tpu.memory_space<vmem>>
        %dma_start3A_546 = arith.constant 0 : i32
        %dma_start3A_547 = arith.constant 0 : i32
        %dma_start3A_548 = tpu.memref_slice %arg13[%dma_start3A_546, %dma_start3A_547] : memref<10112x128xf32, #tpu.memory_space<vmem_shared>> -> memref<10112x128xf32, #tpu.memory_space<vmem_shared>>
        tpu.enqueue_indirect_dma source(%arg12 : memref<64x128xf32, #tpu.memory_space<vmem>>) target(%dma_start3A_548 : memref<10112x128xf32, #tpu.memory_space<vmem_shared>>) offsets(%dma_start3A_545 : memref<64xi32, #tpu.memory_space<vmem>>) semaphore(%run_scoped3A_542 : memref<!tpu.dma_semaphore, #tpu.memory_space<semaphore_mem>>) {add = true}
        %dma_wait3A_549 = arith.constant 0 : i32
        %dma_wait3A_550 = tpu.memref_slice %arg8[%run_scoped3A_457, %run_scoped3A_458, %dma_wait3A_549] : memref<2x8x64xi32, #tpu.memory_space<vmem>> -> memref<1x1x64xi32, #tpu.memory_space<vmem>>
        %dma_wait3A_551 = tpu.memref_squeeze %dma_wait3A_550 : memref<1x1x64xi32, #tpu.memory_space<vmem>> -> memref<64xi32, #tpu.memory_space<vmem>>
        %dma_wait3A_552 = arith.constant 0 : i32
        %dma_wait3A_553 = arith.constant 0 : i32
        %dma_wait3A_554 = tpu.memref_slice %arg13[%dma_wait3A_552, %dma_wait3A_553] : memref<10112x128xf32, #tpu.memory_space<vmem_shared>> -> memref<10112x128xf32, #tpu.memory_space<vmem_shared>>
        tpu.wait_indirect_dma semaphore(%run_scoped3A_542 : memref<!tpu.dma_semaphore, #tpu.memory_space<semaphore_mem>>) src(%arg12 : memref<64x128xf32, #tpu.memory_space<vmem>>) dst(%dma_wait3A_554 : memref<10112x128xf32, #tpu.memory_space<vmem_shared>>)
        tpu.yield
      }) : () -> ()
      %dma_start3A_459 = arith.constant 1 : i32
      %dma_start3A_460 = arith.constant 7 : i32
      %dma_start3A_461 = arith.constant 0 : i32
      %dma_start3A_462 = tpu.memref_slice %arg7[%dma_start3A_459, %dma_start3A_460, %dma_start3A_461] : memref<2x8x64xi32, #tpu.memory_space<vmem>> -> memref<1x1x64xi32, #tpu.memory_space<vmem>>
      %dma_start3A_463 = tpu.memref_squeeze %dma_start3A_462 : memref<1x1x64xi32, #tpu.memory_space<vmem>> -> memref<64xi32, #tpu.memory_space<vmem>>
      %dma_start3A_464 = arith.constant 0 : i32
      %dma_start3A_465 = arith.constant 0 : i32
      %dma_start3A_466 = tpu.memref_slice %arg2[%dma_start3A_464, %dma_start3A_465] : memref<10000x128xf32, #tpu.memory_space<hbm>> -> memref<10000x128xf32, #tpu.memory_space<hbm>>
      tpu.enqueue_indirect_dma source(%dma_start3A_466 : memref<10000x128xf32, #tpu.memory_space<hbm>>) target(%arg12 : memref<64x128xf32, #tpu.memory_space<vmem>>) offsets(%dma_start3A_463 : memref<64xi32, #tpu.memory_space<vmem>>) semaphore(%arg19 : memref<!tpu.dma_semaphore, #tpu.memory_space<semaphore_mem>>)
      %dma_wait3A_467 = arith.constant 1 : i32
      %dma_wait3A_468 = arith.constant 4 : i32
      %dma_wait3A_469 = arith.constant 0 : i32
      %dma_wait3A_470 = tpu.memref_slice %arg7[%dma_wait3A_467, %dma_wait3A_468, %dma_wait3A_469] : memref<2x8x64xi32, #tpu.memory_space<vmem>> -> memref<1x1x64xi32, #tpu.memory_space<vmem>>
      %dma_wait3A_471 = tpu.memref_squeeze %dma_wait3A_470 : memref<1x1x64xi32, #tpu.memory_space<vmem>> -> memref<64xi32, #tpu.memory_space<vmem>>
      %dma_wait3A_472 = arith.constant 0 : i32
      %dma_wait3A_473 = arith.constant 0 : i32
      %dma_wait3A_474 = tpu.memref_slice %arg2[%dma_wait3A_472, %dma_wait3A_473] : memref<10000x128xf32, #tpu.memory_space<hbm>> -> memref<10000x128xf32, #tpu.memory_space<hbm>>
      tpu.wait_indirect_dma semaphore(%arg16 : memref<!tpu.dma_semaphore, #tpu.memory_space<semaphore_mem>>) src(%dma_wait3A_474 : memref<10000x128xf32, #tpu.memory_space<hbm>>) dst(%arg9 : memref<64x128xf32, #tpu.memory_space<vmem>>)
      %run_scoped3A_475 = arith.constant 1 : i32
      %run_scoped3A_476 = arith.constant 4 : i32
      "tpu.region"() ({
        %run_scoped3A_542 = tpu.sem_alloc : memref<!tpu.dma_semaphore, #tpu.memory_space<semaphore_mem>>
        %dma_start3A_543 = arith.constant 0 : i32
        %dma_start3A_544 = tpu.memref_slice %arg8[%run_scoped3A_475, %run_scoped3A_476, %dma_start3A_543] : memref<2x8x64xi32, #tpu.memory_space<vmem>> -> memref<1x1x64xi32, #tpu.memory_space<vmem>>
        %dma_start3A_545 = tpu.memref_squeeze %dma_start3A_544 : memref<1x1x64xi32, #tpu.memory_space<vmem>> -> memref<64xi32, #tpu.memory_space<vmem>>
        %dma_start3A_546 = arith.constant 0 : i32
        %dma_start3A_547 = arith.constant 0 : i32
        %dma_start3A_548 = tpu.memref_slice %arg13[%dma_start3A_546, %dma_start3A_547] : memref<10112x128xf32, #tpu.memory_space<vmem_shared>> -> memref<10112x128xf32, #tpu.memory_space<vmem_shared>>
        tpu.enqueue_indirect_dma source(%arg9 : memref<64x128xf32, #tpu.memory_space<vmem>>) target(%dma_start3A_548 : memref<10112x128xf32, #tpu.memory_space<vmem_shared>>) offsets(%dma_start3A_545 : memref<64xi32, #tpu.memory_space<vmem>>) semaphore(%run_scoped3A_542 : memref<!tpu.dma_semaphore, #tpu.memory_space<semaphore_mem>>) {add = true}
        %dma_wait3A_549 = arith.constant 0 : i32
        %dma_wait3A_550 = tpu.memref_slice %arg8[%run_scoped3A_475, %run_scoped3A_476, %dma_wait3A_549] : memref<2x8x64xi32, #tpu.memory_space<vmem>> -> memref<1x1x64xi32, #tpu.memory_space<vmem>>
        %dma_wait3A_551 = tpu.memref_squeeze %dma_wait3A_550 : memref<1x1x64xi32, #tpu.memory_space<vmem>> -> memref<64xi32, #tpu.memory_space<vmem>>
        %dma_wait3A_552 = arith.constant 0 : i32
        %dma_wait3A_553 = arith.constant 0 : i32
        %dma_wait3A_554 = tpu.memref_slice %arg13[%dma_wait3A_552, %dma_wait3A_553] : memref<10112x128xf32, #tpu.memory_space<vmem_shared>> -> memref<10112x128xf32, #tpu.memory_space<vmem_shared>>
        tpu.wait_indirect_dma semaphore(%run_scoped3A_542 : memref<!tpu.dma_semaphore, #tpu.memory_space<semaphore_mem>>) src(%arg9 : memref<64x128xf32, #tpu.memory_space<vmem>>) dst(%dma_wait3A_554 : memref<10112x128xf32, #tpu.memory_space<vmem_shared>>)
        tpu.yield
      }) : () -> ()
      %add3A_477 = arith.constant 1 : i32
      %add3A_478 = arith.addi %add3A_387, %add3A_477 : i32
      %lt3A_479 = arith.constant 20 : i32
      %lt3A_480 = arith.cmpi slt, %add3A_478, %lt3A_479 : i32
      %convert_element_type3A_481 = arith.extui %lt3A_480 : i1 to i32
      %cond3A_482 = arith.constant 0 : i32
      %cond3A_483 = arith.cmpi ne, %convert_element_type3A_481, %cond3A_482 : i32
      scf.if %cond3A_483 {
        %add3A_542 = arith.constant 1 : i32
        %add3A_543 = arith.addi %add3A_387, %add3A_542 : i32
        %dma_wait3A_544 = arith.constant 0 : i32
        %dma_wait3A_545 = arith.constant 0 : i32
        %dma_wait3A_546 = arith.constant 0 : i32
        %dma_wait3A_547 = arith.constant 0 : i32
        %dma_wait3A_548 = tpu.memref_slice %arg7[%dma_wait3A_545, %dma_wait3A_546, %dma_wait3A_547] : memref<2x8x64xi32, #tpu.memory_space<vmem>> -> memref<1x8x64xi32, #tpu.memory_space<vmem>>
        %dma_wait3A_549 = tpu.memref_squeeze %dma_wait3A_548 : memref<1x8x64xi32, #tpu.memory_space<vmem>> -> memref<8x64xi32, #tpu.memory_space<vmem>>
        %dma_wait3A_550 = arith.constant 0 : i32
        %dma_wait3A_551 = arith.constant 0 : i32
        %dma_wait3A_552 = tpu.memref_slice %arg3[%dma_wait3A_544, %dma_wait3A_550, %dma_wait3A_551] : memref<2x5000x64xi32, #tpu.memory_space<hbm>> -> memref<1x8x64xi32, #tpu.memory_space<hbm>>
        %dma_wait3A_553 = tpu.memref_squeeze %dma_wait3A_552 : memref<1x8x64xi32, #tpu.memory_space<hbm>> -> memref<8x64xi32, #tpu.memory_space<hbm>>
        %dma_wait3A_554 = arith.constant 0 : i32
        %dma_wait3A_555 = arith.constant 0 : i32
        %dma_wait3A_556 = tpu.memref_slice %arg7[%dma_wait3A_545, %dma_wait3A_554, %dma_wait3A_555] : memref<2x8x64xi32, #tpu.memory_space<vmem>> -> memref<1x8x64xi32, #tpu.memory_space<vmem>>
        %dma_wait3A_557 = tpu.memref_squeeze %dma_wait3A_556 : memref<1x8x64xi32, #tpu.memory_space<vmem>> -> memref<8x64xi32, #tpu.memory_space<vmem>>
        %dma_wait3A_558 = arith.constant 0 : i32
        %dma_wait3A_559 = arith.constant 0 : i32
        %dma_wait3A_560 = tpu.memref_slice %arg3[%dma_wait3A_544, %dma_wait3A_558, %dma_wait3A_559] : memref<2x5000x64xi32, #tpu.memory_space<hbm>> -> memref<1x8x64xi32, #tpu.memory_space<hbm>>
        %dma_wait3A_561 = tpu.memref_squeeze %dma_wait3A_560 : memref<1x8x64xi32, #tpu.memory_space<hbm>> -> memref<8x64xi32, #tpu.memory_space<hbm>>
        tpu.wait_dma2 semaphore(%arg14 : memref<!tpu.dma_semaphore, #tpu.memory_space<semaphore_mem>>) src(%dma_wait3A_561 : memref<8x64xi32, #tpu.memory_space<hbm>>) dst(%dma_wait3A_557 : memref<8x64xi32, #tpu.memory_space<vmem>>)
        %dma_wait3A_562 = arith.constant 1 : i32
        %dma_wait3A_563 = arith.constant 0 : i32
        %dma_wait3A_564 = arith.constant 0 : i32
        %dma_wait3A_565 = arith.constant 0 : i32
        %dma_wait3A_566 = tpu.memref_slice %arg8[%dma_wait3A_563, %dma_wait3A_564, %dma_wait3A_565] : memref<2x8x64xi32, #tpu.memory_space<vmem>> -> memref<1x8x64xi32, #tpu.memory_space<vmem>>
        %dma_wait3A_567 = tpu.memref_squeeze %dma_wait3A_566 : memref<1x8x64xi32, #tpu.memory_space<vmem>> -> memref<8x64xi32, #tpu.memory_space<vmem>>
        %dma_wait3A_568 = arith.constant 0 : i32
        %dma_wait3A_569 = arith.constant 0 : i32
        %dma_wait3A_570 = tpu.memref_slice %arg3[%dma_wait3A_562, %dma_wait3A_568, %dma_wait3A_569] : memref<2x5000x64xi32, #tpu.memory_space<hbm>> -> memref<1x8x64xi32, #tpu.memory_space<hbm>>
        %dma_wait3A_571 = tpu.memref_squeeze %dma_wait3A_570 : memref<1x8x64xi32, #tpu.memory_space<hbm>> -> memref<8x64xi32, #tpu.memory_space<hbm>>
        %dma_wait3A_572 = arith.constant 0 : i32
        %dma_wait3A_573 = arith.constant 0 : i32
        %dma_wait3A_574 = tpu.memref_slice %arg8[%dma_wait3A_563, %dma_wait3A_572, %dma_wait3A_573] : memref<2x8x64xi32, #tpu.memory_space<vmem>> -> memref<1x8x64xi32, #tpu.memory_space<vmem>>
        %dma_wait3A_575 = tpu.memref_squeeze %dma_wait3A_574 : memref<1x8x64xi32, #tpu.memory_space<vmem>> -> memref<8x64xi32, #tpu.memory_space<vmem>>
        %dma_wait3A_576 = arith.constant 0 : i32
        %dma_wait3A_577 = arith.constant 0 : i32
        %dma_wait3A_578 = tpu.memref_slice %arg3[%dma_wait3A_562, %dma_wait3A_576, %dma_wait3A_577] : memref<2x5000x64xi32, #tpu.memory_space<hbm>> -> memref<1x8x64xi32, #tpu.memory_space<hbm>>
        %dma_wait3A_579 = tpu.memref_squeeze %dma_wait3A_578 : memref<1x8x64xi32, #tpu.memory_space<hbm>> -> memref<8x64xi32, #tpu.memory_space<hbm>>
        tpu.wait_dma2 semaphore(%arg14 : memref<!tpu.dma_semaphore, #tpu.memory_space<semaphore_mem>>) src(%dma_wait3A_579 : memref<8x64xi32, #tpu.memory_space<hbm>>) dst(%dma_wait3A_575 : memref<8x64xi32, #tpu.memory_space<vmem>>)
      } else {
      }
      %add3A_484 = arith.constant 1 : i32
      %add3A_485 = arith.addi %add3A_387, %add3A_484 : i32
      %lt3A_486 = arith.constant 20 : i32
      %lt3A_487 = arith.cmpi slt, %add3A_485, %lt3A_486 : i32
      %convert_element_type3A_488 = arith.extui %lt3A_487 : i1 to i32
      %cond3A_489 = arith.constant 0 : i32
      %cond3A_490 = arith.cmpi ne, %convert_element_type3A_488, %cond3A_489 : i32
      scf.if %cond3A_490 {
        %dma_start3A_542 = arith.constant 0 : i32
        %dma_start3A_543 = arith.constant 0 : i32
        %dma_start3A_544 = arith.constant 0 : i32
        %dma_start3A_545 = tpu.memref_slice %arg7[%dma_start3A_542, %dma_start3A_543, %dma_start3A_544] : memref<2x8x64xi32, #tpu.memory_space<vmem>> -> memref<1x1x64xi32, #tpu.memory_space<vmem>>
        %dma_start3A_546 = tpu.memref_squeeze %dma_start3A_545 : memref<1x1x64xi32, #tpu.memory_space<vmem>> -> memref<64xi32, #tpu.memory_space<vmem>>
        %dma_start3A_547 = arith.constant 0 : i32
        %dma_start3A_548 = arith.constant 0 : i32
        %dma_start3A_549 = tpu.memref_slice %arg2[%dma_start3A_547, %dma_start3A_548] : memref<10000x128xf32, #tpu.memory_space<hbm>> -> memref<10000x128xf32, #tpu.memory_space<hbm>>
        tpu.enqueue_indirect_dma source(%dma_start3A_549 : memref<10000x128xf32, #tpu.memory_space<hbm>>) target(%arg9 : memref<64x128xf32, #tpu.memory_space<vmem>>) offsets(%dma_start3A_546 : memref<64xi32, #tpu.memory_space<vmem>>) semaphore(%arg16 : memref<!tpu.dma_semaphore, #tpu.memory_space<semaphore_mem>>)
      } else {
      }
      %dma_wait3A_491 = arith.constant 1 : i32
      %dma_wait3A_492 = arith.constant 5 : i32
      %dma_wait3A_493 = arith.constant 0 : i32
      %dma_wait3A_494 = tpu.memref_slice %arg7[%dma_wait3A_491, %dma_wait3A_492, %dma_wait3A_493] : memref<2x8x64xi32, #tpu.memory_space<vmem>> -> memref<1x1x64xi32, #tpu.memory_space<vmem>>
      %dma_wait3A_495 = tpu.memref_squeeze %dma_wait3A_494 : memref<1x1x64xi32, #tpu.memory_space<vmem>> -> memref<64xi32, #tpu.memory_space<vmem>>
      %dma_wait3A_496 = arith.constant 0 : i32
      %dma_wait3A_497 = arith.constant 0 : i32
      %dma_wait3A_498 = tpu.memref_slice %arg2[%dma_wait3A_496, %dma_wait3A_497] : memref<10000x128xf32, #tpu.memory_space<hbm>> -> memref<10000x128xf32, #tpu.memory_space<hbm>>
      tpu.wait_indirect_dma semaphore(%arg17 : memref<!tpu.dma_semaphore, #tpu.memory_space<semaphore_mem>>) src(%dma_wait3A_498 : memref<10000x128xf32, #tpu.memory_space<hbm>>) dst(%arg10 : memref<64x128xf32, #tpu.memory_space<vmem>>)
      %run_scoped3A_499 = arith.constant 1 : i32
      %run_scoped3A_500 = arith.constant 5 : i32
      "tpu.region"() ({
        %run_scoped3A_542 = tpu.sem_alloc : memref<!tpu.dma_semaphore, #tpu.memory_space<semaphore_mem>>
        %dma_start3A_543 = arith.constant 0 : i32
        %dma_start3A_544 = tpu.memref_slice %arg8[%run_scoped3A_499, %run_scoped3A_500, %dma_start3A_543] : memref<2x8x64xi32, #tpu.memory_space<vmem>> -> memref<1x1x64xi32, #tpu.memory_space<vmem>>
        %dma_start3A_545 = tpu.memref_squeeze %dma_start3A_544 : memref<1x1x64xi32, #tpu.memory_space<vmem>> -> memref<64xi32, #tpu.memory_space<vmem>>
        %dma_start3A_546 = arith.constant 0 : i32
        %dma_start3A_547 = arith.constant 0 : i32
        %dma_start3A_548 = tpu.memref_slice %arg13[%dma_start3A_546, %dma_start3A_547] : memref<10112x128xf32, #tpu.memory_space<vmem_shared>> -> memref<10112x128xf32, #tpu.memory_space<vmem_shared>>
        tpu.enqueue_indirect_dma source(%arg10 : memref<64x128xf32, #tpu.memory_space<vmem>>) target(%dma_start3A_548 : memref<10112x128xf32, #tpu.memory_space<vmem_shared>>) offsets(%dma_start3A_545 : memref<64xi32, #tpu.memory_space<vmem>>) semaphore(%run_scoped3A_542 : memref<!tpu.dma_semaphore, #tpu.memory_space<semaphore_mem>>) {add = true}
        %dma_wait3A_549 = arith.constant 0 : i32
        %dma_wait3A_550 = tpu.memref_slice %arg8[%run_scoped3A_499, %run_scoped3A_500, %dma_wait3A_549] : memref<2x8x64xi32, #tpu.memory_space<vmem>> -> memref<1x1x64xi32, #tpu.memory_space<vmem>>
        %dma_wait3A_551 = tpu.memref_squeeze %dma_wait3A_550 : memref<1x1x64xi32, #tpu.memory_space<vmem>> -> memref<64xi32, #tpu.memory_space<vmem>>
        %dma_wait3A_552 = arith.constant 0 : i32
        %dma_wait3A_553 = arith.constant 0 : i32
        %dma_wait3A_554 = tpu.memref_slice %arg13[%dma_wait3A_552, %dma_wait3A_553] : memref<10112x128xf32, #tpu.memory_space<vmem_shared>> -> memref<10112x128xf32, #tpu.memory_space<vmem_shared>>
        tpu.wait_indirect_dma semaphore(%run_scoped3A_542 : memref<!tpu.dma_semaphore, #tpu.memory_space<semaphore_mem>>) src(%arg10 : memref<64x128xf32, #tpu.memory_space<vmem>>) dst(%dma_wait3A_554 : memref<10112x128xf32, #tpu.memory_space<vmem_shared>>)
        tpu.yield
      }) : () -> ()
      %add3A_501 = arith.constant 1 : i32
      %add3A_502 = arith.addi %add3A_387, %add3A_501 : i32
      %lt3A_503 = arith.constant 20 : i32
      %lt3A_504 = arith.cmpi slt, %add3A_502, %lt3A_503 : i32
      %convert_element_type3A_505 = arith.extui %lt3A_504 : i1 to i32
      %cond3A_506 = arith.constant 0 : i32
      %cond3A_507 = arith.cmpi ne, %convert_element_type3A_505, %cond3A_506 : i32
      scf.if %cond3A_507 {
        %dma_start3A_542 = arith.constant 0 : i32
        %dma_start3A_543 = arith.constant 1 : i32
        %dma_start3A_544 = arith.constant 0 : i32
        %dma_start3A_545 = tpu.memref_slice %arg7[%dma_start3A_542, %dma_start3A_543, %dma_start3A_544] : memref<2x8x64xi32, #tpu.memory_space<vmem>> -> memref<1x1x64xi32, #tpu.memory_space<vmem>>
        %dma_start3A_546 = tpu.memref_squeeze %dma_start3A_545 : memref<1x1x64xi32, #tpu.memory_space<vmem>> -> memref<64xi32, #tpu.memory_space<vmem>>
        %dma_start3A_547 = arith.constant 0 : i32
        %dma_start3A_548 = arith.constant 0 : i32
        %dma_start3A_549 = tpu.memref_slice %arg2[%dma_start3A_547, %dma_start3A_548] : memref<10000x128xf32, #tpu.memory_space<hbm>> -> memref<10000x128xf32, #tpu.memory_space<hbm>>
        tpu.enqueue_indirect_dma source(%dma_start3A_549 : memref<10000x128xf32, #tpu.memory_space<hbm>>) target(%arg10 : memref<64x128xf32, #tpu.memory_space<vmem>>) offsets(%dma_start3A_546 : memref<64xi32, #tpu.memory_space<vmem>>) semaphore(%arg17 : memref<!tpu.dma_semaphore, #tpu.memory_space<semaphore_mem>>)
      } else {
      }
      %dma_wait3A_508 = arith.constant 1 : i32
      %dma_wait3A_509 = arith.constant 6 : i32
      %dma_wait3A_510 = arith.constant 0 : i32
      %dma_wait3A_511 = tpu.memref_slice %arg7[%dma_wait3A_508, %dma_wait3A_509, %dma_wait3A_510] : memref<2x8x64xi32, #tpu.memory_space<vmem>> -> memref<1x1x64xi32, #tpu.memory_space<vmem>>
      %dma_wait3A_512 = tpu.memref_squeeze %dma_wait3A_511 : memref<1x1x64xi32, #tpu.memory_space<vmem>> -> memref<64xi32, #tpu.memory_space<vmem>>
      %dma_wait3A_513 = arith.constant 0 : i32
      %dma_wait3A_514 = arith.constant 0 : i32
      %dma_wait3A_515 = tpu.memref_slice %arg2[%dma_wait3A_513, %dma_wait3A_514] : memref<10000x128xf32, #tpu.memory_space<hbm>> -> memref<10000x128xf32, #tpu.memory_space<hbm>>
      tpu.wait_indirect_dma semaphore(%arg18 : memref<!tpu.dma_semaphore, #tpu.memory_space<semaphore_mem>>) src(%dma_wait3A_515 : memref<10000x128xf32, #tpu.memory_space<hbm>>) dst(%arg11 : memref<64x128xf32, #tpu.memory_space<vmem>>)
      %run_scoped3A_516 = arith.constant 1 : i32
      %run_scoped3A_517 = arith.constant 6 : i32
      "tpu.region"() ({
        %run_scoped3A_542 = tpu.sem_alloc : memref<!tpu.dma_semaphore, #tpu.memory_space<semaphore_mem>>
        %dma_start3A_543 = arith.constant 0 : i32
        %dma_start3A_544 = tpu.memref_slice %arg8[%run_scoped3A_516, %run_scoped3A_517, %dma_start3A_543] : memref<2x8x64xi32, #tpu.memory_space<vmem>> -> memref<1x1x64xi32, #tpu.memory_space<vmem>>
        %dma_start3A_545 = tpu.memref_squeeze %dma_start3A_544 : memref<1x1x64xi32, #tpu.memory_space<vmem>> -> memref<64xi32, #tpu.memory_space<vmem>>
        %dma_start3A_546 = arith.constant 0 : i32
        %dma_start3A_547 = arith.constant 0 : i32
        %dma_start3A_548 = tpu.memref_slice %arg13[%dma_start3A_546, %dma_start3A_547] : memref<10112x128xf32, #tpu.memory_space<vmem_shared>> -> memref<10112x128xf32, #tpu.memory_space<vmem_shared>>
        tpu.enqueue_indirect_dma source(%arg11 : memref<64x128xf32, #tpu.memory_space<vmem>>) target(%dma_start3A_548 : memref<10112x128xf32, #tpu.memory_space<vmem_shared>>) offsets(%dma_start3A_545 : memref<64xi32, #tpu.memory_space<vmem>>) semaphore(%run_scoped3A_542 : memref<!tpu.dma_semaphore, #tpu.memory_space<semaphore_mem>>) {add = true}
        %dma_wait3A_549 = arith.constant 0 : i32
        %dma_wait3A_550 = tpu.memref_slice %arg8[%run_scoped3A_516, %run_scoped3A_517, %dma_wait3A_549] : memref<2x8x64xi32, #tpu.memory_space<vmem>> -> memref<1x1x64xi32, #tpu.memory_space<vmem>>
        %dma_wait3A_551 = tpu.memref_squeeze %dma_wait3A_550 : memref<1x1x64xi32, #tpu.memory_space<vmem>> -> memref<64xi32, #tpu.memory_space<vmem>>
        %dma_wait3A_552 = arith.constant 0 : i32
        %dma_wait3A_553 = arith.constant 0 : i32
        %dma_wait3A_554 = tpu.memref_slice %arg13[%dma_wait3A_552, %dma_wait3A_553] : memref<10112x128xf32, #tpu.memory_space<vmem_shared>> -> memref<10112x128xf32, #tpu.memory_space<vmem_shared>>
        tpu.wait_indirect_dma semaphore(%run_scoped3A_542 : memref<!tpu.dma_semaphore, #tpu.memory_space<semaphore_mem>>) src(%arg11 : memref<64x128xf32, #tpu.memory_space<vmem>>) dst(%dma_wait3A_554 : memref<10112x128xf32, #tpu.memory_space<vmem_shared>>)
        tpu.yield
      }) : () -> ()
      %add3A_518 = arith.constant 1 : i32
      %add3A_519 = arith.addi %add3A_387, %add3A_518 : i32
      %lt3A_520 = arith.constant 20 : i32
      %lt3A_521 = arith.cmpi slt, %add3A_519, %lt3A_520 : i32
      %convert_element_type3A_522 = arith.extui %lt3A_521 : i1 to i32
      %cond3A_523 = arith.constant 0 : i32
      %cond3A_524 = arith.cmpi ne, %convert_element_type3A_522, %cond3A_523 : i32
      scf.if %cond3A_524 {
        %dma_start3A_542 = arith.constant 0 : i32
        %dma_start3A_543 = arith.constant 2 : i32
        %dma_start3A_544 = arith.constant 0 : i32
        %dma_start3A_545 = tpu.memref_slice %arg7[%dma_start3A_542, %dma_start3A_543, %dma_start3A_544] : memref<2x8x64xi32, #tpu.memory_space<vmem>> -> memref<1x1x64xi32, #tpu.memory_space<vmem>>
        %dma_start3A_546 = tpu.memref_squeeze %dma_start3A_545 : memref<1x1x64xi32, #tpu.memory_space<vmem>> -> memref<64xi32, #tpu.memory_space<vmem>>
        %dma_start3A_547 = arith.constant 0 : i32
        %dma_start3A_548 = arith.constant 0 : i32
        %dma_start3A_549 = tpu.memref_slice %arg2[%dma_start3A_547, %dma_start3A_548] : memref<10000x128xf32, #tpu.memory_space<hbm>> -> memref<10000x128xf32, #tpu.memory_space<hbm>>
        tpu.enqueue_indirect_dma source(%dma_start3A_549 : memref<10000x128xf32, #tpu.memory_space<hbm>>) target(%arg11 : memref<64x128xf32, #tpu.memory_space<vmem>>) offsets(%dma_start3A_546 : memref<64xi32, #tpu.memory_space<vmem>>) semaphore(%arg18 : memref<!tpu.dma_semaphore, #tpu.memory_space<semaphore_mem>>)
      } else {
      }
      %dma_wait3A_525 = arith.constant 1 : i32
      %dma_wait3A_526 = arith.constant 7 : i32
      %dma_wait3A_527 = arith.constant 0 : i32
      %dma_wait3A_528 = tpu.memref_slice %arg7[%dma_wait3A_525, %dma_wait3A_526, %dma_wait3A_527] : memref<2x8x64xi32, #tpu.memory_space<vmem>> -> memref<1x1x64xi32, #tpu.memory_space<vmem>>
      %dma_wait3A_529 = tpu.memref_squeeze %dma_wait3A_528 : memref<1x1x64xi32, #tpu.memory_space<vmem>> -> memref<64xi32, #tpu.memory_space<vmem>>
      %dma_wait3A_530 = arith.constant 0 : i32
      %dma_wait3A_531 = arith.constant 0 : i32
      %dma_wait3A_532 = tpu.memref_slice %arg2[%dma_wait3A_530, %dma_wait3A_531] : memref<10000x128xf32, #tpu.memory_space<hbm>> -> memref<10000x128xf32, #tpu.memory_space<hbm>>
      tpu.wait_indirect_dma semaphore(%arg19 : memref<!tpu.dma_semaphore, #tpu.memory_space<semaphore_mem>>) src(%dma_wait3A_532 : memref<10000x128xf32, #tpu.memory_space<hbm>>) dst(%arg12 : memref<64x128xf32, #tpu.memory_space<vmem>>)
      %run_scoped3A_533 = arith.constant 1 : i32
      %run_scoped3A_534 = arith.constant 7 : i32
      "tpu.region"() ({
        %run_scoped3A_542 = tpu.sem_alloc : memref<!tpu.dma_semaphore, #tpu.memory_space<semaphore_mem>>
        %dma_start3A_543 = arith.constant 0 : i32
        %dma_start3A_544 = tpu.memref_slice %arg8[%run_scoped3A_533, %run_scoped3A_534, %dma_start3A_543] : memref<2x8x64xi32, #tpu.memory_space<vmem>> -> memref<1x1x64xi32, #tpu.memory_space<vmem>>
        %dma_start3A_545 = tpu.memref_squeeze %dma_start3A_544 : memref<1x1x64xi32, #tpu.memory_space<vmem>> -> memref<64xi32, #tpu.memory_space<vmem>>
        %dma_start3A_546 = arith.constant 0 : i32
        %dma_start3A_547 = arith.constant 0 : i32
        %dma_start3A_548 = tpu.memref_slice %arg13[%dma_start3A_546, %dma_start3A_547] : memref<10112x128xf32, #tpu.memory_space<vmem_shared>> -> memref<10112x128xf32, #tpu.memory_space<vmem_shared>>
        tpu.enqueue_indirect_dma source(%arg12 : memref<64x128xf32, #tpu.memory_space<vmem>>) target(%dma_start3A_548 : memref<10112x128xf32, #tpu.memory_space<vmem_shared>>) offsets(%dma_start3A_545 : memref<64xi32, #tpu.memory_space<vmem>>) semaphore(%run_scoped3A_542 : memref<!tpu.dma_semaphore, #tpu.memory_space<semaphore_mem>>) {add = true}
        %dma_wait3A_549 = arith.constant 0 : i32
        %dma_wait3A_550 = tpu.memref_slice %arg8[%run_scoped3A_533, %run_scoped3A_534, %dma_wait3A_549] : memref<2x8x64xi32, #tpu.memory_space<vmem>> -> memref<1x1x64xi32, #tpu.memory_space<vmem>>
        %dma_wait3A_551 = tpu.memref_squeeze %dma_wait3A_550 : memref<1x1x64xi32, #tpu.memory_space<vmem>> -> memref<64xi32, #tpu.memory_space<vmem>>
        %dma_wait3A_552 = arith.constant 0 : i32
        %dma_wait3A_553 = arith.constant 0 : i32
        %dma_wait3A_554 = tpu.memref_slice %arg13[%dma_wait3A_552, %dma_wait3A_553] : memref<10112x128xf32, #tpu.memory_space<vmem_shared>> -> memref<10112x128xf32, #tpu.memory_space<vmem_shared>>
        tpu.wait_indirect_dma semaphore(%run_scoped3A_542 : memref<!tpu.dma_semaphore, #tpu.memory_space<semaphore_mem>>) src(%arg12 : memref<64x128xf32, #tpu.memory_space<vmem>>) dst(%dma_wait3A_554 : memref<10112x128xf32, #tpu.memory_space<vmem_shared>>)
        tpu.yield
      }) : () -> ()
      %add3A_535 = arith.constant 1 : i32
      %add3A_536 = arith.addi %add3A_387, %add3A_535 : i32
      %lt3A_537 = arith.constant 20 : i32
      %lt3A_538 = arith.cmpi slt, %add3A_536, %lt3A_537 : i32
      %convert_element_type3A_539 = arith.extui %lt3A_538 : i1 to i32
      %cond3A_540 = arith.constant 0 : i32
      %cond3A_541 = arith.cmpi ne, %convert_element_type3A_539, %cond3A_540 : i32
      scf.if %cond3A_541 {
        %dma_start3A_542 = arith.constant 0 : i32
        %dma_start3A_543 = arith.constant 3 : i32
        %dma_start3A_544 = arith.constant 0 : i32
        %dma_start3A_545 = tpu.memref_slice %arg7[%dma_start3A_542, %dma_start3A_543, %dma_start3A_544] : memref<2x8x64xi32, #tpu.memory_space<vmem>> -> memref<1x1x64xi32, #tpu.memory_space<vmem>>
        %dma_start3A_546 = tpu.memref_squeeze %dma_start3A_545 : memref<1x1x64xi32, #tpu.memory_space<vmem>> -> memref<64xi32, #tpu.memory_space<vmem>>
        %dma_start3A_547 = arith.constant 0 : i32
        %dma_start3A_548 = arith.constant 0 : i32
        %dma_start3A_549 = tpu.memref_slice %arg2[%dma_start3A_547, %dma_start3A_548] : memref<10000x128xf32, #tpu.memory_space<hbm>> -> memref<10000x128xf32, #tpu.memory_space<hbm>>
        tpu.enqueue_indirect_dma source(%dma_start3A_549 : memref<10000x128xf32, #tpu.memory_space<hbm>>) target(%arg12 : memref<64x128xf32, #tpu.memory_space<vmem>>) offsets(%dma_start3A_546 : memref<64xi32, #tpu.memory_space<vmem>>) semaphore(%arg19 : memref<!tpu.dma_semaphore, #tpu.memory_space<semaphore_mem>>)
      } else {
      }
    }
    %scan3A_222 = arith.constant 10 : i32
    %barrier3A_223 = arith.constant 0 : index
    tpu.barrier barrier_id(%barrier3A_223)
    %mul3A_224 = arith.constant 632 : i32
    %mul3A_225 = arith.muli %arg1, %mul3A_224 : i32
    "tpu.region"() ({
      %run_scoped3A = tpu.sem_alloc : memref<!tpu.dma_semaphore, #tpu.memory_space<semaphore_mem>>
      %dma_start3A_226 = arith.constant 0 : i32
      %dma_start3A_227 = tpu.memref_slice %arg6[%arg0, %mul3A_225, %dma_start3A_226] : memref<2x10112x128xf32, #tpu.memory_space<hbm>> -> memref<1x632x128xf32, #tpu.memory_space<hbm>>
      %dma_start3A_228 = tpu.memref_squeeze %dma_start3A_227 : memref<1x632x128xf32, #tpu.memory_space<hbm>> -> memref<632x128xf32, #tpu.memory_space<hbm>>
      %dma_start3A_229 = arith.constant 0 : i32
      %dma_start3A_230 = tpu.memref_slice %arg13[%mul3A_225, %dma_start3A_229] : memref<10112x128xf32, #tpu.memory_space<vmem_shared>> -> memref<632x128xf32, #tpu.memory_space<vmem_shared>>
      tpu.enqueue_dma source(%dma_start3A_230 : memref<632x128xf32, #tpu.memory_space<vmem_shared>>) target(%dma_start3A_228 : memref<632x128xf32, #tpu.memory_space<hbm>>) target_semaphore(%run_scoped3A : memref<!tpu.dma_semaphore, #tpu.memory_space<semaphore_mem>>)
      %dma_wait3A_231 = arith.constant 0 : i32
      %dma_wait3A_232 = tpu.memref_slice %arg6[%arg0, %mul3A_225, %dma_wait3A_231] : memref<2x10112x128xf32, #tpu.memory_space<hbm>> -> memref<1x632x128xf32, #tpu.memory_space<hbm>>
      %dma_wait3A_233 = tpu.memref_squeeze %dma_wait3A_232 : memref<1x632x128xf32, #tpu.memory_space<hbm>> -> memref<632x128xf32, #tpu.memory_space<hbm>>
      %dma_wait3A_234 = arith.constant 0 : i32
      %dma_wait3A_235 = tpu.memref_slice %arg13[%mul3A_225, %dma_wait3A_234] : memref<10112x128xf32, #tpu.memory_space<vmem_shared>> -> memref<632x128xf32, #tpu.memory_space<vmem_shared>>
      tpu.wait_dma2 semaphore(%run_scoped3A : memref<!tpu.dma_semaphore, #tpu.memory_space<semaphore_mem>>) src(%dma_wait3A_235 : memref<632x128xf32, #tpu.memory_space<vmem_shared>>) dst(%dma_wait3A_233 : memref<632x128xf32, #tpu.memory_space<hbm>>)
      tpu.yield
    }) : () -> ()
    return
  }
}

module attributes {stable_mosaic.version = 14 : i64} {
  func.func @body(%arg0: i32, %arg1: memref<2x2000x128xf32, #tpu.memory_space<vmem>>, %arg2: memref<2000x128xf32, #tpu.memory_space<vmem>>, %arg3: memref<128x128xf32, #tpu.memory_space<vmem>>, %arg4: memref<1x128xf32, #tpu.memory_space<vmem>>, %arg5: memref<128x128xf32, #tpu.memory_space<vmem>>, %arg6: memref<1x128xf32, #tpu.memory_space<vmem>>, %arg7: memref<2000x128xf32, #tpu.memory_space<vmem>>) attributes {dimension_semantics = [#tpu.dimension_semantics<parallel>], iteration_bounds = array<i64: 5>, scalar_prefetch = 0 : i64, scratch_operands = 0 : i64, tpu.core_type = #tpu.core_type<tc>, window_params = [{transform_indices = @transform_0, window_bounds = array<i64: 2, 2000, 128>}, {transform_indices = @transform_1, window_bounds = array<i64: 2000, 128>}, {pipeline_mode = #tpu.pipeline_mode<synchronous>, transform_indices = @transform_2, window_bounds = array<i64: 128, 128>}, {pipeline_mode = #tpu.pipeline_mode<synchronous>, transform_indices = @transform_3, window_bounds = array<i64: 1, 128>}, {pipeline_mode = #tpu.pipeline_mode<synchronous>, transform_indices = @transform_4, window_bounds = array<i64: 128, 128>}, {pipeline_mode = #tpu.pipeline_mode<synchronous>, transform_indices = @transform_5, window_bounds = array<i64: 1, 128>}, {transform_indices = @transform_6, window_bounds = array<i64: 2000, 128>}]} {
    %get3A = arith.constant 0 : index
    %get3A_0 = arith.constant 0 : index
    %get3A_1 = arith.constant 0 : index
    %get3A_2 = vector.load %arg1[%get3A, %get3A_0, %get3A_1] : memref<2x2000x128xf32, #tpu.memory_space<vmem>>, vector<1x2000x128xf32>
    %get3A_3 = vector.shape_cast %get3A_2 : vector<1x2000x128xf32> to vector<2000x128xf32>
    %get3A_4 = arith.constant 1 : index
    %get3A_5 = arith.constant 0 : index
    %get3A_6 = arith.constant 0 : index
    %get3A_7 = vector.load %arg1[%get3A_4, %get3A_5, %get3A_6] : memref<2x2000x128xf32, #tpu.memory_space<vmem>>, vector<1x2000x128xf32>
    %get3A_8 = vector.shape_cast %get3A_7 : vector<1x2000x128xf32> to vector<2000x128xf32>
    %add3A = arith.addf %get3A_3, %get3A_8 : vector<2000x128xf32>
    %get3A_9 = arith.constant 0 : index
    %get3A_10 = arith.constant 0 : index
    %get3A_11 = vector.load %arg2[%get3A_9, %get3A_10] : memref<2000x128xf32, #tpu.memory_space<vmem>>, vector<2000x128xf32>
    %add3A_12 = arith.addf %add3A, %get3A_11 : vector<2000x128xf32>
    %get3A_13 = arith.constant 0 : index
    %get3A_14 = arith.constant 0 : index
    %get3A_15 = vector.load %arg3[%get3A_13, %get3A_14] : memref<128x128xf32, #tpu.memory_space<vmem>>, vector<128x128xf32>
    %dot_general3A = arith.constant dense<0.000000e+00> : vector<2000x128xf32>
    %dot_general3A_16 = tpu.matmul %add3A_12, %get3A_15, %dot_general3A {dimension_numbers = #tpu.dot_dimension_numbers<[1], [0], [0], [1], [0, 0, 1, 1], [], []>, transpose_lhs_hint = false} : vector<2000x128xf32>, vector<128x128xf32>, vector<2000x128xf32> -> vector<2000x128xf32>
    %get3A_17 = arith.constant 0 : index
    %get3A_18 = arith.constant 0 : index
    %get3A_19 = vector.load %arg4[%get3A_17, %get3A_18] : memref<1x128xf32, #tpu.memory_space<vmem>>, vector<1x128xf32>
    %add3A_20 = vector.broadcast %get3A_19 : vector<1x128xf32> to vector<2000x128xf32>
    %add3A_21 = arith.addf %dot_general3A_16, %add3A_20 : vector<2000x128xf32>
    %max3A = arith.constant 0.000000e+00 : f32
    %max3A_22 = vector.broadcast %max3A : f32 to vector<2000x128xf32>
    %max3A_23 = arith.maximumf %add3A_21, %max3A_22 : vector<2000x128xf32>
    %get3A_24 = arith.constant 0 : index
    %get3A_25 = arith.constant 0 : index
    %get3A_26 = vector.load %arg5[%get3A_24, %get3A_25] : memref<128x128xf32, #tpu.memory_space<vmem>>, vector<128x128xf32>
    %dot_general3A_27 = arith.constant dense<0.000000e+00> : vector<2000x128xf32>
    %dot_general3A_28 = tpu.matmul %max3A_23, %get3A_26, %dot_general3A_27 {dimension_numbers = #tpu.dot_dimension_numbers<[1], [0], [0], [1], [0, 0, 1, 1], [], []>, transpose_lhs_hint = false} : vector<2000x128xf32>, vector<128x128xf32>, vector<2000x128xf32> -> vector<2000x128xf32>
    %get3A_29 = arith.constant 0 : index
    %get3A_30 = arith.constant 0 : index
    %get3A_31 = vector.load %arg6[%get3A_29, %get3A_30] : memref<1x128xf32, #tpu.memory_space<vmem>>, vector<1x128xf32>
    %add3A_32 = vector.broadcast %get3A_31 : vector<1x128xf32> to vector<2000x128xf32>
    %add3A_33 = arith.addf %dot_general3A_28, %add3A_32 : vector<2000x128xf32>
    %swap3A = arith.constant 0 : index
    %swap3A_34 = arith.constant 0 : index
    %swap3A_35 = vector.load %arg7[%swap3A, %swap3A_34] : memref<2000x128xf32, #tpu.memory_space<vmem>>, vector<2000x128xf32>
    tpu.vector_store %arg7[%swap3A, %swap3A_34], %add3A_33 {strides = array<i32>} : memref<2000x128xf32, #tpu.memory_space<vmem>>, vector<2000x128xf32>,
    return
  }
  func.func @transform_0(%arg0: i32) -> (i32, i32, i32) {
    %c0_i32 = arith.constant 0 : i32
    %c0_i32_0 = arith.constant 0 : i32
    %c0_i32_1 = arith.constant 0 : i32
    return %c0_i32, %arg0, %c0_i32_0 : i32, i32, i32
  }
  func.func @transform_1(%arg0: i32) -> (i32, i32) {
    %c0_i32 = arith.constant 0 : i32
    %c0_i32_0 = arith.constant 0 : i32
    return %arg0, %c0_i32 : i32, i32
  }
  func.func @transform_2(%arg0: i32) -> (i32, i32) {
    %c0_i32 = arith.constant 0 : i32
    %c0_i32_0 = arith.constant 0 : i32
    %c0_i32_1 = arith.constant 0 : i32
    return %c0_i32, %c0_i32_0 : i32, i32
  }
  func.func @transform_3(%arg0: i32) -> (i32, i32) {
    %c0_i32 = arith.constant 0 : i32
    %c0_i32_0 = arith.constant 0 : i32
    %c0_i32_1 = arith.constant 0 : i32
    return %c0_i32, %c0_i32_0 : i32, i32
  }
  func.func @transform_4(%arg0: i32) -> (i32, i32) {
    %c0_i32 = arith.constant 0 : i32
    %c0_i32_0 = arith.constant 0 : i32
    %c0_i32_1 = arith.constant 0 : i32
    return %c0_i32, %c0_i32_0 : i32, i32
  }
  func.func @transform_5(%arg0: i32) -> (i32, i32) {
    %c0_i32 = arith.constant 0 : i32
    %c0_i32_0 = arith.constant 0 : i32
    %c0_i32_1 = arith.constant 0 : i32
    return %c0_i32, %c0_i32_0 : i32, i32
  }
  func.func @transform_6(%arg0: i32) -> (i32, i32) {
    %c0_i32 = arith.constant 0 : i32
    %c0_i32_0 = arith.constant 0 : i32
    return %arg0, %c0_i32 : i32, i32
  }
}

module attributes {stable_mosaic.version = 14 : i64} {
  func.func @body(%arg0: i32, %arg1: memref<2x2000x128xf32, #tpu.memory_space<vmem>>, %arg2: memref<2000x128xf32, #tpu.memory_space<vmem>>, %arg3: memref<128x128xf32, #tpu.memory_space<vmem>>, %arg4: memref<1x128xf32, #tpu.memory_space<vmem>>, %arg5: memref<128x128xf32, #tpu.memory_space<vmem>>, %arg6: memref<1x128xf32, #tpu.memory_space<vmem>>, %arg7: memref<2000x128xf32, #tpu.memory_space<vmem>>) attributes {dimension_semantics = [#tpu.dimension_semantics<parallel>], iteration_bounds = array<i64: 5>, scalar_prefetch = 0 : i64, scratch_operands = 0 : i64, tpu.core_type = #tpu.core_type<tc>, window_params = [{transform_indices = @transform_0, window_bounds = array<i64: 2, 2000, 128>}, {transform_indices = @transform_1, window_bounds = array<i64: 2000, 128>}, {pipeline_mode = #tpu.pipeline_mode<synchronous>, transform_indices = @transform_2, window_bounds = array<i64: 128, 128>}, {pipeline_mode = #tpu.pipeline_mode<synchronous>, transform_indices = @transform_3, window_bounds = array<i64: 1, 128>}, {pipeline_mode = #tpu.pipeline_mode<synchronous>, transform_indices = @transform_4, window_bounds = array<i64: 128, 128>}, {pipeline_mode = #tpu.pipeline_mode<synchronous>, transform_indices = @transform_5, window_bounds = array<i64: 1, 128>}, {transform_indices = @transform_6, window_bounds = array<i64: 2000, 128>}]} {
    %get3A = arith.constant 0 : index
    %get3A_0 = arith.constant 0 : index
    %get3A_1 = arith.constant 0 : index
    %get3A_2 = vector.load %arg1[%get3A, %get3A_0, %get3A_1] : memref<2x2000x128xf32, #tpu.memory_space<vmem>>, vector<1x2000x128xf32>
    %get3A_3 = vector.shape_cast %get3A_2 : vector<1x2000x128xf32> to vector<2000x128xf32>
    %get3A_4 = arith.constant 1 : index
    %get3A_5 = arith.constant 0 : index
    %get3A_6 = arith.constant 0 : index
    %get3A_7 = vector.load %arg1[%get3A_4, %get3A_5, %get3A_6] : memref<2x2000x128xf32, #tpu.memory_space<vmem>>, vector<1x2000x128xf32>
    %get3A_8 = vector.shape_cast %get3A_7 : vector<1x2000x128xf32> to vector<2000x128xf32>
    %add3A = arith.addf %get3A_3, %get3A_8 : vector<2000x128xf32>
    %get3A_9 = arith.constant 0 : index
    %get3A_10 = arith.constant 0 : index
    %get3A_11 = vector.load %arg2[%get3A_9, %get3A_10] : memref<2000x128xf32, #tpu.memory_space<vmem>>, vector<2000x128xf32>
    %add3A_12 = arith.addf %add3A, %get3A_11 : vector<2000x128xf32>
    %get3A_13 = arith.constant 0 : index
    %get3A_14 = arith.constant 0 : index
    %get3A_15 = vector.load %arg3[%get3A_13, %get3A_14] : memref<128x128xf32, #tpu.memory_space<vmem>>, vector<128x128xf32>
    %dot_general3A = arith.constant dense<0.000000e+00> : vector<2000x128xf32>
    %dot_general3A_16 = tpu.matmul %add3A_12, %get3A_15, %dot_general3A {dimension_numbers = #tpu.dot_dimension_numbers<[1], [0], [0], [1], [0, 0, 1, 1], [], []>, transpose_lhs_hint = false} : vector<2000x128xf32>, vector<128x128xf32>, vector<2000x128xf32> -> vector<2000x128xf32>
    %get3A_17 = arith.constant 0 : index
    %get3A_18 = arith.constant 0 : index
    %get3A_19 = vector.load %arg4[%get3A_17, %get3A_18] : memref<1x128xf32, #tpu.memory_space<vmem>>, vector<1x128xf32>
    %add3A_20 = vector.broadcast %get3A_19 : vector<1x128xf32> to vector<2000x128xf32>
    %add3A_21 = arith.addf %dot_general3A_16, %add3A_20 : vector<2000x128xf32>
    %max3A = arith.constant 0.000000e+00 : f32
    %max3A_22 = vector.broadcast %max3A : f32 to vector<2000x128xf32>
    %max3A_23 = arith.maximumf %add3A_21, %max3A_22 : vector<2000x128xf32>
    %get3A_24 = arith.constant 0 : index
    %get3A_25 = arith.constant 0 : index
    %get3A_26 = vector.load %arg5[%get3A_24, %get3A_25] : memref<128x128xf32, #tpu.memory_space<vmem>>, vector<128x128xf32>
    %dot_general3A_27 = arith.constant dense<0.000000e+00> : vector<2000x128xf32>
    %dot_general3A_28 = tpu.matmul %max3A_23, %get3A_26, %dot_general3A_27 {dimension_numbers = #tpu.dot_dimension_numbers<[1], [0], [0], [1], [0, 0, 1, 1], [], []>, transpose_lhs_hint = false} : vector<2000x128xf32>, vector<128x128xf32>, vector<2000x128xf32> -> vector<2000x128xf32>
    %get3A_29 = arith.constant 0 : index
    %get3A_30 = arith.constant 0 : index
    %get3A_31 = vector.load %arg6[%get3A_29, %get3A_30] : memref<1x128xf32, #tpu.memory_space<vmem>>, vector<1x128xf32>
    %add3A_32 = vector.broadcast %get3A_31 : vector<1x128xf32> to vector<2000x128xf32>
    %add3A_33 = arith.addf %dot_general3A_28, %add3A_32 : vector<2000x128xf32>
    %swap3A = arith.constant 0 : index
    %swap3A_34 = arith.constant 0 : index
    %swap3A_35 = vector.load %arg7[%swap3A, %swap3A_34] : memref<2000x128xf32, #tpu.memory_space<vmem>>, vector<2000x128xf32>
    tpu.vector_store %arg7[%swap3A, %swap3A_34], %add3A_33 {strides = array<i32>} : memref<2000x128xf32, #tpu.memory_space<vmem>>, vector<2000x128xf32>,
    return
  }
  func.func @transform_0(%arg0: i32) -> (i32, i32, i32) {
    %c0_i32 = arith.constant 0 : i32
    %c0_i32_0 = arith.constant 0 : i32
    %c0_i32_1 = arith.constant 0 : i32
    return %c0_i32, %arg0, %c0_i32_0 : i32, i32, i32
  }
  func.func @transform_1(%arg0: i32) -> (i32, i32) {
    %c0_i32 = arith.constant 0 : i32
    %c0_i32_0 = arith.constant 0 : i32
    return %arg0, %c0_i32 : i32, i32
  }
  func.func @transform_2(%arg0: i32) -> (i32, i32) {
    %c0_i32 = arith.constant 0 : i32
    %c0_i32_0 = arith.constant 0 : i32
    %c0_i32_1 = arith.constant 0 : i32
    return %c0_i32, %c0_i32_0 : i32, i32
  }
  func.func @transform_3(%arg0: i32) -> (i32, i32) {
    %c0_i32 = arith.constant 0 : i32
    %c0_i32_0 = arith.constant 0 : i32
    %c0_i32_1 = arith.constant 0 : i32
    return %c0_i32, %c0_i32_0 : i32, i32
  }
  func.func @transform_4(%arg0: i32) -> (i32, i32) {
    %c0_i32 = arith.constant 0 : i32
    %c0_i32_0 = arith.constant 0 : i32
    %c0_i32_1 = arith.constant 0 : i32
    return %c0_i32, %c0_i32_0 : i32, i32
  }
  func.func @transform_5(%arg0: i32) -> (i32, i32) {
    %c0_i32 = arith.constant 0 : i32
    %c0_i32_0 = arith.constant 0 : i32
    %c0_i32_1 = arith.constant 0 : i32
    return %c0_i32, %c0_i32_0 : i32, i32
  }
  func.func @transform_6(%arg0: i32) -> (i32, i32) {
    %c0_i32 = arith.constant 0 : i32
    %c0_i32_0 = arith.constant 0 : i32
    return %arg0, %c0_i32 : i32, i32
  }
}

</mosaic_0001>

<sc_bundles>
// kernel: kernel.6.cloned.1.call-start
scs
__scs_entry_jumppad:
0x0: {  	(pc) =	sbr.rel $0x88, $3  }
0x1: {  	(tag) =	ssettag $0x0;
	lr =	simm.s32 $0x1  }
0x2: {  	[smem:$0x3F96] =	sst lr;
	_ =	strace $0xD0000000  }
0x3: {  	_ = 	snop  }
0x4: {  	_ = 	snop  }
0x5: {  	_ = 	snop  }
0x6: {  	_ = 	snop  }
0x7: {  	_ = 	snop  }
__scs_overlays_trampoline_lowered:
0x8: {  	[smem:$0x3FA5] =	sst s0  }
0x9: {  	[smem:$0x3FA6] =	sst s1  }
0xa: {  	[smem:$0x3FA7] =	sst s2  }
0xb: {  	[smem:$0x3FA8] =	sst s3  }
0xc: {  	[smem:$0x3FA9] =	sst s4  }
0xd: {  	[smem:$0x3FAA] =	sst s5  }
0xe: {  	[smem:$0x3FAB] =	sst s6  }
0xf: {  	[smem:$0x3FAC] =	sst s7  }
0x10: {  	[smem:$0x3FAD] =	sst s8  }
0x11: {  	[smem:$0x3FAE] =	sst s9;
	s0 =	simm.s32 @!p0 $0x0  }
0x12: {  	s1 =	sld [smem:$0x3F94];
	s0 =	simm.s32 @p0 $0x1  }
0x13: {  	[smem:$0x3FAF] =	sst s0;
	s0 =	simm.s32 @!p1 $0x0  }
0x14: {  	s2 =	sld [smem:$0x3F93];
	s0 =	simm.s32 @p1 $0x1  }
0x15: {  	[smem:$0x3FB0] =	sst s0;
	s0 =	simm.s32 @!p2 $0x0  }
0x16: {  	s3 =	sld [smem:$0x3FDB];
	s0 =	simm.s32 @p2 $0x1  }
0x17: {  	s4 =	simm.s32 $0x1BF5;
	[smem:$0x3FB2] =	sst s0  }
0x18: {  	s0 =	sld [smem:$0x3F95];
	_ =	swait.ge [sflag:s4], $0x0  }
0x19: {  	s7 =	sld [smem:$0x3F96]  }
0x1a: {  	s8 =	sadd.s32 $0xFFFFE003, lr  }
0x1b: {  	s9 =	sadd.s32 $0xFFFFFEF7, lr;
	s5 =	simm.s32 $0xFFFFFFFF;
	p2 =	slt.u32 s8, $0xFFFFF086  }
0x1c: {  	p1 =	slt.u32 s9, $0xF7A;
	s5 =	simm.s32 @!p2 $0x0  }
0x1d: {  	s5 =	simm.s32 @p1 $0x1;
	p0 =	seq.s32 s7, s2  }
0x1e: {  	s7 =	smul.u32 @!p0 $0xF7A, s2;
	p2 =	seq.s32 @!p0 s5, $0x0  }
0x1f: {  	s9 =	smul.u32 $0xF7A, s1;
	s8 =	simm.s32 @!p0 $0x1BF5;
	p2 =	por !p2, p0  }
0x20: {  	[sflag:s8] =	ssyncset.s32 @!p0 $0xFFFFF086;
	s6 =	sadd.s32 @!p0 s3, s7;
	s7 =	simm.s32 @!p0 $0x108  }
0x21: {  	s3 =	sadd.s32 s3, s9;
	s6 =	sadd.s32 @!p0 $0x88, s6;
	s7 =	simm.s32 @p2 $0x1082  }
0x22: {  	[simem:s7], [sflag:s8] =	dma.local @!p0 [hbm:s6], $0xF7A  }
0x23: {  	s9 =	sor.u32 $0xD0000000, s2;
	s6 =	simm.s32 $0x108;
	_ =	swait.ge @!p0 [sflag:s8], $0x0  }
0x24: {  	s3 =	sadd.s32 $0x88, s3;
	s6 =	simm.s32 @!p1 $0x1082;
	[sflag:s4] =	ssyncset.s32 $0xFFFFF086  }
0x25: {  	[simem:s6], [sflag:s4] =	dma.local [hbm:s3], $0xF7A  }
0x26: {  	[smem:$0x3F96] =	sst s1;
	(tag) =	ssettag s2;
	_ =	strace s9  }
0x27: {  	s1 =	sld [smem:$0x3FA6]  }
0x28: {  	s2 =	sld [smem:$0x3FA7]  }
0x29: {  	s4 =	sld [smem:$0x3FA9]  }
0x2a: {  	p0 =	seq.s32 s5, $0x0;
	s5 =	sld [smem:$0x3FAA]  }
0x2b: {  	s6 =	sld [smem:$0x3FAB]  }
0x2c: {  	s7 =	sld [smem:$0x3FAC]  }
0x2d: {  	s3 =	simm.s32 $0x108;
	s8 =	sld [smem:$0x3FAD]  }
0x2e: {  	s3 =	simm.s32 @!p0 $0x1082;
	s9 =	sld [smem:$0x3FAE]  }
0x2f: {  	lr =	sadd.s32 s0, s3;
	s0 =	sld [smem:$0x3FA5]  }
0x30: {  	s3 =	sld [smem:$0x3FA8]  }
0x31: {  	[smem:$0x3FB1] =	sst s10  }
0x32: {  	s10 =	sld [smem:$0x3FAF];
	_ =	sdelay $0x3  }
0x33: {  	p0 =	seq.s32 s10, $0x1;
	s10 =	sld [smem:$0x3FB1];
	_ =	sdelay $0x3  }
0x34: {  	[smem:$0x3FB1] =	sst s10  }
0x35: {  	s10 =	sld [smem:$0x3FB0];
	_ =	sdelay $0x3  }
0x36: {  	p1 =	seq.s32 s10, $0x1;
	s10 =	sld [smem:$0x3FB1];
	_ =	sdelay $0x3  }
0x37: {  	[smem:$0x3FB1] =	sst s10  }
0x38: {  	s10 =	sld [smem:$0x3FB2]  }
0x39: {  	_ = 	snop;
	(pc) =	sbr.ind lr, $3  }
0x3a: {  	_ = 	snop  }
0x3b: {  	_ = 	snop  }
0x3c: {  	p2 =	seq.s32 s10, $0x1;
	s10 =	sld [smem:$0x3FB1]  }
0x3d: {  	_ =	shalt  }
0x3e: {  	_ =	shalt  }
0x3f: {  	_ =	shalt  }
0x40: {  	_ =	shalt  }
0x41: {  	_ =	shalt  }
0x42: {  	_ =	shalt  }
0x43: {  	_ =	shalt  }
0x44: {  	_ =	shalt  }
0x45: {  	_ =	shalt  }
0x46: {  	_ =	shalt  }
0x47: {  	_ =	shalt  }
0x48: {  	_ =	shalt  }
0x49: {  	_ =	shalt  }
0x4a: {  	_ =	shalt  }
0x4b: {  	_ =	shalt  }
0x4c: {  	_ =	shalt  }
0x4d: {  	_ =	shalt  }
0x4e: {  	_ =	shalt  }
0x4f: {  	_ =	shalt  }
0x50: {  	_ =	shalt  }
0x51: {  	_ =	shalt  }
0x52: {  	_ =	shalt  }
0x53: {  	_ =	shalt  }
0x54: {  	_ =	shalt  }
0x55: {  	_ =	shalt  }
0x56: {  	_ =	shalt  }
0x57: {  	_ =	shalt  }
0x58: {  	_ =	shalt  }
0x59: {  	_ =	shalt  }
0x5a: {  	_ =	shalt  }
0x5b: {  	_ =	shalt  }
0x5c: {  	_ =	shalt  }
0x5d: {  	_ =	shalt  }
0x5e: {  	_ =	shalt  }
0x5f: {  	_ =	shalt  }
0x60: {  	_ =	shalt  }
0x61: {  	_ =	shalt  }
0x62: {  	_ =	shalt  }
0x63: {  	_ =	shalt  }
0x64: {  	_ =	shalt  }
0x65: {  	_ =	shalt  }
0x66: {  	_ =	shalt  }
0x67: {  	_ =	shalt  }
0x68: {  	_ =	shalt  }
0x69: {  	_ =	shalt  }
0x6a: {  	_ =	shalt  }
0x6b: {  	_ =	shalt  }
0x6c: {  	_ =	shalt  }
0x6d: {  	_ =	shalt  }
0x6e: {  	_ =	shalt  }
0x6f: {  	_ =	shalt  }
0x70: {  	_ =	shalt  }
0x71: {  	_ =	shalt  }
0x72: {  	_ =	shalt  }
0x73: {  	_ =	shalt  }
0x74: {  	_ =	shalt  }
0x75: {  	_ =	shalt  }
0x76: {  	_ =	shalt  }
0x77: {  	_ =	shalt  }
0x78: {  	_ =	shalt  }
0x79: {  	_ =	shalt  }
0x7a: {  	_ =	shalt  }
0x7b: {  	_ =	shalt  }
0x7c: {  	_ =	shalt  }
0x7d: {  	_ =	shalt  }
0x7e: {  	_ =	shalt  }
0x7f: {  	_ =	shalt  }
0x80: {  	_ =	shalt  }
0x81: {  	_ =	shalt  }
0x82: {  	_ =	shalt  }
0x83: {  	_ =	shalt  }
0x84: {  	_ =	shalt  }
0x85: {  	_ =	shalt  }
0x86: {  	_ =	shalt  }
0x87: {  	_ =	shalt  }
.Lfunc_end0:
.L_simem_size_0:
called_computation_lowered:
.L_overlay_start_0:
0x88: {  	s2 =	sld [smem:$0x3FD9]  }
0x89: {  	s3 =	sld [smem:$0x3FFE];
	_ =	sdelay $0x1  }
0x8a: {  	s1 =	srdreg.scid  }
0x8b: {  	s0 =	sand.u32 $0x1, s1  }
0x8c: {  	s14 =	sshll.u32 s0, $0xA;
	s2 =	sadd.s32 s3, s2  }
0x8d: {  	s2 =	sadd.s32 s2, s14  }
0x8e: {  	[smem:$0x3FBD] =	sst s2  }
0x8f: {  	_ = 	snop  }
0x90: {  	s2 =	sld [smem:$0x3FD0];
	_ =	sdelay $0x2  }
0x91: {  	s4 =	simm.s32 $0xA;
	s5 =	simm.s32 $0x10;
	s15 =	sld [smem:$0x3FC9]  }
0x92: {  	[smem:s5], [sflag:s4] =	dma.local [hbm:s2], $0x1  }
0x93: {  	_ =	swait.eq [sflag:s4], $0x1  }
0x94: {  	[sflag:s4] =	ssyncset.done $0x0  }
0x95: {  	s16 =	sld [smem:$0x10];
	[sflag:s4] =	ssyncadd.s32 $0xFFFFFFFF  }
0x96: {  	s17 =	sld [smem:$0x11];
	(tm) =	ssettm $0x1  }
0x97: {  	s18 =	sld [smem:$0x3FFB];
	_ =	sdelay $0x3  }
0x98: {  	_ =	strace s18  }
0x99: {  	s5 =	sld [smem:$0x3FFC];
	_ =	sdelay $0x3  }
0x9a: {  	_ =	strace s5  }
0x9b: {  	s5 =	sld [smem:$0x3FFD];
	_ =	sdelay $0x3  }
0x9c: {  	_ =	strace s5  }
0x9d: {  	_ =	strace $0x8FFFFFFF  }
0x9e: {  	s19 =	sld [smem:$0x3FDB];
	_ =	sdelay $0x1  }
0x9f: {  	s6 =	simm.s32 $_scs_section_size  }
0xa0: {  	s7 =	simm.s32 $_size__tile_overlayer_lowered;
	s8 =	simm.s32 $_tile_overlayer_lowered  }
0xa1: {  	s22 =	simm.s32 $0x1BFF;
	s21 =	sshll.u32 s8, $0x1;
	s5 =	sadd.s32 s6, s19  }
0xa2: {  	s9 =	simm.s32 $0x0;
	s20 =	sshll.u32 s7, $0x1;
	s7 =	sadd.s32 s21, s5  }
0xa3: {  	[timem:s9], [sflag:s22] =	dma.local [hbm:s7], s20  }
0xa4: {  	_ =	swait.ge [sflag:s22], s20  }
0xa5: {  	s6 =	ssub.s32 $0x0, s20;
	[sflag:s22] =	ssyncset.done $0x0  }
0xa6: {  	[sflag:s22] =	ssyncadd.s32 s6;
	_ =	sdelay $0x1  }
0xa7: {  	s23 =	simm.s32 $0x1B8B  }
0xa8: {  	_ =	swait.ge [sflag:s23], $0x1  }
0xa9: {  	[sflag:s23] =	ssyncset.done $0x0  }
0xaa: {  	s25 =	simm.s32 $0x1B8E;
	s24 =	sld [smem:$0x3FFE];
	[sflag:s23] =	ssyncadd.s32 $0xFFFFFFFF  }
0xab: {  	s26 =	simm.s32 $execute0_lowered;
	[smem:$0x3FD2] =	sst s25  }
0xac: {  	s7 =	sshll.u32 s26, $0x1;
	_ =	strace $0x80000046;
	[dreg:$0x1] =	wrdreg $0xFFFFFFFF  }
0xad: {  	s28 =	simm.s32 $_size_execute0_lowered;
	s5 =	sadd.s32 s5, s7;
	[dreg:$0x0] =	wrdreg $0x0  }
0xae: {  	s7 =	sshll.u32 s28, $0x1;
	[dreg:$0x2] =	wrdreg s5  }
0xaf: {  	[dreg:$0x3] =	wrdreg s7  }
0xb0: {  	[dreg:$0x4] =	wrdreg $0xC0  }
0xb1: {  	_ =	task [dreg:s9], $0x5FFFF  }
0xb2: {  	[dreg:$0x1] =	wrdreg $0xFFFFFFFF  }
0xb3: {  	[dreg:$0x0] =	wrdreg $0x60  }
0xb4: {  	[dreg:$0x2] =	wrdreg s15  }
0xb5: {  	[dreg:$0x3] =	wrdreg s16  }
0xb6: {  	[dreg:$0x4] =	wrdreg s17  }
0xb7: {  	[dreg:$0x5] =	wrdreg s24  }
0xb8: {  	[dreg:$0x6] =	wrdreg $0x90000  }
0xb9: {  	[dreg:$0x7] =	wrdreg $0x9  }
0xba: {  	_ =	task.clear_ibuf [dreg:s9], $0x8FFFF;
	_ =	strace $0x90000046  }
0xbb: {  	s29 =	simm.s32 $0x9;
	_ =	strace $0x80000048  }
0xbc: {  	_ =	swait.ge [sflag:s29], $0x1  }
0xbd: {  	[sflag:s29] =	ssyncadd.s32 $0xFFFFFFFF  }
0xbe: {  	_ =	strace $0x90000048  }
0xbf: {  	_ =	sfence  }
0xc0: {  	s30 =	sld [smem:$0x0];
	_ =	sdelay $0x2  }
0xc1: {  	s31 =	sshll.u32 s1, $0xD;
	s1 =	sshrl.u32 s1, $0x2  }
0xc2: {  	s3 =	sand.u32 $0x4000, s31;
	s1 =	sadd.s32 s1, s30  }
0xc3: {  	s0 =	sor.u32 s3, s0;
	s1 =	sshll.u32 s1, $0x11  }
0xc4: {  	s0 =	sor.u32 s1, s0  }
0xc5: {  	s0 =	sadd.s32 $0x8F2B, s0  }
0xc6: {  	[sflag:s0] =	ssyncadd.remote.s32 $0x1  }
0xc7: {  	_ =	sfence.sel $0xFFFF  }
0xc8: {  	[dreg:$0x0] =	wrdreg $0xFFFFFFFF;
	(pc) =	sbr.abs _section_cstart, $3  }
0xc9: {  	[dreg:$0x1] =	wrdreg $0xFFFFFFFF  }
0xca: {  	_ =	task.clear_ibuf [dreg:s9], $0x2FFFF;
	_ =	strace $0x9FFFFFFF  }
0xcb: {  	(tm) =	ssettm $0x7FFFFFFF  }
tec
execute0_lowered:
.L_overlay_start_1:
0x0: {  	(tag) =	ssettag $0x1  }
0x1: {  	s1 =	rddreg [dreg:$0x0]  }
0x2: {  	s0 =	rddreg [dreg:$0x1]  }
0x3: {  	s2 =	rddreg [dreg:$0x2]  }
0x4: {  	s4 =	rddreg [dreg:$0x3]  }
0x5: {  	s3 =	rddreg [dreg:$0x4]  }
0x6: {  	s5 =	srdreg.scid;
	s12 =	stileid.u32  }
0x7: {  	s6 =	simm.s32 $0x0;
	s28 =	simm.s32 $0x40;
	s8 =	smul.u32 $0x13C00, s12  }
0x8: {  	s29 =	simm.s32 $0x1000;
	s31 =	simm.s32 $0x3000;
	s10 =	smul.u32 $0x4F000, s12  }
0x9: {  	s30 =	simm.s32 $0x5000;
	s5 =	sand.u32 $0x1, s5;
	s26 =	smul.u32 $0x5000, s12  }
0xa: {  	[smem:$0x7FF] =	sst s6;
	s6 =	sadd.s32 $0x3600, s4;
	s7 =	smul.u32 $0x13C000, s5  }
0xb: {  	s17 =	sshll.u32 s5, $0x4;
	_ =	strace $0x80000047;
	s23 =	smul.u32 $0x50000, s5  }
0xc: {  	s19 =	ssub.s32 $0x2, s5;
	s9 =	sor.u32 s12, s17;
	s17 =	smul.u32 $0xA000, s5  }
0xd: {  	s20 =	sshrl.u32 s19, $0x1;
	s22 =	sshrl.u32 s10, $0x2;
	s5 =	smul.u32 $0xA00, s5  }
0xe: {  	s10 =	simm.s32 $0xC00;
	s7 =	sadd.s32 s8, s7;
	s13 =	sadd.s32 s22, s3  }
0xf: {  	s18 =	smul.u32 $0x5000, s9;
	s24 =	sadd.s32 $0x2000, s13;
	[dreg:$0x8] =	wrdreg s13  }
0x10: {  	s7 =	sshrl.u32 s7, $0x3;
	s25 =	sadd.s32 $0x4000, s13;
	[dreg:$0x9] =	wrdreg s24  }
0x11: {  	s15 =	sadd.s32 $0x6000, s13;
	s16 =	sadd.s32 $0x8000, s13;
	[dreg:$0xa] =	wrdreg s25  }
0x12: {  	s11 =	sadd.s32 $0xA000, s13;
	s14 =	sadd.s32 $0xE000, s13;
	[dreg:$0xb] =	wrdreg s15  }
0x13: {  	s4 =	sadd.s32 s7, s4;
	s8 =	sshrl.u32 s18, $0x3;
	[dreg:$0xc] =	wrdreg s16  }
0x14: {  	s7 =	ssub.s32 s19, s20;
	[dreg:$0xd] =	wrdreg s11;
	s18 =	sadd.s32 $0xC000, s13  }
0x15: {  	s19 =	smul.u32 $0xA00, s12;
	[dreg:$0xf] =	wrdreg s14;
	s20 =	sadd.s32 $0x10000, s13  }
0x16: {  	s11 =	simm.s32 $0x3;
	s14 =	simm.s32 $0x4;
	[dreg:$0xe] =	wrdreg s18  }
0x17: {  	s16 =	simm.s32 $0x5;
	s21 =	sadd.s32 s0, s8;
	[dreg:$0x10] =	wrdreg s20  }
0x18: {  	s8 =	sadd.s32 s26, s23;
	s0 =	sadd.s32 s17, s0;
	s23 =	sadd.s32 $0x12000, s13  }
0x19: {  	s4 =	sadd.s32 $0x4600, s4;
	s24 =	smax.u32 s7, $0x1;
	[dreg:$0x6] =	wrdreg s21  }
0x1a: {  	s7 =	simm.s32 $0x0;
	s20 =	simm.s32 $0x0;
	[dreg:$0x11] =	wrdreg s23  }
0x1b: {  	s9 =	sadd.s32 $0x13880, s21;
	s21 =	smul.u32 $0xA0, s12;
	[dreg:$0x12] =	wrdreg s4  }
0x1c: {  	[dreg:$0x13] =	wrdreg s24;
	s25 =	sadd.s32 $0xFFF64000, s8;
	s22 =	sadd.s32 s19, s0  }
.Ltmp0:
0x1d: {  	s12 =	simm.s32 $0x8;
	s19 =	simm.s32 $0x6;
	(pc) =	sbr.rel .LBB2_1-.Ltmp0, $4  }
0x1e: {  	s23 =	simm.s32 $0x780;
	s4 =	simm.s32 $0xF80;
	[dreg:$0x7] =	wrdreg s9  }
0x1f: {  	[dreg:$0x14] =	wrdreg s25;
	s25 =	simm.s32 $0x7000;
	s26 =	sadd.s32 s21, s5  }
0x20: {  	s9 =	simm.s32 $0x2;
	s21 =	simm.s32 $0xD80;
	s0 =	sor.u32 $0x10, s26  }
0x21: {  	v0 =	vimm.f32 $0.0e+00;
	s5 =	simm.s32 $0xF00;
	s26 =	simm.s32 $0xE00;
	[dreg:$0x15] =	wrdreg s0  }
.LBB2_6:
0x22: {  	_ =	swait.ge [sflag:s19], $0x2000  }
0x23: {  	[sflag:s19] =	ssyncset.done $0x0  }
0x24: {  	[sflag:s19] =	ssyncadd.s32 $0xFFFFE000  }
0x25: {  	[spmem:s3] =	stream.indirect.scatter.add.f32 [tilespmem:s25], [sflag:$0x8], $0x80, s4, s28, $0xb8;
	[tilespmem:$0x1CC00] =	vst v63  }
0x26: {  	_ =	swait.ge [sflag:s12], $0x2000  }
0x27: {  	[sflag:s12] =	ssyncset.done $0x0  }
0x28: {  	[sflag:s12] =	ssyncadd.s32 $0xFFFFE000  }
0x29: {  	s0 =	stileid.u32;
	[bflag:$0x0] =	sbarrier.arrive $0xFFFF  }
0x2a: {  	s0 =	sshll.u32 s0, $0x6;
	s13 =	rddreg [dreg:$0x8]  }
0x2b: {  	s0 =	sor.u32 $0x1C08, s0;
	s8 =	rddreg [dreg:$0x12];
	s7 =	sshrl.u32 s13, $0x3  }
0x2c: {  	[hbm:s8], [sflag:s0] =	dma.local [spmem:s7], $0x2780  }
0x2d: {  	_ =	swait.ge [sflag:s12], $0x2780  }
0x2e: {  	s18 =	rddreg [dreg:$0x16]  }
0x2f: {  	s24 =	rddreg [dreg:$0x13];
	s7 =	sadd.s32 $0x1, s18  }
0x30: {  	p0 =	sne.s32 s7, s24  }
.Ltmp1:
0x31: {  	_ = 	snop;
	(pc) =	sbr.rel @!p0 .LBB2_7-.Ltmp1, $3  }
0x32: {  	_ =	sdelay $0x1  }
0x33: {  	[sflag:s12] =	ssyncset.done $0x0  }
0x34: {  	[sflag:s12] =	ssyncadd.s32 $0xFFFFD880  }
.LBB2_1:
0x35: {  	s0 =	simm.s32 $0x0;
	s18 =	rddreg [dreg:$0x6]  }
0x36: {  	[tilespmem:s0], [sflag:$0x1] =	stream.linear.gather [hbm4b:s18+s0], $0x400, $0x38;
	[tilespmem:$0x1CC00] =	vst v63  }
0x37: {  	s24 =	rddreg [dreg:$0x7];
	s8 =	simm.s32 $0x800  }
0x38: {  	[tilespmem:s8], [sflag:$0x1] =	stream.linear.gather [hbm4b:s24+s0], $0x400, $0x38;
	[tilespmem:$0x1CC00] =	vst v63  }
0x39: {  	[dreg:$0x16] =	wrdreg s7;
	s0 =	simm.s32 $0x0;
	s8 =	simm.s32 $0x200  }
.LBB2_2:
0x3a: {  	p0 =	sne.s32 s8, $0x7E00;
	[tilespmem:s0+$0x7070] =	vst v0  }
0x3b: {  	[tilespmem:s0+$0x7000] =	vst v0  }
0x3c: {  	[tilespmem:s0+$0x7010] =	vst v0  }
.Ltmp2:
0x3d: {  	[tilespmem:s0+$0x7020] =	vst v0;
	(pc) =	sbr.rel @p0 .LBB2_2-.Ltmp2, $4  }
0x3e: {  	[tilespmem:s0+$0x7030] =	vst v0  }
0x3f: {  	[tilespmem:s0+$0x7040] =	vst v0  }
0x40: {  	[tilespmem:s0+$0x7050] =	vst v0  }
0x41: {  	[tilespmem:s0+$0x7060] =	vst v0;
	s0 =	sshra.s32 s8, $0x2;
	s8 =	sadd.s32 $0x200, s8  }
0x42: {  	[tilespmem:s0+$0x7070] =	vst v0  }
0x43: {  	[tilespmem:s0+$0x7000] =	vst v0  }
0x44: {  	[tilespmem:s0+$0x7010] =	vst v0  }
0x45: {  	[tilespmem:s0+$0x7020] =	vst v0  }
0x46: {  	[tilespmem:s0+$0x7030] =	vst v0  }
0x47: {  	[tilespmem:s0+$0x7040] =	vst v0  }
0x48: {  	[tilespmem:s0+$0x7050] =	vst v0  }
0x49: {  	[tilespmem:s0+$0x7060] =	vst v0  }
0x4a: {  	[spmem:s13] =	stream.linear.scatter [tilespmem:s25], [sflag:$0x7], $0x2000, $0x38;
	[tilespmem:$0x1CC00] =	vst v63  }
0x4b: {  	s8 =	rddreg [dreg:$0x9]  }
0x4c: {  	[spmem:s8] =	stream.linear.scatter [tilespmem:s25], [sflag:$0x7], $0x2000, $0x38;
	[tilespmem:$0x1CC00] =	vst v63  }
0x4d: {  	s13 =	rddreg [dreg:$0xa]  }
0x4e: {  	[spmem:s13] =	stream.linear.scatter [tilespmem:s25], [sflag:$0x7], $0x2000, $0x38;
	[tilespmem:$0x1CC00] =	vst v63  }
0x4f: {  	s15 =	rddreg [dreg:$0xb]  }
0x50: {  	[spmem:s15] =	stream.linear.scatter [tilespmem:s25], [sflag:$0x7], $0x2000, $0x38;
	[tilespmem:$0x1CC00] =	vst v63  }
0x51: {  	s17 =	rddreg [dreg:$0xc]  }
0x52: {  	[spmem:s17] =	stream.linear.scatter [tilespmem:s25], [sflag:$0x7], $0x2000, $0x38;
	[tilespmem:$0x1CC00] =	vst v63  }
0x53: {  	s18 =	rddreg [dreg:$0xd]  }
0x54: {  	[spmem:s18] =	stream.linear.scatter [tilespmem:s25], [sflag:$0x7], $0x2000, $0x38;
	[tilespmem:$0x1CC00] =	vst v63  }
0x55: {  	s24 =	rddreg [dreg:$0xe]  }
0x56: {  	[spmem:s24] =	stream.linear.scatter [tilespmem:s25], [sflag:$0x7], $0x2000, $0x38;
	[tilespmem:$0x1CC00] =	vst v63  }
0x57: {  	s7 =	rddreg [dreg:$0xf]  }
0x58: {  	[spmem:s7] =	stream.linear.scatter [tilespmem:s25], [sflag:$0x7], $0x2000, $0x38;
	[tilespmem:$0x1CC00] =	vst v63  }
0x59: {  	s8 =	rddreg [dreg:$0x10]  }
0x5a: {  	[spmem:s8] =	stream.linear.scatter [tilespmem:s25], [sflag:$0x7], $0x2000, $0x38;
	[tilespmem:$0x1CC00] =	vst v63  }
0x5b: {  	s13 =	rddreg [dreg:$0x11];
	s15 =	simm.s32 $0x1  }
0x5c: {  	[spmem:s13] =	stream.linear.scatter [tilespmem:s25], [sflag:$0x7], $0x1C00, $0x38;
	[tilespmem:$0x1CC00] =	vst v63  }
0x5d: {  	_ =	swait.ge [sflag:s15], $0x400  }
0x5e: {  	[sflag:s15] =	ssyncset.done $0x0  }
0x5f: {  	[sflag:s15] =	ssyncadd.s32 $0xFFFFFC00  }
0x60: {  	_ =	swait.ge [sflag:s15], $0x400  }
0x61: {  	[sflag:s15] =	ssyncset.done $0x0  }
0x62: {  	s0 =	simm.s32 $0x0;
	[sflag:s15] =	ssyncadd.s32 $0xFFFFFC00  }
0x63: {  	[tilespmem:s29], [sflag:$0x3] =	stream.indirect.gather [hbm4b:s1+s28], $0x80, s0, s28, $0xb8;
	[tilespmem:$0x1CC00] =	vst v63  }
0x64: {  	s7 =	simm.s32 $0x80  }
0x65: {  	[tilespmem:s31], [sflag:$0x4] =	stream.indirect.gather [hbm4b:s1+s28], $0x80, s7, s28, $0xb8;
	[tilespmem:$0x1CC00] =	vst v63  }
0x66: {  	s17 =	simm.s32 $0x100;
	s18 =	simm.s32 $0x7  }
0x67: {  	[tilespmem:s30], [sflag:$0x5] =	stream.indirect.gather [hbm4b:s1+s28], $0x80, s17, s28, $0xb8;
	[tilespmem:$0x1CC00] =	vst v63  }
0x68: {  	_ =	swait.ge [sflag:s18], $0x2000  }
0x69: {  	[sflag:s18] =	ssyncset.done $0x0  }
0x6a: {  	[sflag:s18] =	ssyncadd.s32 $0xFFFFE000  }
0x6b: {  	_ =	swait.ge [sflag:s18], $0x2000  }
0x6c: {  	[sflag:s18] =	ssyncset.done $0x0  }
0x6d: {  	[sflag:s18] =	ssyncadd.s32 $0xFFFFE000  }
0x6e: {  	_ =	swait.ge [sflag:s18], $0x2000  }
0x6f: {  	[sflag:s18] =	ssyncset.done $0x0  }
0x70: {  	[sflag:s18] =	ssyncadd.s32 $0xFFFFE000  }
0x71: {  	_ =	swait.ge [sflag:s18], $0x2000  }
0x72: {  	[sflag:s18] =	ssyncset.done $0x0  }
0x73: {  	[sflag:s18] =	ssyncadd.s32 $0xFFFFE000  }
0x74: {  	_ =	swait.ge [sflag:s18], $0x2000  }
0x75: {  	[sflag:s18] =	ssyncset.done $0x0  }
0x76: {  	[sflag:s18] =	ssyncadd.s32 $0xFFFFE000  }
0x77: {  	_ =	swait.ge [sflag:s18], $0x2000  }
0x78: {  	[sflag:s18] =	ssyncset.done $0x0  }
0x79: {  	[sflag:s18] =	ssyncadd.s32 $0xFFFFE000  }
0x7a: {  	_ =	swait.ge [sflag:s18], $0x2000  }
0x7b: {  	[sflag:s18] =	ssyncset.done $0x0  }
0x7c: {  	[sflag:s18] =	ssyncadd.s32 $0xFFFFE000  }
0x7d: {  	_ =	swait.ge [sflag:s18], $0x2000  }
0x7e: {  	[sflag:s18] =	ssyncset.done $0x0  }
0x7f: {  	[sflag:s18] =	ssyncadd.s32 $0xFFFFE000  }
0x80: {  	_ =	swait.ge [sflag:s18], $0x2000  }
0x81: {  	[sflag:s18] =	ssyncset.done $0x0  }
0x82: {  	[sflag:s18] =	ssyncadd.s32 $0xFFFFE000  }
0x83: {  	_ =	swait.ge [sflag:s18], $0x1C00  }
0x84: {  	[sflag:s18] =	ssyncset.done $0x0  }
0x85: {  	s24 =	simm.s32 $0x180;
	[sflag:s18] =	ssyncadd.s32 $0xFFFFE400  }
0x86: {  	[tilespmem:s25], [sflag:$0x6] =	stream.indirect.gather [hbm4b:s1+s28], $0x80, s24, s28, $0xb8;
	[tilespmem:$0x1CC00] =	vst v63  }
0x87: {  	[bflag:$0x0] =	sbarrier.arrive $0xFFFF  }
0x88: {  	s8 =	rddreg [dreg:$0x15]  }
0x89: {  	s24 =	rddreg [dreg:$0x14]  }
.LBB2_4:
0x8a: {  	s13 =	sadd.s32 $0xFFFFFFF8, s8  }
0x8b: {  	p0 =	sgt.u32 s13, $0x1387  }
0x8c: {  	s13 =	sshrl.u32 @p0 s24, $0x3  }
0x8d: {  	s7 =	simm.s32 @p0 $0x0;
	s17 =	simm.s32 @p0 $0x400;
	s15 =	sadd.s32 @p0 s2, s13  }
0x8e: {  	[tilespmem:s17], [sflag:$0x2] =	stream.linear.gather @p0 [hbm4b:s15+s7], $0x400, $0x38;
	[tilespmem:$0x1CC00] =	vst v63  }
0x8f: {  	s18 =	simm.s32 @!p0 $0x400;
	s13 =	sadd.s32 @p0 s6, s13;
	s7 =	sadd.s32 @!p0 s0, s22  }
0x90: {  	s17 =	simm.s32 @!p0 $0x0;
	s15 =	sadd.s32 @!p0 $0x80, s7;
	s7 =	sadd.s32 @!p0 $0x13900, s7  }
0x91: {  	[tilespmem:s18], [sflag:$0x2] =	stream.linear.gather @!p0 [hbm4b:s15+s17], $0x400, $0x38;
	[tilespmem:$0x1CC00] =	vst v63  }
0x92: {  	s7 =	smov.u32 @p0 s13  }
0x93: {  	[tilespmem:s10], [sflag:$0x2] =	stream.linear.gather [hbm4b:s7+s20], $0x400, $0x38;
	[tilespmem:$0x1CC00] =	vst v63  }
0x94: {  	_ =	swait.ge [sflag:s11], $0x2000  }
0x95: {  	[sflag:s11] =	ssyncset.done $0x0  }
0x96: {  	s17 =	simm.s32 $0x800;
	[sflag:s11] =	ssyncadd.s32 $0xFFFFE000  }
0x97: {  	[spmem:s3] =	stream.indirect.scatter.add.f32 [tilespmem:s29], [sflag:$0x8], $0x80, s17, s28, $0xb8;
	[tilespmem:$0x1CC00] =	vst v63  }
0x98: {  	_ =	swait.ge [sflag:s12], $0x2000  }
0x99: {  	[sflag:s12] =	ssyncset.done $0x0  }
0x9a: {  	s18 =	simm.s32 $0x200;
	[sflag:s12] =	ssyncadd.s32 $0xFFFFE000  }
0x9b: {  	[tilespmem:s29], [sflag:$0x3] =	stream.indirect.gather [hbm4b:s1+s28], $0x80, s18, s28, $0xb8;
	[tilespmem:$0x1CC00] =	vst v63  }
0x9c: {  	_ =	swait.ge [sflag:s14], $0x2000  }
0x9d: {  	[sflag:s14] =	ssyncset.done $0x0  }
0x9e: {  	s13 =	simm.s32 $0x880;
	[sflag:s14] =	ssyncadd.s32 $0xFFFFE000  }
0x9f: {  	[spmem:s3] =	stream.indirect.scatter.add.f32 [tilespmem:s31], [sflag:$0x8], $0x80, s13, s28, $0xb8;
	[tilespmem:$0x1CC00] =	vst v63  }
0xa0: {  	_ =	swait.ge [sflag:s12], $0x2000  }
0xa1: {  	[sflag:s12] =	ssyncset.done $0x0  }
0xa2: {  	s15 =	simm.s32 $0x280;
	[sflag:s12] =	ssyncadd.s32 $0xFFFFE000  }
0xa3: {  	[tilespmem:s31], [sflag:$0x4] =	stream.indirect.gather [hbm4b:s1+s28], $0x80, s15, s28, $0xb8;
	[tilespmem:$0x1CC00] =	vst v63  }
0xa4: {  	_ =	swait.ge [sflag:s16], $0x2000  }
0xa5: {  	[sflag:s16] =	ssyncset.done $0x0  }
0xa6: {  	s17 =	simm.s32 $0x900;
	[sflag:s16] =	ssyncadd.s32 $0xFFFFE000  }
0xa7: {  	[spmem:s3] =	stream.indirect.scatter.add.f32 [tilespmem:s30], [sflag:$0x8], $0x80, s17, s28, $0xb8;
	[tilespmem:$0x1CC00] =	vst v63  }
0xa8: {  	_ =	swait.ge [sflag:s12], $0x2000  }
0xa9: {  	[sflag:s12] =	ssyncset.done $0x0  }
0xaa: {  	s18 =	simm.s32 $0x300;
	[sflag:s12] =	ssyncadd.s32 $0xFFFFE000  }
0xab: {  	[tilespmem:s30], [sflag:$0x5] =	stream.indirect.gather [hbm4b:s1+s28], $0x80, s18, s28, $0xb8;
	[tilespmem:$0x1CC00] =	vst v63  }
0xac: {  	_ =	swait.ge [sflag:s19], $0x2000  }
0xad: {  	[sflag:s19] =	ssyncset.done $0x0  }
0xae: {  	s13 =	simm.s32 $0x980;
	[sflag:s19] =	ssyncadd.s32 $0xFFFFE000  }
0xaf: {  	[spmem:s3] =	stream.indirect.scatter.add.f32 [tilespmem:s25], [sflag:$0x8], $0x80, s13, s28, $0xb8;
	[tilespmem:$0x1CC00] =	vst v63  }
0xb0: {  	_ =	swait.ge [sflag:s12], $0x2000  }
0xb1: {  	[sflag:s12] =	ssyncset.done $0x0  }
0xb2: {  	s15 =	simm.s32 $0x380;
	[sflag:s12] =	ssyncadd.s32 $0xFFFFE000  }
0xb3: {  	[tilespmem:s25], [sflag:$0x6] =	stream.indirect.gather [hbm4b:s1+s28], $0x80, s15, s28, $0xb8;
	[tilespmem:$0x1CC00] =	vst v63  }
0xb4: {  	_ =	swait.ge [sflag:s11], $0x2000  }
0xb5: {  	[sflag:s11] =	ssyncset.done $0x0  }
0xb6: {  	s17 =	simm.s32 $0xA00;
	[sflag:s11] =	ssyncadd.s32 $0xFFFFE000  }
0xb7: {  	[spmem:s3] =	stream.indirect.scatter.add.f32 [tilespmem:s29], [sflag:$0x8], $0x80, s17, s28, $0xb8;
	[tilespmem:$0x1CC00] =	vst v63  }
0xb8: {  	_ =	swait.ge [sflag:s12], $0x2000  }
0xb9: {  	[sflag:s12] =	ssyncset.done $0x0  }
0xba: {  	[sflag:s12] =	ssyncadd.s32 $0xFFFFE000  }
0xbb: {  	_ =	swait.ge [sflag:s9], $0x400  }
0xbc: {  	[sflag:s9] =	ssyncset.done $0x0  }
0xbd: {  	[sflag:s9] =	ssyncadd.s32 $0xFFFFFC00  }
0xbe: {  	_ =	swait.ge [sflag:s9], $0x400  }
0xbf: {  	[sflag:s9] =	ssyncset.done $0x0  }
0xc0: {  	s18 =	simm.s32 $0x400;
	[sflag:s9] =	ssyncadd.s32 $0xFFFFFC00  }
0xc1: {  	[tilespmem:s29], [sflag:$0x3] =	stream.indirect.gather [hbm4b:s1+s28], $0x80, s18, s28, $0xb8;
	[tilespmem:$0x1CC00] =	vst v63  }
0xc2: {  	_ =	swait.ge [sflag:s14], $0x2000  }
0xc3: {  	[sflag:s14] =	ssyncset.done $0x0  }
0xc4: {  	s13 =	simm.s32 $0xA80;
	[sflag:s14] =	ssyncadd.s32 $0xFFFFE000  }
0xc5: {  	[spmem:s3] =	stream.indirect.scatter.add.f32 [tilespmem:s31], [sflag:$0x8], $0x80, s13, s28, $0xb8;
	[tilespmem:$0x1CC00] =	vst v63  }
0xc6: {  	_ =	swait.ge [sflag:s12], $0x2000  }
0xc7: {  	[sflag:s12] =	ssyncset.done $0x0  }
0xc8: {  	s15 =	simm.s32 $0x480;
	[sflag:s12] =	ssyncadd.s32 $0xFFFFE000  }
0xc9: {  	[tilespmem:s31], [sflag:$0x4] =	stream.indirect.gather [hbm4b:s1+s28], $0x80, s15, s28, $0xb8;
	[tilespmem:$0x1CC00] =	vst v63  }
0xca: {  	_ =	swait.ge [sflag:s16], $0x2000  }
0xcb: {  	[sflag:s16] =	ssyncset.done $0x0  }
0xcc: {  	s17 =	simm.s32 $0xB00;
	[sflag:s16] =	ssyncadd.s32 $0xFFFFE000  }
0xcd: {  	[spmem:s3] =	stream.indirect.scatter.add.f32 [tilespmem:s30], [sflag:$0x8], $0x80, s17, s28, $0xb8;
	[tilespmem:$0x1CC00] =	vst v63  }
0xce: {  	_ =	swait.ge [sflag:s12], $0x2000  }
0xcf: {  	[sflag:s12] =	ssyncset.done $0x0  }
0xd0: {  	s18 =	simm.s32 $0x500;
	[sflag:s12] =	ssyncadd.s32 $0xFFFFE000  }
0xd1: {  	[tilespmem:s30], [sflag:$0x5] =	stream.indirect.gather [hbm4b:s1+s28], $0x80, s18, s28, $0xb8;
	[tilespmem:$0x1CC00] =	vst v63  }
0xd2: {  	_ =	swait.ge [sflag:s19], $0x2000  }
0xd3: {  	p0 =	seq.s32 s0, $0x900;
	[sflag:s19] =	ssyncset.done $0x0  }
0xd4: {  	p1 =	sgt.u32 @!p0 s8, $0x1387;
	s13 =	simm.s32 $0xB80;
	[sflag:s19] =	ssyncadd.s32 $0xFFFFE000  }
0xd5: {  	[spmem:s3] =	stream.indirect.scatter.add.f32 [tilespmem:s25], [sflag:$0x8], $0x80, s13, s28, $0xb8;
	[tilespmem:$0x1CC00] =	vst v63  }
0xd6: {  	p2 =	por !p1, p0;
	_ =	swait.ge [sflag:s12], $0x2000  }
0xd7: {  	s7 =	sadd.s32 @!p2 $0x400, s24;
	[sflag:s12] =	ssyncset.done $0x0  }
0xd8: {  	s7 =	sshrl.u32 @!p2 s7, $0x3;
	s15 =	simm.s32 $0x580;
	[sflag:s12] =	ssyncadd.s32 $0xFFFFE000  }
0xd9: {  	[tilespmem:s25], [sflag:$0x6] =	stream.indirect.gather [hbm4b:s1+s28], $0x80, s15, s28, $0xb8;
	[tilespmem:$0x1CC00] =	vst v63  }
0xda: {  	p1 =	por p1, p0;
	s13 =	sadd.s32 @!p2 s2, s7;
	s15 =	simm.s32 @!p2 $0x0  }
0xdb: {  	[tilespmem:s15], [sflag:$0x1] =	stream.linear.gather @!p2 [hbm4b:s13+s15], $0x400, $0x38;
	[tilespmem:$0x1CC00] =	vst v63  }
0xdc: {  	s17 =	simm.s32 @!p1 $0x0;
	s13 =	sadd.s32 @!p1 s0, s22  }
0xdd: {  	s7 =	sadd.s32 @!p2 s6, s7;
	s15 =	sadd.s32 @!p1 $0x100, s13;
	s13 =	sadd.s32 @!p1 $0x13980, s13  }
0xde: {  	[tilespmem:s17], [sflag:$0x1] =	stream.linear.gather @!p1 [hbm4b:s15+s17], $0x400, $0x38;
	[tilespmem:$0x1CC00] =	vst v63  }
0xdf: {  	s7 =	smov.u32 @p2 s13;
	s13 =	simm.s32 @!p0 $0x0;
	s15 =	simm.s32 @!p0 $0x800  }
0xe0: {  	[tilespmem:s15], [sflag:$0x1] =	stream.linear.gather @!p0 [hbm4b:s7+s13], $0x400, $0x38;
	[tilespmem:$0x1CC00] =	vst v63  }
0xe1: {  	_ =	swait.ge [sflag:s11], $0x2000  }
0xe2: {  	[sflag:s11] =	ssyncset.done $0x0  }
0xe3: {  	[sflag:s11] =	ssyncadd.s32 $0xFFFFE000  }
0xe4: {  	[spmem:s3] =	stream.indirect.scatter.add.f32 [tilespmem:s29], [sflag:$0x8], $0x80, s10, s28, $0xb8;
	[tilespmem:$0x1CC00] =	vst v63  }
0xe5: {  	_ =	swait.ge [sflag:s12], $0x2000  }
0xe6: {  	[sflag:s12] =	ssyncset.done $0x0  }
0xe7: {  	s17 =	simm.s32 $0x600;
	[sflag:s12] =	ssyncadd.s32 $0xFFFFE000  }
0xe8: {  	[tilespmem:s29], [sflag:$0x3] =	stream.indirect.gather [hbm4b:s1+s28], $0x80, s17, s28, $0xb8;
	[tilespmem:$0x1CC00] =	vst v63  }
0xe9: {  	_ =	swait.ge [sflag:s14], $0x2000  }
0xea: {  	[sflag:s14] =	ssyncset.done $0x0  }
0xeb: {  	s18 =	simm.s32 $0xC80;
	[sflag:s14] =	ssyncadd.s32 $0xFFFFE000  }
0xec: {  	[spmem:s3] =	stream.indirect.scatter.add.f32 [tilespmem:s31], [sflag:$0x8], $0x80, s18, s28, $0xb8;
	[tilespmem:$0x1CC00] =	vst v63  }
0xed: {  	_ =	swait.ge [sflag:s12], $0x2000  }
0xee: {  	[sflag:s12] =	ssyncset.done $0x0  }
0xef: {  	s15 =	simm.s32 $0x680;
	[sflag:s12] =	ssyncadd.s32 $0xFFFFE000  }
0xf0: {  	[tilespmem:s31], [sflag:$0x4] =	stream.indirect.gather [hbm4b:s1+s28], $0x80, s15, s28, $0xb8;
	[tilespmem:$0x1CC00] =	vst v63  }
0xf1: {  	_ =	swait.ge [sflag:s16], $0x2000  }
0xf2: {  	[sflag:s16] =	ssyncset.done $0x0  }
0xf3: {  	s17 =	simm.s32 $0xD00;
	[sflag:s16] =	ssyncadd.s32 $0xFFFFE000  }
0xf4: {  	[spmem:s3] =	stream.indirect.scatter.add.f32 [tilespmem:s30], [sflag:$0x8], $0x80, s17, s28, $0xb8;
	[tilespmem:$0x1CC00] =	vst v63  }
0xf5: {  	_ =	swait.ge [sflag:s12], $0x2000  }
0xf6: {  	[sflag:s12] =	ssyncset.done $0x0  }
0xf7: {  	s18 =	simm.s32 $0x700;
	[sflag:s12] =	ssyncadd.s32 $0xFFFFE000  }
0xf8: {  	[tilespmem:s30], [sflag:$0x5] =	stream.indirect.gather [hbm4b:s1+s28], $0x80, s18, s28, $0xb8;
	[tilespmem:$0x1CC00] =	vst v63  }
0xf9: {  	_ =	swait.ge [sflag:s19], $0x2000  }
0xfa: {  	[sflag:s19] =	ssyncset.done $0x0  }
0xfb: {  	[sflag:s19] =	ssyncadd.s32 $0xFFFFE000  }
0xfc: {  	[spmem:s3] =	stream.indirect.scatter.add.f32 [tilespmem:s25], [sflag:$0x8], $0x80, s21, s28, $0xb8;
	[tilespmem:$0x1CC00] =	vst v63  }
0xfd: {  	_ =	swait.ge [sflag:s12], $0x2000  }
0xfe: {  	[sflag:s12] =	ssyncset.done $0x0  }
0xff: {  	[sflag:s12] =	ssyncadd.s32 $0xFFFFE000  }
0x100: {  	[tilespmem:s25], [sflag:$0x6] =	stream.indirect.gather [hbm4b:s1+s28], $0x80, s23, s28, $0xb8;
	[tilespmem:$0x1CC00] =	vst v63  }
0x101: {  	_ =	swait.ge [sflag:s11], $0x2000  }
0x102: {  	[sflag:s11] =	ssyncset.done $0x0  }
0x103: {  	[sflag:s11] =	ssyncadd.s32 $0xFFFFE000  }
0x104: {  	[spmem:s3] =	stream.indirect.scatter.add.f32 [tilespmem:s29], [sflag:$0x8], $0x80, s26, s28, $0xb8;
	[tilespmem:$0x1CC00] =	vst v63  }
0x105: {  	_ =	swait.ge [sflag:s12], $0x2000  }
0x106: {  	[sflag:s12] =	ssyncset.done $0x0  }
0x107: {  	s7 =	simm.s32 @p0 $0x4;
	[sflag:s12] =	ssyncadd.s32 $0xFFFFE000  }
0x108: {  	_ =	swait.ge @p0 [sflag:s7], $0x2000  }
0x109: {  	s15 =	simm.s32 @p0 $0xE80;
	[sflag:s7] =	ssyncset.done @p0 $0x0  }
0x10a: {  	s17 =	simm.s32 @p0 $0x3000;
	[sflag:s7] =	ssyncadd.s32 @p0 $0xFFFFE000;
	s7 =	simm.s32 @p0 $0x40  }
0x10b: {  	[spmem:s3] =	stream.indirect.scatter.add.f32 @p0 [tilespmem:s17], [sflag:$0x8], $0x80, s15, s7, $0xb8;
	[tilespmem:$0x1CC00] =	vst v63  }
0x10c: {  	s7 =	simm.s32 @p0 $0x8  }
0x10d: {  	_ =	swait.ge @p0 [sflag:s7], $0x2000  }
0x10e: {  	[sflag:s7] =	ssyncset.done @p0 $0x0  }
0x10f: {  	[sflag:s7] =	ssyncadd.s32 @p0 $0xFFFFE000;
	s7 =	simm.s32 @!p0 $0x1  }
0x110: {  	_ =	swait.ge @!p0 [sflag:s7], $0x400  }
0x111: {  	[sflag:s7] =	ssyncset.done @!p0 $0x0  }
0x112: {  	[sflag:s7] =	ssyncadd.s32 @!p0 $0xFFFFFC00  }
0x113: {  	_ =	swait.ge @!p0 [sflag:s7], $0x400  }
0x114: {  	[sflag:s7] =	ssyncset.done @!p0 $0x0  }
0x115: {  	s15 =	simm.s32 @!p0 $0x1000;
	[sflag:s7] =	ssyncadd.s32 @!p0 $0xFFFFFC00;
	s7 =	simm.s32 @!p0 $0x40  }
0x116: {  	[tilespmem:s15], [sflag:$0x3] =	stream.indirect.gather @!p0 [hbm4b:s1+s7], $0x80, s13, s7, $0xb8;
	[tilespmem:$0x1CC00] =	vst v63  }
0x117: {  	s13 =	simm.s32 @!p0 $0x4  }
0x118: {  	_ =	swait.ge @!p0 [sflag:s13], $0x2000  }
0x119: {  	[sflag:s13] =	ssyncset.done @!p0 $0x0  }
0x11a: {  	s15 =	simm.s32 @!p0 $0x3000;
	[sflag:s13] =	ssyncadd.s32 @!p0 $0xFFFFE000;
	s13 =	simm.s32 @!p0 $0xE80  }
0x11b: {  	[spmem:s3] =	stream.indirect.scatter.add.f32 @!p0 [tilespmem:s15], [sflag:$0x8], $0x80, s13, s7, $0xb8;
	[tilespmem:$0x1CC00] =	vst v63  }
0x11c: {  	s13 =	simm.s32 @!p0 $0x8  }
0x11d: {  	_ =	swait.ge @!p0 [sflag:s13], $0x2000  }
0x11e: {  	[sflag:s13] =	ssyncset.done @!p0 $0x0  }
0x11f: {  	[sflag:s13] =	ssyncadd.s32 @!p0 $0xFFFFE000;
	s13 =	simm.s32 @!p0 $0x80  }
0x120: {  	[tilespmem:s15], [sflag:$0x4] =	stream.indirect.gather @!p0 [hbm4b:s1+s7], $0x80, s13, s7, $0xb8;
	[tilespmem:$0x1CC00] =	vst v63  }
0x121: {  	_ =	swait.ge [sflag:s16], $0x2000  }
0x122: {  	[sflag:s16] =	ssyncset.done $0x0  }
.Ltmp3:
0x123: {  	[sflag:s16] =	ssyncadd.s32 $0xFFFFE000;
	(pc) =	sbr.rel @p0 .LBB2_6-.Ltmp3, $4  }
0x124: {  	[spmem:s3] =	stream.indirect.scatter.add.f32 [tilespmem:s30], [sflag:$0x8], $0x80, s5, s28, $0xb8;
	[tilespmem:$0x1CC00] =	vst v63  }
0x125: {  	_ =	swait.ge [sflag:s12], $0x2000  }
0x126: {  	[sflag:s12] =	ssyncset.done $0x0  }
0x127: {  	[sflag:s12] =	ssyncadd.s32 $0xFFFFE000  }
0x128: {  	s7 =	simm.s32 $0x100  }
0x129: {  	[tilespmem:s30], [sflag:$0x5] =	stream.indirect.gather [hbm4b:s1+s28], $0x80, s7, s28, $0xb8;
	[tilespmem:$0x1CC00] =	vst v63  }
0x12a: {  	_ =	swait.ge [sflag:s19], $0x2000  }
0x12b: {  	[sflag:s19] =	ssyncset.done $0x0  }
0x12c: {  	[sflag:s19] =	ssyncadd.s32 $0xFFFFE000  }
0x12d: {  	[spmem:s3] =	stream.indirect.scatter.add.f32 [tilespmem:s25], [sflag:$0x8], $0x80, s4, s28, $0xb8;
	[tilespmem:$0x1CC00] =	vst v63  }
.Ltmp4:
0x12e: {  	_ = 	snop;
	(pc) =	sbr.rel .LBB2_4-.Ltmp4, $4  }
0x12f: {  	_ =	swait.ge [sflag:s12], $0x2000  }
0x130: {  	s18 =	simm.s32 $0x180;
	s24 =	sadd.s32 $0x800, s24;
	[sflag:s12] =	ssyncset.done $0x0  }
0x131: {  	s0 =	sadd.s32 $0x100, s0;
	s8 =	sadd.s32 $0x10, s8;
	[sflag:s12] =	ssyncadd.s32 $0xFFFFE000  }
0x132: {  	[tilespmem:s25], [sflag:$0x6] =	stream.indirect.gather [hbm4b:s1+s28], $0x80, s18, s28, $0xb8;
	[tilespmem:$0x1CC00] =	vst v63  }
.LBB2_7:
0x133: {  	_ =	sfence.sel $0x180000  }
0x134: {  	[bflag:$0x0] =	sbarrier.arrive $0xFFFF  }
0x135: {  	_ =	strace $0x90000047  }
0x136: {  	s0 =	stileid.u32;
	[bflag:$0x2] =	sbarrier.arrive $0xFFFF  }
0x137: {  	p0 =	sne.s32 s0, $0x0;
	s0 =	rddreg [dreg:$0x5]  }
0x138: {  	s0 =	sadd.s32 @!p0 $0x100000, s0  }
0x139: {  	[sflag:s0] =	ssyncadd.tile.s32 @!p0 $0x1;
	_ =	shalt  }
.Lfunc_end2:
_tile_overlayer_lowered:
.L_overlay_start_2:
0x13a: {  	(tag) =	ssettag $0x2  }
0x13b: {  	s0 =	rddreg [dreg:$0x0];
	s2 =	stileid.u32  }
0x13c: {  	s1 =	rddreg [dreg:$0x1];
	p0 =	sne.s32 s2, $0x0  }
0x13d: {  	s3 =	rddreg [dreg:$0x2];
	[bflag:$0x3] =	sbarrier.arrive $0xFFFF;
	s2 =	simm.s32 @!p0 $0x1C08  }
0x13e: {  	[timem:s3], [sflag:s2] =	dma.local @!p0 [hbm:s0], s1  }
0x13f: {  	s0 =	simm.s32 @!p0 $0x8  }
0x140: {  	_ =	swait.ge @!p0 [sflag:s0], s1  }
0x141: {  	s1 =	ssub.s32 @!p0 $0x0, s1;
	[sflag:s0] =	ssyncset.done @!p0 $0x0  }
0x142: {  	[sflag:s0] =	ssyncadd.s32 @!p0 s1  }
0x143: {  	[bflag:$0x3] =	sbarrier.arrive $0xFFFF  }
0x144: {  	_ =	shalt  }

// kernel: kernel.9.cloned.1.call-start
scs
__scs_entry_jumppad:
0x0: {  	(pc) =	sbr.rel $0x88, $3  }
0x1: {  	(tag) =	ssettag $0x0;
	lr =	simm.s32 $0x1  }
0x2: {  	[smem:$0x3F96] =	sst lr;
	_ =	strace $0xD0000000  }
0x3: {  	_ = 	snop  }
0x4: {  	_ = 	snop  }
0x5: {  	_ = 	snop  }
0x6: {  	_ = 	snop  }
0x7: {  	_ = 	snop  }
__scs_overlays_trampoline_lowered:
0x8: {  	[smem:$0x3FA5] =	sst s0  }
0x9: {  	[smem:$0x3FA6] =	sst s1  }
0xa: {  	[smem:$0x3FA7] =	sst s2  }
0xb: {  	[smem:$0x3FA8] =	sst s3  }
0xc: {  	[smem:$0x3FA9] =	sst s4  }
0xd: {  	[smem:$0x3FAA] =	sst s5  }
0xe: {  	[smem:$0x3FAB] =	sst s6  }
0xf: {  	[smem:$0x3FAC] =	sst s7  }
0x10: {  	[smem:$0x3FAD] =	sst s8  }
0x11: {  	[smem:$0x3FAE] =	sst s9;
	s0 =	simm.s32 @!p0 $0x0  }
0x12: {  	s1 =	sld [smem:$0x3F94];
	s0 =	simm.s32 @p0 $0x1  }
0x13: {  	[smem:$0x3FAF] =	sst s0;
	s0 =	simm.s32 @!p1 $0x0  }
0x14: {  	s2 =	sld [smem:$0x3F93];
	s0 =	simm.s32 @p1 $0x1  }
0x15: {  	[smem:$0x3FB0] =	sst s0;
	s0 =	simm.s32 @!p2 $0x0  }
0x16: {  	s3 =	sld [smem:$0x3FDB];
	s0 =	simm.s32 @p2 $0x1  }
0x17: {  	s4 =	simm.s32 $0x1BF5;
	[smem:$0x3FB2] =	sst s0  }
0x18: {  	s0 =	sld [smem:$0x3F95];
	_ =	swait.ge [sflag:s4], $0x0  }
0x19: {  	s7 =	sld [smem:$0x3F96]  }
0x1a: {  	s8 =	sadd.s32 $0xFFFFE003, lr  }
0x1b: {  	s9 =	sadd.s32 $0xFFFFFEF7, lr;
	s5 =	simm.s32 $0xFFFFFFFF;
	p2 =	slt.u32 s8, $0xFFFFF086  }
0x1c: {  	p1 =	slt.u32 s9, $0xF7A;
	s5 =	simm.s32 @!p2 $0x0  }
0x1d: {  	s5 =	simm.s32 @p1 $0x1;
	p0 =	seq.s32 s7, s2  }
0x1e: {  	s7 =	smul.u32 @!p0 $0xF7A, s2;
	p2 =	seq.s32 @!p0 s5, $0x0  }
0x1f: {  	s9 =	smul.u32 $0xF7A, s1;
	s8 =	simm.s32 @!p0 $0x1BF5;
	p2 =	por !p2, p0  }
0x20: {  	[sflag:s8] =	ssyncset.s32 @!p0 $0xFFFFF086;
	s6 =	sadd.s32 @!p0 s3, s7;
	s7 =	simm.s32 @!p0 $0x108  }
0x21: {  	s3 =	sadd.s32 s3, s9;
	s6 =	sadd.s32 @!p0 $0x88, s6;
	s7 =	simm.s32 @p2 $0x1082  }
0x22: {  	[simem:s7], [sflag:s8] =	dma.local @!p0 [hbm:s6], $0xF7A  }
0x23: {  	s9 =	sor.u32 $0xD0000000, s2;
	s6 =	simm.s32 $0x108;
	_ =	swait.ge @!p0 [sflag:s8], $0x0  }
0x24: {  	s3 =	sadd.s32 $0x88, s3;
	s6 =	simm.s32 @!p1 $0x1082;
	[sflag:s4] =	ssyncset.s32 $0xFFFFF086  }
0x25: {  	[simem:s6], [sflag:s4] =	dma.local [hbm:s3], $0xF7A  }
0x26: {  	[smem:$0x3F96] =	sst s1;
	(tag) =	ssettag s2;
	_ =	strace s9  }
0x27: {  	s1 =	sld [smem:$0x3FA6]  }
0x28: {  	s2 =	sld [smem:$0x3FA7]  }
0x29: {  	s4 =	sld [smem:$0x3FA9]  }
0x2a: {  	p0 =	seq.s32 s5, $0x0;
	s5 =	sld [smem:$0x3FAA]  }
0x2b: {  	s6 =	sld [smem:$0x3FAB]  }
0x2c: {  	s7 =	sld [smem:$0x3FAC]  }
0x2d: {  	s3 =	simm.s32 $0x108;
	s8 =	sld [smem:$0x3FAD]  }
0x2e: {  	s3 =	simm.s32 @!p0 $0x1082;
	s9 =	sld [smem:$0x3FAE]  }
0x2f: {  	lr =	sadd.s32 s0, s3;
	s0 =	sld [smem:$0x3FA5]  }
0x30: {  	s3 =	sld [smem:$0x3FA8]  }
0x31: {  	[smem:$0x3FB1] =	sst s10  }
0x32: {  	s10 =	sld [smem:$0x3FAF];
	_ =	sdelay $0x3  }
0x33: {  	p0 =	seq.s32 s10, $0x1;
	s10 =	sld [smem:$0x3FB1];
	_ =	sdelay $0x3  }
0x34: {  	[smem:$0x3FB1] =	sst s10  }
0x35: {  	s10 =	sld [smem:$0x3FB0];
	_ =	sdelay $0x3  }
0x36: {  	p1 =	seq.s32 s10, $0x1;
	s10 =	sld [smem:$0x3FB1];
	_ =	sdelay $0x3  }
0x37: {  	[smem:$0x3FB1] =	sst s10  }
0x38: {  	s10 =	sld [smem:$0x3FB2]  }
0x39: {  	_ = 	snop;
	(pc) =	sbr.ind lr, $3  }
0x3a: {  	_ = 	snop  }
0x3b: {  	_ = 	snop  }
0x3c: {  	p2 =	seq.s32 s10, $0x1;
	s10 =	sld [smem:$0x3FB1]  }
0x3d: {  	_ =	shalt  }
0x3e: {  	_ =	shalt  }
0x3f: {  	_ =	shalt  }
0x40: {  	_ =	shalt  }
0x41: {  	_ =	shalt  }
0x42: {  	_ =	shalt  }
0x43: {  	_ =	shalt  }
0x44: {  	_ =	shalt  }
0x45: {  	_ =	shalt  }
0x46: {  	_ =	shalt  }
0x47: {  	_ =	shalt  }
0x48: {  	_ =	shalt  }
0x49: {  	_ =	shalt  }
0x4a: {  	_ =	shalt  }
0x4b: {  	_ =	shalt  }
0x4c: {  	_ =	shalt  }
0x4d: {  	_ =	shalt  }
0x4e: {  	_ =	shalt  }
0x4f: {  	_ =	shalt  }
0x50: {  	_ =	shalt  }
0x51: {  	_ =	shalt  }
0x52: {  	_ =	shalt  }
0x53: {  	_ =	shalt  }
0x54: {  	_ =	shalt  }
0x55: {  	_ =	shalt  }
0x56: {  	_ =	shalt  }
0x57: {  	_ =	shalt  }
0x58: {  	_ =	shalt  }
0x59: {  	_ =	shalt  }
0x5a: {  	_ =	shalt  }
0x5b: {  	_ =	shalt  }
0x5c: {  	_ =	shalt  }
0x5d: {  	_ =	shalt  }
0x5e: {  	_ =	shalt  }
0x5f: {  	_ =	shalt  }
0x60: {  	_ =	shalt  }
0x61: {  	_ =	shalt  }
0x62: {  	_ =	shalt  }
0x63: {  	_ =	shalt  }
0x64: {  	_ =	shalt  }
0x65: {  	_ =	shalt  }
0x66: {  	_ =	shalt  }
0x67: {  	_ =	shalt  }
0x68: {  	_ =	shalt  }
0x69: {  	_ =	shalt  }
0x6a: {  	_ =	shalt  }
0x6b: {  	_ =	shalt  }
0x6c: {  	_ =	shalt  }
0x6d: {  	_ =	shalt  }
0x6e: {  	_ =	shalt  }
0x6f: {  	_ =	shalt  }
0x70: {  	_ =	shalt  }
0x71: {  	_ =	shalt  }
0x72: {  	_ =	shalt  }
0x73: {  	_ =	shalt  }
0x74: {  	_ =	shalt  }
0x75: {  	_ =	shalt  }
0x76: {  	_ =	shalt  }
0x77: {  	_ =	shalt  }
0x78: {  	_ =	shalt  }
0x79: {  	_ =	shalt  }
0x7a: {  	_ =	shalt  }
0x7b: {  	_ =	shalt  }
0x7c: {  	_ =	shalt  }
0x7d: {  	_ =	shalt  }
0x7e: {  	_ =	shalt  }
0x7f: {  	_ =	shalt  }
0x80: {  	_ =	shalt  }
0x81: {  	_ =	shalt  }
0x82: {  	_ =	shalt  }
0x83: {  	_ =	shalt  }
0x84: {  	_ =	shalt  }
0x85: {  	_ =	shalt  }
0x86: {  	_ =	shalt  }
0x87: {  	_ =	shalt  }
.Lfunc_end0:
.L_simem_size_0:
called_computation.1_lowered:
.L_overlay_start_0:
0x88: {  	s2 =	sld [smem:$0x3FD9]  }
0x89: {  	s3 =	sld [smem:$0x3FFE];
	_ =	sdelay $0x1  }
0x8a: {  	s1 =	srdreg.scid  }
0x8b: {  	s0 =	sand.u32 $0x1, s1  }
0x8c: {  	s14 =	sshll.u32 s0, $0xA;
	s2 =	sadd.s32 s3, s2  }
0x8d: {  	s2 =	sadd.s32 s2, s14  }
0x8e: {  	[smem:$0x3FBD] =	sst s2  }
0x8f: {  	_ = 	snop  }
0x90: {  	s2 =	sld [smem:$0x3FD0];
	_ =	sdelay $0x2  }
0x91: {  	s15 =	simm.s32 $0xA;
	s4 =	simm.s32 $0x10  }
0x92: {  	[smem:s4], [sflag:s15] =	dma.local [hbm:s2], $0x1  }
0x93: {  	_ =	swait.eq [sflag:s15], $0x1  }
0x94: {  	[sflag:s15] =	ssyncset.done $0x0  }
0x95: {  	[sflag:s15] =	ssyncadd.s32 $0xFFFFFFFF  }
0x96: {  	s16 =	sld [smem:$0x10];
	(tm) =	ssettm $0x1  }
0x97: {  	s17 =	sld [smem:$0x3FFB];
	_ =	sdelay $0x3  }
0x98: {  	_ =	strace s17  }
0x99: {  	s3 =	sld [smem:$0x3FFC];
	_ =	sdelay $0x3  }
0x9a: {  	_ =	strace s3  }
0x9b: {  	s3 =	sld [smem:$0x3FFD];
	_ =	sdelay $0x3  }
0x9c: {  	_ =	strace s3  }
0x9d: {  	_ =	strace $0x8FFFFFFF  }
0x9e: {  	s18 =	sld [smem:$0x3FDB];
	_ =	sdelay $0x1  }
0x9f: {  	s19 =	simm.s32 $_scs_section_size  }
0xa0: {  	s5 =	simm.s32 $_size__tile_overlayer_lowered;
	s6 =	simm.s32 $_tile_overlayer_lowered  }
0xa1: {  	s22 =	simm.s32 $0x1BFF;
	s21 =	sshll.u32 s6, $0x1;
	s3 =	sadd.s32 s19, s18  }
0xa2: {  	s7 =	simm.s32 $0x0;
	s20 =	sshll.u32 s5, $0x1;
	s5 =	sadd.s32 s21, s3  }
0xa3: {  	[timem:s7], [sflag:s22] =	dma.local [hbm:s5], s20  }
0xa4: {  	_ =	swait.ge [sflag:s22], s20  }
0xa5: {  	s4 =	ssub.s32 $0x0, s20;
	[sflag:s22] =	ssyncset.done $0x0  }
0xa6: {  	[sflag:s22] =	ssyncadd.s32 s4;
	_ =	sdelay $0x1  }
0xa7: {  	s23 =	simm.s32 $0x1B8B  }
0xa8: {  	_ =	swait.ge [sflag:s23], $0x1  }
0xa9: {  	[sflag:s23] =	ssyncset.done $0x0  }
0xaa: {  	s25 =	simm.s32 $0x1B8E;
	s24 =	sld [smem:$0x3FFE];
	[sflag:s23] =	ssyncadd.s32 $0xFFFFFFFF  }
0xab: {  	s26 =	simm.s32 $execute0_lowered;
	[smem:$0x3FD2] =	sst s25  }
0xac: {  	s5 =	sshll.u32 s26, $0x1;
	_ =	strace $0x80000049;
	[dreg:$0x1] =	wrdreg $0xFFFFFFFF  }
0xad: {  	s28 =	simm.s32 $_size_execute0_lowered;
	s3 =	sadd.s32 s3, s5;
	[dreg:$0x0] =	wrdreg $0x0  }
0xae: {  	s5 =	sshll.u32 s28, $0x1;
	[dreg:$0x2] =	wrdreg s3  }
0xaf: {  	[dreg:$0x3] =	wrdreg s5  }
0xb0: {  	[dreg:$0x4] =	wrdreg $0xC0  }
0xb1: {  	_ =	task [dreg:s7], $0x5FFFF  }
0xb2: {  	[dreg:$0x1] =	wrdreg $0xFFFFFFFF  }
0xb3: {  	[dreg:$0x0] =	wrdreg $0x60  }
0xb4: {  	[dreg:$0x2] =	wrdreg s24  }
0xb5: {  	[dreg:$0x3] =	wrdreg s16  }
0xb6: {  	[dreg:$0x4] =	wrdreg $0x90000  }
0xb7: {  	[dreg:$0x5] =	wrdreg $0x9  }
0xb8: {  	_ =	task.clear_ibuf [dreg:s7], $0x6FFFF;
	_ =	strace $0x90000049  }
0xb9: {  	s29 =	simm.s32 $0x9;
	_ =	strace $0x8000004B  }
0xba: {  	_ =	swait.ge [sflag:s29], $0x1  }
0xbb: {  	[sflag:s29] =	ssyncadd.s32 $0xFFFFFFFF  }
0xbc: {  	_ =	strace $0x9000004B  }
0xbd: {  	_ =	sfence  }
0xbe: {  	s30 =	sld [smem:$0x0];
	_ =	sdelay $0x2  }
0xbf: {  	s31 =	sshll.u32 s1, $0xD;
	s1 =	sshrl.u32 s1, $0x2  }
0xc0: {  	s3 =	sand.u32 $0x4000, s31;
	s1 =	sadd.s32 s1, s30  }
0xc1: {  	s0 =	sor.u32 s3, s0;
	s1 =	sshll.u32 s1, $0x11  }
0xc2: {  	s0 =	sor.u32 s1, s0  }
0xc3: {  	s0 =	sadd.s32 $0x8F2B, s0  }
0xc4: {  	[sflag:s0] =	ssyncadd.remote.s32 $0x1  }
0xc5: {  	_ =	sfence.sel $0xFFFF  }
0xc6: {  	[dreg:$0x0] =	wrdreg $0xFFFFFFFF;
	(pc) =	sbr.abs _section_cstart, $3  }
0xc7: {  	[dreg:$0x1] =	wrdreg $0xFFFFFFFF  }
0xc8: {  	_ =	task.clear_ibuf [dreg:s7], $0x2FFFF;
	_ =	strace $0x9FFFFFFF  }
0xc9: {  	(tm) =	ssettm $0x7FFFFFFF  }
tec
execute0_lowered:
.L_overlay_start_1:
0x0: {  	(tag) =	ssettag $0x1  }
0x1: {  	s0 =	rddreg [dreg:$0x0]  }
0x2: {  	s2 =	rddreg [dreg:$0x1]  }
0x3: {  	s1 =	rddreg [dreg:$0x2];
	s12 =	stileid.u32  }
0x4: {  	s4 =	simm.s32 $0x0;
	s3 =	srdreg.scid;
	s8 =	smul.u32 $0x13C00, s12  }
0x5: {  	s28 =	simm.s32 $0x40;
	s29 =	simm.s32 $0x1000;
	s10 =	smul.u32 $0x4F000, s12  }
0x6: {  	s31 =	simm.s32 $0x3000;
	s3 =	sand.u32 $0x1, s3;
	s26 =	smul.u32 $0x5000, s12  }
0x7: {  	s30 =	simm.s32 $0x5000;
	[smem:$0x7FF] =	sst s4;
	s7 =	smul.u32 $0x13C000, s3  }
0x8: {  	s4 =	sadd.s32 $0x4600, s0;
	s5 =	sadd.s32 $0x2E00, s0;
	s23 =	smul.u32 $0x50000, s3  }
0x9: {  	_ =	strace $0x8000004A;
	s6 =	sshll.u32 s3, $0x4;
	s17 =	smul.u32 $0xA000, s3  }
0xa: {  	s19 =	ssub.s32 $0x2, s3;
	s3 =	smul.u32 $0xA00, s3;
	s9 =	sor.u32 s12, s6  }
0xb: {  	s6 =	sadd.s32 $0x3E00, s0;
	s20 =	sshrl.u32 s19, $0x1;
	s22 =	sshrl.u32 s10, $0x2  }
0xc: {  	s10 =	simm.s32 $0xC00;
	s7 =	sadd.s32 s8, s7;
	s13 =	sadd.s32 s22, s1  }
0xd: {  	s18 =	smul.u32 $0x5000, s9;
	s24 =	sadd.s32 $0x2000, s13;
	[dreg:$0x6] =	wrdreg s13  }
0xe: {  	s7 =	sshrl.u32 s7, $0x3;
	s25 =	sadd.s32 $0x4000, s13;
	[dreg:$0x7] =	wrdreg s24  }
0xf: {  	s15 =	sadd.s32 $0x6000, s13;
	s16 =	sadd.s32 $0x8000, s13;
	[dreg:$0x8] =	wrdreg s25  }
0x10: {  	s11 =	sadd.s32 $0xA000, s13;
	s14 =	sadd.s32 $0xE000, s13;
	[dreg:$0x9] =	wrdreg s15  }
0x11: {  	s0 =	sadd.s32 s7, s0;
	s8 =	sshrl.u32 s18, $0x3;
	[dreg:$0xa] =	wrdreg s16  }
0x12: {  	s7 =	ssub.s32 s19, s20;
	[dreg:$0xb] =	wrdreg s11;
	s18 =	sadd.s32 $0xC000, s13  }
0x13: {  	s19 =	smul.u32 $0xA00, s12;
	[dreg:$0xd] =	wrdreg s14;
	s20 =	sadd.s32 $0x10000, s13  }
0x14: {  	s11 =	simm.s32 $0x3;
	s14 =	simm.s32 $0x4;
	[dreg:$0xc] =	wrdreg s18  }
0x15: {  	s16 =	simm.s32 $0x5;
	s21 =	sadd.s32 s2, s8;
	[dreg:$0xe] =	wrdreg s20  }
0x16: {  	s8 =	sadd.s32 s26, s23;
	s2 =	sadd.s32 s17, s2;
	s23 =	sadd.s32 $0x12000, s13  }
0x17: {  	s0 =	sadd.s32 $0x2B800, s0;
	s24 =	smax.u32 s7, $0x1;
	[dreg:$0x4] =	wrdreg s21  }
0x18: {  	s7 =	simm.s32 $0x0;
	s20 =	simm.s32 $0x0;
	[dreg:$0xf] =	wrdreg s23  }
0x19: {  	s9 =	sadd.s32 $0x13880, s21;
	s21 =	smul.u32 $0xA0, s12;
	[dreg:$0x10] =	wrdreg s0  }
0x1a: {  	[dreg:$0x11] =	wrdreg s24;
	s25 =	sadd.s32 $0xFFF64000, s8;
	s22 =	sadd.s32 s19, s2  }
.Ltmp0:
0x1b: {  	s12 =	simm.s32 $0x8;
	s19 =	simm.s32 $0x6;
	(pc) =	sbr.rel .LBB2_1-.Ltmp0, $4  }
0x1c: {  	s23 =	simm.s32 $0x780;
	s2 =	simm.s32 $0xF80;
	[dreg:$0x5] =	wrdreg s9  }
0x1d: {  	[dreg:$0x12] =	wrdreg s25;
	s25 =	simm.s32 $0x7000;
	s26 =	sadd.s32 s21, s3  }
0x1e: {  	s9 =	simm.s32 $0x2;
	s21 =	simm.s32 $0xD80;
	s0 =	sor.u32 $0x10, s26  }
0x1f: {  	v0 =	vimm.f32 $0.0e+00;
	s3 =	simm.s32 $0xF00;
	s26 =	simm.s32 $0xE00;
	[dreg:$0x13] =	wrdreg s0  }
.LBB2_6:
0x20: {  	_ =	swait.ge [sflag:s19], $0x2000  }
0x21: {  	[sflag:s19] =	ssyncset.done $0x0  }
0x22: {  	[sflag:s19] =	ssyncadd.s32 $0xFFFFE000  }
0x23: {  	[spmem:s1] =	stream.indirect.scatter.add.f32 [tilespmem:s25], [sflag:$0x8], $0x80, s2, s28, $0xb8;
	[tilespmem:$0x1CC00] =	vst v63  }
0x24: {  	_ =	swait.ge [sflag:s12], $0x2000  }
0x25: {  	[sflag:s12] =	ssyncset.done $0x0  }
0x26: {  	[sflag:s12] =	ssyncadd.s32 $0xFFFFE000  }
0x27: {  	s0 =	stileid.u32;
	[bflag:$0x0] =	sbarrier.arrive $0xFFFF  }
0x28: {  	s0 =	sshll.u32 s0, $0x6;
	s13 =	rddreg [dreg:$0x6]  }
0x29: {  	s0 =	sor.u32 $0x1C08, s0;
	s8 =	rddreg [dreg:$0x10];
	s7 =	sshrl.u32 s13, $0x3  }
0x2a: {  	[hbm:s8], [sflag:s0] =	dma.local [spmem:s7], $0x2780  }
0x2b: {  	_ =	swait.ge [sflag:s12], $0x2780  }
0x2c: {  	s18 =	rddreg [dreg:$0x14]  }
0x2d: {  	s24 =	rddreg [dreg:$0x11];
	s7 =	sadd.s32 $0x1, s18  }
0x2e: {  	p0 =	sne.s32 s7, s24  }
.Ltmp1:
0x2f: {  	_ = 	snop;
	(pc) =	sbr.rel @!p0 .LBB2_7-.Ltmp1, $3  }
0x30: {  	_ =	sdelay $0x1  }
0x31: {  	[sflag:s12] =	ssyncset.done $0x0  }
0x32: {  	[sflag:s12] =	ssyncadd.s32 $0xFFFFD880  }
.LBB2_1:
0x33: {  	s0 =	simm.s32 $0x0;
	s18 =	rddreg [dreg:$0x4]  }
0x34: {  	[tilespmem:s0], [sflag:$0x1] =	stream.linear.gather [hbm4b:s18+s0], $0x400, $0x38;
	[tilespmem:$0x1CC00] =	vst v63  }
0x35: {  	s24 =	rddreg [dreg:$0x5];
	s8 =	simm.s32 $0x800  }
0x36: {  	[tilespmem:s8], [sflag:$0x1] =	stream.linear.gather [hbm4b:s24+s0], $0x400, $0x38;
	[tilespmem:$0x1CC00] =	vst v63  }
0x37: {  	[dreg:$0x14] =	wrdreg s7;
	s0 =	simm.s32 $0x0;
	s8 =	simm.s32 $0x200  }
.LBB2_2:
0x38: {  	p0 =	sne.s32 s8, $0x7E00;
	[tilespmem:s0+$0x7070] =	vst v0  }
0x39: {  	[tilespmem:s0+$0x7000] =	vst v0  }
0x3a: {  	[tilespmem:s0+$0x7010] =	vst v0  }
.Ltmp2:
0x3b: {  	[tilespmem:s0+$0x7020] =	vst v0;
	(pc) =	sbr.rel @p0 .LBB2_2-.Ltmp2, $4  }
0x3c: {  	[tilespmem:s0+$0x7030] =	vst v0  }
0x3d: {  	[tilespmem:s0+$0x7040] =	vst v0  }
0x3e: {  	[tilespmem:s0+$0x7050] =	vst v0  }
0x3f: {  	[tilespmem:s0+$0x7060] =	vst v0;
	s0 =	sshra.s32 s8, $0x2;
	s8 =	sadd.s32 $0x200, s8  }
0x40: {  	[tilespmem:s0+$0x7070] =	vst v0  }
0x41: {  	[tilespmem:s0+$0x7000] =	vst v0  }
0x42: {  	[tilespmem:s0+$0x7010] =	vst v0  }
0x43: {  	[tilespmem:s0+$0x7020] =	vst v0  }
0x44: {  	[tilespmem:s0+$0x7030] =	vst v0  }
0x45: {  	[tilespmem:s0+$0x7040] =	vst v0  }
0x46: {  	[tilespmem:s0+$0x7050] =	vst v0  }
0x47: {  	[tilespmem:s0+$0x7060] =	vst v0  }
0x48: {  	[spmem:s13] =	stream.linear.scatter [tilespmem:s25], [sflag:$0x7], $0x2000, $0x38;
	[tilespmem:$0x1CC00] =	vst v63  }
0x49: {  	s8 =	rddreg [dreg:$0x7]  }
0x4a: {  	[spmem:s8] =	stream.linear.scatter [tilespmem:s25], [sflag:$0x7], $0x2000, $0x38;
	[tilespmem:$0x1CC00] =	vst v63  }
0x4b: {  	s13 =	rddreg [dreg:$0x8]  }
0x4c: {  	[spmem:s13] =	stream.linear.scatter [tilespmem:s25], [sflag:$0x7], $0x2000, $0x38;
	[tilespmem:$0x1CC00] =	vst v63  }
0x4d: {  	s15 =	rddreg [dreg:$0x9]  }
0x4e: {  	[spmem:s15] =	stream.linear.scatter [tilespmem:s25], [sflag:$0x7], $0x2000, $0x38;
	[tilespmem:$0x1CC00] =	vst v63  }
0x4f: {  	s17 =	rddreg [dreg:$0xa]  }
0x50: {  	[spmem:s17] =	stream.linear.scatter [tilespmem:s25], [sflag:$0x7], $0x2000, $0x38;
	[tilespmem:$0x1CC00] =	vst v63  }
0x51: {  	s18 =	rddreg [dreg:$0xb]  }
0x52: {  	[spmem:s18] =	stream.linear.scatter [tilespmem:s25], [sflag:$0x7], $0x2000, $0x38;
	[tilespmem:$0x1CC00] =	vst v63  }
0x53: {  	s24 =	rddreg [dreg:$0xc]  }
0x54: {  	[spmem:s24] =	stream.linear.scatter [tilespmem:s25], [sflag:$0x7], $0x2000, $0x38;
	[tilespmem:$0x1CC00] =	vst v63  }
0x55: {  	s7 =	rddreg [dreg:$0xd]  }
0x56: {  	[spmem:s7] =	stream.linear.scatter [tilespmem:s25], [sflag:$0x7], $0x2000, $0x38;
	[tilespmem:$0x1CC00] =	vst v63  }
0x57: {  	s8 =	rddreg [dreg:$0xe]  }
0x58: {  	[spmem:s8] =	stream.linear.scatter [tilespmem:s25], [sflag:$0x7], $0x2000, $0x38;
	[tilespmem:$0x1CC00] =	vst v63  }
0x59: {  	s13 =	rddreg [dreg:$0xf];
	s15 =	simm.s32 $0x1  }
0x5a: {  	[spmem:s13] =	stream.linear.scatter [tilespmem:s25], [sflag:$0x7], $0x1C00, $0x38;
	[tilespmem:$0x1CC00] =	vst v63  }
0x5b: {  	_ =	swait.ge [sflag:s15], $0x400  }
0x5c: {  	[sflag:s15] =	ssyncset.done $0x0  }
0x5d: {  	[sflag:s15] =	ssyncadd.s32 $0xFFFFFC00  }
0x5e: {  	_ =	swait.ge [sflag:s15], $0x400  }
0x5f: {  	[sflag:s15] =	ssyncset.done $0x0  }
0x60: {  	s0 =	simm.s32 $0x0;
	[sflag:s15] =	ssyncadd.s32 $0xFFFFFC00  }
0x61: {  	[tilespmem:s29], [sflag:$0x3] =	stream.indirect.gather [hbm4b:s4+s28], $0x80, s0, s28, $0xb8;
	[tilespmem:$0x1CC00] =	vst v63  }
0x62: {  	s7 =	simm.s32 $0x80  }
0x63: {  	[tilespmem:s31], [sflag:$0x4] =	stream.indirect.gather [hbm4b:s4+s28], $0x80, s7, s28, $0xb8;
	[tilespmem:$0x1CC00] =	vst v63  }
0x64: {  	s17 =	simm.s32 $0x100;
	s18 =	simm.s32 $0x7  }
0x65: {  	[tilespmem:s30], [sflag:$0x5] =	stream.indirect.gather [hbm4b:s4+s28], $0x80, s17, s28, $0xb8;
	[tilespmem:$0x1CC00] =	vst v63  }
0x66: {  	_ =	swait.ge [sflag:s18], $0x2000  }
0x67: {  	[sflag:s18] =	ssyncset.done $0x0  }
0x68: {  	[sflag:s18] =	ssyncadd.s32 $0xFFFFE000  }
0x69: {  	_ =	swait.ge [sflag:s18], $0x2000  }
0x6a: {  	[sflag:s18] =	ssyncset.done $0x0  }
0x6b: {  	[sflag:s18] =	ssyncadd.s32 $0xFFFFE000  }
0x6c: {  	_ =	swait.ge [sflag:s18], $0x2000  }
0x6d: {  	[sflag:s18] =	ssyncset.done $0x0  }
0x6e: {  	[sflag:s18] =	ssyncadd.s32 $0xFFFFE000  }
0x6f: {  	_ =	swait.ge [sflag:s18], $0x2000  }
0x70: {  	[sflag:s18] =	ssyncset.done $0x0  }
0x71: {  	[sflag:s18] =	ssyncadd.s32 $0xFFFFE000  }
0x72: {  	_ =	swait.ge [sflag:s18], $0x2000  }
0x73: {  	[sflag:s18] =	ssyncset.done $0x0  }
0x74: {  	[sflag:s18] =	ssyncadd.s32 $0xFFFFE000  }
0x75: {  	_ =	swait.ge [sflag:s18], $0x2000  }
0x76: {  	[sflag:s18] =	ssyncset.done $0x0  }
0x77: {  	[sflag:s18] =	ssyncadd.s32 $0xFFFFE000  }
0x78: {  	_ =	swait.ge [sflag:s18], $0x2000  }
0x79: {  	[sflag:s18] =	ssyncset.done $0x0  }
0x7a: {  	[sflag:s18] =	ssyncadd.s32 $0xFFFFE000  }
0x7b: {  	_ =	swait.ge [sflag:s18], $0x2000  }
0x7c: {  	[sflag:s18] =	ssyncset.done $0x0  }
0x7d: {  	[sflag:s18] =	ssyncadd.s32 $0xFFFFE000  }
0x7e: {  	_ =	swait.ge [sflag:s18], $0x2000  }
0x7f: {  	[sflag:s18] =	ssyncset.done $0x0  }
0x80: {  	[sflag:s18] =	ssyncadd.s32 $0xFFFFE000  }
0x81: {  	_ =	swait.ge [sflag:s18], $0x1C00  }
0x82: {  	[sflag:s18] =	ssyncset.done $0x0  }
0x83: {  	s24 =	simm.s32 $0x180;
	[sflag:s18] =	ssyncadd.s32 $0xFFFFE400  }
0x84: {  	[tilespmem:s25], [sflag:$0x6] =	stream.indirect.gather [hbm4b:s4+s28], $0x80, s24, s28, $0xb8;
	[tilespmem:$0x1CC00] =	vst v63  }
0x85: {  	[bflag:$0x0] =	sbarrier.arrive $0xFFFF  }
0x86: {  	s8 =	rddreg [dreg:$0x13]  }
0x87: {  	s24 =	rddreg [dreg:$0x12]  }
.LBB2_4:
0x88: {  	s13 =	sadd.s32 $0xFFFFFFF8, s8  }
0x89: {  	p0 =	sgt.u32 s13, $0x1387  }
0x8a: {  	s13 =	sshrl.u32 @p0 s24, $0x3  }
0x8b: {  	s7 =	simm.s32 @p0 $0x0;
	s17 =	simm.s32 @p0 $0x400;
	s15 =	sadd.s32 @p0 s5, s13  }
0x8c: {  	[tilespmem:s17], [sflag:$0x2] =	stream.linear.gather @p0 [hbm4b:s15+s7], $0x400, $0x38;
	[tilespmem:$0x1CC00] =	vst v63  }
0x8d: {  	s18 =	simm.s32 @!p0 $0x400;
	s13 =	sadd.s32 @p0 s6, s13;
	s7 =	sadd.s32 @!p0 s0, s22  }
0x8e: {  	s17 =	simm.s32 @!p0 $0x0;
	s15 =	sadd.s32 @!p0 $0x80, s7;
	s7 =	sadd.s32 @!p0 $0x13900, s7  }
0x8f: {  	[tilespmem:s18], [sflag:$0x2] =	stream.linear.gather @!p0 [hbm4b:s15+s17], $0x400, $0x38;
	[tilespmem:$0x1CC00] =	vst v63  }
0x90: {  	s7 =	smov.u32 @p0 s13  }
0x91: {  	[tilespmem:s10], [sflag:$0x2] =	stream.linear.gather [hbm4b:s7+s20], $0x400, $0x38;
	[tilespmem:$0x1CC00] =	vst v63  }
0x92: {  	_ =	swait.ge [sflag:s11], $0x2000  }
0x93: {  	[sflag:s11] =	ssyncset.done $0x0  }
0x94: {  	s17 =	simm.s32 $0x800;
	[sflag:s11] =	ssyncadd.s32 $0xFFFFE000  }
0x95: {  	[spmem:s1] =	stream.indirect.scatter.add.f32 [tilespmem:s29], [sflag:$0x8], $0x80, s17, s28, $0xb8;
	[tilespmem:$0x1CC00] =	vst v63  }
0x96: {  	_ =	swait.ge [sflag:s12], $0x2000  }
0x97: {  	[sflag:s12] =	ssyncset.done $0x0  }
0x98: {  	s18 =	simm.s32 $0x200;
	[sflag:s12] =	ssyncadd.s32 $0xFFFFE000  }
0x99: {  	[tilespmem:s29], [sflag:$0x3] =	stream.indirect.gather [hbm4b:s4+s28], $0x80, s18, s28, $0xb8;
	[tilespmem:$0x1CC00] =	vst v63  }
0x9a: {  	_ =	swait.ge [sflag:s14], $0x2000  }
0x9b: {  	[sflag:s14] =	ssyncset.done $0x0  }
0x9c: {  	s13 =	simm.s32 $0x880;
	[sflag:s14] =	ssyncadd.s32 $0xFFFFE000  }
0x9d: {  	[spmem:s1] =	stream.indirect.scatter.add.f32 [tilespmem:s31], [sflag:$0x8], $0x80, s13, s28, $0xb8;
	[tilespmem:$0x1CC00] =	vst v63  }
0x9e: {  	_ =	swait.ge [sflag:s12], $0x2000  }
0x9f: {  	[sflag:s12] =	ssyncset.done $0x0  }
0xa0: {  	s15 =	simm.s32 $0x280;
	[sflag:s12] =	ssyncadd.s32 $0xFFFFE000  }
0xa1: {  	[tilespmem:s31], [sflag:$0x4] =	stream.indirect.gather [hbm4b:s4+s28], $0x80, s15, s28, $0xb8;
	[tilespmem:$0x1CC00] =	vst v63  }
0xa2: {  	_ =	swait.ge [sflag:s16], $0x2000  }
0xa3: {  	[sflag:s16] =	ssyncset.done $0x0  }
0xa4: {  	s17 =	simm.s32 $0x900;
	[sflag:s16] =	ssyncadd.s32 $0xFFFFE000  }
0xa5: {  	[spmem:s1] =	stream.indirect.scatter.add.f32 [tilespmem:s30], [sflag:$0x8], $0x80, s17, s28, $0xb8;
	[tilespmem:$0x1CC00] =	vst v63  }
0xa6: {  	_ =	swait.ge [sflag:s12], $0x2000  }
0xa7: {  	[sflag:s12] =	ssyncset.done $0x0  }
0xa8: {  	s18 =	simm.s32 $0x300;
	[sflag:s12] =	ssyncadd.s32 $0xFFFFE000  }
0xa9: {  	[tilespmem:s30], [sflag:$0x5] =	stream.indirect.gather [hbm4b:s4+s28], $0x80, s18, s28, $0xb8;
	[tilespmem:$0x1CC00] =	vst v63  }
0xaa: {  	_ =	swait.ge [sflag:s19], $0x2000  }
0xab: {  	[sflag:s19] =	ssyncset.done $0x0  }
0xac: {  	s13 =	simm.s32 $0x980;
	[sflag:s19] =	ssyncadd.s32 $0xFFFFE000  }
0xad: {  	[spmem:s1] =	stream.indirect.scatter.add.f32 [tilespmem:s25], [sflag:$0x8], $0x80, s13, s28, $0xb8;
	[tilespmem:$0x1CC00] =	vst v63  }
0xae: {  	_ =	swait.ge [sflag:s12], $0x2000  }
0xaf: {  	[sflag:s12] =	ssyncset.done $0x0  }
0xb0: {  	s15 =	simm.s32 $0x380;
	[sflag:s12] =	ssyncadd.s32 $0xFFFFE000  }
0xb1: {  	[tilespmem:s25], [sflag:$0x6] =	stream.indirect.gather [hbm4b:s4+s28], $0x80, s15, s28, $0xb8;
	[tilespmem:$0x1CC00] =	vst v63  }
0xb2: {  	_ =	swait.ge [sflag:s11], $0x2000  }
0xb3: {  	[sflag:s11] =	ssyncset.done $0x0  }
0xb4: {  	s17 =	simm.s32 $0xA00;
	[sflag:s11] =	ssyncadd.s32 $0xFFFFE000  }
0xb5: {  	[spmem:s1] =	stream.indirect.scatter.add.f32 [tilespmem:s29], [sflag:$0x8], $0x80, s17, s28, $0xb8;
	[tilespmem:$0x1CC00] =	vst v63  }
0xb6: {  	_ =	swait.ge [sflag:s12], $0x2000  }
0xb7: {  	[sflag:s12] =	ssyncset.done $0x0  }
0xb8: {  	[sflag:s12] =	ssyncadd.s32 $0xFFFFE000  }
0xb9: {  	_ =	swait.ge [sflag:s9], $0x400  }
0xba: {  	[sflag:s9] =	ssyncset.done $0x0  }
0xbb: {  	[sflag:s9] =	ssyncadd.s32 $0xFFFFFC00  }
0xbc: {  	_ =	swait.ge [sflag:s9], $0x400  }
0xbd: {  	[sflag:s9] =	ssyncset.done $0x0  }
0xbe: {  	s18 =	simm.s32 $0x400;
	[sflag:s9] =	ssyncadd.s32 $0xFFFFFC00  }
0xbf: {  	[tilespmem:s29], [sflag:$0x3] =	stream.indirect.gather [hbm4b:s4+s28], $0x80, s18, s28, $0xb8;
	[tilespmem:$0x1CC00] =	vst v63  }
0xc0: {  	_ =	swait.ge [sflag:s14], $0x2000  }
0xc1: {  	[sflag:s14] =	ssyncset.done $0x0  }
0xc2: {  	s13 =	simm.s32 $0xA80;
	[sflag:s14] =	ssyncadd.s32 $0xFFFFE000  }
0xc3: {  	[spmem:s1] =	stream.indirect.scatter.add.f32 [tilespmem:s31], [sflag:$0x8], $0x80, s13, s28, $0xb8;
	[tilespmem:$0x1CC00] =	vst v63  }
0xc4: {  	_ =	swait.ge [sflag:s12], $0x2000  }
0xc5: {  	[sflag:s12] =	ssyncset.done $0x0  }
0xc6: {  	s15 =	simm.s32 $0x480;
	[sflag:s12] =	ssyncadd.s32 $0xFFFFE000  }
0xc7: {  	[tilespmem:s31], [sflag:$0x4] =	stream.indirect.gather [hbm4b:s4+s28], $0x80, s15, s28, $0xb8;
	[tilespmem:$0x1CC00] =	vst v63  }
0xc8: {  	_ =	swait.ge [sflag:s16], $0x2000  }
0xc9: {  	[sflag:s16] =	ssyncset.done $0x0  }
0xca: {  	s17 =	simm.s32 $0xB00;
	[sflag:s16] =	ssyncadd.s32 $0xFFFFE000  }
0xcb: {  	[spmem:s1] =	stream.indirect.scatter.add.f32 [tilespmem:s30], [sflag:$0x8], $0x80, s17, s28, $0xb8;
	[tilespmem:$0x1CC00] =	vst v63  }
0xcc: {  	_ =	swait.ge [sflag:s12], $0x2000  }
0xcd: {  	[sflag:s12] =	ssyncset.done $0x0  }
0xce: {  	s18 =	simm.s32 $0x500;
	[sflag:s12] =	ssyncadd.s32 $0xFFFFE000  }
0xcf: {  	[tilespmem:s30], [sflag:$0x5] =	stream.indirect.gather [hbm4b:s4+s28], $0x80, s18, s28, $0xb8;
	[tilespmem:$0x1CC00] =	vst v63  }
0xd0: {  	_ =	swait.ge [sflag:s19], $0x2000  }
0xd1: {  	p0 =	seq.s32 s0, $0x900;
	[sflag:s19] =	ssyncset.done $0x0  }
0xd2: {  	p1 =	sgt.u32 @!p0 s8, $0x1387;
	s13 =	simm.s32 $0xB80;
	[sflag:s19] =	ssyncadd.s32 $0xFFFFE000  }
0xd3: {  	[spmem:s1] =	stream.indirect.scatter.add.f32 [tilespmem:s25], [sflag:$0x8], $0x80, s13, s28, $0xb8;
	[tilespmem:$0x1CC00] =	vst v63  }
0xd4: {  	p2 =	por !p1, p0;
	_ =	swait.ge [sflag:s12], $0x2000  }
0xd5: {  	s7 =	sadd.s32 @!p2 $0x400, s24;
	[sflag:s12] =	ssyncset.done $0x0  }
0xd6: {  	s7 =	sshrl.u32 @!p2 s7, $0x3;
	s15 =	simm.s32 $0x580;
	[sflag:s12] =	ssyncadd.s32 $0xFFFFE000  }
0xd7: {  	[tilespmem:s25], [sflag:$0x6] =	stream.indirect.gather [hbm4b:s4+s28], $0x80, s15, s28, $0xb8;
	[tilespmem:$0x1CC00] =	vst v63  }
0xd8: {  	p1 =	por p1, p0;
	s13 =	sadd.s32 @!p2 s5, s7;
	s15 =	simm.s32 @!p2 $0x0  }
0xd9: {  	[tilespmem:s15], [sflag:$0x1] =	stream.linear.gather @!p2 [hbm4b:s13+s15], $0x400, $0x38;
	[tilespmem:$0x1CC00] =	vst v63  }
0xda: {  	s17 =	simm.s32 @!p1 $0x0;
	s13 =	sadd.s32 @!p1 s0, s22  }
0xdb: {  	s7 =	sadd.s32 @!p2 s6, s7;
	s15 =	sadd.s32 @!p1 $0x100, s13;
	s13 =	sadd.s32 @!p1 $0x13980, s13  }
0xdc: {  	[tilespmem:s17], [sflag:$0x1] =	stream.linear.gather @!p1 [hbm4b:s15+s17], $0x400, $0x38;
	[tilespmem:$0x1CC00] =	vst v63  }
0xdd: {  	s7 =	smov.u32 @p2 s13;
	s13 =	simm.s32 @!p0 $0x0;
	s15 =	simm.s32 @!p0 $0x800  }
0xde: {  	[tilespmem:s15], [sflag:$0x1] =	stream.linear.gather @!p0 [hbm4b:s7+s13], $0x400, $0x38;
	[tilespmem:$0x1CC00] =	vst v63  }
0xdf: {  	_ =	swait.ge [sflag:s11], $0x2000  }
0xe0: {  	[sflag:s11] =	ssyncset.done $0x0  }
0xe1: {  	[sflag:s11] =	ssyncadd.s32 $0xFFFFE000  }
0xe2: {  	[spmem:s1] =	stream.indirect.scatter.add.f32 [tilespmem:s29], [sflag:$0x8], $0x80, s10, s28, $0xb8;
	[tilespmem:$0x1CC00] =	vst v63  }
0xe3: {  	_ =	swait.ge [sflag:s12], $0x2000  }
0xe4: {  	[sflag:s12] =	ssyncset.done $0x0  }
0xe5: {  	s17 =	simm.s32 $0x600;
	[sflag:s12] =	ssyncadd.s32 $0xFFFFE000  }
0xe6: {  	[tilespmem:s29], [sflag:$0x3] =	stream.indirect.gather [hbm4b:s4+s28], $0x80, s17, s28, $0xb8;
	[tilespmem:$0x1CC00] =	vst v63  }
0xe7: {  	_ =	swait.ge [sflag:s14], $0x2000  }
0xe8: {  	[sflag:s14] =	ssyncset.done $0x0  }
0xe9: {  	s18 =	simm.s32 $0xC80;
	[sflag:s14] =	ssyncadd.s32 $0xFFFFE000  }
0xea: {  	[spmem:s1] =	stream.indirect.scatter.add.f32 [tilespmem:s31], [sflag:$0x8], $0x80, s18, s28, $0xb8;
	[tilespmem:$0x1CC00] =	vst v63  }
0xeb: {  	_ =	swait.ge [sflag:s12], $0x2000  }
0xec: {  	[sflag:s12] =	ssyncset.done $0x0  }
0xed: {  	s15 =	simm.s32 $0x680;
	[sflag:s12] =	ssyncadd.s32 $0xFFFFE000  }
0xee: {  	[tilespmem:s31], [sflag:$0x4] =	stream.indirect.gather [hbm4b:s4+s28], $0x80, s15, s28, $0xb8;
	[tilespmem:$0x1CC00] =	vst v63  }
0xef: {  	_ =	swait.ge [sflag:s16], $0x2000  }
0xf0: {  	[sflag:s16] =	ssyncset.done $0x0  }
0xf1: {  	s17 =	simm.s32 $0xD00;
	[sflag:s16] =	ssyncadd.s32 $0xFFFFE000  }
0xf2: {  	[spmem:s1] =	stream.indirect.scatter.add.f32 [tilespmem:s30], [sflag:$0x8], $0x80, s17, s28, $0xb8;
	[tilespmem:$0x1CC00] =	vst v63  }
0xf3: {  	_ =	swait.ge [sflag:s12], $0x2000  }
0xf4: {  	[sflag:s12] =	ssyncset.done $0x0  }
0xf5: {  	s18 =	simm.s32 $0x700;
	[sflag:s12] =	ssyncadd.s32 $0xFFFFE000  }
0xf6: {  	[tilespmem:s30], [sflag:$0x5] =	stream.indirect.gather [hbm4b:s4+s28], $0x80, s18, s28, $0xb8;
	[tilespmem:$0x1CC00] =	vst v63  }
0xf7: {  	_ =	swait.ge [sflag:s19], $0x2000  }
0xf8: {  	[sflag:s19] =	ssyncset.done $0x0  }
0xf9: {  	[sflag:s19] =	ssyncadd.s32 $0xFFFFE000  }
0xfa: {  	[spmem:s1] =	stream.indirect.scatter.add.f32 [tilespmem:s25], [sflag:$0x8], $0x80, s21, s28, $0xb8;
	[tilespmem:$0x1CC00] =	vst v63  }
0xfb: {  	_ =	swait.ge [sflag:s12], $0x2000  }
0xfc: {  	[sflag:s12] =	ssyncset.done $0x0  }
0xfd: {  	[sflag:s12] =	ssyncadd.s32 $0xFFFFE000  }
0xfe: {  	[tilespmem:s25], [sflag:$0x6] =	stream.indirect.gather [hbm4b:s4+s28], $0x80, s23, s28, $0xb8;
	[tilespmem:$0x1CC00] =	vst v63  }
0xff: {  	_ =	swait.ge [sflag:s11], $0x2000  }
0x100: {  	[sflag:s11] =	ssyncset.done $0x0  }
0x101: {  	[sflag:s11] =	ssyncadd.s32 $0xFFFFE000  }
0x102: {  	[spmem:s1] =	stream.indirect.scatter.add.f32 [tilespmem:s29], [sflag:$0x8], $0x80, s26, s28, $0xb8;
	[tilespmem:$0x1CC00] =	vst v63  }
0x103: {  	_ =	swait.ge [sflag:s12], $0x2000  }
0x104: {  	[sflag:s12] =	ssyncset.done $0x0  }
0x105: {  	s7 =	simm.s32 @p0 $0x4;
	[sflag:s12] =	ssyncadd.s32 $0xFFFFE000  }
0x106: {  	_ =	swait.ge @p0 [sflag:s7], $0x2000  }
0x107: {  	s15 =	simm.s32 @p0 $0xE80;
	[sflag:s7] =	ssyncset.done @p0 $0x0  }
0x108: {  	s17 =	simm.s32 @p0 $0x3000;
	[sflag:s7] =	ssyncadd.s32 @p0 $0xFFFFE000;
	s7 =	simm.s32 @p0 $0x40  }
0x109: {  	[spmem:s1] =	stream.indirect.scatter.add.f32 @p0 [tilespmem:s17], [sflag:$0x8], $0x80, s15, s7, $0xb8;
	[tilespmem:$0x1CC00] =	vst v63  }
0x10a: {  	s7 =	simm.s32 @p0 $0x8  }
0x10b: {  	_ =	swait.ge @p0 [sflag:s7], $0x2000  }
0x10c: {  	[sflag:s7] =	ssyncset.done @p0 $0x0  }
0x10d: {  	[sflag:s7] =	ssyncadd.s32 @p0 $0xFFFFE000;
	s7 =	simm.s32 @!p0 $0x1  }
0x10e: {  	_ =	swait.ge @!p0 [sflag:s7], $0x400  }
0x10f: {  	[sflag:s7] =	ssyncset.done @!p0 $0x0  }
0x110: {  	[sflag:s7] =	ssyncadd.s32 @!p0 $0xFFFFFC00  }
0x111: {  	_ =	swait.ge @!p0 [sflag:s7], $0x400  }
0x112: {  	[sflag:s7] =	ssyncset.done @!p0 $0x0  }
0x113: {  	s15 =	simm.s32 @!p0 $0x1000;
	[sflag:s7] =	ssyncadd.s32 @!p0 $0xFFFFFC00;
	s7 =	simm.s32 @!p0 $0x40  }
0x114: {  	[tilespmem:s15], [sflag:$0x3] =	stream.indirect.gather @!p0 [hbm4b:s4+s7], $0x80, s13, s7, $0xb8;
	[tilespmem:$0x1CC00] =	vst v63  }
0x115: {  	s13 =	simm.s32 @!p0 $0x4  }
0x116: {  	_ =	swait.ge @!p0 [sflag:s13], $0x2000  }
0x117: {  	[sflag:s13] =	ssyncset.done @!p0 $0x0  }
0x118: {  	s15 =	simm.s32 @!p0 $0x3000;
	[sflag:s13] =	ssyncadd.s32 @!p0 $0xFFFFE000;
	s13 =	simm.s32 @!p0 $0xE80  }
0x119: {  	[spmem:s1] =	stream.indirect.scatter.add.f32 @!p0 [tilespmem:s15], [sflag:$0x8], $0x80, s13, s7, $0xb8;
	[tilespmem:$0x1CC00] =	vst v63  }
0x11a: {  	s13 =	simm.s32 @!p0 $0x8  }
0x11b: {  	_ =	swait.ge @!p0 [sflag:s13], $0x2000  }
0x11c: {  	[sflag:s13] =	ssyncset.done @!p0 $0x0  }
0x11d: {  	[sflag:s13] =	ssyncadd.s32 @!p0 $0xFFFFE000;
	s13 =	simm.s32 @!p0 $0x80  }
0x11e: {  	[tilespmem:s15], [sflag:$0x4] =	stream.indirect.gather @!p0 [hbm4b:s4+s7], $0x80, s13, s7, $0xb8;
	[tilespmem:$0x1CC00] =	vst v63  }
0x11f: {  	_ =	swait.ge [sflag:s16], $0x2000  }
0x120: {  	[sflag:s16] =	ssyncset.done $0x0  }
.Ltmp3:
0x121: {  	[sflag:s16] =	ssyncadd.s32 $0xFFFFE000;
	(pc) =	sbr.rel @p0 .LBB2_6-.Ltmp3, $4  }
0x122: {  	[spmem:s1] =	stream.indirect.scatter.add.f32 [tilespmem:s30], [sflag:$0x8], $0x80, s3, s28, $0xb8;
	[tilespmem:$0x1CC00] =	vst v63  }
0x123: {  	_ =	swait.ge [sflag:s12], $0x2000  }
0x124: {  	[sflag:s12] =	ssyncset.done $0x0  }
0x125: {  	[sflag:s12] =	ssyncadd.s32 $0xFFFFE000  }
0x126: {  	s7 =	simm.s32 $0x100  }
0x127: {  	[tilespmem:s30], [sflag:$0x5] =	stream.indirect.gather [hbm4b:s4+s28], $0x80, s7, s28, $0xb8;
	[tilespmem:$0x1CC00] =	vst v63  }
0x128: {  	_ =	swait.ge [sflag:s19], $0x2000  }
0x129: {  	[sflag:s19] =	ssyncset.done $0x0  }
0x12a: {  	[sflag:s19] =	ssyncadd.s32 $0xFFFFE000  }
0x12b: {  	[spmem:s1] =	stream.indirect.scatter.add.f32 [tilespmem:s25], [sflag:$0x8], $0x80, s2, s28, $0xb8;
	[tilespmem:$0x1CC00] =	vst v63  }
.Ltmp4:
0x12c: {  	_ = 	snop;
	(pc) =	sbr.rel .LBB2_4-.Ltmp4, $4  }
0x12d: {  	_ =	swait.ge [sflag:s12], $0x2000  }
0x12e: {  	s18 =	simm.s32 $0x180;
	s24 =	sadd.s32 $0x800, s24;
	[sflag:s12] =	ssyncset.done $0x0  }
0x12f: {  	s0 =	sadd.s32 $0x100, s0;
	s8 =	sadd.s32 $0x10, s8;
	[sflag:s12] =	ssyncadd.s32 $0xFFFFE000  }
0x130: {  	[tilespmem:s25], [sflag:$0x6] =	stream.indirect.gather [hbm4b:s4+s28], $0x80, s18, s28, $0xb8;
	[tilespmem:$0x1CC00] =	vst v63  }
.LBB2_7:
0x131: {  	_ =	sfence.sel $0x180000  }
0x132: {  	[bflag:$0x0] =	sbarrier.arrive $0xFFFF  }
0x133: {  	_ =	strace $0x9000004A  }
0x134: {  	s0 =	stileid.u32;
	[bflag:$0x2] =	sbarrier.arrive $0xFFFF  }
0x135: {  	p0 =	sne.s32 s0, $0x0;
	s0 =	rddreg [dreg:$0x3]  }
0x136: {  	s0 =	sadd.s32 @!p0 $0x100000, s0  }
0x137: {  	[sflag:s0] =	ssyncadd.tile.s32 @!p0 $0x1;
	_ =	shalt  }
.Lfunc_end2:
_tile_overlayer_lowered:
.L_overlay_start_2:
0x138: {  	(tag) =	ssettag $0x2  }
0x139: {  	s0 =	rddreg [dreg:$0x0];
	s2 =	stileid.u32  }
0x13a: {  	s1 =	rddreg [dreg:$0x1];
	p0 =	sne.s32 s2, $0x0  }
0x13b: {  	s3 =	rddreg [dreg:$0x2];
	[bflag:$0x3] =	sbarrier.arrive $0xFFFF;
	s2 =	simm.s32 @!p0 $0x1C08  }
0x13c: {  	[timem:s3], [sflag:s2] =	dma.local @!p0 [hbm:s0], s1  }
0x13d: {  	s0 =	simm.s32 @!p0 $0x8  }
0x13e: {  	_ =	swait.ge @!p0 [sflag:s0], s1  }
0x13f: {  	s1 =	ssub.s32 @!p0 $0x0, s1;
	[sflag:s0] =	ssyncset.done @!p0 $0x0  }
0x140: {  	[sflag:s0] =	ssyncadd.s32 @!p0 s1  }
0x141: {  	[bflag:$0x3] =	sbarrier.arrive $0xFFFF  }
0x142: {  	_ =	shalt  }

</sc_bundles>
